<compile_context>
chip_gen: v7x
topology: tpu7x:2x2x1
jax: 0.10.2.dev20260603
libtpu: 0.0.44.dev20260713+nightly
codegen_flags: <defaults>
</compile_context>

<pallas_src>
import functools

import jax
import jax.numpy as jnp
from jax import lax
from jax.experimental import pallas as pl
from jax.experimental.pallas import tpu as pltpu
from jax.experimental.pallas import tpu_sc as plsc

LOWER = -20.0
UPPER = 20.0
NUM_BINS = 255
BIN_WIDTH = (UPPER - LOWER) / (NUM_BINS - 1)
INV_W = 1.0 / BIN_WIDTH

L = 16
C = 128
GROUPS = C // L
NCHUNK = 128


def _sc_body(x_hbm, out_hbm, xb, slab0, slab1, idx0, idx1, sem0, sem1):
    wid = lax.axis_index("s") * 2 + lax.axis_index("c")
    a = wid // 2
    h = wid % 2
    row0 = 8 * a
    col0 = 2048 * h

    for r in range(8):
        pltpu.sync_copy(
            x_hbm.at[row0 + r, pl.ds(col0, 2048)],
            xb.at[pl.ds(r * 2048, 2048)],
        )

    zeros16 = jnp.zeros((L,), jnp.float32)
    zidx16 = jnp.zeros((L,), jnp.int32)
    lane = lax.broadcasted_iota(jnp.int32, (L,), 0)

    def memset_body(c, _):
        for u in range(GROUPS):
            slab0[c, 0, pl.ds(u * L, L)] = zeros16
            slab1[c, 0, pl.ds(u * L, L)] = zeros16
        return 0

    lax.fori_loop(0, NUM_BINS, memset_body, 0)

    def fill_chunk(k, slab, idxbuf):
        for g in range(GROUPS):
            xvec = xb[pl.ds(k * C + g * L, L)]
            t = (xvec - LOWER) * INV_W
            it = t.astype(jnp.int32)
            itf = it.astype(jnp.float32)
            idx = jnp.where(itf > t, it - 1, it)
            cl0 = jnp.minimum(jnp.maximum(idx, 0), NUM_BINS - 1)
            cl1 = jnp.minimum(jnp.maximum(idx + 1, 0), NUM_BINS - 1)
            cl0f = cl0.astype(jnp.float32)
            low_v = jnp.abs(LOWER + BIN_WIDTH + cl0f * BIN_WIDTH - xvec) * INV_W
            up_v = jnp.abs(LOWER + cl0f * BIN_WIDTH - xvec) * INV_W
            m0 = idx == cl0
            m1 = (idx + 1) == cl1
            pos = g * L + lane
            plsc.store_scatter(slab, [cl0, zidx16, pos], low_v, mask=m0)
            plsc.store_scatter(slab, [cl1, zidx16, pos], up_v, mask=m1)
            idxbuf[pl.ds(g * L, L)] = cl0
            idxbuf[pl.ds(C + g * L, L)] = cl1

    def clear_chunk(slab, idxbuf):
        for g in range(GROUPS):
            pos = g * L + lane
            c0 = idxbuf[pl.ds(g * L, L)]
            c1 = idxbuf[pl.ds(C + g * L, L)]
            plsc.store_scatter(slab, [c0, zidx16, pos], zeros16)
            plsc.store_scatter(slab, [c1, zidx16, pos], zeros16)

    def dst_for(k):
        i = row0 + (k >> 4)
        j = col0 + (k & 15) * C
        return out_hbm.at[:, pl.ds(i, 1), pl.ds(j, C)]

    slabs = (slab0, slab1)
    idxs = (idx0, idx1)
    sems = (sem0, sem1)

    for p in range(2):
        fill_chunk(jnp.int32(p), slabs[p], idxs[p])
        pltpu.make_async_copy(slabs[p], dst_for(jnp.int32(p)), sems[p]).start()

    def loop_body(m, _):
        for p in range(2):
            k = 2 * m + p
            pltpu.make_async_copy(slabs[p], dst_for(k - 2), sems[p]).wait()
            clear_chunk(slabs[p], idxs[p])
            fill_chunk(k, slabs[p], idxs[p])
            pltpu.make_async_copy(slabs[p], dst_for(k), sems[p]).start()
        return 0

    lax.fori_loop(1, NCHUNK // 2, loop_body, 0)

    for p in range(2):
        pltpu.make_async_copy(slabs[p], dst_for(jnp.int32(0)), sems[p]).wait()


def kernel(x):
    orig_shape = x.shape[:-1]
    b0, b1 = orig_shape
    xf = x.reshape(b0, b1)
    mesh = plsc.VectorSubcoreMesh(core_axis_name="c", subcore_axis_name="s")
    f = functools.partial(
        pl.kernel,
        mesh=mesh,
        out_type=jax.ShapeDtypeStruct((NUM_BINS, b0, b1), jnp.float32),
        scratch_types=[
            pltpu.VMEM((b0 * b1 // 32,), jnp.float32),
            pltpu.VMEM((NUM_BINS, 1, C), jnp.float32),
            pltpu.VMEM((NUM_BINS, 1, C), jnp.float32),
            pltpu.VMEM((2 * C,), jnp.int32),
            pltpu.VMEM((2 * C,), jnp.int32),
            pltpu.SemaphoreType.DMA,
            pltpu.SemaphoreType.DMA,
        ],
        compiler_params=pltpu.CompilerParams(
            needs_layout_passes=False, use_tc_tiling_on_sc=True
        ),
    )(_sc_body)
    out = f(xf)
    return out.transpose(1, 2, 0)

# --- scband reference (transcript-rebuilt; emitter-appended) ---
"""Pipeline reference for scband-two-hot-encoding-36679020708148 (READ-ONLY COPY).

The authoritative reference and input builder live on the scoring server;
editing this copy changes nothing except your own understanding.
"""

import jax, jax.numpy as jnp
import numpy as np

LOWER = -20.0
UPPER = 20.0
NUM_BINS = 255
BIN_WIDTH = (UPPER - LOWER) / (NUM_BINS - 1)


def setup_inputs(seed: int = 0) -> dict:
    key = jax.random.key(seed)
    x = jax.random.normal(key, (128, 4096, 1), dtype=jnp.float32)
    return {"x": x}


def reference(x):
    bin_centers = jnp.linspace(LOWER, UPPER, NUM_BINS).astype(x.dtype)
    orig_shape = x.shape[:-1]
    xf = x.reshape(-1, 1)
    idx = (xf - LOWER) / BIN_WIDTH
    lower_bin_idx = jnp.floor(idx).astype(jnp.int32)
    # torch.gather(bin_centers.T, 0, lower_bin_idx) -> gather centers per row
    lower_centers = jnp.take(bin_centers, lower_bin_idx[:, 0], axis=0)[:, None]
    lower_values = jnp.abs(lower_centers + BIN_WIDTH - xf) / BIN_WIDTH
    upper_values = jnp.abs(lower_centers - xf) / BIN_WIDTH
    n = xf.shape[0]
    rows = jnp.arange(n)
    two_hot = jnp.zeros((n, NUM_BINS), dtype=xf.dtype)
    # torch scatter_ overwrite semantics -> .at[...].set
    two_hot = two_hot.at[rows, lower_bin_idx[:, 0]].set(lower_values[:, 0])
    two_hot = two_hot.at[rows, lower_bin_idx[:, 0] + 1].set(upper_values[:, 0])
    return two_hot.reshape(orig_shape + (NUM_BINS,))

if __name__ == "__main__":
    import jax
    _d = setup_inputs()
    print(jax.jit(kernel)(*tuple(_d.values())))

</pallas_src>

<mosaic_0001>
#map = affine_map<(d0, d1) -> (0, 0)>
#map1 = affine_map<(d0, d1) -> (0, 0, 0)>
module attributes {stable_mosaic.version = 14 : i64} {
  func.func @_sc_body(%arg0: i32, %arg1: i32, %arg2: memref<128x4096xf32, #tpu.memory_space<hbm>>, %arg3: memref<255x128x4096xf32, #tpu.memory_space<hbm>>, %arg4: memref<16384xf32, #tpu.memory_space<vmem>>, %arg5: memref<255x1x128xf32, #tpu.memory_space<vmem>>, %arg6: memref<255x1x128xf32, #tpu.memory_space<vmem>>, %arg7: memref<256xi32, #tpu.memory_space<vmem>>, %arg8: memref<256xi32, #tpu.memory_space<vmem>>, %arg9: memref<!tpu.dma_semaphore, #tpu.memory_space<semaphore_mem>>, %arg10: memref<!tpu.dma_semaphore, #tpu.memory_space<semaphore_mem>>) attributes {dimension_semantics = [#tpu.dimension_semantics<core_parallel>, #tpu.dimension_semantics<subcore_parallel>], iteration_bounds = array<i64: 2, 16>, scalar_prefetch = 0 : i64, scratch_operands = 7 : i64, tpu.core_type = #tpu.core_type<sc_vector_subcore>, window_params = [{transform_indices = #map}, {transform_indices = #map1}]} {
    %mul3A = arith.constant 2 : i32
    %mul3A_0 = arith.muli %arg1, %mul3A : i32
    %add3A = arith.addi %mul3A_0, %arg0 : i32
    %jit3A = arith.constant 2 : i32
    %div3A = arith.divsi %add3A, %jit3A : i32
    %sign3A = arith.constant 0 : i32
    %sign3A_1 = arith.cmpi sgt, %add3A, %sign3A : i32
    %sign3A_2 = arith.extui %sign3A_1 : i1 to i32
    %sign3A_3 = arith.constant 0 : i32
    %sign3A_4 = arith.cmpi slt, %add3A, %sign3A_3 : i32
    %sign3A_5 = arith.extui %sign3A_4 : i1 to i32
    %sign3A_6 = arith.subi %sign3A_2, %sign3A_5 : i32
    %sign3A_7 = arith.constant 0 : i32
    %sign3A_8 = arith.cmpi sgt, %jit3A, %sign3A_7 : i32
    %sign3A_9 = arith.extui %sign3A_8 : i1 to i32
    %sign3A_10 = arith.constant 0 : i32
    %sign3A_11 = arith.cmpi slt, %jit3A, %sign3A_10 : i32
    %sign3A_12 = arith.extui %sign3A_11 : i1 to i32
    %sign3A_13 = arith.subi %sign3A_9, %sign3A_12 : i32
    %ne3A = arith.cmpi ne, %sign3A_6, %sign3A_13 : i32
    %rem3A = arith.remsi %add3A, %jit3A : i32
    %ne3A_14 = arith.constant 0 : i32
    %ne3A_15 = arith.cmpi ne, %rem3A, %ne3A_14 : i32
    %and3A = arith.andi %ne3A, %ne3A_15 : i1
    %sub3A = arith.constant 1 : i32
    %sub3A_16 = arith.subi %div3A, %sub3A : i32
    %select_n3A = arith.select %and3A, %sub3A_16, %div3A : i32
    %jit3A_17 = arith.constant 2 : i32
    %eq3A = arith.constant 0 : i32
    %eq3A_18 = arith.cmpi eq, %jit3A_17, %eq3A : i32
    %jit3A_19 = arith.constant 1 : i32
    %select_n3A_20 = arith.select %eq3A_18, %jit3A_19, %jit3A_17 : i32
    %rem3A_21 = arith.remsi %add3A, %select_n3A_20 : i32
    %ne3A_22 = arith.constant 0 : i32
    %ne3A_23 = arith.cmpi ne, %rem3A_21, %ne3A_22 : i32
    %lt3A = arith.constant 0 : i32
    %lt3A_24 = arith.cmpi slt, %rem3A_21, %lt3A : i32
    %lt3A_25 = arith.constant 0 : i32
    %lt3A_26 = arith.cmpi slt, %select_n3A_20, %lt3A_25 : i32
    %ne3A_27 = arith.xori %lt3A_24, %lt3A_26 : i1
    %and3A_28 = arith.andi %ne3A_27, %ne3A_23 : i1
    %add3A_29 = arith.addi %rem3A_21, %select_n3A_20 : i32
    %select_n3A_30 = arith.select %and3A_28, %add3A_29, %rem3A_21 : i32
    %mul3A_31 = arith.constant 8 : i32
    %mul3A_32 = arith.muli %mul3A_31, %select_n3A : i32
    %mul3A_33 = arith.constant 2048 : i32
    %mul3A_34 = arith.muli %mul3A_33, %select_n3A_30 : i32
    %add3A_35 = arith.constant 0 : i32
    %add3A_36 = arith.addi %mul3A_32, %add3A_35 : i32
    "tpu.region"() ({
      %run_scoped3A = tpu.sem_alloc : memref<!tpu.dma_semaphore, #tpu.memory_space<semaphore_mem>>
      %dma_start3A_1233 = arith.constant 0 : i32
      %dma_start3A_1234 = tpu.memref_slice %arg4[%dma_start3A_1233] : memref<16384xf32, #tpu.memory_space<vmem>> -> memref<2048xf32, #tpu.memory_space<vmem>>
      %dma_start3A_1235 = tpu.memref_slice %arg2[%add3A_36, %mul3A_34] : memref<128x4096xf32, #tpu.memory_space<hbm>> -> memref<1x2048xf32, #tpu.memory_space<hbm>>
      %dma_start3A_1236 = tpu.memref_squeeze %dma_start3A_1235 : memref<1x2048xf32, #tpu.memory_space<hbm>> -> memref<2048xf32, #tpu.memory_space<hbm>>
      %dma_start3A_1237 = arith.constant 0 : i32
      %dma_start3A_1238 = tpu.memref_slice %arg4[%dma_start3A_1237] : memref<16384xf32, #tpu.memory_space<vmem>> -> memref<2048xf32, #tpu.memory_space<vmem>>
      %dma_start3A_1239 = tpu.memref_slice %arg2[%add3A_36, %mul3A_34] : memref<128x4096xf32, #tpu.memory_space<hbm>> -> memref<1x2048xf32, #tpu.memory_space<hbm>>
      %dma_start3A_1240 = tpu.memref_squeeze %dma_start3A_1239 : memref<1x2048xf32, #tpu.memory_space<hbm>> -> memref<2048xf32, #tpu.memory_space<hbm>>
      tpu.enqueue_dma source(%dma_start3A_1240 : memref<2048xf32, #tpu.memory_space<hbm>>) target(%dma_start3A_1238 : memref<2048xf32, #tpu.memory_space<vmem>>) target_semaphore(%run_scoped3A : memref<!tpu.dma_semaphore, #tpu.memory_space<semaphore_mem>>)
      %dma_wait3A_1241 = arith.constant 0 : i32
      %dma_wait3A_1242 = tpu.memref_slice %arg4[%dma_wait3A_1241] : memref<16384xf32, #tpu.memory_space<vmem>> -> memref<2048xf32, #tpu.memory_space<vmem>>
      %dma_wait3A_1243 = tpu.memref_slice %arg2[%add3A_36, %mul3A_34] : memref<128x4096xf32, #tpu.memory_space<hbm>> -> memref<1x2048xf32, #tpu.memory_space<hbm>>
      %dma_wait3A_1244 = tpu.memref_squeeze %dma_wait3A_1243 : memref<1x2048xf32, #tpu.memory_space<hbm>> -> memref<2048xf32, #tpu.memory_space<hbm>>
      %dma_wait3A_1245 = arith.constant 0 : i32
      %dma_wait3A_1246 = tpu.memref_slice %arg4[%dma_wait3A_1245] : memref<16384xf32, #tpu.memory_space<vmem>> -> memref<2048xf32, #tpu.memory_space<vmem>>
      %dma_wait3A_1247 = tpu.memref_slice %arg2[%add3A_36, %mul3A_34] : memref<128x4096xf32, #tpu.memory_space<hbm>> -> memref<1x2048xf32, #tpu.memory_space<hbm>>
      %dma_wait3A_1248 = tpu.memref_squeeze %dma_wait3A_1247 : memref<1x2048xf32, #tpu.memory_space<hbm>> -> memref<2048xf32, #tpu.memory_space<hbm>>
      tpu.wait_dma2 semaphore(%run_scoped3A : memref<!tpu.dma_semaphore, #tpu.memory_space<semaphore_mem>>) src(%dma_wait3A_1248 : memref<2048xf32, #tpu.memory_space<hbm>>) dst(%dma_wait3A_1246 : memref<2048xf32, #tpu.memory_space<vmem>>)
      tpu.yield
    }) : () -> ()
    %add3A_37 = arith.constant 1 : i32
    %add3A_38 = arith.addi %mul3A_32, %add3A_37 : i32
    "tpu.region"() ({
      %run_scoped3A = tpu.sem_alloc : memref<!tpu.dma_semaphore, #tpu.memory_space<semaphore_mem>>
      %dma_start3A_1233 = arith.constant 2048 : i32
      %dma_start3A_1234 = tpu.memref_slice %arg4[%dma_start3A_1233] : memref<16384xf32, #tpu.memory_space<vmem>> -> memref<2048xf32, #tpu.memory_space<vmem>>
      %dma_start3A_1235 = tpu.memref_slice %arg2[%add3A_38, %mul3A_34] : memref<128x4096xf32, #tpu.memory_space<hbm>> -> memref<1x2048xf32, #tpu.memory_space<hbm>>
      %dma_start3A_1236 = tpu.memref_squeeze %dma_start3A_1235 : memref<1x2048xf32, #tpu.memory_space<hbm>> -> memref<2048xf32, #tpu.memory_space<hbm>>
      %dma_start3A_1237 = arith.constant 2048 : i32
      %dma_start3A_1238 = tpu.memref_slice %arg4[%dma_start3A_1237] : memref<16384xf32, #tpu.memory_space<vmem>> -> memref<2048xf32, #tpu.memory_space<vmem>>
      %dma_start3A_1239 = tpu.memref_slice %arg2[%add3A_38, %mul3A_34] : memref<128x4096xf32, #tpu.memory_space<hbm>> -> memref<1x2048xf32, #tpu.memory_space<hbm>>
      %dma_start3A_1240 = tpu.memref_squeeze %dma_start3A_1239 : memref<1x2048xf32, #tpu.memory_space<hbm>> -> memref<2048xf32, #tpu.memory_space<hbm>>
      tpu.enqueue_dma source(%dma_start3A_1240 : memref<2048xf32, #tpu.memory_space<hbm>>) target(%dma_start3A_1238 : memref<2048xf32, #tpu.memory_space<vmem>>) target_semaphore(%run_scoped3A : memref<!tpu.dma_semaphore, #tpu.memory_space<semaphore_mem>>)
      %dma_wait3A_1241 = arith.constant 2048 : i32
      %dma_wait3A_1242 = tpu.memref_slice %arg4[%dma_wait3A_1241] : memref<16384xf32, #tpu.memory_space<vmem>> -> memref<2048xf32, #tpu.memory_space<vmem>>
      %dma_wait3A_1243 = tpu.memref_slice %arg2[%add3A_38, %mul3A_34] : memref<128x4096xf32, #tpu.memory_space<hbm>> -> memref<1x2048xf32, #tpu.memory_space<hbm>>
      %dma_wait3A_1244 = tpu.memref_squeeze %dma_wait3A_1243 : memref<1x2048xf32, #tpu.memory_space<hbm>> -> memref<2048xf32, #tpu.memory_space<hbm>>
      %dma_wait3A_1245 = arith.constant 2048 : i32
      %dma_wait3A_1246 = tpu.memref_slice %arg4[%dma_wait3A_1245] : memref<16384xf32, #tpu.memory_space<vmem>> -> memref<2048xf32, #tpu.memory_space<vmem>>
      %dma_wait3A_1247 = tpu.memref_slice %arg2[%add3A_38, %mul3A_34] : memref<128x4096xf32, #tpu.memory_space<hbm>> -> memref<1x2048xf32, #tpu.memory_space<hbm>>
      %dma_wait3A_1248 = tpu.memref_squeeze %dma_wait3A_1247 : memref<1x2048xf32, #tpu.memory_space<hbm>> -> memref<2048xf32, #tpu.memory_space<hbm>>
      tpu.wait_dma2 semaphore(%run_scoped3A : memref<!tpu.dma_semaphore, #tpu.memory_space<semaphore_mem>>) src(%dma_wait3A_1248 : memref<2048xf32, #tpu.memory_space<hbm>>) dst(%dma_wait3A_1246 : memref<2048xf32, #tpu.memory_space<vmem>>)
      tpu.yield
    }) : () -> ()
    %add3A_39 = arith.constant 2 : i32
    %add3A_40 = arith.addi %mul3A_32, %add3A_39 : i32
    "tpu.region"() ({
      %run_scoped3A = tpu.sem_alloc : memref<!tpu.dma_semaphore, #tpu.memory_space<semaphore_mem>>
      %dma_start3A_1233 = arith.constant 4096 : i32
      %dma_start3A_1234 = tpu.memref_slice %arg4[%dma_start3A_1233] : memref<16384xf32, #tpu.memory_space<vmem>> -> memref<2048xf32, #tpu.memory_space<vmem>>
      %dma_start3A_1235 = tpu.memref_slice %arg2[%add3A_40, %mul3A_34] : memref<128x4096xf32, #tpu.memory_space<hbm>> -> memref<1x2048xf32, #tpu.memory_space<hbm>>
      %dma_start3A_1236 = tpu.memref_squeeze %dma_start3A_1235 : memref<1x2048xf32, #tpu.memory_space<hbm>> -> memref<2048xf32, #tpu.memory_space<hbm>>
      %dma_start3A_1237 = arith.constant 4096 : i32
      %dma_start3A_1238 = tpu.memref_slice %arg4[%dma_start3A_1237] : memref<16384xf32, #tpu.memory_space<vmem>> -> memref<2048xf32, #tpu.memory_space<vmem>>
      %dma_start3A_1239 = tpu.memref_slice %arg2[%add3A_40, %mul3A_34] : memref<128x4096xf32, #tpu.memory_space<hbm>> -> memref<1x2048xf32, #tpu.memory_space<hbm>>
      %dma_start3A_1240 = tpu.memref_squeeze %dma_start3A_1239 : memref<1x2048xf32, #tpu.memory_space<hbm>> -> memref<2048xf32, #tpu.memory_space<hbm>>
      tpu.enqueue_dma source(%dma_start3A_1240 : memref<2048xf32, #tpu.memory_space<hbm>>) target(%dma_start3A_1238 : memref<2048xf32, #tpu.memory_space<vmem>>) target_semaphore(%run_scoped3A : memref<!tpu.dma_semaphore, #tpu.memory_space<semaphore_mem>>)
      %dma_wait3A_1241 = arith.constant 4096 : i32
      %dma_wait3A_1242 = tpu.memref_slice %arg4[%dma_wait3A_1241] : memref<16384xf32, #tpu.memory_space<vmem>> -> memref<2048xf32, #tpu.memory_space<vmem>>
      %dma_wait3A_1243 = tpu.memref_slice %arg2[%add3A_40, %mul3A_34] : memref<128x4096xf32, #tpu.memory_space<hbm>> -> memref<1x2048xf32, #tpu.memory_space<hbm>>
      %dma_wait3A_1244 = tpu.memref_squeeze %dma_wait3A_1243 : memref<1x2048xf32, #tpu.memory_space<hbm>> -> memref<2048xf32, #tpu.memory_space<hbm>>
      %dma_wait3A_1245 = arith.constant 4096 : i32
      %dma_wait3A_1246 = tpu.memref_slice %arg4[%dma_wait3A_1245] : memref<16384xf32, #tpu.memory_space<vmem>> -> memref<2048xf32, #tpu.memory_space<vmem>>
      %dma_wait3A_1247 = tpu.memref_slice %arg2[%add3A_40, %mul3A_34] : memref<128x4096xf32, #tpu.memory_space<hbm>> -> memref<1x2048xf32, #tpu.memory_space<hbm>>
      %dma_wait3A_1248 = tpu.memref_squeeze %dma_wait3A_1247 : memref<1x2048xf32, #tpu.memory_space<hbm>> -> memref<2048xf32, #tpu.memory_space<hbm>>
      tpu.wait_dma2 semaphore(%run_scoped3A : memref<!tpu.dma_semaphore, #tpu.memory_space<semaphore_mem>>) src(%dma_wait3A_1248 : memref<2048xf32, #tpu.memory_space<hbm>>) dst(%dma_wait3A_1246 : memref<2048xf32, #tpu.memory_space<vmem>>)
      tpu.yield
    }) : () -> ()
    %add3A_41 = arith.constant 3 : i32
    %add3A_42 = arith.addi %mul3A_32, %add3A_41 : i32
    "tpu.region"() ({
      %run_scoped3A = tpu.sem_alloc : memref<!tpu.dma_semaphore, #tpu.memory_space<semaphore_mem>>
      %dma_start3A_1233 = arith.constant 6144 : i32
      %dma_start3A_1234 = tpu.memref_slice %arg4[%dma_start3A_1233] : memref<16384xf32, #tpu.memory_space<vmem>> -> memref<2048xf32, #tpu.memory_space<vmem>>
      %dma_start3A_1235 = tpu.memref_slice %arg2[%add3A_42, %mul3A_34] : memref<128x4096xf32, #tpu.memory_space<hbm>> -> memref<1x2048xf32, #tpu.memory_space<hbm>>
      %dma_start3A_1236 = tpu.memref_squeeze %dma_start3A_1235 : memref<1x2048xf32, #tpu.memory_space<hbm>> -> memref<2048xf32, #tpu.memory_space<hbm>>
      %dma_start3A_1237 = arith.constant 6144 : i32
      %dma_start3A_1238 = tpu.memref_slice %arg4[%dma_start3A_1237] : memref<16384xf32, #tpu.memory_space<vmem>> -> memref<2048xf32, #tpu.memory_space<vmem>>
      %dma_start3A_1239 = tpu.memref_slice %arg2[%add3A_42, %mul3A_34] : memref<128x4096xf32, #tpu.memory_space<hbm>> -> memref<1x2048xf32, #tpu.memory_space<hbm>>
      %dma_start3A_1240 = tpu.memref_squeeze %dma_start3A_1239 : memref<1x2048xf32, #tpu.memory_space<hbm>> -> memref<2048xf32, #tpu.memory_space<hbm>>
      tpu.enqueue_dma source(%dma_start3A_1240 : memref<2048xf32, #tpu.memory_space<hbm>>) target(%dma_start3A_1238 : memref<2048xf32, #tpu.memory_space<vmem>>) target_semaphore(%run_scoped3A : memref<!tpu.dma_semaphore, #tpu.memory_space<semaphore_mem>>)
      %dma_wait3A_1241 = arith.constant 6144 : i32
      %dma_wait3A_1242 = tpu.memref_slice %arg4[%dma_wait3A_1241] : memref<16384xf32, #tpu.memory_space<vmem>> -> memref<2048xf32, #tpu.memory_space<vmem>>
      %dma_wait3A_1243 = tpu.memref_slice %arg2[%add3A_42, %mul3A_34] : memref<128x4096xf32, #tpu.memory_space<hbm>> -> memref<1x2048xf32, #tpu.memory_space<hbm>>
      %dma_wait3A_1244 = tpu.memref_squeeze %dma_wait3A_1243 : memref<1x2048xf32, #tpu.memory_space<hbm>> -> memref<2048xf32, #tpu.memory_space<hbm>>
      %dma_wait3A_1245 = arith.constant 6144 : i32
      %dma_wait3A_1246 = tpu.memref_slice %arg4[%dma_wait3A_1245] : memref<16384xf32, #tpu.memory_space<vmem>> -> memref<2048xf32, #tpu.memory_space<vmem>>
      %dma_wait3A_1247 = tpu.memref_slice %arg2[%add3A_42, %mul3A_34] : memref<128x4096xf32, #tpu.memory_space<hbm>> -> memref<1x2048xf32, #tpu.memory_space<hbm>>
      %dma_wait3A_1248 = tpu.memref_squeeze %dma_wait3A_1247 : memref<1x2048xf32, #tpu.memory_space<hbm>> -> memref<2048xf32, #tpu.memory_space<hbm>>
      tpu.wait_dma2 semaphore(%run_scoped3A : memref<!tpu.dma_semaphore, #tpu.memory_space<semaphore_mem>>) src(%dma_wait3A_1248 : memref<2048xf32, #tpu.memory_space<hbm>>) dst(%dma_wait3A_1246 : memref<2048xf32, #tpu.memory_space<vmem>>)
      tpu.yield
    }) : () -> ()
    %add3A_43 = arith.constant 4 : i32
    %add3A_44 = arith.addi %mul3A_32, %add3A_43 : i32
    "tpu.region"() ({
      %run_scoped3A = tpu.sem_alloc : memref<!tpu.dma_semaphore, #tpu.memory_space<semaphore_mem>>
      %dma_start3A_1233 = arith.constant 8192 : i32
      %dma_start3A_1234 = tpu.memref_slice %arg4[%dma_start3A_1233] : memref<16384xf32, #tpu.memory_space<vmem>> -> memref<2048xf32, #tpu.memory_space<vmem>>
      %dma_start3A_1235 = tpu.memref_slice %arg2[%add3A_44, %mul3A_34] : memref<128x4096xf32, #tpu.memory_space<hbm>> -> memref<1x2048xf32, #tpu.memory_space<hbm>>
      %dma_start3A_1236 = tpu.memref_squeeze %dma_start3A_1235 : memref<1x2048xf32, #tpu.memory_space<hbm>> -> memref<2048xf32, #tpu.memory_space<hbm>>
      %dma_start3A_1237 = arith.constant 8192 : i32
      %dma_start3A_1238 = tpu.memref_slice %arg4[%dma_start3A_1237] : memref<16384xf32, #tpu.memory_space<vmem>> -> memref<2048xf32, #tpu.memory_space<vmem>>
      %dma_start3A_1239 = tpu.memref_slice %arg2[%add3A_44, %mul3A_34] : memref<128x4096xf32, #tpu.memory_space<hbm>> -> memref<1x2048xf32, #tpu.memory_space<hbm>>
      %dma_start3A_1240 = tpu.memref_squeeze %dma_start3A_1239 : memref<1x2048xf32, #tpu.memory_space<hbm>> -> memref<2048xf32, #tpu.memory_space<hbm>>
      tpu.enqueue_dma source(%dma_start3A_1240 : memref<2048xf32, #tpu.memory_space<hbm>>) target(%dma_start3A_1238 : memref<2048xf32, #tpu.memory_space<vmem>>) target_semaphore(%run_scoped3A : memref<!tpu.dma_semaphore, #tpu.memory_space<semaphore_mem>>)
      %dma_wait3A_1241 = arith.constant 8192 : i32
      %dma_wait3A_1242 = tpu.memref_slice %arg4[%dma_wait3A_1241] : memref<16384xf32, #tpu.memory_space<vmem>> -> memref<2048xf32, #tpu.memory_space<vmem>>
      %dma_wait3A_1243 = tpu.memref_slice %arg2[%add3A_44, %mul3A_34] : memref<128x4096xf32, #tpu.memory_space<hbm>> -> memref<1x2048xf32, #tpu.memory_space<hbm>>
      %dma_wait3A_1244 = tpu.memref_squeeze %dma_wait3A_1243 : memref<1x2048xf32, #tpu.memory_space<hbm>> -> memref<2048xf32, #tpu.memory_space<hbm>>
      %dma_wait3A_1245 = arith.constant 8192 : i32
      %dma_wait3A_1246 = tpu.memref_slice %arg4[%dma_wait3A_1245] : memref<16384xf32, #tpu.memory_space<vmem>> -> memref<2048xf32, #tpu.memory_space<vmem>>
      %dma_wait3A_1247 = tpu.memref_slice %arg2[%add3A_44, %mul3A_34] : memref<128x4096xf32, #tpu.memory_space<hbm>> -> memref<1x2048xf32, #tpu.memory_space<hbm>>
      %dma_wait3A_1248 = tpu.memref_squeeze %dma_wait3A_1247 : memref<1x2048xf32, #tpu.memory_space<hbm>> -> memref<2048xf32, #tpu.memory_space<hbm>>
      tpu.wait_dma2 semaphore(%run_scoped3A : memref<!tpu.dma_semaphore, #tpu.memory_space<semaphore_mem>>) src(%dma_wait3A_1248 : memref<2048xf32, #tpu.memory_space<hbm>>) dst(%dma_wait3A_1246 : memref<2048xf32, #tpu.memory_space<vmem>>)
      tpu.yield
    }) : () -> ()
    %add3A_45 = arith.constant 5 : i32
    %add3A_46 = arith.addi %mul3A_32, %add3A_45 : i32
    "tpu.region"() ({
      %run_scoped3A = tpu.sem_alloc : memref<!tpu.dma_semaphore, #tpu.memory_space<semaphore_mem>>
      %dma_start3A_1233 = arith.constant 10240 : i32
      %dma_start3A_1234 = tpu.memref_slice %arg4[%dma_start3A_1233] : memref<16384xf32, #tpu.memory_space<vmem>> -> memref<2048xf32, #tpu.memory_space<vmem>>
      %dma_start3A_1235 = tpu.memref_slice %arg2[%add3A_46, %mul3A_34] : memref<128x4096xf32, #tpu.memory_space<hbm>> -> memref<1x2048xf32, #tpu.memory_space<hbm>>
      %dma_start3A_1236 = tpu.memref_squeeze %dma_start3A_1235 : memref<1x2048xf32, #tpu.memory_space<hbm>> -> memref<2048xf32, #tpu.memory_space<hbm>>
      %dma_start3A_1237 = arith.constant 10240 : i32
      %dma_start3A_1238 = tpu.memref_slice %arg4[%dma_start3A_1237] : memref<16384xf32, #tpu.memory_space<vmem>> -> memref<2048xf32, #tpu.memory_space<vmem>>
      %dma_start3A_1239 = tpu.memref_slice %arg2[%add3A_46, %mul3A_34] : memref<128x4096xf32, #tpu.memory_space<hbm>> -> memref<1x2048xf32, #tpu.memory_space<hbm>>
      %dma_start3A_1240 = tpu.memref_squeeze %dma_start3A_1239 : memref<1x2048xf32, #tpu.memory_space<hbm>> -> memref<2048xf32, #tpu.memory_space<hbm>>
      tpu.enqueue_dma source(%dma_start3A_1240 : memref<2048xf32, #tpu.memory_space<hbm>>) target(%dma_start3A_1238 : memref<2048xf32, #tpu.memory_space<vmem>>) target_semaphore(%run_scoped3A : memref<!tpu.dma_semaphore, #tpu.memory_space<semaphore_mem>>)
      %dma_wait3A_1241 = arith.constant 10240 : i32
      %dma_wait3A_1242 = tpu.memref_slice %arg4[%dma_wait3A_1241] : memref<16384xf32, #tpu.memory_space<vmem>> -> memref<2048xf32, #tpu.memory_space<vmem>>
      %dma_wait3A_1243 = tpu.memref_slice %arg2[%add3A_46, %mul3A_34] : memref<128x4096xf32, #tpu.memory_space<hbm>> -> memref<1x2048xf32, #tpu.memory_space<hbm>>
      %dma_wait3A_1244 = tpu.memref_squeeze %dma_wait3A_1243 : memref<1x2048xf32, #tpu.memory_space<hbm>> -> memref<2048xf32, #tpu.memory_space<hbm>>
      %dma_wait3A_1245 = arith.constant 10240 : i32
      %dma_wait3A_1246 = tpu.memref_slice %arg4[%dma_wait3A_1245] : memref<16384xf32, #tpu.memory_space<vmem>> -> memref<2048xf32, #tpu.memory_space<vmem>>
      %dma_wait3A_1247 = tpu.memref_slice %arg2[%add3A_46, %mul3A_34] : memref<128x4096xf32, #tpu.memory_space<hbm>> -> memref<1x2048xf32, #tpu.memory_space<hbm>>
      %dma_wait3A_1248 = tpu.memref_squeeze %dma_wait3A_1247 : memref<1x2048xf32, #tpu.memory_space<hbm>> -> memref<2048xf32, #tpu.memory_space<hbm>>
      tpu.wait_dma2 semaphore(%run_scoped3A : memref<!tpu.dma_semaphore, #tpu.memory_space<semaphore_mem>>) src(%dma_wait3A_1248 : memref<2048xf32, #tpu.memory_space<hbm>>) dst(%dma_wait3A_1246 : memref<2048xf32, #tpu.memory_space<vmem>>)
      tpu.yield
    }) : () -> ()
    %add3A_47 = arith.constant 6 : i32
    %add3A_48 = arith.addi %mul3A_32, %add3A_47 : i32
    "tpu.region"() ({
      %run_scoped3A = tpu.sem_alloc : memref<!tpu.dma_semaphore, #tpu.memory_space<semaphore_mem>>
      %dma_start3A_1233 = arith.constant 12288 : i32
      %dma_start3A_1234 = tpu.memref_slice %arg4[%dma_start3A_1233] : memref<16384xf32, #tpu.memory_space<vmem>> -> memref<2048xf32, #tpu.memory_space<vmem>>
      %dma_start3A_1235 = tpu.memref_slice %arg2[%add3A_48, %mul3A_34] : memref<128x4096xf32, #tpu.memory_space<hbm>> -> memref<1x2048xf32, #tpu.memory_space<hbm>>
      %dma_start3A_1236 = tpu.memref_squeeze %dma_start3A_1235 : memref<1x2048xf32, #tpu.memory_space<hbm>> -> memref<2048xf32, #tpu.memory_space<hbm>>
      %dma_start3A_1237 = arith.constant 12288 : i32
      %dma_start3A_1238 = tpu.memref_slice %arg4[%dma_start3A_1237] : memref<16384xf32, #tpu.memory_space<vmem>> -> memref<2048xf32, #tpu.memory_space<vmem>>
      %dma_start3A_1239 = tpu.memref_slice %arg2[%add3A_48, %mul3A_34] : memref<128x4096xf32, #tpu.memory_space<hbm>> -> memref<1x2048xf32, #tpu.memory_space<hbm>>
      %dma_start3A_1240 = tpu.memref_squeeze %dma_start3A_1239 : memref<1x2048xf32, #tpu.memory_space<hbm>> -> memref<2048xf32, #tpu.memory_space<hbm>>
      tpu.enqueue_dma source(%dma_start3A_1240 : memref<2048xf32, #tpu.memory_space<hbm>>) target(%dma_start3A_1238 : memref<2048xf32, #tpu.memory_space<vmem>>) target_semaphore(%run_scoped3A : memref<!tpu.dma_semaphore, #tpu.memory_space<semaphore_mem>>)
      %dma_wait3A_1241 = arith.constant 12288 : i32
      %dma_wait3A_1242 = tpu.memref_slice %arg4[%dma_wait3A_1241] : memref<16384xf32, #tpu.memory_space<vmem>> -> memref<2048xf32, #tpu.memory_space<vmem>>
      %dma_wait3A_1243 = tpu.memref_slice %arg2[%add3A_48, %mul3A_34] : memref<128x4096xf32, #tpu.memory_space<hbm>> -> memref<1x2048xf32, #tpu.memory_space<hbm>>
      %dma_wait3A_1244 = tpu.memref_squeeze %dma_wait3A_1243 : memref<1x2048xf32, #tpu.memory_space<hbm>> -> memref<2048xf32, #tpu.memory_space<hbm>>
      %dma_wait3A_1245 = arith.constant 12288 : i32
      %dma_wait3A_1246 = tpu.memref_slice %arg4[%dma_wait3A_1245] : memref<16384xf32, #tpu.memory_space<vmem>> -> memref<2048xf32, #tpu.memory_space<vmem>>
      %dma_wait3A_1247 = tpu.memref_slice %arg2[%add3A_48, %mul3A_34] : memref<128x4096xf32, #tpu.memory_space<hbm>> -> memref<1x2048xf32, #tpu.memory_space<hbm>>
      %dma_wait3A_1248 = tpu.memref_squeeze %dma_wait3A_1247 : memref<1x2048xf32, #tpu.memory_space<hbm>> -> memref<2048xf32, #tpu.memory_space<hbm>>
      tpu.wait_dma2 semaphore(%run_scoped3A : memref<!tpu.dma_semaphore, #tpu.memory_space<semaphore_mem>>) src(%dma_wait3A_1248 : memref<2048xf32, #tpu.memory_space<hbm>>) dst(%dma_wait3A_1246 : memref<2048xf32, #tpu.memory_space<vmem>>)
      tpu.yield
    }) : () -> ()
    %add3A_49 = arith.constant 7 : i32
    %add3A_50 = arith.addi %mul3A_32, %add3A_49 : i32
    "tpu.region"() ({
      %run_scoped3A = tpu.sem_alloc : memref<!tpu.dma_semaphore, #tpu.memory_space<semaphore_mem>>
      %dma_start3A_1233 = arith.constant 14336 : i32
      %dma_start3A_1234 = tpu.memref_slice %arg4[%dma_start3A_1233] : memref<16384xf32, #tpu.memory_space<vmem>> -> memref<2048xf32, #tpu.memory_space<vmem>>
      %dma_start3A_1235 = tpu.memref_slice %arg2[%add3A_50, %mul3A_34] : memref<128x4096xf32, #tpu.memory_space<hbm>> -> memref<1x2048xf32, #tpu.memory_space<hbm>>
      %dma_start3A_1236 = tpu.memref_squeeze %dma_start3A_1235 : memref<1x2048xf32, #tpu.memory_space<hbm>> -> memref<2048xf32, #tpu.memory_space<hbm>>
      %dma_start3A_1237 = arith.constant 14336 : i32
      %dma_start3A_1238 = tpu.memref_slice %arg4[%dma_start3A_1237] : memref<16384xf32, #tpu.memory_space<vmem>> -> memref<2048xf32, #tpu.memory_space<vmem>>
      %dma_start3A_1239 = tpu.memref_slice %arg2[%add3A_50, %mul3A_34] : memref<128x4096xf32, #tpu.memory_space<hbm>> -> memref<1x2048xf32, #tpu.memory_space<hbm>>
      %dma_start3A_1240 = tpu.memref_squeeze %dma_start3A_1239 : memref<1x2048xf32, #tpu.memory_space<hbm>> -> memref<2048xf32, #tpu.memory_space<hbm>>
      tpu.enqueue_dma source(%dma_start3A_1240 : memref<2048xf32, #tpu.memory_space<hbm>>) target(%dma_start3A_1238 : memref<2048xf32, #tpu.memory_space<vmem>>) target_semaphore(%run_scoped3A : memref<!tpu.dma_semaphore, #tpu.memory_space<semaphore_mem>>)
      %dma_wait3A_1241 = arith.constant 14336 : i32
      %dma_wait3A_1242 = tpu.memref_slice %arg4[%dma_wait3A_1241] : memref<16384xf32, #tpu.memory_space<vmem>> -> memref<2048xf32, #tpu.memory_space<vmem>>
      %dma_wait3A_1243 = tpu.memref_slice %arg2[%add3A_50, %mul3A_34] : memref<128x4096xf32, #tpu.memory_space<hbm>> -> memref<1x2048xf32, #tpu.memory_space<hbm>>
      %dma_wait3A_1244 = tpu.memref_squeeze %dma_wait3A_1243 : memref<1x2048xf32, #tpu.memory_space<hbm>> -> memref<2048xf32, #tpu.memory_space<hbm>>
      %dma_wait3A_1245 = arith.constant 14336 : i32
      %dma_wait3A_1246 = tpu.memref_slice %arg4[%dma_wait3A_1245] : memref<16384xf32, #tpu.memory_space<vmem>> -> memref<2048xf32, #tpu.memory_space<vmem>>
      %dma_wait3A_1247 = tpu.memref_slice %arg2[%add3A_50, %mul3A_34] : memref<128x4096xf32, #tpu.memory_space<hbm>> -> memref<1x2048xf32, #tpu.memory_space<hbm>>
      %dma_wait3A_1248 = tpu.memref_squeeze %dma_wait3A_1247 : memref<1x2048xf32, #tpu.memory_space<hbm>> -> memref<2048xf32, #tpu.memory_space<hbm>>
      tpu.wait_dma2 semaphore(%run_scoped3A : memref<!tpu.dma_semaphore, #tpu.memory_space<semaphore_mem>>) src(%dma_wait3A_1248 : memref<2048xf32, #tpu.memory_space<hbm>>) dst(%dma_wait3A_1246 : memref<2048xf32, #tpu.memory_space<vmem>>)
      tpu.yield
    }) : () -> ()
    %broadcast_in_dim3A = arith.constant 0.000000e+00 : f32
    %broadcast_in_dim3A_51 = vector.broadcast %broadcast_in_dim3A : f32 to vector<16xf32>
    %broadcast_in_dim3A_52 = arith.constant 0 : i32
    %broadcast_in_dim3A_53 = vector.broadcast %broadcast_in_dim3A_52 : i32 to vector<16xi32>
    %iota3A = tpu.iota {dimensions = array<i32: 0>} : vector<16xi32>
    %scan3A = arith.constant 0 : i32
    %scan3A_54 = arith.constant 0 : i32
    %scan3A_55 = arith.constant 255 : i32
    %scan3A_56 = arith.addi %scan3A_54, %scan3A_55 : i32
    %scan3A_57 = arith.constant 1 : i32
    %scan3A_58 = scf.for %scan3A_1233 = %scan3A_54 to %scan3A_56 step %scan3A_57 iter_args(%scan3A_1234 = %scan3A) -> (i32)  : i32 {
      %swap3A_1235 = arith.constant 0 : i32
      %swap3A_1236 = arith.index_cast %scan3A_1233 : i32 to index
      %swap3A_1237 = arith.index_cast %swap3A_1235 : i32 to index
      %swap3A_1238 = arith.constant 0 : index
      %swap3A_1239 = tpu.vector_load %arg5[%swap3A_1236, %swap3A_1237, %swap3A_1238] {strides = array<i32>} : memref<255x1x128xf32, #tpu.memory_space<vmem>>, vector<16xf32>,
      tpu.vector_store %arg5[%swap3A_1236, %swap3A_1237, %swap3A_1238], %broadcast_in_dim3A_51 {strides = array<i32>} : memref<255x1x128xf32, #tpu.memory_space<vmem>>, vector<16xf32>,
      %swap3A_1240 = arith.constant 0 : i32
      %swap3A_1241 = arith.index_cast %scan3A_1233 : i32 to index
      %swap3A_1242 = arith.index_cast %swap3A_1240 : i32 to index
      %swap3A_1243 = arith.constant 0 : index
      %swap3A_1244 = tpu.vector_load %arg6[%swap3A_1241, %swap3A_1242, %swap3A_1243] {strides = array<i32>} : memref<255x1x128xf32, #tpu.memory_space<vmem>>, vector<16xf32>,
      tpu.vector_store %arg6[%swap3A_1241, %swap3A_1242, %swap3A_1243], %broadcast_in_dim3A_51 {strides = array<i32>} : memref<255x1x128xf32, #tpu.memory_space<vmem>>, vector<16xf32>,
      %swap3A_1245 = arith.constant 0 : i32
      %swap3A_1246 = arith.index_cast %scan3A_1233 : i32 to index
      %swap3A_1247 = arith.index_cast %swap3A_1245 : i32 to index
      %swap3A_1248 = arith.constant 16 : index
      %swap3A_1249 = tpu.vector_load %arg5[%swap3A_1246, %swap3A_1247, %swap3A_1248] {strides = array<i32>} : memref<255x1x128xf32, #tpu.memory_space<vmem>>, vector<16xf32>,
      tpu.vector_store %arg5[%swap3A_1246, %swap3A_1247, %swap3A_1248], %broadcast_in_dim3A_51 {strides = array<i32>} : memref<255x1x128xf32, #tpu.memory_space<vmem>>, vector<16xf32>,
      %swap3A_1250 = arith.constant 0 : i32
      %swap3A_1251 = arith.index_cast %scan3A_1233 : i32 to index
      %swap3A_1252 = arith.index_cast %swap3A_1250 : i32 to index
      %swap3A_1253 = arith.constant 16 : index
      %swap3A_1254 = tpu.vector_load %arg6[%swap3A_1251, %swap3A_1252, %swap3A_1253] {strides = array<i32>} : memref<255x1x128xf32, #tpu.memory_space<vmem>>, vector<16xf32>,
      tpu.vector_store %arg6[%swap3A_1251, %swap3A_1252, %swap3A_1253], %broadcast_in_dim3A_51 {strides = array<i32>} : memref<255x1x128xf32, #tpu.memory_space<vmem>>, vector<16xf32>,
      %swap3A_1255 = arith.constant 0 : i32
      %swap3A_1256 = arith.index_cast %scan3A_1233 : i32 to index
      %swap3A_1257 = arith.index_cast %swap3A_1255 : i32 to index
      %swap3A_1258 = arith.constant 32 : index
      %swap3A_1259 = tpu.vector_load %arg5[%swap3A_1256, %swap3A_1257, %swap3A_1258] {strides = array<i32>} : memref<255x1x128xf32, #tpu.memory_space<vmem>>, vector<16xf32>,
      tpu.vector_store %arg5[%swap3A_1256, %swap3A_1257, %swap3A_1258], %broadcast_in_dim3A_51 {strides = array<i32>} : memref<255x1x128xf32, #tpu.memory_space<vmem>>, vector<16xf32>,
      %swap3A_1260 = arith.constant 0 : i32
      %swap3A_1261 = arith.index_cast %scan3A_1233 : i32 to index
      %swap3A_1262 = arith.index_cast %swap3A_1260 : i32 to index
      %swap3A_1263 = arith.constant 32 : index
      %swap3A_1264 = tpu.vector_load %arg6[%swap3A_1261, %swap3A_1262, %swap3A_1263] {strides = array<i32>} : memref<255x1x128xf32, #tpu.memory_space<vmem>>, vector<16xf32>,
      tpu.vector_store %arg6[%swap3A_1261, %swap3A_1262, %swap3A_1263], %broadcast_in_dim3A_51 {strides = array<i32>} : memref<255x1x128xf32, #tpu.memory_space<vmem>>, vector<16xf32>,
      %swap3A_1265 = arith.constant 0 : i32
      %swap3A_1266 = arith.index_cast %scan3A_1233 : i32 to index
      %swap3A_1267 = arith.index_cast %swap3A_1265 : i32 to index
      %swap3A_1268 = arith.constant 48 : index
      %swap3A_1269 = tpu.vector_load %arg5[%swap3A_1266, %swap3A_1267, %swap3A_1268] {strides = array<i32>} : memref<255x1x128xf32, #tpu.memory_space<vmem>>, vector<16xf32>,
      tpu.vector_store %arg5[%swap3A_1266, %swap3A_1267, %swap3A_1268], %broadcast_in_dim3A_51 {strides = array<i32>} : memref<255x1x128xf32, #tpu.memory_space<vmem>>, vector<16xf32>,
      %swap3A_1270 = arith.constant 0 : i32
      %swap3A_1271 = arith.index_cast %scan3A_1233 : i32 to index
      %swap3A_1272 = arith.index_cast %swap3A_1270 : i32 to index
      %swap3A_1273 = arith.constant 48 : index
      %swap3A_1274 = tpu.vector_load %arg6[%swap3A_1271, %swap3A_1272, %swap3A_1273] {strides = array<i32>} : memref<255x1x128xf32, #tpu.memory_space<vmem>>, vector<16xf32>,
      tpu.vector_store %arg6[%swap3A_1271, %swap3A_1272, %swap3A_1273], %broadcast_in_dim3A_51 {strides = array<i32>} : memref<255x1x128xf32, #tpu.memory_space<vmem>>, vector<16xf32>,
      %swap3A_1275 = arith.constant 0 : i32
      %swap3A_1276 = arith.index_cast %scan3A_1233 : i32 to index
      %swap3A_1277 = arith.index_cast %swap3A_1275 : i32 to index
      %swap3A_1278 = arith.constant 64 : index
      %swap3A_1279 = tpu.vector_load %arg5[%swap3A_1276, %swap3A_1277, %swap3A_1278] {strides = array<i32>} : memref<255x1x128xf32, #tpu.memory_space<vmem>>, vector<16xf32>,
      tpu.vector_store %arg5[%swap3A_1276, %swap3A_1277, %swap3A_1278], %broadcast_in_dim3A_51 {strides = array<i32>} : memref<255x1x128xf32, #tpu.memory_space<vmem>>, vector<16xf32>,
      %swap3A_1280 = arith.constant 0 : i32
      %swap3A_1281 = arith.index_cast %scan3A_1233 : i32 to index
      %swap3A_1282 = arith.index_cast %swap3A_1280 : i32 to index
      %swap3A_1283 = arith.constant 64 : index
      %swap3A_1284 = tpu.vector_load %arg6[%swap3A_1281, %swap3A_1282, %swap3A_1283] {strides = array<i32>} : memref<255x1x128xf32, #tpu.memory_space<vmem>>, vector<16xf32>,
      tpu.vector_store %arg6[%swap3A_1281, %swap3A_1282, %swap3A_1283], %broadcast_in_dim3A_51 {strides = array<i32>} : memref<255x1x128xf32, #tpu.memory_space<vmem>>, vector<16xf32>,
      %swap3A_1285 = arith.constant 0 : i32
      %swap3A_1286 = arith.index_cast %scan3A_1233 : i32 to index
      %swap3A_1287 = arith.index_cast %swap3A_1285 : i32 to index
      %swap3A_1288 = arith.constant 80 : index
      %swap3A_1289 = tpu.vector_load %arg5[%swap3A_1286, %swap3A_1287, %swap3A_1288] {strides = array<i32>} : memref<255x1x128xf32, #tpu.memory_space<vmem>>, vector<16xf32>,
      tpu.vector_store %arg5[%swap3A_1286, %swap3A_1287, %swap3A_1288], %broadcast_in_dim3A_51 {strides = array<i32>} : memref<255x1x128xf32, #tpu.memory_space<vmem>>, vector<16xf32>,
      %swap3A_1290 = arith.constant 0 : i32
      %swap3A_1291 = arith.index_cast %scan3A_1233 : i32 to index
      %swap3A_1292 = arith.index_cast %swap3A_1290 : i32 to index
      %swap3A_1293 = arith.constant 80 : index
      %swap3A_1294 = tpu.vector_load %arg6[%swap3A_1291, %swap3A_1292, %swap3A_1293] {strides = array<i32>} : memref<255x1x128xf32, #tpu.memory_space<vmem>>, vector<16xf32>,
      tpu.vector_store %arg6[%swap3A_1291, %swap3A_1292, %swap3A_1293], %broadcast_in_dim3A_51 {strides = array<i32>} : memref<255x1x128xf32, #tpu.memory_space<vmem>>, vector<16xf32>,
      %swap3A_1295 = arith.constant 0 : i32
      %swap3A_1296 = arith.index_cast %scan3A_1233 : i32 to index
      %swap3A_1297 = arith.index_cast %swap3A_1295 : i32 to index
      %swap3A_1298 = arith.constant 96 : index
      %swap3A_1299 = tpu.vector_load %arg5[%swap3A_1296, %swap3A_1297, %swap3A_1298] {strides = array<i32>} : memref<255x1x128xf32, #tpu.memory_space<vmem>>, vector<16xf32>,
      tpu.vector_store %arg5[%swap3A_1296, %swap3A_1297, %swap3A_1298], %broadcast_in_dim3A_51 {strides = array<i32>} : memref<255x1x128xf32, #tpu.memory_space<vmem>>, vector<16xf32>,
      %swap3A_1300 = arith.constant 0 : i32
      %swap3A_1301 = arith.index_cast %scan3A_1233 : i32 to index
      %swap3A_1302 = arith.index_cast %swap3A_1300 : i32 to index
      %swap3A_1303 = arith.constant 96 : index
      %swap3A_1304 = tpu.vector_load %arg6[%swap3A_1301, %swap3A_1302, %swap3A_1303] {strides = array<i32>} : memref<255x1x128xf32, #tpu.memory_space<vmem>>, vector<16xf32>,
      tpu.vector_store %arg6[%swap3A_1301, %swap3A_1302, %swap3A_1303], %broadcast_in_dim3A_51 {strides = array<i32>} : memref<255x1x128xf32, #tpu.memory_space<vmem>>, vector<16xf32>,
      %swap3A_1305 = arith.constant 0 : i32
      %swap3A_1306 = arith.index_cast %scan3A_1233 : i32 to index
      %swap3A_1307 = arith.index_cast %swap3A_1305 : i32 to index
      %swap3A_1308 = arith.constant 112 : index
      %swap3A_1309 = tpu.vector_load %arg5[%swap3A_1306, %swap3A_1307, %swap3A_1308] {strides = array<i32>} : memref<255x1x128xf32, #tpu.memory_space<vmem>>, vector<16xf32>,
      tpu.vector_store %arg5[%swap3A_1306, %swap3A_1307, %swap3A_1308], %broadcast_in_dim3A_51 {strides = array<i32>} : memref<255x1x128xf32, #tpu.memory_space<vmem>>, vector<16xf32>,
      %swap3A_1310 = arith.constant 0 : i32
      %swap3A_1311 = arith.index_cast %scan3A_1233 : i32 to index
      %swap3A_1312 = arith.index_cast %swap3A_1310 : i32 to index
      %swap3A_1313 = arith.constant 112 : index
      %swap3A_1314 = tpu.vector_load %arg6[%swap3A_1311, %swap3A_1312, %swap3A_1313] {strides = array<i32>} : memref<255x1x128xf32, #tpu.memory_space<vmem>>, vector<16xf32>,
      tpu.vector_store %arg6[%swap3A_1311, %swap3A_1312, %swap3A_1313], %broadcast_in_dim3A_51 {strides = array<i32>} : memref<255x1x128xf32, #tpu.memory_space<vmem>>, vector<16xf32>,
      %scan3A_1315 = arith.constant 0 : i32
      scf.yield %scan3A_1315 : i32
    }
    %scan3A_59 = arith.constant 255 : i32
    %mul3A_60 = arith.constant 0 : i32
    %mul3A_61 = arith.constant 128 : i32
    %mul3A_62 = arith.muli %mul3A_60, %mul3A_61 : i32
    %add3A_63 = arith.constant 0 : i32
    %add3A_64 = arith.addi %mul3A_62, %add3A_63 : i32
    %get3A = arith.index_cast %add3A_64 : i32 to index
    %get3A_65 = tpu.vector_load %arg4[%get3A] {strides = array<i32>} : memref<16384xf32, #tpu.memory_space<vmem>>, vector<16xf32>,
    %sub3A_66 = arith.constant -2.000000e+01 : f32
    %sub3A_67 = vector.broadcast %sub3A_66 : f32 to vector<16xf32>
    %sub3A_68 = arith.subf %get3A_65, %sub3A_67 : vector<16xf32>
    %mul3A_69 = arith.constant 6.350000e+00 : f32
    %mul3A_70 = vector.broadcast %mul3A_69 : f32 to vector<16xf32>
    %mul3A_71 = arith.mulf %sub3A_68, %mul3A_70 : vector<16xf32>
    %convert_element_type3A = arith.fptosi %mul3A_71 : vector<16xf32> to vector<16xi32>
    %convert_element_type3A_72 = arith.sitofp %convert_element_type3A : vector<16xi32> to vector<16xf32>
    %gt3A = arith.cmpf ogt, %convert_element_type3A_72, %mul3A_71 : vector<16xf32>
    %sub3A_73 = arith.constant 1 : i32
    %sub3A_74 = vector.broadcast %sub3A_73 : i32 to vector<16xi32>
    %sub3A_75 = arith.subi %convert_element_type3A, %sub3A_74 : vector<16xi32>
    %select_n3A_76 = arith.select %gt3A, %sub3A_75, %convert_element_type3A : vector<16xi1>, vector<16xi32>
    %max3A = arith.constant 0 : i32
    %max3A_77 = vector.broadcast %max3A : i32 to vector<16xi32>
    %max3A_78 = arith.maxsi %select_n3A_76, %max3A_77 : vector<16xi32>
    %min3A = arith.constant 254 : i32
    %min3A_79 = vector.broadcast %min3A : i32 to vector<16xi32>
    %min3A_80 = arith.minsi %max3A_78, %min3A_79 : vector<16xi32>
    %add3A_81 = arith.constant 1 : i32
    %add3A_82 = vector.broadcast %add3A_81 : i32 to vector<16xi32>
    %add3A_83 = arith.addi %select_n3A_76, %add3A_82 : vector<16xi32>
    %max3A_84 = arith.constant 0 : i32
    %max3A_85 = vector.broadcast %max3A_84 : i32 to vector<16xi32>
    %max3A_86 = arith.maxsi %add3A_83, %max3A_85 : vector<16xi32>
    %min3A_87 = arith.constant 254 : i32
    %min3A_88 = vector.broadcast %min3A_87 : i32 to vector<16xi32>
    %min3A_89 = arith.minsi %max3A_86, %min3A_88 : vector<16xi32>
    %convert_element_type3A_90 = arith.sitofp %min3A_80 : vector<16xi32> to vector<16xf32>
    %mul3A_91 = arith.constant 0.157480314 : f32
    %mul3A_92 = vector.broadcast %mul3A_91 : f32 to vector<16xf32>
    %mul3A_93 = arith.mulf %convert_element_type3A_90, %mul3A_92 : vector<16xf32>
    %add3A_94 = arith.constant -19.8425198 : f32
    %add3A_95 = vector.broadcast %add3A_94 : f32 to vector<16xf32>
    %add3A_96 = arith.addf %add3A_95, %mul3A_93 : vector<16xf32>
    %sub3A_97 = arith.subf %add3A_96, %get3A_65 : vector<16xf32>
    %abs3A = math.absf %sub3A_97 : vector<16xf32>
    %mul3A_98 = arith.constant 6.350000e+00 : f32
    %mul3A_99 = vector.broadcast %mul3A_98 : f32 to vector<16xf32>
    %mul3A_100 = arith.mulf %abs3A, %mul3A_99 : vector<16xf32>
    %mul3A_101 = arith.constant 0.157480314 : f32
    %mul3A_102 = vector.broadcast %mul3A_101 : f32 to vector<16xf32>
    %mul3A_103 = arith.mulf %convert_element_type3A_90, %mul3A_102 : vector<16xf32>
    %add3A_104 = arith.constant -2.000000e+01 : f32
    %add3A_105 = vector.broadcast %add3A_104 : f32 to vector<16xf32>
    %add3A_106 = arith.addf %add3A_105, %mul3A_103 : vector<16xf32>
    %sub3A_107 = arith.subf %add3A_106, %get3A_65 : vector<16xf32>
    %abs3A_108 = math.absf %sub3A_107 : vector<16xf32>
    %mul3A_109 = arith.constant 6.350000e+00 : f32
    %mul3A_110 = vector.broadcast %mul3A_109 : f32 to vector<16xf32>
    %mul3A_111 = arith.mulf %abs3A_108, %mul3A_110 : vector<16xf32>
    %eq3A_112 = arith.cmpi eq, %select_n3A_76, %min3A_80 : vector<16xi32>
    %add3A_113 = arith.constant 1 : i32
    %add3A_114 = vector.broadcast %add3A_113 : i32 to vector<16xi32>
    %add3A_115 = arith.addi %select_n3A_76, %add3A_114 : vector<16xi32>
    %eq3A_116 = arith.cmpi eq, %add3A_115, %min3A_89 : vector<16xi32>
    %add3A_117 = arith.constant 0 : i32
    %add3A_118 = vector.broadcast %add3A_117 : i32 to vector<16xi32>
    %add3A_119 = arith.addi %add3A_118, %iota3A : vector<16xi32>
    tpu.vector_store_idx %arg5[%min3A_80, %broadcast_in_dim3A_53, %add3A_119], %mul3A_100 masked %eq3A_112 : memref<255x1x128xf32, #tpu.memory_space<vmem>>[vector<16xi32>, vector<16xi32>, vector<16xi32>], vector<16xf32>, vector<16xi1>
    tpu.vector_store_idx %arg5[%min3A_89, %broadcast_in_dim3A_53, %add3A_119], %mul3A_111 masked %eq3A_116 : memref<255x1x128xf32, #tpu.memory_space<vmem>>[vector<16xi32>, vector<16xi32>, vector<16xi32>], vector<16xf32>, vector<16xi1>
    %swap3A = arith.constant 0 : index
    %swap3A_120 = tpu.vector_load %arg7[%swap3A] {strides = array<i32>} : memref<256xi32, #tpu.memory_space<vmem>>, vector<16xi32>,
    tpu.vector_store %arg7[%swap3A], %min3A_80 {strides = array<i32>} : memref<256xi32, #tpu.memory_space<vmem>>, vector<16xi32>,
    %swap3A_121 = arith.constant 128 : index
    %swap3A_122 = tpu.vector_load %arg7[%swap3A_121] {strides = array<i32>} : memref<256xi32, #tpu.memory_space<vmem>>, vector<16xi32>,
    tpu.vector_store %arg7[%swap3A_121], %min3A_89 {strides = array<i32>} : memref<256xi32, #tpu.memory_space<vmem>>, vector<16xi32>,
    %mul3A_123 = arith.constant 0 : i32
    %mul3A_124 = arith.constant 128 : i32
    %mul3A_125 = arith.muli %mul3A_123, %mul3A_124 : i32
    %add3A_126 = arith.constant 16 : i32
    %add3A_127 = arith.addi %mul3A_125, %add3A_126 : i32
    %get3A_128 = arith.index_cast %add3A_127 : i32 to index
    %get3A_129 = tpu.vector_load %arg4[%get3A_128] {strides = array<i32>} : memref<16384xf32, #tpu.memory_space<vmem>>, vector<16xf32>,
    %sub3A_130 = arith.constant -2.000000e+01 : f32
    %sub3A_131 = vector.broadcast %sub3A_130 : f32 to vector<16xf32>
    %sub3A_132 = arith.subf %get3A_129, %sub3A_131 : vector<16xf32>
    %mul3A_133 = arith.constant 6.350000e+00 : f32
    %mul3A_134 = vector.broadcast %mul3A_133 : f32 to vector<16xf32>
    %mul3A_135 = arith.mulf %sub3A_132, %mul3A_134 : vector<16xf32>
    %convert_element_type3A_136 = arith.fptosi %mul3A_135 : vector<16xf32> to vector<16xi32>
    %convert_element_type3A_137 = arith.sitofp %convert_element_type3A_136 : vector<16xi32> to vector<16xf32>
    %gt3A_138 = arith.cmpf ogt, %convert_element_type3A_137, %mul3A_135 : vector<16xf32>
    %sub3A_139 = arith.constant 1 : i32
    %sub3A_140 = vector.broadcast %sub3A_139 : i32 to vector<16xi32>
    %sub3A_141 = arith.subi %convert_element_type3A_136, %sub3A_140 : vector<16xi32>
    %select_n3A_142 = arith.select %gt3A_138, %sub3A_141, %convert_element_type3A_136 : vector<16xi1>, vector<16xi32>
    %max3A_143 = arith.constant 0 : i32
    %max3A_144 = vector.broadcast %max3A_143 : i32 to vector<16xi32>
    %max3A_145 = arith.maxsi %select_n3A_142, %max3A_144 : vector<16xi32>
    %min3A_146 = arith.constant 254 : i32
    %min3A_147 = vector.broadcast %min3A_146 : i32 to vector<16xi32>
    %min3A_148 = arith.minsi %max3A_145, %min3A_147 : vector<16xi32>
    %add3A_149 = arith.constant 1 : i32
    %add3A_150 = vector.broadcast %add3A_149 : i32 to vector<16xi32>
    %add3A_151 = arith.addi %select_n3A_142, %add3A_150 : vector<16xi32>
    %max3A_152 = arith.constant 0 : i32
    %max3A_153 = vector.broadcast %max3A_152 : i32 to vector<16xi32>
    %max3A_154 = arith.maxsi %add3A_151, %max3A_153 : vector<16xi32>
    %min3A_155 = arith.constant 254 : i32
    %min3A_156 = vector.broadcast %min3A_155 : i32 to vector<16xi32>
    %min3A_157 = arith.minsi %max3A_154, %min3A_156 : vector<16xi32>
    %convert_element_type3A_158 = arith.sitofp %min3A_148 : vector<16xi32> to vector<16xf32>
    %mul3A_159 = arith.constant 0.157480314 : f32
    %mul3A_160 = vector.broadcast %mul3A_159 : f32 to vector<16xf32>
    %mul3A_161 = arith.mulf %convert_element_type3A_158, %mul3A_160 : vector<16xf32>
    %add3A_162 = arith.constant -19.8425198 : f32
    %add3A_163 = vector.broadcast %add3A_162 : f32 to vector<16xf32>
    %add3A_164 = arith.addf %add3A_163, %mul3A_161 : vector<16xf32>
    %sub3A_165 = arith.subf %add3A_164, %get3A_129 : vector<16xf32>
    %abs3A_166 = math.absf %sub3A_165 : vector<16xf32>
    %mul3A_167 = arith.constant 6.350000e+00 : f32
    %mul3A_168 = vector.broadcast %mul3A_167 : f32 to vector<16xf32>
    %mul3A_169 = arith.mulf %abs3A_166, %mul3A_168 : vector<16xf32>
    %mul3A_170 = arith.constant 0.157480314 : f32
    %mul3A_171 = vector.broadcast %mul3A_170 : f32 to vector<16xf32>
    %mul3A_172 = arith.mulf %convert_element_type3A_158, %mul3A_171 : vector<16xf32>
    %add3A_173 = arith.constant -2.000000e+01 : f32
    %add3A_174 = vector.broadcast %add3A_173 : f32 to vector<16xf32>
    %add3A_175 = arith.addf %add3A_174, %mul3A_172 : vector<16xf32>
    %sub3A_176 = arith.subf %add3A_175, %get3A_129 : vector<16xf32>
    %abs3A_177 = math.absf %sub3A_176 : vector<16xf32>
    %mul3A_178 = arith.constant 6.350000e+00 : f32
    %mul3A_179 = vector.broadcast %mul3A_178 : f32 to vector<16xf32>
    %mul3A_180 = arith.mulf %abs3A_177, %mul3A_179 : vector<16xf32>
    %eq3A_181 = arith.cmpi eq, %select_n3A_142, %min3A_148 : vector<16xi32>
    %add3A_182 = arith.constant 1 : i32
    %add3A_183 = vector.broadcast %add3A_182 : i32 to vector<16xi32>
    %add3A_184 = arith.addi %select_n3A_142, %add3A_183 : vector<16xi32>
    %eq3A_185 = arith.cmpi eq, %add3A_184, %min3A_157 : vector<16xi32>
    %add3A_186 = arith.constant 16 : i32
    %add3A_187 = vector.broadcast %add3A_186 : i32 to vector<16xi32>
    %add3A_188 = arith.addi %add3A_187, %iota3A : vector<16xi32>
    tpu.vector_store_idx %arg5[%min3A_148, %broadcast_in_dim3A_53, %add3A_188], %mul3A_169 masked %eq3A_181 : memref<255x1x128xf32, #tpu.memory_space<vmem>>[vector<16xi32>, vector<16xi32>, vector<16xi32>], vector<16xf32>, vector<16xi1>
    tpu.vector_store_idx %arg5[%min3A_157, %broadcast_in_dim3A_53, %add3A_188], %mul3A_180 masked %eq3A_185 : memref<255x1x128xf32, #tpu.memory_space<vmem>>[vector<16xi32>, vector<16xi32>, vector<16xi32>], vector<16xf32>, vector<16xi1>
    %swap3A_189 = arith.constant 16 : index
    %swap3A_190 = tpu.vector_load %arg7[%swap3A_189] {strides = array<i32>} : memref<256xi32, #tpu.memory_space<vmem>>, vector<16xi32>,
    tpu.vector_store %arg7[%swap3A_189], %min3A_148 {strides = array<i32>} : memref<256xi32, #tpu.memory_space<vmem>>, vector<16xi32>,
    %swap3A_191 = arith.constant 144 : index
    %swap3A_192 = tpu.vector_load %arg7[%swap3A_191] {strides = array<i32>} : memref<256xi32, #tpu.memory_space<vmem>>, vector<16xi32>,
    tpu.vector_store %arg7[%swap3A_191], %min3A_157 {strides = array<i32>} : memref<256xi32, #tpu.memory_space<vmem>>, vector<16xi32>,
    %mul3A_193 = arith.constant 0 : i32
    %mul3A_194 = arith.constant 128 : i32
    %mul3A_195 = arith.muli %mul3A_193, %mul3A_194 : i32
    %add3A_196 = arith.constant 32 : i32
    %add3A_197 = arith.addi %mul3A_195, %add3A_196 : i32
    %get3A_198 = arith.index_cast %add3A_197 : i32 to index
    %get3A_199 = tpu.vector_load %arg4[%get3A_198] {strides = array<i32>} : memref<16384xf32, #tpu.memory_space<vmem>>, vector<16xf32>,
    %sub3A_200 = arith.constant -2.000000e+01 : f32
    %sub3A_201 = vector.broadcast %sub3A_200 : f32 to vector<16xf32>
    %sub3A_202 = arith.subf %get3A_199, %sub3A_201 : vector<16xf32>
    %mul3A_203 = arith.constant 6.350000e+00 : f32
    %mul3A_204 = vector.broadcast %mul3A_203 : f32 to vector<16xf32>
    %mul3A_205 = arith.mulf %sub3A_202, %mul3A_204 : vector<16xf32>
    %convert_element_type3A_206 = arith.fptosi %mul3A_205 : vector<16xf32> to vector<16xi32>
    %convert_element_type3A_207 = arith.sitofp %convert_element_type3A_206 : vector<16xi32> to vector<16xf32>
    %gt3A_208 = arith.cmpf ogt, %convert_element_type3A_207, %mul3A_205 : vector<16xf32>
    %sub3A_209 = arith.constant 1 : i32
    %sub3A_210 = vector.broadcast %sub3A_209 : i32 to vector<16xi32>
    %sub3A_211 = arith.subi %convert_element_type3A_206, %sub3A_210 : vector<16xi32>
    %select_n3A_212 = arith.select %gt3A_208, %sub3A_211, %convert_element_type3A_206 : vector<16xi1>, vector<16xi32>
    %max3A_213 = arith.constant 0 : i32
    %max3A_214 = vector.broadcast %max3A_213 : i32 to vector<16xi32>
    %max3A_215 = arith.maxsi %select_n3A_212, %max3A_214 : vector<16xi32>
    %min3A_216 = arith.constant 254 : i32
    %min3A_217 = vector.broadcast %min3A_216 : i32 to vector<16xi32>
    %min3A_218 = arith.minsi %max3A_215, %min3A_217 : vector<16xi32>
    %add3A_219 = arith.constant 1 : i32
    %add3A_220 = vector.broadcast %add3A_219 : i32 to vector<16xi32>
    %add3A_221 = arith.addi %select_n3A_212, %add3A_220 : vector<16xi32>
    %max3A_222 = arith.constant 0 : i32
    %max3A_223 = vector.broadcast %max3A_222 : i32 to vector<16xi32>
    %max3A_224 = arith.maxsi %add3A_221, %max3A_223 : vector<16xi32>
    %min3A_225 = arith.constant 254 : i32
    %min3A_226 = vector.broadcast %min3A_225 : i32 to vector<16xi32>
    %min3A_227 = arith.minsi %max3A_224, %min3A_226 : vector<16xi32>
    %convert_element_type3A_228 = arith.sitofp %min3A_218 : vector<16xi32> to vector<16xf32>
    %mul3A_229 = arith.constant 0.157480314 : f32
    %mul3A_230 = vector.broadcast %mul3A_229 : f32 to vector<16xf32>
    %mul3A_231 = arith.mulf %convert_element_type3A_228, %mul3A_230 : vector<16xf32>
    %add3A_232 = arith.constant -19.8425198 : f32
    %add3A_233 = vector.broadcast %add3A_232 : f32 to vector<16xf32>
    %add3A_234 = arith.addf %add3A_233, %mul3A_231 : vector<16xf32>
    %sub3A_235 = arith.subf %add3A_234, %get3A_199 : vector<16xf32>
    %abs3A_236 = math.absf %sub3A_235 : vector<16xf32>
    %mul3A_237 = arith.constant 6.350000e+00 : f32
    %mul3A_238 = vector.broadcast %mul3A_237 : f32 to vector<16xf32>
    %mul3A_239 = arith.mulf %abs3A_236, %mul3A_238 : vector<16xf32>
    %mul3A_240 = arith.constant 0.157480314 : f32
    %mul3A_241 = vector.broadcast %mul3A_240 : f32 to vector<16xf32>
    %mul3A_242 = arith.mulf %convert_element_type3A_228, %mul3A_241 : vector<16xf32>
    %add3A_243 = arith.constant -2.000000e+01 : f32
    %add3A_244 = vector.broadcast %add3A_243 : f32 to vector<16xf32>
    %add3A_245 = arith.addf %add3A_244, %mul3A_242 : vector<16xf32>
    %sub3A_246 = arith.subf %add3A_245, %get3A_199 : vector<16xf32>
    %abs3A_247 = math.absf %sub3A_246 : vector<16xf32>
    %mul3A_248 = arith.constant 6.350000e+00 : f32
    %mul3A_249 = vector.broadcast %mul3A_248 : f32 to vector<16xf32>
    %mul3A_250 = arith.mulf %abs3A_247, %mul3A_249 : vector<16xf32>
    %eq3A_251 = arith.cmpi eq, %select_n3A_212, %min3A_218 : vector<16xi32>
    %add3A_252 = arith.constant 1 : i32
    %add3A_253 = vector.broadcast %add3A_252 : i32 to vector<16xi32>
    %add3A_254 = arith.addi %select_n3A_212, %add3A_253 : vector<16xi32>
    %eq3A_255 = arith.cmpi eq, %add3A_254, %min3A_227 : vector<16xi32>
    %add3A_256 = arith.constant 32 : i32
    %add3A_257 = vector.broadcast %add3A_256 : i32 to vector<16xi32>
    %add3A_258 = arith.addi %add3A_257, %iota3A : vector<16xi32>
    tpu.vector_store_idx %arg5[%min3A_218, %broadcast_in_dim3A_53, %add3A_258], %mul3A_239 masked %eq3A_251 : memref<255x1x128xf32, #tpu.memory_space<vmem>>[vector<16xi32>, vector<16xi32>, vector<16xi32>], vector<16xf32>, vector<16xi1>
    tpu.vector_store_idx %arg5[%min3A_227, %broadcast_in_dim3A_53, %add3A_258], %mul3A_250 masked %eq3A_255 : memref<255x1x128xf32, #tpu.memory_space<vmem>>[vector<16xi32>, vector<16xi32>, vector<16xi32>], vector<16xf32>, vector<16xi1>
    %swap3A_259 = arith.constant 32 : index
    %swap3A_260 = tpu.vector_load %arg7[%swap3A_259] {strides = array<i32>} : memref<256xi32, #tpu.memory_space<vmem>>, vector<16xi32>,
    tpu.vector_store %arg7[%swap3A_259], %min3A_218 {strides = array<i32>} : memref<256xi32, #tpu.memory_space<vmem>>, vector<16xi32>,
    %swap3A_261 = arith.constant 160 : index
    %swap3A_262 = tpu.vector_load %arg7[%swap3A_261] {strides = array<i32>} : memref<256xi32, #tpu.memory_space<vmem>>, vector<16xi32>,
    tpu.vector_store %arg7[%swap3A_261], %min3A_227 {strides = array<i32>} : memref<256xi32, #tpu.memory_space<vmem>>, vector<16xi32>,
    %mul3A_263 = arith.constant 0 : i32
    %mul3A_264 = arith.constant 128 : i32
    %mul3A_265 = arith.muli %mul3A_263, %mul3A_264 : i32
    %add3A_266 = arith.constant 48 : i32
    %add3A_267 = arith.addi %mul3A_265, %add3A_266 : i32
    %get3A_268 = arith.index_cast %add3A_267 : i32 to index
    %get3A_269 = tpu.vector_load %arg4[%get3A_268] {strides = array<i32>} : memref<16384xf32, #tpu.memory_space<vmem>>, vector<16xf32>,
    %sub3A_270 = arith.constant -2.000000e+01 : f32
    %sub3A_271 = vector.broadcast %sub3A_270 : f32 to vector<16xf32>
    %sub3A_272 = arith.subf %get3A_269, %sub3A_271 : vector<16xf32>
    %mul3A_273 = arith.constant 6.350000e+00 : f32
    %mul3A_274 = vector.broadcast %mul3A_273 : f32 to vector<16xf32>
    %mul3A_275 = arith.mulf %sub3A_272, %mul3A_274 : vector<16xf32>
    %convert_element_type3A_276 = arith.fptosi %mul3A_275 : vector<16xf32> to vector<16xi32>
    %convert_element_type3A_277 = arith.sitofp %convert_element_type3A_276 : vector<16xi32> to vector<16xf32>
    %gt3A_278 = arith.cmpf ogt, %convert_element_type3A_277, %mul3A_275 : vector<16xf32>
    %sub3A_279 = arith.constant 1 : i32
    %sub3A_280 = vector.broadcast %sub3A_279 : i32 to vector<16xi32>
    %sub3A_281 = arith.subi %convert_element_type3A_276, %sub3A_280 : vector<16xi32>
    %select_n3A_282 = arith.select %gt3A_278, %sub3A_281, %convert_element_type3A_276 : vector<16xi1>, vector<16xi32>
    %max3A_283 = arith.constant 0 : i32
    %max3A_284 = vector.broadcast %max3A_283 : i32 to vector<16xi32>
    %max3A_285 = arith.maxsi %select_n3A_282, %max3A_284 : vector<16xi32>
    %min3A_286 = arith.constant 254 : i32
    %min3A_287 = vector.broadcast %min3A_286 : i32 to vector<16xi32>
    %min3A_288 = arith.minsi %max3A_285, %min3A_287 : vector<16xi32>
    %add3A_289 = arith.constant 1 : i32
    %add3A_290 = vector.broadcast %add3A_289 : i32 to vector<16xi32>
    %add3A_291 = arith.addi %select_n3A_282, %add3A_290 : vector<16xi32>
    %max3A_292 = arith.constant 0 : i32
    %max3A_293 = vector.broadcast %max3A_292 : i32 to vector<16xi32>
    %max3A_294 = arith.maxsi %add3A_291, %max3A_293 : vector<16xi32>
    %min3A_295 = arith.constant 254 : i32
    %min3A_296 = vector.broadcast %min3A_295 : i32 to vector<16xi32>
    %min3A_297 = arith.minsi %max3A_294, %min3A_296 : vector<16xi32>
    %convert_element_type3A_298 = arith.sitofp %min3A_288 : vector<16xi32> to vector<16xf32>
    %mul3A_299 = arith.constant 0.157480314 : f32
    %mul3A_300 = vector.broadcast %mul3A_299 : f32 to vector<16xf32>
    %mul3A_301 = arith.mulf %convert_element_type3A_298, %mul3A_300 : vector<16xf32>
    %add3A_302 = arith.constant -19.8425198 : f32
    %add3A_303 = vector.broadcast %add3A_302 : f32 to vector<16xf32>
    %add3A_304 = arith.addf %add3A_303, %mul3A_301 : vector<16xf32>
    %sub3A_305 = arith.subf %add3A_304, %get3A_269 : vector<16xf32>
    %abs3A_306 = math.absf %sub3A_305 : vector<16xf32>
    %mul3A_307 = arith.constant 6.350000e+00 : f32
    %mul3A_308 = vector.broadcast %mul3A_307 : f32 to vector<16xf32>
    %mul3A_309 = arith.mulf %abs3A_306, %mul3A_308 : vector<16xf32>
    %mul3A_310 = arith.constant 0.157480314 : f32
    %mul3A_311 = vector.broadcast %mul3A_310 : f32 to vector<16xf32>
    %mul3A_312 = arith.mulf %convert_element_type3A_298, %mul3A_311 : vector<16xf32>
    %add3A_313 = arith.constant -2.000000e+01 : f32
    %add3A_314 = vector.broadcast %add3A_313 : f32 to vector<16xf32>
    %add3A_315 = arith.addf %add3A_314, %mul3A_312 : vector<16xf32>
    %sub3A_316 = arith.subf %add3A_315, %get3A_269 : vector<16xf32>
    %abs3A_317 = math.absf %sub3A_316 : vector<16xf32>
    %mul3A_318 = arith.constant 6.350000e+00 : f32
    %mul3A_319 = vector.broadcast %mul3A_318 : f32 to vector<16xf32>
    %mul3A_320 = arith.mulf %abs3A_317, %mul3A_319 : vector<16xf32>
    %eq3A_321 = arith.cmpi eq, %select_n3A_282, %min3A_288 : vector<16xi32>
    %add3A_322 = arith.constant 1 : i32
    %add3A_323 = vector.broadcast %add3A_322 : i32 to vector<16xi32>
    %add3A_324 = arith.addi %select_n3A_282, %add3A_323 : vector<16xi32>
    %eq3A_325 = arith.cmpi eq, %add3A_324, %min3A_297 : vector<16xi32>
    %add3A_326 = arith.constant 48 : i32
    %add3A_327 = vector.broadcast %add3A_326 : i32 to vector<16xi32>
    %add3A_328 = arith.addi %add3A_327, %iota3A : vector<16xi32>
    tpu.vector_store_idx %arg5[%min3A_288, %broadcast_in_dim3A_53, %add3A_328], %mul3A_309 masked %eq3A_321 : memref<255x1x128xf32, #tpu.memory_space<vmem>>[vector<16xi32>, vector<16xi32>, vector<16xi32>], vector<16xf32>, vector<16xi1>
    tpu.vector_store_idx %arg5[%min3A_297, %broadcast_in_dim3A_53, %add3A_328], %mul3A_320 masked %eq3A_325 : memref<255x1x128xf32, #tpu.memory_space<vmem>>[vector<16xi32>, vector<16xi32>, vector<16xi32>], vector<16xf32>, vector<16xi1>
    %swap3A_329 = arith.constant 48 : index
    %swap3A_330 = tpu.vector_load %arg7[%swap3A_329] {strides = array<i32>} : memref<256xi32, #tpu.memory_space<vmem>>, vector<16xi32>,
    tpu.vector_store %arg7[%swap3A_329], %min3A_288 {strides = array<i32>} : memref<256xi32, #tpu.memory_space<vmem>>, vector<16xi32>,
    %swap3A_331 = arith.constant 176 : index
    %swap3A_332 = tpu.vector_load %arg7[%swap3A_331] {strides = array<i32>} : memref<256xi32, #tpu.memory_space<vmem>>, vector<16xi32>,
    tpu.vector_store %arg7[%swap3A_331], %min3A_297 {strides = array<i32>} : memref<256xi32, #tpu.memory_space<vmem>>, vector<16xi32>,
    %mul3A_333 = arith.constant 0 : i32
    %mul3A_334 = arith.constant 128 : i32
    %mul3A_335 = arith.muli %mul3A_333, %mul3A_334 : i32
    %add3A_336 = arith.constant 64 : i32
    %add3A_337 = arith.addi %mul3A_335, %add3A_336 : i32
    %get3A_338 = arith.index_cast %add3A_337 : i32 to index
    %get3A_339 = tpu.vector_load %arg4[%get3A_338] {strides = array<i32>} : memref<16384xf32, #tpu.memory_space<vmem>>, vector<16xf32>,
    %sub3A_340 = arith.constant -2.000000e+01 : f32
    %sub3A_341 = vector.broadcast %sub3A_340 : f32 to vector<16xf32>
    %sub3A_342 = arith.subf %get3A_339, %sub3A_341 : vector<16xf32>
    %mul3A_343 = arith.constant 6.350000e+00 : f32
    %mul3A_344 = vector.broadcast %mul3A_343 : f32 to vector<16xf32>
    %mul3A_345 = arith.mulf %sub3A_342, %mul3A_344 : vector<16xf32>
    %convert_element_type3A_346 = arith.fptosi %mul3A_345 : vector<16xf32> to vector<16xi32>
    %convert_element_type3A_347 = arith.sitofp %convert_element_type3A_346 : vector<16xi32> to vector<16xf32>
    %gt3A_348 = arith.cmpf ogt, %convert_element_type3A_347, %mul3A_345 : vector<16xf32>
    %sub3A_349 = arith.constant 1 : i32
    %sub3A_350 = vector.broadcast %sub3A_349 : i32 to vector<16xi32>
    %sub3A_351 = arith.subi %convert_element_type3A_346, %sub3A_350 : vector<16xi32>
    %select_n3A_352 = arith.select %gt3A_348, %sub3A_351, %convert_element_type3A_346 : vector<16xi1>, vector<16xi32>
    %max3A_353 = arith.constant 0 : i32
    %max3A_354 = vector.broadcast %max3A_353 : i32 to vector<16xi32>
    %max3A_355 = arith.maxsi %select_n3A_352, %max3A_354 : vector<16xi32>
    %min3A_356 = arith.constant 254 : i32
    %min3A_357 = vector.broadcast %min3A_356 : i32 to vector<16xi32>
    %min3A_358 = arith.minsi %max3A_355, %min3A_357 : vector<16xi32>
    %add3A_359 = arith.constant 1 : i32
    %add3A_360 = vector.broadcast %add3A_359 : i32 to vector<16xi32>
    %add3A_361 = arith.addi %select_n3A_352, %add3A_360 : vector<16xi32>
    %max3A_362 = arith.constant 0 : i32
    %max3A_363 = vector.broadcast %max3A_362 : i32 to vector<16xi32>
    %max3A_364 = arith.maxsi %add3A_361, %max3A_363 : vector<16xi32>
    %min3A_365 = arith.constant 254 : i32
    %min3A_366 = vector.broadcast %min3A_365 : i32 to vector<16xi32>
    %min3A_367 = arith.minsi %max3A_364, %min3A_366 : vector<16xi32>
    %convert_element_type3A_368 = arith.sitofp %min3A_358 : vector<16xi32> to vector<16xf32>
    %mul3A_369 = arith.constant 0.157480314 : f32
    %mul3A_370 = vector.broadcast %mul3A_369 : f32 to vector<16xf32>
    %mul3A_371 = arith.mulf %convert_element_type3A_368, %mul3A_370 : vector<16xf32>
    %add3A_372 = arith.constant -19.8425198 : f32
    %add3A_373 = vector.broadcast %add3A_372 : f32 to vector<16xf32>
    %add3A_374 = arith.addf %add3A_373, %mul3A_371 : vector<16xf32>
    %sub3A_375 = arith.subf %add3A_374, %get3A_339 : vector<16xf32>
    %abs3A_376 = math.absf %sub3A_375 : vector<16xf32>
    %mul3A_377 = arith.constant 6.350000e+00 : f32
    %mul3A_378 = vector.broadcast %mul3A_377 : f32 to vector<16xf32>
    %mul3A_379 = arith.mulf %abs3A_376, %mul3A_378 : vector<16xf32>
    %mul3A_380 = arith.constant 0.157480314 : f32
    %mul3A_381 = vector.broadcast %mul3A_380 : f32 to vector<16xf32>
    %mul3A_382 = arith.mulf %convert_element_type3A_368, %mul3A_381 : vector<16xf32>
    %add3A_383 = arith.constant -2.000000e+01 : f32
    %add3A_384 = vector.broadcast %add3A_383 : f32 to vector<16xf32>
    %add3A_385 = arith.addf %add3A_384, %mul3A_382 : vector<16xf32>
    %sub3A_386 = arith.subf %add3A_385, %get3A_339 : vector<16xf32>
    %abs3A_387 = math.absf %sub3A_386 : vector<16xf32>
    %mul3A_388 = arith.constant 6.350000e+00 : f32
    %mul3A_389 = vector.broadcast %mul3A_388 : f32 to vector<16xf32>
    %mul3A_390 = arith.mulf %abs3A_387, %mul3A_389 : vector<16xf32>
    %eq3A_391 = arith.cmpi eq, %select_n3A_352, %min3A_358 : vector<16xi32>
    %add3A_392 = arith.constant 1 : i32
    %add3A_393 = vector.broadcast %add3A_392 : i32 to vector<16xi32>
    %add3A_394 = arith.addi %select_n3A_352, %add3A_393 : vector<16xi32>
    %eq3A_395 = arith.cmpi eq, %add3A_394, %min3A_367 : vector<16xi32>
    %add3A_396 = arith.constant 64 : i32
    %add3A_397 = vector.broadcast %add3A_396 : i32 to vector<16xi32>
    %add3A_398 = arith.addi %add3A_397, %iota3A : vector<16xi32>
    tpu.vector_store_idx %arg5[%min3A_358, %broadcast_in_dim3A_53, %add3A_398], %mul3A_379 masked %eq3A_391 : memref<255x1x128xf32, #tpu.memory_space<vmem>>[vector<16xi32>, vector<16xi32>, vector<16xi32>], vector<16xf32>, vector<16xi1>
    tpu.vector_store_idx %arg5[%min3A_367, %broadcast_in_dim3A_53, %add3A_398], %mul3A_390 masked %eq3A_395 : memref<255x1x128xf32, #tpu.memory_space<vmem>>[vector<16xi32>, vector<16xi32>, vector<16xi32>], vector<16xf32>, vector<16xi1>
    %swap3A_399 = arith.constant 64 : index
    %swap3A_400 = tpu.vector_load %arg7[%swap3A_399] {strides = array<i32>} : memref<256xi32, #tpu.memory_space<vmem>>, vector<16xi32>,
    tpu.vector_store %arg7[%swap3A_399], %min3A_358 {strides = array<i32>} : memref<256xi32, #tpu.memory_space<vmem>>, vector<16xi32>,
    %swap3A_401 = arith.constant 192 : index
    %swap3A_402 = tpu.vector_load %arg7[%swap3A_401] {strides = array<i32>} : memref<256xi32, #tpu.memory_space<vmem>>, vector<16xi32>,
    tpu.vector_store %arg7[%swap3A_401], %min3A_367 {strides = array<i32>} : memref<256xi32, #tpu.memory_space<vmem>>, vector<16xi32>,
    %mul3A_403 = arith.constant 0 : i32
    %mul3A_404 = arith.constant 128 : i32
    %mul3A_405 = arith.muli %mul3A_403, %mul3A_404 : i32
    %add3A_406 = arith.constant 80 : i32
    %add3A_407 = arith.addi %mul3A_405, %add3A_406 : i32
    %get3A_408 = arith.index_cast %add3A_407 : i32 to index
    %get3A_409 = tpu.vector_load %arg4[%get3A_408] {strides = array<i32>} : memref<16384xf32, #tpu.memory_space<vmem>>, vector<16xf32>,
    %sub3A_410 = arith.constant -2.000000e+01 : f32
    %sub3A_411 = vector.broadcast %sub3A_410 : f32 to vector<16xf32>
    %sub3A_412 = arith.subf %get3A_409, %sub3A_411 : vector<16xf32>
    %mul3A_413 = arith.constant 6.350000e+00 : f32
    %mul3A_414 = vector.broadcast %mul3A_413 : f32 to vector<16xf32>
    %mul3A_415 = arith.mulf %sub3A_412, %mul3A_414 : vector<16xf32>
    %convert_element_type3A_416 = arith.fptosi %mul3A_415 : vector<16xf32> to vector<16xi32>
    %convert_element_type3A_417 = arith.sitofp %convert_element_type3A_416 : vector<16xi32> to vector<16xf32>
    %gt3A_418 = arith.cmpf ogt, %convert_element_type3A_417, %mul3A_415 : vector<16xf32>
    %sub3A_419 = arith.constant 1 : i32
    %sub3A_420 = vector.broadcast %sub3A_419 : i32 to vector<16xi32>
    %sub3A_421 = arith.subi %convert_element_type3A_416, %sub3A_420 : vector<16xi32>
    %select_n3A_422 = arith.select %gt3A_418, %sub3A_421, %convert_element_type3A_416 : vector<16xi1>, vector<16xi32>
    %max3A_423 = arith.constant 0 : i32
    %max3A_424 = vector.broadcast %max3A_423 : i32 to vector<16xi32>
    %max3A_425 = arith.maxsi %select_n3A_422, %max3A_424 : vector<16xi32>
    %min3A_426 = arith.constant 254 : i32
    %min3A_427 = vector.broadcast %min3A_426 : i32 to vector<16xi32>
    %min3A_428 = arith.minsi %max3A_425, %min3A_427 : vector<16xi32>
    %add3A_429 = arith.constant 1 : i32
    %add3A_430 = vector.broadcast %add3A_429 : i32 to vector<16xi32>
    %add3A_431 = arith.addi %select_n3A_422, %add3A_430 : vector<16xi32>
    %max3A_432 = arith.constant 0 : i32
    %max3A_433 = vector.broadcast %max3A_432 : i32 to vector<16xi32>
    %max3A_434 = arith.maxsi %add3A_431, %max3A_433 : vector<16xi32>
    %min3A_435 = arith.constant 254 : i32
    %min3A_436 = vector.broadcast %min3A_435 : i32 to vector<16xi32>
    %min3A_437 = arith.minsi %max3A_434, %min3A_436 : vector<16xi32>
    %convert_element_type3A_438 = arith.sitofp %min3A_428 : vector<16xi32> to vector<16xf32>
    %mul3A_439 = arith.constant 0.157480314 : f32
    %mul3A_440 = vector.broadcast %mul3A_439 : f32 to vector<16xf32>
    %mul3A_441 = arith.mulf %convert_element_type3A_438, %mul3A_440 : vector<16xf32>
    %add3A_442 = arith.constant -19.8425198 : f32
    %add3A_443 = vector.broadcast %add3A_442 : f32 to vector<16xf32>
    %add3A_444 = arith.addf %add3A_443, %mul3A_441 : vector<16xf32>
    %sub3A_445 = arith.subf %add3A_444, %get3A_409 : vector<16xf32>
    %abs3A_446 = math.absf %sub3A_445 : vector<16xf32>
    %mul3A_447 = arith.constant 6.350000e+00 : f32
    %mul3A_448 = vector.broadcast %mul3A_447 : f32 to vector<16xf32>
    %mul3A_449 = arith.mulf %abs3A_446, %mul3A_448 : vector<16xf32>
    %mul3A_450 = arith.constant 0.157480314 : f32
    %mul3A_451 = vector.broadcast %mul3A_450 : f32 to vector<16xf32>
    %mul3A_452 = arith.mulf %convert_element_type3A_438, %mul3A_451 : vector<16xf32>
    %add3A_453 = arith.constant -2.000000e+01 : f32
    %add3A_454 = vector.broadcast %add3A_453 : f32 to vector<16xf32>
    %add3A_455 = arith.addf %add3A_454, %mul3A_452 : vector<16xf32>
    %sub3A_456 = arith.subf %add3A_455, %get3A_409 : vector<16xf32>
    %abs3A_457 = math.absf %sub3A_456 : vector<16xf32>
    %mul3A_458 = arith.constant 6.350000e+00 : f32
    %mul3A_459 = vector.broadcast %mul3A_458 : f32 to vector<16xf32>
    %mul3A_460 = arith.mulf %abs3A_457, %mul3A_459 : vector<16xf32>
    %eq3A_461 = arith.cmpi eq, %select_n3A_422, %min3A_428 : vector<16xi32>
    %add3A_462 = arith.constant 1 : i32
    %add3A_463 = vector.broadcast %add3A_462 : i32 to vector<16xi32>
    %add3A_464 = arith.addi %select_n3A_422, %add3A_463 : vector<16xi32>
    %eq3A_465 = arith.cmpi eq, %add3A_464, %min3A_437 : vector<16xi32>
    %add3A_466 = arith.constant 80 : i32
    %add3A_467 = vector.broadcast %add3A_466 : i32 to vector<16xi32>
    %add3A_468 = arith.addi %add3A_467, %iota3A : vector<16xi32>
    tpu.vector_store_idx %arg5[%min3A_428, %broadcast_in_dim3A_53, %add3A_468], %mul3A_449 masked %eq3A_461 : memref<255x1x128xf32, #tpu.memory_space<vmem>>[vector<16xi32>, vector<16xi32>, vector<16xi32>], vector<16xf32>, vector<16xi1>
    tpu.vector_store_idx %arg5[%min3A_437, %broadcast_in_dim3A_53, %add3A_468], %mul3A_460 masked %eq3A_465 : memref<255x1x128xf32, #tpu.memory_space<vmem>>[vector<16xi32>, vector<16xi32>, vector<16xi32>], vector<16xf32>, vector<16xi1>
    %swap3A_469 = arith.constant 80 : index
    %swap3A_470 = tpu.vector_load %arg7[%swap3A_469] {strides = array<i32>} : memref<256xi32, #tpu.memory_space<vmem>>, vector<16xi32>,
    tpu.vector_store %arg7[%swap3A_469], %min3A_428 {strides = array<i32>} : memref<256xi32, #tpu.memory_space<vmem>>, vector<16xi32>,
    %swap3A_471 = arith.constant 208 : index
    %swap3A_472 = tpu.vector_load %arg7[%swap3A_471] {strides = array<i32>} : memref<256xi32, #tpu.memory_space<vmem>>, vector<16xi32>,
    tpu.vector_store %arg7[%swap3A_471], %min3A_437 {strides = array<i32>} : memref<256xi32, #tpu.memory_space<vmem>>, vector<16xi32>,
    %mul3A_473 = arith.constant 0 : i32
    %mul3A_474 = arith.constant 128 : i32
    %mul3A_475 = arith.muli %mul3A_473, %mul3A_474 : i32
    %add3A_476 = arith.constant 96 : i32
    %add3A_477 = arith.addi %mul3A_475, %add3A_476 : i32
    %get3A_478 = arith.index_cast %add3A_477 : i32 to index
    %get3A_479 = tpu.vector_load %arg4[%get3A_478] {strides = array<i32>} : memref<16384xf32, #tpu.memory_space<vmem>>, vector<16xf32>,
    %sub3A_480 = arith.constant -2.000000e+01 : f32
    %sub3A_481 = vector.broadcast %sub3A_480 : f32 to vector<16xf32>
    %sub3A_482 = arith.subf %get3A_479, %sub3A_481 : vector<16xf32>
    %mul3A_483 = arith.constant 6.350000e+00 : f32
    %mul3A_484 = vector.broadcast %mul3A_483 : f32 to vector<16xf32>
    %mul3A_485 = arith.mulf %sub3A_482, %mul3A_484 : vector<16xf32>
    %convert_element_type3A_486 = arith.fptosi %mul3A_485 : vector<16xf32> to vector<16xi32>
    %convert_element_type3A_487 = arith.sitofp %convert_element_type3A_486 : vector<16xi32> to vector<16xf32>
    %gt3A_488 = arith.cmpf ogt, %convert_element_type3A_487, %mul3A_485 : vector<16xf32>
    %sub3A_489 = arith.constant 1 : i32
    %sub3A_490 = vector.broadcast %sub3A_489 : i32 to vector<16xi32>
    %sub3A_491 = arith.subi %convert_element_type3A_486, %sub3A_490 : vector<16xi32>
    %select_n3A_492 = arith.select %gt3A_488, %sub3A_491, %convert_element_type3A_486 : vector<16xi1>, vector<16xi32>
    %max3A_493 = arith.constant 0 : i32
    %max3A_494 = vector.broadcast %max3A_493 : i32 to vector<16xi32>
    %max3A_495 = arith.maxsi %select_n3A_492, %max3A_494 : vector<16xi32>
    %min3A_496 = arith.constant 254 : i32
    %min3A_497 = vector.broadcast %min3A_496 : i32 to vector<16xi32>
    %min3A_498 = arith.minsi %max3A_495, %min3A_497 : vector<16xi32>
    %add3A_499 = arith.constant 1 : i32
    %add3A_500 = vector.broadcast %add3A_499 : i32 to vector<16xi32>
    %add3A_501 = arith.addi %select_n3A_492, %add3A_500 : vector<16xi32>
    %max3A_502 = arith.constant 0 : i32
    %max3A_503 = vector.broadcast %max3A_502 : i32 to vector<16xi32>
    %max3A_504 = arith.maxsi %add3A_501, %max3A_503 : vector<16xi32>
    %min3A_505 = arith.constant 254 : i32
    %min3A_506 = vector.broadcast %min3A_505 : i32 to vector<16xi32>
    %min3A_507 = arith.minsi %max3A_504, %min3A_506 : vector<16xi32>
    %convert_element_type3A_508 = arith.sitofp %min3A_498 : vector<16xi32> to vector<16xf32>
    %mul3A_509 = arith.constant 0.157480314 : f32
    %mul3A_510 = vector.broadcast %mul3A_509 : f32 to vector<16xf32>
    %mul3A_511 = arith.mulf %convert_element_type3A_508, %mul3A_510 : vector<16xf32>
    %add3A_512 = arith.constant -19.8425198 : f32
    %add3A_513 = vector.broadcast %add3A_512 : f32 to vector<16xf32>
    %add3A_514 = arith.addf %add3A_513, %mul3A_511 : vector<16xf32>
    %sub3A_515 = arith.subf %add3A_514, %get3A_479 : vector<16xf32>
    %abs3A_516 = math.absf %sub3A_515 : vector<16xf32>
    %mul3A_517 = arith.constant 6.350000e+00 : f32
    %mul3A_518 = vector.broadcast %mul3A_517 : f32 to vector<16xf32>
    %mul3A_519 = arith.mulf %abs3A_516, %mul3A_518 : vector<16xf32>
    %mul3A_520 = arith.constant 0.157480314 : f32
    %mul3A_521 = vector.broadcast %mul3A_520 : f32 to vector<16xf32>
    %mul3A_522 = arith.mulf %convert_element_type3A_508, %mul3A_521 : vector<16xf32>
    %add3A_523 = arith.constant -2.000000e+01 : f32
    %add3A_524 = vector.broadcast %add3A_523 : f32 to vector<16xf32>
    %add3A_525 = arith.addf %add3A_524, %mul3A_522 : vector<16xf32>
    %sub3A_526 = arith.subf %add3A_525, %get3A_479 : vector<16xf32>
    %abs3A_527 = math.absf %sub3A_526 : vector<16xf32>
    %mul3A_528 = arith.constant 6.350000e+00 : f32
    %mul3A_529 = vector.broadcast %mul3A_528 : f32 to vector<16xf32>
    %mul3A_530 = arith.mulf %abs3A_527, %mul3A_529 : vector<16xf32>
    %eq3A_531 = arith.cmpi eq, %select_n3A_492, %min3A_498 : vector<16xi32>
    %add3A_532 = arith.constant 1 : i32
    %add3A_533 = vector.broadcast %add3A_532 : i32 to vector<16xi32>
    %add3A_534 = arith.addi %select_n3A_492, %add3A_533 : vector<16xi32>
    %eq3A_535 = arith.cmpi eq, %add3A_534, %min3A_507 : vector<16xi32>
    %add3A_536 = arith.constant 96 : i32
    %add3A_537 = vector.broadcast %add3A_536 : i32 to vector<16xi32>
    %add3A_538 = arith.addi %add3A_537, %iota3A : vector<16xi32>
    tpu.vector_store_idx %arg5[%min3A_498, %broadcast_in_dim3A_53, %add3A_538], %mul3A_519 masked %eq3A_531 : memref<255x1x128xf32, #tpu.memory_space<vmem>>[vector<16xi32>, vector<16xi32>, vector<16xi32>], vector<16xf32>, vector<16xi1>
    tpu.vector_store_idx %arg5[%min3A_507, %broadcast_in_dim3A_53, %add3A_538], %mul3A_530 masked %eq3A_535 : memref<255x1x128xf32, #tpu.memory_space<vmem>>[vector<16xi32>, vector<16xi32>, vector<16xi32>], vector<16xf32>, vector<16xi1>
    %swap3A_539 = arith.constant 96 : index
    %swap3A_540 = tpu.vector_load %arg7[%swap3A_539] {strides = array<i32>} : memref<256xi32, #tpu.memory_space<vmem>>, vector<16xi32>,
    tpu.vector_store %arg7[%swap3A_539], %min3A_498 {strides = array<i32>} : memref<256xi32, #tpu.memory_space<vmem>>, vector<16xi32>,
    %swap3A_541 = arith.constant 224 : index
    %swap3A_542 = tpu.vector_load %arg7[%swap3A_541] {strides = array<i32>} : memref<256xi32, #tpu.memory_space<vmem>>, vector<16xi32>,
    tpu.vector_store %arg7[%swap3A_541], %min3A_507 {strides = array<i32>} : memref<256xi32, #tpu.memory_space<vmem>>, vector<16xi32>,
    %mul3A_543 = arith.constant 0 : i32
    %mul3A_544 = arith.constant 128 : i32
    %mul3A_545 = arith.muli %mul3A_543, %mul3A_544 : i32
    %add3A_546 = arith.constant 112 : i32
    %add3A_547 = arith.addi %mul3A_545, %add3A_546 : i32
    %get3A_548 = arith.index_cast %add3A_547 : i32 to index
    %get3A_549 = tpu.vector_load %arg4[%get3A_548] {strides = array<i32>} : memref<16384xf32, #tpu.memory_space<vmem>>, vector<16xf32>,
    %sub3A_550 = arith.constant -2.000000e+01 : f32
    %sub3A_551 = vector.broadcast %sub3A_550 : f32 to vector<16xf32>
    %sub3A_552 = arith.subf %get3A_549, %sub3A_551 : vector<16xf32>
    %mul3A_553 = arith.constant 6.350000e+00 : f32
    %mul3A_554 = vector.broadcast %mul3A_553 : f32 to vector<16xf32>
    %mul3A_555 = arith.mulf %sub3A_552, %mul3A_554 : vector<16xf32>
    %convert_element_type3A_556 = arith.fptosi %mul3A_555 : vector<16xf32> to vector<16xi32>
    %convert_element_type3A_557 = arith.sitofp %convert_element_type3A_556 : vector<16xi32> to vector<16xf32>
    %gt3A_558 = arith.cmpf ogt, %convert_element_type3A_557, %mul3A_555 : vector<16xf32>
    %sub3A_559 = arith.constant 1 : i32
    %sub3A_560 = vector.broadcast %sub3A_559 : i32 to vector<16xi32>
    %sub3A_561 = arith.subi %convert_element_type3A_556, %sub3A_560 : vector<16xi32>
    %select_n3A_562 = arith.select %gt3A_558, %sub3A_561, %convert_element_type3A_556 : vector<16xi1>, vector<16xi32>
    %max3A_563 = arith.constant 0 : i32
    %max3A_564 = vector.broadcast %max3A_563 : i32 to vector<16xi32>
    %max3A_565 = arith.maxsi %select_n3A_562, %max3A_564 : vector<16xi32>
    %min3A_566 = arith.constant 254 : i32
    %min3A_567 = vector.broadcast %min3A_566 : i32 to vector<16xi32>
    %min3A_568 = arith.minsi %max3A_565, %min3A_567 : vector<16xi32>
    %add3A_569 = arith.constant 1 : i32
    %add3A_570 = vector.broadcast %add3A_569 : i32 to vector<16xi32>
    %add3A_571 = arith.addi %select_n3A_562, %add3A_570 : vector<16xi32>
    %max3A_572 = arith.constant 0 : i32
    %max3A_573 = vector.broadcast %max3A_572 : i32 to vector<16xi32>
    %max3A_574 = arith.maxsi %add3A_571, %max3A_573 : vector<16xi32>
    %min3A_575 = arith.constant 254 : i32
    %min3A_576 = vector.broadcast %min3A_575 : i32 to vector<16xi32>
    %min3A_577 = arith.minsi %max3A_574, %min3A_576 : vector<16xi32>
    %convert_element_type3A_578 = arith.sitofp %min3A_568 : vector<16xi32> to vector<16xf32>
    %mul3A_579 = arith.constant 0.157480314 : f32
    %mul3A_580 = vector.broadcast %mul3A_579 : f32 to vector<16xf32>
    %mul3A_581 = arith.mulf %convert_element_type3A_578, %mul3A_580 : vector<16xf32>
    %add3A_582 = arith.constant -19.8425198 : f32
    %add3A_583 = vector.broadcast %add3A_582 : f32 to vector<16xf32>
    %add3A_584 = arith.addf %add3A_583, %mul3A_581 : vector<16xf32>
    %sub3A_585 = arith.subf %add3A_584, %get3A_549 : vector<16xf32>
    %abs3A_586 = math.absf %sub3A_585 : vector<16xf32>
    %mul3A_587 = arith.constant 6.350000e+00 : f32
    %mul3A_588 = vector.broadcast %mul3A_587 : f32 to vector<16xf32>
    %mul3A_589 = arith.mulf %abs3A_586, %mul3A_588 : vector<16xf32>
    %mul3A_590 = arith.constant 0.157480314 : f32
    %mul3A_591 = vector.broadcast %mul3A_590 : f32 to vector<16xf32>
    %mul3A_592 = arith.mulf %convert_element_type3A_578, %mul3A_591 : vector<16xf32>
    %add3A_593 = arith.constant -2.000000e+01 : f32
    %add3A_594 = vector.broadcast %add3A_593 : f32 to vector<16xf32>
    %add3A_595 = arith.addf %add3A_594, %mul3A_592 : vector<16xf32>
    %sub3A_596 = arith.subf %add3A_595, %get3A_549 : vector<16xf32>
    %abs3A_597 = math.absf %sub3A_596 : vector<16xf32>
    %mul3A_598 = arith.constant 6.350000e+00 : f32
    %mul3A_599 = vector.broadcast %mul3A_598 : f32 to vector<16xf32>
    %mul3A_600 = arith.mulf %abs3A_597, %mul3A_599 : vector<16xf32>
    %eq3A_601 = arith.cmpi eq, %select_n3A_562, %min3A_568 : vector<16xi32>
    %add3A_602 = arith.constant 1 : i32
    %add3A_603 = vector.broadcast %add3A_602 : i32 to vector<16xi32>
    %add3A_604 = arith.addi %select_n3A_562, %add3A_603 : vector<16xi32>
    %eq3A_605 = arith.cmpi eq, %add3A_604, %min3A_577 : vector<16xi32>
    %add3A_606 = arith.constant 112 : i32
    %add3A_607 = vector.broadcast %add3A_606 : i32 to vector<16xi32>
    %add3A_608 = arith.addi %add3A_607, %iota3A : vector<16xi32>
    tpu.vector_store_idx %arg5[%min3A_568, %broadcast_in_dim3A_53, %add3A_608], %mul3A_589 masked %eq3A_601 : memref<255x1x128xf32, #tpu.memory_space<vmem>>[vector<16xi32>, vector<16xi32>, vector<16xi32>], vector<16xf32>, vector<16xi1>
    tpu.vector_store_idx %arg5[%min3A_577, %broadcast_in_dim3A_53, %add3A_608], %mul3A_600 masked %eq3A_605 : memref<255x1x128xf32, #tpu.memory_space<vmem>>[vector<16xi32>, vector<16xi32>, vector<16xi32>], vector<16xf32>, vector<16xi1>
    %swap3A_609 = arith.constant 112 : index
    %swap3A_610 = tpu.vector_load %arg7[%swap3A_609] {strides = array<i32>} : memref<256xi32, #tpu.memory_space<vmem>>, vector<16xi32>,
    tpu.vector_store %arg7[%swap3A_609], %min3A_568 {strides = array<i32>} : memref<256xi32, #tpu.memory_space<vmem>>, vector<16xi32>,
    %swap3A_611 = arith.constant 240 : index
    %swap3A_612 = tpu.vector_load %arg7[%swap3A_611] {strides = array<i32>} : memref<256xi32, #tpu.memory_space<vmem>>, vector<16xi32>,
    tpu.vector_store %arg7[%swap3A_611], %min3A_577 {strides = array<i32>} : memref<256xi32, #tpu.memory_space<vmem>>, vector<16xi32>,
    %shift_right_arithmetic3A = arith.constant 0 : i32
    %shift_right_arithmetic3A_613 = arith.constant 4 : i32
    %shift_right_arithmetic3A_614 = arith.shrsi %shift_right_arithmetic3A, %shift_right_arithmetic3A_613 : i32
    %add3A_615 = arith.addi %mul3A_32, %shift_right_arithmetic3A_614 : i32
    %and3A_616 = arith.constant 0 : i32
    %and3A_617 = arith.constant 15 : i32
    %and3A_618 = arith.andi %and3A_616, %and3A_617 : i32
    %mul3A_619 = arith.constant 128 : i32
    %mul3A_620 = arith.muli %and3A_618, %mul3A_619 : i32
    %add3A_621 = arith.addi %mul3A_34, %mul3A_620 : i32
    %dma_start3A = arith.constant 0 : i32
    %dma_start3A_622 = tpu.memref_slice %arg3[%dma_start3A, %add3A_615, %add3A_621] : memref<255x128x4096xf32, #tpu.memory_space<hbm>> -> memref<255x1x128xf32, #tpu.memory_space<hbm>>
    %dma_start3A_623 = arith.constant 0 : i32
    %dma_start3A_624 = tpu.memref_slice %arg3[%dma_start3A_623, %add3A_615, %add3A_621] : memref<255x128x4096xf32, #tpu.memory_space<hbm>> -> memref<255x1x128xf32, #tpu.memory_space<hbm>>
    tpu.enqueue_dma source(%arg5 : memref<255x1x128xf32, #tpu.memory_space<vmem>>) target(%dma_start3A_624 : memref<255x1x128xf32, #tpu.memory_space<hbm>>) target_semaphore(%arg9 : memref<!tpu.dma_semaphore, #tpu.memory_space<semaphore_mem>>)
    %mul3A_625 = arith.constant 1 : i32
    %mul3A_626 = arith.constant 128 : i32
    %mul3A_627 = arith.muli %mul3A_625, %mul3A_626 : i32
    %add3A_628 = arith.constant 0 : i32
    %add3A_629 = arith.addi %mul3A_627, %add3A_628 : i32
    %get3A_630 = arith.index_cast %add3A_629 : i32 to index
    %get3A_631 = tpu.vector_load %arg4[%get3A_630] {strides = array<i32>} : memref<16384xf32, #tpu.memory_space<vmem>>, vector<16xf32>,
    %sub3A_632 = arith.constant -2.000000e+01 : f32
    %sub3A_633 = vector.broadcast %sub3A_632 : f32 to vector<16xf32>
    %sub3A_634 = arith.subf %get3A_631, %sub3A_633 : vector<16xf32>
    %mul3A_635 = arith.constant 6.350000e+00 : f32
    %mul3A_636 = vector.broadcast %mul3A_635 : f32 to vector<16xf32>
    %mul3A_637 = arith.mulf %sub3A_634, %mul3A_636 : vector<16xf32>
    %convert_element_type3A_638 = arith.fptosi %mul3A_637 : vector<16xf32> to vector<16xi32>
    %convert_element_type3A_639 = arith.sitofp %convert_element_type3A_638 : vector<16xi32> to vector<16xf32>
    %gt3A_640 = arith.cmpf ogt, %convert_element_type3A_639, %mul3A_637 : vector<16xf32>
    %sub3A_641 = arith.constant 1 : i32
    %sub3A_642 = vector.broadcast %sub3A_641 : i32 to vector<16xi32>
    %sub3A_643 = arith.subi %convert_element_type3A_638, %sub3A_642 : vector<16xi32>
    %select_n3A_644 = arith.select %gt3A_640, %sub3A_643, %convert_element_type3A_638 : vector<16xi1>, vector<16xi32>
    %max3A_645 = arith.constant 0 : i32
    %max3A_646 = vector.broadcast %max3A_645 : i32 to vector<16xi32>
    %max3A_647 = arith.maxsi %select_n3A_644, %max3A_646 : vector<16xi32>
    %min3A_648 = arith.constant 254 : i32
    %min3A_649 = vector.broadcast %min3A_648 : i32 to vector<16xi32>
    %min3A_650 = arith.minsi %max3A_647, %min3A_649 : vector<16xi32>
    %add3A_651 = arith.constant 1 : i32
    %add3A_652 = vector.broadcast %add3A_651 : i32 to vector<16xi32>
    %add3A_653 = arith.addi %select_n3A_644, %add3A_652 : vector<16xi32>
    %max3A_654 = arith.constant 0 : i32
    %max3A_655 = vector.broadcast %max3A_654 : i32 to vector<16xi32>
    %max3A_656 = arith.maxsi %add3A_653, %max3A_655 : vector<16xi32>
    %min3A_657 = arith.constant 254 : i32
    %min3A_658 = vector.broadcast %min3A_657 : i32 to vector<16xi32>
    %min3A_659 = arith.minsi %max3A_656, %min3A_658 : vector<16xi32>
    %convert_element_type3A_660 = arith.sitofp %min3A_650 : vector<16xi32> to vector<16xf32>
    %mul3A_661 = arith.constant 0.157480314 : f32
    %mul3A_662 = vector.broadcast %mul3A_661 : f32 to vector<16xf32>
    %mul3A_663 = arith.mulf %convert_element_type3A_660, %mul3A_662 : vector<16xf32>
    %add3A_664 = arith.constant -19.8425198 : f32
    %add3A_665 = vector.broadcast %add3A_664 : f32 to vector<16xf32>
    %add3A_666 = arith.addf %add3A_665, %mul3A_663 : vector<16xf32>
    %sub3A_667 = arith.subf %add3A_666, %get3A_631 : vector<16xf32>
    %abs3A_668 = math.absf %sub3A_667 : vector<16xf32>
    %mul3A_669 = arith.constant 6.350000e+00 : f32
    %mul3A_670 = vector.broadcast %mul3A_669 : f32 to vector<16xf32>
    %mul3A_671 = arith.mulf %abs3A_668, %mul3A_670 : vector<16xf32>
    %mul3A_672 = arith.constant 0.157480314 : f32
    %mul3A_673 = vector.broadcast %mul3A_672 : f32 to vector<16xf32>
    %mul3A_674 = arith.mulf %convert_element_type3A_660, %mul3A_673 : vector<16xf32>
    %add3A_675 = arith.constant -2.000000e+01 : f32
    %add3A_676 = vector.broadcast %add3A_675 : f32 to vector<16xf32>
    %add3A_677 = arith.addf %add3A_676, %mul3A_674 : vector<16xf32>
    %sub3A_678 = arith.subf %add3A_677, %get3A_631 : vector<16xf32>
    %abs3A_679 = math.absf %sub3A_678 : vector<16xf32>
    %mul3A_680 = arith.constant 6.350000e+00 : f32
    %mul3A_681 = vector.broadcast %mul3A_680 : f32 to vector<16xf32>
    %mul3A_682 = arith.mulf %abs3A_679, %mul3A_681 : vector<16xf32>
    %eq3A_683 = arith.cmpi eq, %select_n3A_644, %min3A_650 : vector<16xi32>
    %add3A_684 = arith.constant 1 : i32
    %add3A_685 = vector.broadcast %add3A_684 : i32 to vector<16xi32>
    %add3A_686 = arith.addi %select_n3A_644, %add3A_685 : vector<16xi32>
    %eq3A_687 = arith.cmpi eq, %add3A_686, %min3A_659 : vector<16xi32>
    %add3A_688 = arith.constant 0 : i32
    %add3A_689 = vector.broadcast %add3A_688 : i32 to vector<16xi32>
    %add3A_690 = arith.addi %add3A_689, %iota3A : vector<16xi32>
    tpu.vector_store_idx %arg6[%min3A_650, %broadcast_in_dim3A_53, %add3A_690], %mul3A_671 masked %eq3A_683 : memref<255x1x128xf32, #tpu.memory_space<vmem>>[vector<16xi32>, vector<16xi32>, vector<16xi32>], vector<16xf32>, vector<16xi1>
    tpu.vector_store_idx %arg6[%min3A_659, %broadcast_in_dim3A_53, %add3A_690], %mul3A_682 masked %eq3A_687 : memref<255x1x128xf32, #tpu.memory_space<vmem>>[vector<16xi32>, vector<16xi32>, vector<16xi32>], vector<16xf32>, vector<16xi1>
    %swap3A_691 = arith.constant 0 : index
    %swap3A_692 = tpu.vector_load %arg8[%swap3A_691] {strides = array<i32>} : memref<256xi32, #tpu.memory_space<vmem>>, vector<16xi32>,
    tpu.vector_store %arg8[%swap3A_691], %min3A_650 {strides = array<i32>} : memref<256xi32, #tpu.memory_space<vmem>>, vector<16xi32>,
    %swap3A_693 = arith.constant 128 : index
    %swap3A_694 = tpu.vector_load %arg8[%swap3A_693] {strides = array<i32>} : memref<256xi32, #tpu.memory_space<vmem>>, vector<16xi32>,
    tpu.vector_store %arg8[%swap3A_693], %min3A_659 {strides = array<i32>} : memref<256xi32, #tpu.memory_space<vmem>>, vector<16xi32>,
    %mul3A_695 = arith.constant 1 : i32
    %mul3A_696 = arith.constant 128 : i32
    %mul3A_697 = arith.muli %mul3A_695, %mul3A_696 : i32
    %add3A_698 = arith.constant 16 : i32
    %add3A_699 = arith.addi %mul3A_697, %add3A_698 : i32
    %get3A_700 = arith.index_cast %add3A_699 : i32 to index
    %get3A_701 = tpu.vector_load %arg4[%get3A_700] {strides = array<i32>} : memref<16384xf32, #tpu.memory_space<vmem>>, vector<16xf32>,
    %sub3A_702 = arith.constant -2.000000e+01 : f32
    %sub3A_703 = vector.broadcast %sub3A_702 : f32 to vector<16xf32>
    %sub3A_704 = arith.subf %get3A_701, %sub3A_703 : vector<16xf32>
    %mul3A_705 = arith.constant 6.350000e+00 : f32
    %mul3A_706 = vector.broadcast %mul3A_705 : f32 to vector<16xf32>
    %mul3A_707 = arith.mulf %sub3A_704, %mul3A_706 : vector<16xf32>
    %convert_element_type3A_708 = arith.fptosi %mul3A_707 : vector<16xf32> to vector<16xi32>
    %convert_element_type3A_709 = arith.sitofp %convert_element_type3A_708 : vector<16xi32> to vector<16xf32>
    %gt3A_710 = arith.cmpf ogt, %convert_element_type3A_709, %mul3A_707 : vector<16xf32>
    %sub3A_711 = arith.constant 1 : i32
    %sub3A_712 = vector.broadcast %sub3A_711 : i32 to vector<16xi32>
    %sub3A_713 = arith.subi %convert_element_type3A_708, %sub3A_712 : vector<16xi32>
    %select_n3A_714 = arith.select %gt3A_710, %sub3A_713, %convert_element_type3A_708 : vector<16xi1>, vector<16xi32>
    %max3A_715 = arith.constant 0 : i32
    %max3A_716 = vector.broadcast %max3A_715 : i32 to vector<16xi32>
    %max3A_717 = arith.maxsi %select_n3A_714, %max3A_716 : vector<16xi32>
    %min3A_718 = arith.constant 254 : i32
    %min3A_719 = vector.broadcast %min3A_718 : i32 to vector<16xi32>
    %min3A_720 = arith.minsi %max3A_717, %min3A_719 : vector<16xi32>
    %add3A_721 = arith.constant 1 : i32
    %add3A_722 = vector.broadcast %add3A_721 : i32 to vector<16xi32>
    %add3A_723 = arith.addi %select_n3A_714, %add3A_722 : vector<16xi32>
    %max3A_724 = arith.constant 0 : i32
    %max3A_725 = vector.broadcast %max3A_724 : i32 to vector<16xi32>
    %max3A_726 = arith.maxsi %add3A_723, %max3A_725 : vector<16xi32>
    %min3A_727 = arith.constant 254 : i32
    %min3A_728 = vector.broadcast %min3A_727 : i32 to vector<16xi32>
    %min3A_729 = arith.minsi %max3A_726, %min3A_728 : vector<16xi32>
    %convert_element_type3A_730 = arith.sitofp %min3A_720 : vector<16xi32> to vector<16xf32>
    %mul3A_731 = arith.constant 0.157480314 : f32
    %mul3A_732 = vector.broadcast %mul3A_731 : f32 to vector<16xf32>
    %mul3A_733 = arith.mulf %convert_element_type3A_730, %mul3A_732 : vector<16xf32>
    %add3A_734 = arith.constant -19.8425198 : f32
    %add3A_735 = vector.broadcast %add3A_734 : f32 to vector<16xf32>
    %add3A_736 = arith.addf %add3A_735, %mul3A_733 : vector<16xf32>
    %sub3A_737 = arith.subf %add3A_736, %get3A_701 : vector<16xf32>
    %abs3A_738 = math.absf %sub3A_737 : vector<16xf32>
    %mul3A_739 = arith.constant 6.350000e+00 : f32
    %mul3A_740 = vector.broadcast %mul3A_739 : f32 to vector<16xf32>
    %mul3A_741 = arith.mulf %abs3A_738, %mul3A_740 : vector<16xf32>
    %mul3A_742 = arith.constant 0.157480314 : f32
    %mul3A_743 = vector.broadcast %mul3A_742 : f32 to vector<16xf32>
    %mul3A_744 = arith.mulf %convert_element_type3A_730, %mul3A_743 : vector<16xf32>
    %add3A_745 = arith.constant -2.000000e+01 : f32
    %add3A_746 = vector.broadcast %add3A_745 : f32 to vector<16xf32>
    %add3A_747 = arith.addf %add3A_746, %mul3A_744 : vector<16xf32>
    %sub3A_748 = arith.subf %add3A_747, %get3A_701 : vector<16xf32>
    %abs3A_749 = math.absf %sub3A_748 : vector<16xf32>
    %mul3A_750 = arith.constant 6.350000e+00 : f32
    %mul3A_751 = vector.broadcast %mul3A_750 : f32 to vector<16xf32>
    %mul3A_752 = arith.mulf %abs3A_749, %mul3A_751 : vector<16xf32>
    %eq3A_753 = arith.cmpi eq, %select_n3A_714, %min3A_720 : vector<16xi32>
    %add3A_754 = arith.constant 1 : i32
    %add3A_755 = vector.broadcast %add3A_754 : i32 to vector<16xi32>
    %add3A_756 = arith.addi %select_n3A_714, %add3A_755 : vector<16xi32>
    %eq3A_757 = arith.cmpi eq, %add3A_756, %min3A_729 : vector<16xi32>
    %add3A_758 = arith.constant 16 : i32
    %add3A_759 = vector.broadcast %add3A_758 : i32 to vector<16xi32>
    %add3A_760 = arith.addi %add3A_759, %iota3A : vector<16xi32>
    tpu.vector_store_idx %arg6[%min3A_720, %broadcast_in_dim3A_53, %add3A_760], %mul3A_741 masked %eq3A_753 : memref<255x1x128xf32, #tpu.memory_space<vmem>>[vector<16xi32>, vector<16xi32>, vector<16xi32>], vector<16xf32>, vector<16xi1>
    tpu.vector_store_idx %arg6[%min3A_729, %broadcast_in_dim3A_53, %add3A_760], %mul3A_752 masked %eq3A_757 : memref<255x1x128xf32, #tpu.memory_space<vmem>>[vector<16xi32>, vector<16xi32>, vector<16xi32>], vector<16xf32>, vector<16xi1>
    %swap3A_761 = arith.constant 16 : index
    %swap3A_762 = tpu.vector_load %arg8[%swap3A_761] {strides = array<i32>} : memref<256xi32, #tpu.memory_space<vmem>>, vector<16xi32>,
    tpu.vector_store %arg8[%swap3A_761], %min3A_720 {strides = array<i32>} : memref<256xi32, #tpu.memory_space<vmem>>, vector<16xi32>,
    %swap3A_763 = arith.constant 144 : index
    %swap3A_764 = tpu.vector_load %arg8[%swap3A_763] {strides = array<i32>} : memref<256xi32, #tpu.memory_space<vmem>>, vector<16xi32>,
    tpu.vector_store %arg8[%swap3A_763], %min3A_729 {strides = array<i32>} : memref<256xi32, #tpu.memory_space<vmem>>, vector<16xi32>,
    %mul3A_765 = arith.constant 1 : i32
    %mul3A_766 = arith.constant 128 : i32
    %mul3A_767 = arith.muli %mul3A_765, %mul3A_766 : i32
    %add3A_768 = arith.constant 32 : i32
    %add3A_769 = arith.addi %mul3A_767, %add3A_768 : i32
    %get3A_770 = arith.index_cast %add3A_769 : i32 to index
    %get3A_771 = tpu.vector_load %arg4[%get3A_770] {strides = array<i32>} : memref<16384xf32, #tpu.memory_space<vmem>>, vector<16xf32>,
    %sub3A_772 = arith.constant -2.000000e+01 : f32
    %sub3A_773 = vector.broadcast %sub3A_772 : f32 to vector<16xf32>
    %sub3A_774 = arith.subf %get3A_771, %sub3A_773 : vector<16xf32>
    %mul3A_775 = arith.constant 6.350000e+00 : f32
    %mul3A_776 = vector.broadcast %mul3A_775 : f32 to vector<16xf32>
    %mul3A_777 = arith.mulf %sub3A_774, %mul3A_776 : vector<16xf32>
    %convert_element_type3A_778 = arith.fptosi %mul3A_777 : vector<16xf32> to vector<16xi32>
    %convert_element_type3A_779 = arith.sitofp %convert_element_type3A_778 : vector<16xi32> to vector<16xf32>
    %gt3A_780 = arith.cmpf ogt, %convert_element_type3A_779, %mul3A_777 : vector<16xf32>
    %sub3A_781 = arith.constant 1 : i32
    %sub3A_782 = vector.broadcast %sub3A_781 : i32 to vector<16xi32>
    %sub3A_783 = arith.subi %convert_element_type3A_778, %sub3A_782 : vector<16xi32>
    %select_n3A_784 = arith.select %gt3A_780, %sub3A_783, %convert_element_type3A_778 : vector<16xi1>, vector<16xi32>
    %max3A_785 = arith.constant 0 : i32
    %max3A_786 = vector.broadcast %max3A_785 : i32 to vector<16xi32>
    %max3A_787 = arith.maxsi %select_n3A_784, %max3A_786 : vector<16xi32>
    %min3A_788 = arith.constant 254 : i32
    %min3A_789 = vector.broadcast %min3A_788 : i32 to vector<16xi32>
    %min3A_790 = arith.minsi %max3A_787, %min3A_789 : vector<16xi32>
    %add3A_791 = arith.constant 1 : i32
    %add3A_792 = vector.broadcast %add3A_791 : i32 to vector<16xi32>
    %add3A_793 = arith.addi %select_n3A_784, %add3A_792 : vector<16xi32>
    %max3A_794 = arith.constant 0 : i32
    %max3A_795 = vector.broadcast %max3A_794 : i32 to vector<16xi32>
    %max3A_796 = arith.maxsi %add3A_793, %max3A_795 : vector<16xi32>
    %min3A_797 = arith.constant 254 : i32
    %min3A_798 = vector.broadcast %min3A_797 : i32 to vector<16xi32>
    %min3A_799 = arith.minsi %max3A_796, %min3A_798 : vector<16xi32>
    %convert_element_type3A_800 = arith.sitofp %min3A_790 : vector<16xi32> to vector<16xf32>
    %mul3A_801 = arith.constant 0.157480314 : f32
    %mul3A_802 = vector.broadcast %mul3A_801 : f32 to vector<16xf32>
    %mul3A_803 = arith.mulf %convert_element_type3A_800, %mul3A_802 : vector<16xf32>
    %add3A_804 = arith.constant -19.8425198 : f32
    %add3A_805 = vector.broadcast %add3A_804 : f32 to vector<16xf32>
    %add3A_806 = arith.addf %add3A_805, %mul3A_803 : vector<16xf32>
    %sub3A_807 = arith.subf %add3A_806, %get3A_771 : vector<16xf32>
    %abs3A_808 = math.absf %sub3A_807 : vector<16xf32>
    %mul3A_809 = arith.constant 6.350000e+00 : f32
    %mul3A_810 = vector.broadcast %mul3A_809 : f32 to vector<16xf32>
    %mul3A_811 = arith.mulf %abs3A_808, %mul3A_810 : vector<16xf32>
    %mul3A_812 = arith.constant 0.157480314 : f32
    %mul3A_813 = vector.broadcast %mul3A_812 : f32 to vector<16xf32>
    %mul3A_814 = arith.mulf %convert_element_type3A_800, %mul3A_813 : vector<16xf32>
    %add3A_815 = arith.constant -2.000000e+01 : f32
    %add3A_816 = vector.broadcast %add3A_815 : f32 to vector<16xf32>
    %add3A_817 = arith.addf %add3A_816, %mul3A_814 : vector<16xf32>
    %sub3A_818 = arith.subf %add3A_817, %get3A_771 : vector<16xf32>
    %abs3A_819 = math.absf %sub3A_818 : vector<16xf32>
    %mul3A_820 = arith.constant 6.350000e+00 : f32
    %mul3A_821 = vector.broadcast %mul3A_820 : f32 to vector<16xf32>
    %mul3A_822 = arith.mulf %abs3A_819, %mul3A_821 : vector<16xf32>
    %eq3A_823 = arith.cmpi eq, %select_n3A_784, %min3A_790 : vector<16xi32>
    %add3A_824 = arith.constant 1 : i32
    %add3A_825 = vector.broadcast %add3A_824 : i32 to vector<16xi32>
    %add3A_826 = arith.addi %select_n3A_784, %add3A_825 : vector<16xi32>
    %eq3A_827 = arith.cmpi eq, %add3A_826, %min3A_799 : vector<16xi32>
    %add3A_828 = arith.constant 32 : i32
    %add3A_829 = vector.broadcast %add3A_828 : i32 to vector<16xi32>
    %add3A_830 = arith.addi %add3A_829, %iota3A : vector<16xi32>
    tpu.vector_store_idx %arg6[%min3A_790, %broadcast_in_dim3A_53, %add3A_830], %mul3A_811 masked %eq3A_823 : memref<255x1x128xf32, #tpu.memory_space<vmem>>[vector<16xi32>, vector<16xi32>, vector<16xi32>], vector<16xf32>, vector<16xi1>
    tpu.vector_store_idx %arg6[%min3A_799, %broadcast_in_dim3A_53, %add3A_830], %mul3A_822 masked %eq3A_827 : memref<255x1x128xf32, #tpu.memory_space<vmem>>[vector<16xi32>, vector<16xi32>, vector<16xi32>], vector<16xf32>, vector<16xi1>
    %swap3A_831 = arith.constant 32 : index
    %swap3A_832 = tpu.vector_load %arg8[%swap3A_831] {strides = array<i32>} : memref<256xi32, #tpu.memory_space<vmem>>, vector<16xi32>,
    tpu.vector_store %arg8[%swap3A_831], %min3A_790 {strides = array<i32>} : memref<256xi32, #tpu.memory_space<vmem>>, vector<16xi32>,
    %swap3A_833 = arith.constant 160 : index
    %swap3A_834 = tpu.vector_load %arg8[%swap3A_833] {strides = array<i32>} : memref<256xi32, #tpu.memory_space<vmem>>, vector<16xi32>,
    tpu.vector_store %arg8[%swap3A_833], %min3A_799 {strides = array<i32>} : memref<256xi32, #tpu.memory_space<vmem>>, vector<16xi32>,
    %mul3A_835 = arith.constant 1 : i32
    %mul3A_836 = arith.constant 128 : i32
    %mul3A_837 = arith.muli %mul3A_835, %mul3A_836 : i32
    %add3A_838 = arith.constant 48 : i32
    %add3A_839 = arith.addi %mul3A_837, %add3A_838 : i32
    %get3A_840 = arith.index_cast %add3A_839 : i32 to index
    %get3A_841 = tpu.vector_load %arg4[%get3A_840] {strides = array<i32>} : memref<16384xf32, #tpu.memory_space<vmem>>, vector<16xf32>,
    %sub3A_842 = arith.constant -2.000000e+01 : f32
    %sub3A_843 = vector.broadcast %sub3A_842 : f32 to vector<16xf32>
    %sub3A_844 = arith.subf %get3A_841, %sub3A_843 : vector<16xf32>
    %mul3A_845 = arith.constant 6.350000e+00 : f32
    %mul3A_846 = vector.broadcast %mul3A_845 : f32 to vector<16xf32>
    %mul3A_847 = arith.mulf %sub3A_844, %mul3A_846 : vector<16xf32>
    %convert_element_type3A_848 = arith.fptosi %mul3A_847 : vector<16xf32> to vector<16xi32>
    %convert_element_type3A_849 = arith.sitofp %convert_element_type3A_848 : vector<16xi32> to vector<16xf32>
    %gt3A_850 = arith.cmpf ogt, %convert_element_type3A_849, %mul3A_847 : vector<16xf32>
    %sub3A_851 = arith.constant 1 : i32
    %sub3A_852 = vector.broadcast %sub3A_851 : i32 to vector<16xi32>
    %sub3A_853 = arith.subi %convert_element_type3A_848, %sub3A_852 : vector<16xi32>
    %select_n3A_854 = arith.select %gt3A_850, %sub3A_853, %convert_element_type3A_848 : vector<16xi1>, vector<16xi32>
    %max3A_855 = arith.constant 0 : i32
    %max3A_856 = vector.broadcast %max3A_855 : i32 to vector<16xi32>
    %max3A_857 = arith.maxsi %select_n3A_854, %max3A_856 : vector<16xi32>
    %min3A_858 = arith.constant 254 : i32
    %min3A_859 = vector.broadcast %min3A_858 : i32 to vector<16xi32>
    %min3A_860 = arith.minsi %max3A_857, %min3A_859 : vector<16xi32>
    %add3A_861 = arith.constant 1 : i32
    %add3A_862 = vector.broadcast %add3A_861 : i32 to vector<16xi32>
    %add3A_863 = arith.addi %select_n3A_854, %add3A_862 : vector<16xi32>
    %max3A_864 = arith.constant 0 : i32
    %max3A_865 = vector.broadcast %max3A_864 : i32 to vector<16xi32>
    %max3A_866 = arith.maxsi %add3A_863, %max3A_865 : vector<16xi32>
    %min3A_867 = arith.constant 254 : i32
    %min3A_868 = vector.broadcast %min3A_867 : i32 to vector<16xi32>
    %min3A_869 = arith.minsi %max3A_866, %min3A_868 : vector<16xi32>
    %convert_element_type3A_870 = arith.sitofp %min3A_860 : vector<16xi32> to vector<16xf32>
    %mul3A_871 = arith.constant 0.157480314 : f32
    %mul3A_872 = vector.broadcast %mul3A_871 : f32 to vector<16xf32>
    %mul3A_873 = arith.mulf %convert_element_type3A_870, %mul3A_872 : vector<16xf32>
    %add3A_874 = arith.constant -19.8425198 : f32
    %add3A_875 = vector.broadcast %add3A_874 : f32 to vector<16xf32>
    %add3A_876 = arith.addf %add3A_875, %mul3A_873 : vector<16xf32>
    %sub3A_877 = arith.subf %add3A_876, %get3A_841 : vector<16xf32>
    %abs3A_878 = math.absf %sub3A_877 : vector<16xf32>
    %mul3A_879 = arith.constant 6.350000e+00 : f32
    %mul3A_880 = vector.broadcast %mul3A_879 : f32 to vector<16xf32>
    %mul3A_881 = arith.mulf %abs3A_878, %mul3A_880 : vector<16xf32>
    %mul3A_882 = arith.constant 0.157480314 : f32
    %mul3A_883 = vector.broadcast %mul3A_882 : f32 to vector<16xf32>
    %mul3A_884 = arith.mulf %convert_element_type3A_870, %mul3A_883 : vector<16xf32>
    %add3A_885 = arith.constant -2.000000e+01 : f32
    %add3A_886 = vector.broadcast %add3A_885 : f32 to vector<16xf32>
    %add3A_887 = arith.addf %add3A_886, %mul3A_884 : vector<16xf32>
    %sub3A_888 = arith.subf %add3A_887, %get3A_841 : vector<16xf32>
    %abs3A_889 = math.absf %sub3A_888 : vector<16xf32>
    %mul3A_890 = arith.constant 6.350000e+00 : f32
    %mul3A_891 = vector.broadcast %mul3A_890 : f32 to vector<16xf32>
    %mul3A_892 = arith.mulf %abs3A_889, %mul3A_891 : vector<16xf32>
    %eq3A_893 = arith.cmpi eq, %select_n3A_854, %min3A_860 : vector<16xi32>
    %add3A_894 = arith.constant 1 : i32
    %add3A_895 = vector.broadcast %add3A_894 : i32 to vector<16xi32>
    %add3A_896 = arith.addi %select_n3A_854, %add3A_895 : vector<16xi32>
    %eq3A_897 = arith.cmpi eq, %add3A_896, %min3A_869 : vector<16xi32>
    %add3A_898 = arith.constant 48 : i32
    %add3A_899 = vector.broadcast %add3A_898 : i32 to vector<16xi32>
    %add3A_900 = arith.addi %add3A_899, %iota3A : vector<16xi32>
    tpu.vector_store_idx %arg6[%min3A_860, %broadcast_in_dim3A_53, %add3A_900], %mul3A_881 masked %eq3A_893 : memref<255x1x128xf32, #tpu.memory_space<vmem>>[vector<16xi32>, vector<16xi32>, vector<16xi32>], vector<16xf32>, vector<16xi1>
    tpu.vector_store_idx %arg6[%min3A_869, %broadcast_in_dim3A_53, %add3A_900], %mul3A_892 masked %eq3A_897 : memref<255x1x128xf32, #tpu.memory_space<vmem>>[vector<16xi32>, vector<16xi32>, vector<16xi32>], vector<16xf32>, vector<16xi1>
    %swap3A_901 = arith.constant 48 : index
    %swap3A_902 = tpu.vector_load %arg8[%swap3A_901] {strides = array<i32>} : memref<256xi32, #tpu.memory_space<vmem>>, vector<16xi32>,
    tpu.vector_store %arg8[%swap3A_901], %min3A_860 {strides = array<i32>} : memref<256xi32, #tpu.memory_space<vmem>>, vector<16xi32>,
    %swap3A_903 = arith.constant 176 : index
    %swap3A_904 = tpu.vector_load %arg8[%swap3A_903] {strides = array<i32>} : memref<256xi32, #tpu.memory_space<vmem>>, vector<16xi32>,
    tpu.vector_store %arg8[%swap3A_903], %min3A_869 {strides = array<i32>} : memref<256xi32, #tpu.memory_space<vmem>>, vector<16xi32>,
    %mul3A_905 = arith.constant 1 : i32
    %mul3A_906 = arith.constant 128 : i32
    %mul3A_907 = arith.muli %mul3A_905, %mul3A_906 : i32
    %add3A_908 = arith.constant 64 : i32
    %add3A_909 = arith.addi %mul3A_907, %add3A_908 : i32
    %get3A_910 = arith.index_cast %add3A_909 : i32 to index
    %get3A_911 = tpu.vector_load %arg4[%get3A_910] {strides = array<i32>} : memref<16384xf32, #tpu.memory_space<vmem>>, vector<16xf32>,
    %sub3A_912 = arith.constant -2.000000e+01 : f32
    %sub3A_913 = vector.broadcast %sub3A_912 : f32 to vector<16xf32>
    %sub3A_914 = arith.subf %get3A_911, %sub3A_913 : vector<16xf32>
    %mul3A_915 = arith.constant 6.350000e+00 : f32
    %mul3A_916 = vector.broadcast %mul3A_915 : f32 to vector<16xf32>
    %mul3A_917 = arith.mulf %sub3A_914, %mul3A_916 : vector<16xf32>
    %convert_element_type3A_918 = arith.fptosi %mul3A_917 : vector<16xf32> to vector<16xi32>
    %convert_element_type3A_919 = arith.sitofp %convert_element_type3A_918 : vector<16xi32> to vector<16xf32>
    %gt3A_920 = arith.cmpf ogt, %convert_element_type3A_919, %mul3A_917 : vector<16xf32>
    %sub3A_921 = arith.constant 1 : i32
    %sub3A_922 = vector.broadcast %sub3A_921 : i32 to vector<16xi32>
    %sub3A_923 = arith.subi %convert_element_type3A_918, %sub3A_922 : vector<16xi32>
    %select_n3A_924 = arith.select %gt3A_920, %sub3A_923, %convert_element_type3A_918 : vector<16xi1>, vector<16xi32>
    %max3A_925 = arith.constant 0 : i32
    %max3A_926 = vector.broadcast %max3A_925 : i32 to vector<16xi32>
    %max3A_927 = arith.maxsi %select_n3A_924, %max3A_926 : vector<16xi32>
    %min3A_928 = arith.constant 254 : i32
    %min3A_929 = vector.broadcast %min3A_928 : i32 to vector<16xi32>
    %min3A_930 = arith.minsi %max3A_927, %min3A_929 : vector<16xi32>
    %add3A_931 = arith.constant 1 : i32
    %add3A_932 = vector.broadcast %add3A_931 : i32 to vector<16xi32>
    %add3A_933 = arith.addi %select_n3A_924, %add3A_932 : vector<16xi32>
    %max3A_934 = arith.constant 0 : i32
    %max3A_935 = vector.broadcast %max3A_934 : i32 to vector<16xi32>
    %max3A_936 = arith.maxsi %add3A_933, %max3A_935 : vector<16xi32>
    %min3A_937 = arith.constant 254 : i32
    %min3A_938 = vector.broadcast %min3A_937 : i32 to vector<16xi32>
    %min3A_939 = arith.minsi %max3A_936, %min3A_938 : vector<16xi32>
    %convert_element_type3A_940 = arith.sitofp %min3A_930 : vector<16xi32> to vector<16xf32>
    %mul3A_941 = arith.constant 0.157480314 : f32
    %mul3A_942 = vector.broadcast %mul3A_941 : f32 to vector<16xf32>
    %mul3A_943 = arith.mulf %convert_element_type3A_940, %mul3A_942 : vector<16xf32>
    %add3A_944 = arith.constant -19.8425198 : f32
    %add3A_945 = vector.broadcast %add3A_944 : f32 to vector<16xf32>
    %add3A_946 = arith.addf %add3A_945, %mul3A_943 : vector<16xf32>
    %sub3A_947 = arith.subf %add3A_946, %get3A_911 : vector<16xf32>
    %abs3A_948 = math.absf %sub3A_947 : vector<16xf32>
    %mul3A_949 = arith.constant 6.350000e+00 : f32
    %mul3A_950 = vector.broadcast %mul3A_949 : f32 to vector<16xf32>
    %mul3A_951 = arith.mulf %abs3A_948, %mul3A_950 : vector<16xf32>
    %mul3A_952 = arith.constant 0.157480314 : f32
    %mul3A_953 = vector.broadcast %mul3A_952 : f32 to vector<16xf32>
    %mul3A_954 = arith.mulf %convert_element_type3A_940, %mul3A_953 : vector<16xf32>
    %add3A_955 = arith.constant -2.000000e+01 : f32
    %add3A_956 = vector.broadcast %add3A_955 : f32 to vector<16xf32>
    %add3A_957 = arith.addf %add3A_956, %mul3A_954 : vector<16xf32>
    %sub3A_958 = arith.subf %add3A_957, %get3A_911 : vector<16xf32>
    %abs3A_959 = math.absf %sub3A_958 : vector<16xf32>
    %mul3A_960 = arith.constant 6.350000e+00 : f32
    %mul3A_961 = vector.broadcast %mul3A_960 : f32 to vector<16xf32>
    %mul3A_962 = arith.mulf %abs3A_959, %mul3A_961 : vector<16xf32>
    %eq3A_963 = arith.cmpi eq, %select_n3A_924, %min3A_930 : vector<16xi32>
    %add3A_964 = arith.constant 1 : i32
    %add3A_965 = vector.broadcast %add3A_964 : i32 to vector<16xi32>
    %add3A_966 = arith.addi %select_n3A_924, %add3A_965 : vector<16xi32>
    %eq3A_967 = arith.cmpi eq, %add3A_966, %min3A_939 : vector<16xi32>
    %add3A_968 = arith.constant 64 : i32
    %add3A_969 = vector.broadcast %add3A_968 : i32 to vector<16xi32>
    %add3A_970 = arith.addi %add3A_969, %iota3A : vector<16xi32>
    tpu.vector_store_idx %arg6[%min3A_930, %broadcast_in_dim3A_53, %add3A_970], %mul3A_951 masked %eq3A_963 : memref<255x1x128xf32, #tpu.memory_space<vmem>>[vector<16xi32>, vector<16xi32>, vector<16xi32>], vector<16xf32>, vector<16xi1>
    tpu.vector_store_idx %arg6[%min3A_939, %broadcast_in_dim3A_53, %add3A_970], %mul3A_962 masked %eq3A_967 : memref<255x1x128xf32, #tpu.memory_space<vmem>>[vector<16xi32>, vector<16xi32>, vector<16xi32>], vector<16xf32>, vector<16xi1>
    %swap3A_971 = arith.constant 64 : index
    %swap3A_972 = tpu.vector_load %arg8[%swap3A_971] {strides = array<i32>} : memref<256xi32, #tpu.memory_space<vmem>>, vector<16xi32>,
    tpu.vector_store %arg8[%swap3A_971], %min3A_930 {strides = array<i32>} : memref<256xi32, #tpu.memory_space<vmem>>, vector<16xi32>,
    %swap3A_973 = arith.constant 192 : index
    %swap3A_974 = tpu.vector_load %arg8[%swap3A_973] {strides = array<i32>} : memref<256xi32, #tpu.memory_space<vmem>>, vector<16xi32>,
    tpu.vector_store %arg8[%swap3A_973], %min3A_939 {strides = array<i32>} : memref<256xi32, #tpu.memory_space<vmem>>, vector<16xi32>,
    %mul3A_975 = arith.constant 1 : i32
    %mul3A_976 = arith.constant 128 : i32
    %mul3A_977 = arith.muli %mul3A_975, %mul3A_976 : i32
    %add3A_978 = arith.constant 80 : i32
    %add3A_979 = arith.addi %mul3A_977, %add3A_978 : i32
    %get3A_980 = arith.index_cast %add3A_979 : i32 to index
    %get3A_981 = tpu.vector_load %arg4[%get3A_980] {strides = array<i32>} : memref<16384xf32, #tpu.memory_space<vmem>>, vector<16xf32>,
    %sub3A_982 = arith.constant -2.000000e+01 : f32
    %sub3A_983 = vector.broadcast %sub3A_982 : f32 to vector<16xf32>
    %sub3A_984 = arith.subf %get3A_981, %sub3A_983 : vector<16xf32>
    %mul3A_985 = arith.constant 6.350000e+00 : f32
    %mul3A_986 = vector.broadcast %mul3A_985 : f32 to vector<16xf32>
    %mul3A_987 = arith.mulf %sub3A_984, %mul3A_986 : vector<16xf32>
    %convert_element_type3A_988 = arith.fptosi %mul3A_987 : vector<16xf32> to vector<16xi32>
    %convert_element_type3A_989 = arith.sitofp %convert_element_type3A_988 : vector<16xi32> to vector<16xf32>
    %gt3A_990 = arith.cmpf ogt, %convert_element_type3A_989, %mul3A_987 : vector<16xf32>
    %sub3A_991 = arith.constant 1 : i32
    %sub3A_992 = vector.broadcast %sub3A_991 : i32 to vector<16xi32>
    %sub3A_993 = arith.subi %convert_element_type3A_988, %sub3A_992 : vector<16xi32>
    %select_n3A_994 = arith.select %gt3A_990, %sub3A_993, %convert_element_type3A_988 : vector<16xi1>, vector<16xi32>
    %max3A_995 = arith.constant 0 : i32
    %max3A_996 = vector.broadcast %max3A_995 : i32 to vector<16xi32>
    %max3A_997 = arith.maxsi %select_n3A_994, %max3A_996 : vector<16xi32>
    %min3A_998 = arith.constant 254 : i32
    %min3A_999 = vector.broadcast %min3A_998 : i32 to vector<16xi32>
    %min3A_1000 = arith.minsi %max3A_997, %min3A_999 : vector<16xi32>
    %add3A_1001 = arith.constant 1 : i32
    %add3A_1002 = vector.broadcast %add3A_1001 : i32 to vector<16xi32>
    %add3A_1003 = arith.addi %select_n3A_994, %add3A_1002 : vector<16xi32>
    %max3A_1004 = arith.constant 0 : i32
    %max3A_1005 = vector.broadcast %max3A_1004 : i32 to vector<16xi32>
    %max3A_1006 = arith.maxsi %add3A_1003, %max3A_1005 : vector<16xi32>
    %min3A_1007 = arith.constant 254 : i32
    %min3A_1008 = vector.broadcast %min3A_1007 : i32 to vector<16xi32>
    %min3A_1009 = arith.minsi %max3A_1006, %min3A_1008 : vector<16xi32>
    %convert_element_type3A_1010 = arith.sitofp %min3A_1000 : vector<16xi32> to vector<16xf32>
    %mul3A_1011 = arith.constant 0.157480314 : f32
    %mul3A_1012 = vector.broadcast %mul3A_1011 : f32 to vector<16xf32>
    %mul3A_1013 = arith.mulf %convert_element_type3A_1010, %mul3A_1012 : vector<16xf32>
    %add3A_1014 = arith.constant -19.8425198 : f32
    %add3A_1015 = vector.broadcast %add3A_1014 : f32 to vector<16xf32>
    %add3A_1016 = arith.addf %add3A_1015, %mul3A_1013 : vector<16xf32>
    %sub3A_1017 = arith.subf %add3A_1016, %get3A_981 : vector<16xf32>
    %abs3A_1018 = math.absf %sub3A_1017 : vector<16xf32>
    %mul3A_1019 = arith.constant 6.350000e+00 : f32
    %mul3A_1020 = vector.broadcast %mul3A_1019 : f32 to vector<16xf32>
    %mul3A_1021 = arith.mulf %abs3A_1018, %mul3A_1020 : vector<16xf32>
    %mul3A_1022 = arith.constant 0.157480314 : f32
    %mul3A_1023 = vector.broadcast %mul3A_1022 : f32 to vector<16xf32>
    %mul3A_1024 = arith.mulf %convert_element_type3A_1010, %mul3A_1023 : vector<16xf32>
    %add3A_1025 = arith.constant -2.000000e+01 : f32
    %add3A_1026 = vector.broadcast %add3A_1025 : f32 to vector<16xf32>
    %add3A_1027 = arith.addf %add3A_1026, %mul3A_1024 : vector<16xf32>
    %sub3A_1028 = arith.subf %add3A_1027, %get3A_981 : vector<16xf32>
    %abs3A_1029 = math.absf %sub3A_1028 : vector<16xf32>
    %mul3A_1030 = arith.constant 6.350000e+00 : f32
    %mul3A_1031 = vector.broadcast %mul3A_1030 : f32 to vector<16xf32>
    %mul3A_1032 = arith.mulf %abs3A_1029, %mul3A_1031 : vector<16xf32>
    %eq3A_1033 = arith.cmpi eq, %select_n3A_994, %min3A_1000 : vector<16xi32>
    %add3A_1034 = arith.constant 1 : i32
    %add3A_1035 = vector.broadcast %add3A_1034 : i32 to vector<16xi32>
    %add3A_1036 = arith.addi %select_n3A_994, %add3A_1035 : vector<16xi32>
    %eq3A_1037 = arith.cmpi eq, %add3A_1036, %min3A_1009 : vector<16xi32>
    %add3A_1038 = arith.constant 80 : i32
    %add3A_1039 = vector.broadcast %add3A_1038 : i32 to vector<16xi32>
    %add3A_1040 = arith.addi %add3A_1039, %iota3A : vector<16xi32>
    tpu.vector_store_idx %arg6[%min3A_1000, %broadcast_in_dim3A_53, %add3A_1040], %mul3A_1021 masked %eq3A_1033 : memref<255x1x128xf32, #tpu.memory_space<vmem>>[vector<16xi32>, vector<16xi32>, vector<16xi32>], vector<16xf32>, vector<16xi1>
    tpu.vector_store_idx %arg6[%min3A_1009, %broadcast_in_dim3A_53, %add3A_1040], %mul3A_1032 masked %eq3A_1037 : memref<255x1x128xf32, #tpu.memory_space<vmem>>[vector<16xi32>, vector<16xi32>, vector<16xi32>], vector<16xf32>, vector<16xi1>
    %swap3A_1041 = arith.constant 80 : index
    %swap3A_1042 = tpu.vector_load %arg8[%swap3A_1041] {strides = array<i32>} : memref<256xi32, #tpu.memory_space<vmem>>, vector<16xi32>,
    tpu.vector_store %arg8[%swap3A_1041], %min3A_1000 {strides = array<i32>} : memref<256xi32, #tpu.memory_space<vmem>>, vector<16xi32>,
    %swap3A_1043 = arith.constant 208 : index
    %swap3A_1044 = tpu.vector_load %arg8[%swap3A_1043] {strides = array<i32>} : memref<256xi32, #tpu.memory_space<vmem>>, vector<16xi32>,
    tpu.vector_store %arg8[%swap3A_1043], %min3A_1009 {strides = array<i32>} : memref<256xi32, #tpu.memory_space<vmem>>, vector<16xi32>,
    %mul3A_1045 = arith.constant 1 : i32
    %mul3A_1046 = arith.constant 128 : i32
    %mul3A_1047 = arith.muli %mul3A_1045, %mul3A_1046 : i32
    %add3A_1048 = arith.constant 96 : i32
    %add3A_1049 = arith.addi %mul3A_1047, %add3A_1048 : i32
    %get3A_1050 = arith.index_cast %add3A_1049 : i32 to index
    %get3A_1051 = tpu.vector_load %arg4[%get3A_1050] {strides = array<i32>} : memref<16384xf32, #tpu.memory_space<vmem>>, vector<16xf32>,
    %sub3A_1052 = arith.constant -2.000000e+01 : f32
    %sub3A_1053 = vector.broadcast %sub3A_1052 : f32 to vector<16xf32>
    %sub3A_1054 = arith.subf %get3A_1051, %sub3A_1053 : vector<16xf32>
    %mul3A_1055 = arith.constant 6.350000e+00 : f32
    %mul3A_1056 = vector.broadcast %mul3A_1055 : f32 to vector<16xf32>
    %mul3A_1057 = arith.mulf %sub3A_1054, %mul3A_1056 : vector<16xf32>
    %convert_element_type3A_1058 = arith.fptosi %mul3A_1057 : vector<16xf32> to vector<16xi32>
    %convert_element_type3A_1059 = arith.sitofp %convert_element_type3A_1058 : vector<16xi32> to vector<16xf32>
    %gt3A_1060 = arith.cmpf ogt, %convert_element_type3A_1059, %mul3A_1057 : vector<16xf32>
    %sub3A_1061 = arith.constant 1 : i32
    %sub3A_1062 = vector.broadcast %sub3A_1061 : i32 to vector<16xi32>
    %sub3A_1063 = arith.subi %convert_element_type3A_1058, %sub3A_1062 : vector<16xi32>
    %select_n3A_1064 = arith.select %gt3A_1060, %sub3A_1063, %convert_element_type3A_1058 : vector<16xi1>, vector<16xi32>
    %max3A_1065 = arith.constant 0 : i32
    %max3A_1066 = vector.broadcast %max3A_1065 : i32 to vector<16xi32>
    %max3A_1067 = arith.maxsi %select_n3A_1064, %max3A_1066 : vector<16xi32>
    %min3A_1068 = arith.constant 254 : i32
    %min3A_1069 = vector.broadcast %min3A_1068 : i32 to vector<16xi32>
    %min3A_1070 = arith.minsi %max3A_1067, %min3A_1069 : vector<16xi32>
    %add3A_1071 = arith.constant 1 : i32
    %add3A_1072 = vector.broadcast %add3A_1071 : i32 to vector<16xi32>
    %add3A_1073 = arith.addi %select_n3A_1064, %add3A_1072 : vector<16xi32>
    %max3A_1074 = arith.constant 0 : i32
    %max3A_1075 = vector.broadcast %max3A_1074 : i32 to vector<16xi32>
    %max3A_1076 = arith.maxsi %add3A_1073, %max3A_1075 : vector<16xi32>
    %min3A_1077 = arith.constant 254 : i32
    %min3A_1078 = vector.broadcast %min3A_1077 : i32 to vector<16xi32>
    %min3A_1079 = arith.minsi %max3A_1076, %min3A_1078 : vector<16xi32>
    %convert_element_type3A_1080 = arith.sitofp %min3A_1070 : vector<16xi32> to vector<16xf32>
    %mul3A_1081 = arith.constant 0.157480314 : f32
    %mul3A_1082 = vector.broadcast %mul3A_1081 : f32 to vector<16xf32>
    %mul3A_1083 = arith.mulf %convert_element_type3A_1080, %mul3A_1082 : vector<16xf32>
    %add3A_1084 = arith.constant -19.8425198 : f32
    %add3A_1085 = vector.broadcast %add3A_1084 : f32 to vector<16xf32>
    %add3A_1086 = arith.addf %add3A_1085, %mul3A_1083 : vector<16xf32>
    %sub3A_1087 = arith.subf %add3A_1086, %get3A_1051 : vector<16xf32>
    %abs3A_1088 = math.absf %sub3A_1087 : vector<16xf32>
    %mul3A_1089 = arith.constant 6.350000e+00 : f32
    %mul3A_1090 = vector.broadcast %mul3A_1089 : f32 to vector<16xf32>
    %mul3A_1091 = arith.mulf %abs3A_1088, %mul3A_1090 : vector<16xf32>
    %mul3A_1092 = arith.constant 0.157480314 : f32
    %mul3A_1093 = vector.broadcast %mul3A_1092 : f32 to vector<16xf32>
    %mul3A_1094 = arith.mulf %convert_element_type3A_1080, %mul3A_1093 : vector<16xf32>
    %add3A_1095 = arith.constant -2.000000e+01 : f32
    %add3A_1096 = vector.broadcast %add3A_1095 : f32 to vector<16xf32>
    %add3A_1097 = arith.addf %add3A_1096, %mul3A_1094 : vector<16xf32>
    %sub3A_1098 = arith.subf %add3A_1097, %get3A_1051 : vector<16xf32>
    %abs3A_1099 = math.absf %sub3A_1098 : vector<16xf32>
    %mul3A_1100 = arith.constant 6.350000e+00 : f32
    %mul3A_1101 = vector.broadcast %mul3A_1100 : f32 to vector<16xf32>
    %mul3A_1102 = arith.mulf %abs3A_1099, %mul3A_1101 : vector<16xf32>
    %eq3A_1103 = arith.cmpi eq, %select_n3A_1064, %min3A_1070 : vector<16xi32>
    %add3A_1104 = arith.constant 1 : i32
    %add3A_1105 = vector.broadcast %add3A_1104 : i32 to vector<16xi32>
    %add3A_1106 = arith.addi %select_n3A_1064, %add3A_1105 : vector<16xi32>
    %eq3A_1107 = arith.cmpi eq, %add3A_1106, %min3A_1079 : vector<16xi32>
    %add3A_1108 = arith.constant 96 : i32
    %add3A_1109 = vector.broadcast %add3A_1108 : i32 to vector<16xi32>
    %add3A_1110 = arith.addi %add3A_1109, %iota3A : vector<16xi32>
    tpu.vector_store_idx %arg6[%min3A_1070, %broadcast_in_dim3A_53, %add3A_1110], %mul3A_1091 masked %eq3A_1103 : memref<255x1x128xf32, #tpu.memory_space<vmem>>[vector<16xi32>, vector<16xi32>, vector<16xi32>], vector<16xf32>, vector<16xi1>
    tpu.vector_store_idx %arg6[%min3A_1079, %broadcast_in_dim3A_53, %add3A_1110], %mul3A_1102 masked %eq3A_1107 : memref<255x1x128xf32, #tpu.memory_space<vmem>>[vector<16xi32>, vector<16xi32>, vector<16xi32>], vector<16xf32>, vector<16xi1>
    %swap3A_1111 = arith.constant 96 : index
    %swap3A_1112 = tpu.vector_load %arg8[%swap3A_1111] {strides = array<i32>} : memref<256xi32, #tpu.memory_space<vmem>>, vector<16xi32>,
    tpu.vector_store %arg8[%swap3A_1111], %min3A_1070 {strides = array<i32>} : memref<256xi32, #tpu.memory_space<vmem>>, vector<16xi32>,
    %swap3A_1113 = arith.constant 224 : index
    %swap3A_1114 = tpu.vector_load %arg8[%swap3A_1113] {strides = array<i32>} : memref<256xi32, #tpu.memory_space<vmem>>, vector<16xi32>,
    tpu.vector_store %arg8[%swap3A_1113], %min3A_1079 {strides = array<i32>} : memref<256xi32, #tpu.memory_space<vmem>>, vector<16xi32>,
    %mul3A_1115 = arith.constant 1 : i32
    %mul3A_1116 = arith.constant 128 : i32
    %mul3A_1117 = arith.muli %mul3A_1115, %mul3A_1116 : i32
    %add3A_1118 = arith.constant 112 : i32
    %add3A_1119 = arith.addi %mul3A_1117, %add3A_1118 : i32
    %get3A_1120 = arith.index_cast %add3A_1119 : i32 to index
    %get3A_1121 = tpu.vector_load %arg4[%get3A_1120] {strides = array<i32>} : memref<16384xf32, #tpu.memory_space<vmem>>, vector<16xf32>,
    %sub3A_1122 = arith.constant -2.000000e+01 : f32
    %sub3A_1123 = vector.broadcast %sub3A_1122 : f32 to vector<16xf32>
    %sub3A_1124 = arith.subf %get3A_1121, %sub3A_1123 : vector<16xf32>
    %mul3A_1125 = arith.constant 6.350000e+00 : f32
    %mul3A_1126 = vector.broadcast %mul3A_1125 : f32 to vector<16xf32>
    %mul3A_1127 = arith.mulf %sub3A_1124, %mul3A_1126 : vector<16xf32>
    %convert_element_type3A_1128 = arith.fptosi %mul3A_1127 : vector<16xf32> to vector<16xi32>
    %convert_element_type3A_1129 = arith.sitofp %convert_element_type3A_1128 : vector<16xi32> to vector<16xf32>
    %gt3A_1130 = arith.cmpf ogt, %convert_element_type3A_1129, %mul3A_1127 : vector<16xf32>
    %sub3A_1131 = arith.constant 1 : i32
    %sub3A_1132 = vector.broadcast %sub3A_1131 : i32 to vector<16xi32>
    %sub3A_1133 = arith.subi %convert_element_type3A_1128, %sub3A_1132 : vector<16xi32>
    %select_n3A_1134 = arith.select %gt3A_1130, %sub3A_1133, %convert_element_type3A_1128 : vector<16xi1>, vector<16xi32>
    %max3A_1135 = arith.constant 0 : i32
    %max3A_1136 = vector.broadcast %max3A_1135 : i32 to vector<16xi32>
    %max3A_1137 = arith.maxsi %select_n3A_1134, %max3A_1136 : vector<16xi32>
    %min3A_1138 = arith.constant 254 : i32
    %min3A_1139 = vector.broadcast %min3A_1138 : i32 to vector<16xi32>
    %min3A_1140 = arith.minsi %max3A_1137, %min3A_1139 : vector<16xi32>
    %add3A_1141 = arith.constant 1 : i32
    %add3A_1142 = vector.broadcast %add3A_1141 : i32 to vector<16xi32>
    %add3A_1143 = arith.addi %select_n3A_1134, %add3A_1142 : vector<16xi32>
    %max3A_1144 = arith.constant 0 : i32
    %max3A_1145 = vector.broadcast %max3A_1144 : i32 to vector<16xi32>
    %max3A_1146 = arith.maxsi %add3A_1143, %max3A_1145 : vector<16xi32>
    %min3A_1147 = arith.constant 254 : i32
    %min3A_1148 = vector.broadcast %min3A_1147 : i32 to vector<16xi32>
    %min3A_1149 = arith.minsi %max3A_1146, %min3A_1148 : vector<16xi32>
    %convert_element_type3A_1150 = arith.sitofp %min3A_1140 : vector<16xi32> to vector<16xf32>
    %mul3A_1151 = arith.constant 0.157480314 : f32
    %mul3A_1152 = vector.broadcast %mul3A_1151 : f32 to vector<16xf32>
    %mul3A_1153 = arith.mulf %convert_element_type3A_1150, %mul3A_1152 : vector<16xf32>
    %add3A_1154 = arith.constant -19.8425198 : f32
    %add3A_1155 = vector.broadcast %add3A_1154 : f32 to vector<16xf32>
    %add3A_1156 = arith.addf %add3A_1155, %mul3A_1153 : vector<16xf32>
    %sub3A_1157 = arith.subf %add3A_1156, %get3A_1121 : vector<16xf32>
    %abs3A_1158 = math.absf %sub3A_1157 : vector<16xf32>
    %mul3A_1159 = arith.constant 6.350000e+00 : f32
    %mul3A_1160 = vector.broadcast %mul3A_1159 : f32 to vector<16xf32>
    %mul3A_1161 = arith.mulf %abs3A_1158, %mul3A_1160 : vector<16xf32>
    %mul3A_1162 = arith.constant 0.157480314 : f32
    %mul3A_1163 = vector.broadcast %mul3A_1162 : f32 to vector<16xf32>
    %mul3A_1164 = arith.mulf %convert_element_type3A_1150, %mul3A_1163 : vector<16xf32>
    %add3A_1165 = arith.constant -2.000000e+01 : f32
    %add3A_1166 = vector.broadcast %add3A_1165 : f32 to vector<16xf32>
    %add3A_1167 = arith.addf %add3A_1166, %mul3A_1164 : vector<16xf32>
    %sub3A_1168 = arith.subf %add3A_1167, %get3A_1121 : vector<16xf32>
    %abs3A_1169 = math.absf %sub3A_1168 : vector<16xf32>
    %mul3A_1170 = arith.constant 6.350000e+00 : f32
    %mul3A_1171 = vector.broadcast %mul3A_1170 : f32 to vector<16xf32>
    %mul3A_1172 = arith.mulf %abs3A_1169, %mul3A_1171 : vector<16xf32>
    %eq3A_1173 = arith.cmpi eq, %select_n3A_1134, %min3A_1140 : vector<16xi32>
    %add3A_1174 = arith.constant 1 : i32
    %add3A_1175 = vector.broadcast %add3A_1174 : i32 to vector<16xi32>
    %add3A_1176 = arith.addi %select_n3A_1134, %add3A_1175 : vector<16xi32>
    %eq3A_1177 = arith.cmpi eq, %add3A_1176, %min3A_1149 : vector<16xi32>
    %add3A_1178 = arith.constant 112 : i32
    %add3A_1179 = vector.broadcast %add3A_1178 : i32 to vector<16xi32>
    %add3A_1180 = arith.addi %add3A_1179, %iota3A : vector<16xi32>
    tpu.vector_store_idx %arg6[%min3A_1140, %broadcast_in_dim3A_53, %add3A_1180], %mul3A_1161 masked %eq3A_1173 : memref<255x1x128xf32, #tpu.memory_space<vmem>>[vector<16xi32>, vector<16xi32>, vector<16xi32>], vector<16xf32>, vector<16xi1>
    tpu.vector_store_idx %arg6[%min3A_1149, %broadcast_in_dim3A_53, %add3A_1180], %mul3A_1172 masked %eq3A_1177 : memref<255x1x128xf32, #tpu.memory_space<vmem>>[vector<16xi32>, vector<16xi32>, vector<16xi32>], vector<16xf32>, vector<16xi1>
    %swap3A_1181 = arith.constant 112 : index
    %swap3A_1182 = tpu.vector_load %arg8[%swap3A_1181] {strides = array<i32>} : memref<256xi32, #tpu.memory_space<vmem>>, vector<16xi32>,
    tpu.vector_store %arg8[%swap3A_1181], %min3A_1140 {strides = array<i32>} : memref<256xi32, #tpu.memory_space<vmem>>, vector<16xi32>,
    %swap3A_1183 = arith.constant 240 : index
    %swap3A_1184 = tpu.vector_load %arg8[%swap3A_1183] {strides = array<i32>} : memref<256xi32, #tpu.memory_space<vmem>>, vector<16xi32>,
    tpu.vector_store %arg8[%swap3A_1183], %min3A_1149 {strides = array<i32>} : memref<256xi32, #tpu.memory_space<vmem>>, vector<16xi32>,
    %shift_right_arithmetic3A_1185 = arith.constant 1 : i32
    %shift_right_arithmetic3A_1186 = arith.constant 4 : i32
    %shift_right_arithmetic3A_1187 = arith.shrsi %shift_right_arithmetic3A_1185, %shift_right_arithmetic3A_1186 : i32
    %add3A_1188 = arith.addi %mul3A_32, %shift_right_arithmetic3A_1187 : i32
    %and3A_1189 = arith.constant 1 : i32
    %and3A_1190 = arith.constant 15 : i32
    %and3A_1191 = arith.andi %and3A_1189, %and3A_1190 : i32
    %mul3A_1192 = arith.constant 128 : i32
    %mul3A_1193 = arith.muli %and3A_1191, %mul3A_1192 : i32
    %add3A_1194 = arith.addi %mul3A_34, %mul3A_1193 : i32
    %dma_start3A_1195 = arith.constant 0 : i32
    %dma_start3A_1196 = tpu.memref_slice %arg3[%dma_start3A_1195, %add3A_1188, %add3A_1194] : memref<255x128x4096xf32, #tpu.memory_space<hbm>> -> memref<255x1x128xf32, #tpu.memory_space<hbm>>
    %dma_start3A_1197 = arith.constant 0 : i32
    %dma_start3A_1198 = tpu.memref_slice %arg3[%dma_start3A_1197, %add3A_1188, %add3A_1194] : memref<255x128x4096xf32, #tpu.memory_space<hbm>> -> memref<255x1x128xf32, #tpu.memory_space<hbm>>
    tpu.enqueue_dma source(%arg6 : memref<255x1x128xf32, #tpu.memory_space<vmem>>) target(%dma_start3A_1198 : memref<255x1x128xf32, #tpu.memory_space<hbm>>) target_semaphore(%arg10 : memref<!tpu.dma_semaphore, #tpu.memory_space<semaphore_mem>>)
    %scan3A_1199 = arith.constant 0 : i32
    %scan3A_1200 = arith.constant 1 : i32
    %scan3A_1201 = arith.constant 63 : i32
    %scan3A_1202 = arith.addi %scan3A_1200, %scan3A_1201 : i32
    %scan3A_1203 = arith.constant 1 : i32
    %scan3A_1204 = scf.for %scan3A_1233 = %scan3A_1200 to %scan3A_1202 step %scan3A_1203 iter_args(%scan3A_1234 = %scan3A_1199) -> (i32)  : i32 {
      %mul3A_1235 = arith.constant 2 : i32
      %mul3A_1236 = arith.muli %mul3A_1235, %scan3A_1233 : i32
      %add3A_1237 = arith.constant 0 : i32
      %add3A_1238 = arith.addi %mul3A_1236, %add3A_1237 : i32
      %sub3A_1239 = arith.constant 2 : i32
      %sub3A_1240 = arith.subi %add3A_1238, %sub3A_1239 : i32
      %shift_right_arithmetic3A_1241 = arith.constant 4 : i32
      %shift_right_arithmetic3A_1242 = arith.shrsi %sub3A_1240, %shift_right_arithmetic3A_1241 : i32
      %add3A_1243 = arith.addi %mul3A_32, %shift_right_arithmetic3A_1242 : i32
      %and3A_1244 = arith.constant 15 : i32
      %and3A_1245 = arith.andi %sub3A_1240, %and3A_1244 : i32
      %mul3A_1246 = arith.constant 128 : i32
      %mul3A_1247 = arith.muli %and3A_1245, %mul3A_1246 : i32
      %add3A_1248 = arith.addi %mul3A_34, %mul3A_1247 : i32
      %dma_wait3A_1249 = arith.constant 0 : i32
      %dma_wait3A_1250 = tpu.memref_slice %arg3[%dma_wait3A_1249, %add3A_1243, %add3A_1248] : memref<255x128x4096xf32, #tpu.memory_space<hbm>> -> memref<255x1x128xf32, #tpu.memory_space<hbm>>
      %dma_wait3A_1251 = arith.constant 0 : i32
      %dma_wait3A_1252 = tpu.memref_slice %arg3[%dma_wait3A_1251, %add3A_1243, %add3A_1248] : memref<255x128x4096xf32, #tpu.memory_space<hbm>> -> memref<255x1x128xf32, #tpu.memory_space<hbm>>
      tpu.wait_dma2 semaphore(%arg9 : memref<!tpu.dma_semaphore, #tpu.memory_space<semaphore_mem>>) src(%arg5 : memref<255x1x128xf32, #tpu.memory_space<vmem>>) dst(%dma_wait3A_1252 : memref<255x1x128xf32, #tpu.memory_space<hbm>>)
      %add3A_1253 = arith.constant 0 : i32
      %add3A_1254 = vector.broadcast %add3A_1253 : i32 to vector<16xi32>
      %add3A_1255 = arith.addi %add3A_1254, %iota3A : vector<16xi32>
      %get3A_1256 = arith.constant 0 : index
      %get3A_1257 = tpu.vector_load %arg7[%get3A_1256] {strides = array<i32>} : memref<256xi32, #tpu.memory_space<vmem>>, vector<16xi32>,
      %get3A_1258 = arith.constant 128 : index
      %get3A_1259 = tpu.vector_load %arg7[%get3A_1258] {strides = array<i32>} : memref<256xi32, #tpu.memory_space<vmem>>, vector<16xi32>,
      tpu.vector_store_idx %arg5[%get3A_1257, %broadcast_in_dim3A_53, %add3A_1255], %broadcast_in_dim3A_51 : memref<255x1x128xf32, #tpu.memory_space<vmem>>[vector<16xi32>, vector<16xi32>, vector<16xi32>], vector<16xf32>,
      tpu.vector_store_idx %arg5[%get3A_1259, %broadcast_in_dim3A_53, %add3A_1255], %broadcast_in_dim3A_51 : memref<255x1x128xf32, #tpu.memory_space<vmem>>[vector<16xi32>, vector<16xi32>, vector<16xi32>], vector<16xf32>,
      %add3A_1260 = arith.constant 16 : i32
      %add3A_1261 = vector.broadcast %add3A_1260 : i32 to vector<16xi32>
      %add3A_1262 = arith.addi %add3A_1261, %iota3A : vector<16xi32>
      %get3A_1263 = arith.constant 16 : index
      %get3A_1264 = tpu.vector_load %arg7[%get3A_1263] {strides = array<i32>} : memref<256xi32, #tpu.memory_space<vmem>>, vector<16xi32>,
      %get3A_1265 = arith.constant 144 : index
      %get3A_1266 = tpu.vector_load %arg7[%get3A_1265] {strides = array<i32>} : memref<256xi32, #tpu.memory_space<vmem>>, vector<16xi32>,
      tpu.vector_store_idx %arg5[%get3A_1264, %broadcast_in_dim3A_53, %add3A_1262], %broadcast_in_dim3A_51 : memref<255x1x128xf32, #tpu.memory_space<vmem>>[vector<16xi32>, vector<16xi32>, vector<16xi32>], vector<16xf32>,
      tpu.vector_store_idx %arg5[%get3A_1266, %broadcast_in_dim3A_53, %add3A_1262], %broadcast_in_dim3A_51 : memref<255x1x128xf32, #tpu.memory_space<vmem>>[vector<16xi32>, vector<16xi32>, vector<16xi32>], vector<16xf32>,
      %add3A_1267 = arith.constant 32 : i32
      %add3A_1268 = vector.broadcast %add3A_1267 : i32 to vector<16xi32>
      %add3A_1269 = arith.addi %add3A_1268, %iota3A : vector<16xi32>
      %get3A_1270 = arith.constant 32 : index
      %get3A_1271 = tpu.vector_load %arg7[%get3A_1270] {strides = array<i32>} : memref<256xi32, #tpu.memory_space<vmem>>, vector<16xi32>,
      %get3A_1272 = arith.constant 160 : index
      %get3A_1273 = tpu.vector_load %arg7[%get3A_1272] {strides = array<i32>} : memref<256xi32, #tpu.memory_space<vmem>>, vector<16xi32>,
      tpu.vector_store_idx %arg5[%get3A_1271, %broadcast_in_dim3A_53, %add3A_1269], %broadcast_in_dim3A_51 : memref<255x1x128xf32, #tpu.memory_space<vmem>>[vector<16xi32>, vector<16xi32>, vector<16xi32>], vector<16xf32>,
      tpu.vector_store_idx %arg5[%get3A_1273, %broadcast_in_dim3A_53, %add3A_1269], %broadcast_in_dim3A_51 : memref<255x1x128xf32, #tpu.memory_space<vmem>>[vector<16xi32>, vector<16xi32>, vector<16xi32>], vector<16xf32>,
      %add3A_1274 = arith.constant 48 : i32
      %add3A_1275 = vector.broadcast %add3A_1274 : i32 to vector<16xi32>
      %add3A_1276 = arith.addi %add3A_1275, %iota3A : vector<16xi32>
      %get3A_1277 = arith.constant 48 : index
      %get3A_1278 = tpu.vector_load %arg7[%get3A_1277] {strides = array<i32>} : memref<256xi32, #tpu.memory_space<vmem>>, vector<16xi32>,
      %get3A_1279 = arith.constant 176 : index
      %get3A_1280 = tpu.vector_load %arg7[%get3A_1279] {strides = array<i32>} : memref<256xi32, #tpu.memory_space<vmem>>, vector<16xi32>,
      tpu.vector_store_idx %arg5[%get3A_1278, %broadcast_in_dim3A_53, %add3A_1276], %broadcast_in_dim3A_51 : memref<255x1x128xf32, #tpu.memory_space<vmem>>[vector<16xi32>, vector<16xi32>, vector<16xi32>], vector<16xf32>,
      tpu.vector_store_idx %arg5[%get3A_1280, %broadcast_in_dim3A_53, %add3A_1276], %broadcast_in_dim3A_51 : memref<255x1x128xf32, #tpu.memory_space<vmem>>[vector<16xi32>, vector<16xi32>, vector<16xi32>], vector<16xf32>,
      %add3A_1281 = arith.constant 64 : i32
      %add3A_1282 = vector.broadcast %add3A_1281 : i32 to vector<16xi32>
      %add3A_1283 = arith.addi %add3A_1282, %iota3A : vector<16xi32>
      %get3A_1284 = arith.constant 64 : index
      %get3A_1285 = tpu.vector_load %arg7[%get3A_1284] {strides = array<i32>} : memref<256xi32, #tpu.memory_space<vmem>>, vector<16xi32>,
      %get3A_1286 = arith.constant 192 : index
      %get3A_1287 = tpu.vector_load %arg7[%get3A_1286] {strides = array<i32>} : memref<256xi32, #tpu.memory_space<vmem>>, vector<16xi32>,
      tpu.vector_store_idx %arg5[%get3A_1285, %broadcast_in_dim3A_53, %add3A_1283], %broadcast_in_dim3A_51 : memref<255x1x128xf32, #tpu.memory_space<vmem>>[vector<16xi32>, vector<16xi32>, vector<16xi32>], vector<16xf32>,
      tpu.vector_store_idx %arg5[%get3A_1287, %broadcast_in_dim3A_53, %add3A_1283], %broadcast_in_dim3A_51 : memref<255x1x128xf32, #tpu.memory_space<vmem>>[vector<16xi32>, vector<16xi32>, vector<16xi32>], vector<16xf32>,
      %add3A_1288 = arith.constant 80 : i32
      %add3A_1289 = vector.broadcast %add3A_1288 : i32 to vector<16xi32>
      %add3A_1290 = arith.addi %add3A_1289, %iota3A : vector<16xi32>
      %get3A_1291 = arith.constant 80 : index
      %get3A_1292 = tpu.vector_load %arg7[%get3A_1291] {strides = array<i32>} : memref<256xi32, #tpu.memory_space<vmem>>, vector<16xi32>,
      %get3A_1293 = arith.constant 208 : index
      %get3A_1294 = tpu.vector_load %arg7[%get3A_1293] {strides = array<i32>} : memref<256xi32, #tpu.memory_space<vmem>>, vector<16xi32>,
      tpu.vector_store_idx %arg5[%get3A_1292, %broadcast_in_dim3A_53, %add3A_1290], %broadcast_in_dim3A_51 : memref<255x1x128xf32, #tpu.memory_space<vmem>>[vector<16xi32>, vector<16xi32>, vector<16xi32>], vector<16xf32>,
      tpu.vector_store_idx %arg5[%get3A_1294, %broadcast_in_dim3A_53, %add3A_1290], %broadcast_in_dim3A_51 : memref<255x1x128xf32, #tpu.memory_space<vmem>>[vector<16xi32>, vector<16xi32>, vector<16xi32>], vector<16xf32>,
      %add3A_1295 = arith.constant 96 : i32
      %add3A_1296 = vector.broadcast %add3A_1295 : i32 to vector<16xi32>
      %add3A_1297 = arith.addi %add3A_1296, %iota3A : vector<16xi32>
      %get3A_1298 = arith.constant 96 : index
      %get3A_1299 = tpu.vector_load %arg7[%get3A_1298] {strides = array<i32>} : memref<256xi32, #tpu.memory_space<vmem>>, vector<16xi32>,
      %get3A_1300 = arith.constant 224 : index
      %get3A_1301 = tpu.vector_load %arg7[%get3A_1300] {strides = array<i32>} : memref<256xi32, #tpu.memory_space<vmem>>, vector<16xi32>,
      tpu.vector_store_idx %arg5[%get3A_1299, %broadcast_in_dim3A_53, %add3A_1297], %broadcast_in_dim3A_51 : memref<255x1x128xf32, #tpu.memory_space<vmem>>[vector<16xi32>, vector<16xi32>, vector<16xi32>], vector<16xf32>,
      tpu.vector_store_idx %arg5[%get3A_1301, %broadcast_in_dim3A_53, %add3A_1297], %broadcast_in_dim3A_51 : memref<255x1x128xf32, #tpu.memory_space<vmem>>[vector<16xi32>, vector<16xi32>, vector<16xi32>], vector<16xf32>,
      %add3A_1302 = arith.constant 112 : i32
      %add3A_1303 = vector.broadcast %add3A_1302 : i32 to vector<16xi32>
      %add3A_1304 = arith.addi %add3A_1303, %iota3A : vector<16xi32>
      %get3A_1305 = arith.constant 112 : index
      %get3A_1306 = tpu.vector_load %arg7[%get3A_1305] {strides = array<i32>} : memref<256xi32, #tpu.memory_space<vmem>>, vector<16xi32>,
      %get3A_1307 = arith.constant 240 : index
      %get3A_1308 = tpu.vector_load %arg7[%get3A_1307] {strides = array<i32>} : memref<256xi32, #tpu.memory_space<vmem>>, vector<16xi32>,
      tpu.vector_store_idx %arg5[%get3A_1306, %broadcast_in_dim3A_53, %add3A_1304], %broadcast_in_dim3A_51 : memref<255x1x128xf32, #tpu.memory_space<vmem>>[vector<16xi32>, vector<16xi32>, vector<16xi32>], vector<16xf32>,
      tpu.vector_store_idx %arg5[%get3A_1308, %broadcast_in_dim3A_53, %add3A_1304], %broadcast_in_dim3A_51 : memref<255x1x128xf32, #tpu.memory_space<vmem>>[vector<16xi32>, vector<16xi32>, vector<16xi32>], vector<16xf32>,
      %mul3A_1309 = arith.constant 128 : i32
      %mul3A_1310 = arith.muli %add3A_1238, %mul3A_1309 : i32
      %add3A_1311 = arith.constant 0 : i32
      %add3A_1312 = arith.addi %mul3A_1310, %add3A_1311 : i32
      %get3A_1313 = arith.index_cast %add3A_1312 : i32 to index
      %get3A_1314 = tpu.vector_load %arg4[%get3A_1313] {strides = array<i32>} : memref<16384xf32, #tpu.memory_space<vmem>>, vector<16xf32>,
      %sub3A_1315 = arith.constant -2.000000e+01 : f32
      %sub3A_1316 = vector.broadcast %sub3A_1315 : f32 to vector<16xf32>
      %sub3A_1317 = arith.subf %get3A_1314, %sub3A_1316 : vector<16xf32>
      %mul3A_1318 = arith.constant 6.350000e+00 : f32
      %mul3A_1319 = vector.broadcast %mul3A_1318 : f32 to vector<16xf32>
      %mul3A_1320 = arith.mulf %sub3A_1317, %mul3A_1319 : vector<16xf32>
      %convert_element_type3A_1321 = arith.fptosi %mul3A_1320 : vector<16xf32> to vector<16xi32>
      %convert_element_type3A_1322 = arith.sitofp %convert_element_type3A_1321 : vector<16xi32> to vector<16xf32>
      %gt3A_1323 = arith.cmpf ogt, %convert_element_type3A_1322, %mul3A_1320 : vector<16xf32>
      %sub3A_1324 = arith.constant 1 : i32
      %sub3A_1325 = vector.broadcast %sub3A_1324 : i32 to vector<16xi32>
      %sub3A_1326 = arith.subi %convert_element_type3A_1321, %sub3A_1325 : vector<16xi32>
      %select_n3A_1327 = arith.select %gt3A_1323, %sub3A_1326, %convert_element_type3A_1321 : vector<16xi1>, vector<16xi32>
      %max3A_1328 = arith.constant 0 : i32
      %max3A_1329 = vector.broadcast %max3A_1328 : i32 to vector<16xi32>
      %max3A_1330 = arith.maxsi %select_n3A_1327, %max3A_1329 : vector<16xi32>
      %min3A_1331 = arith.constant 254 : i32
      %min3A_1332 = vector.broadcast %min3A_1331 : i32 to vector<16xi32>
      %min3A_1333 = arith.minsi %max3A_1330, %min3A_1332 : vector<16xi32>
      %add3A_1334 = arith.constant 1 : i32
      %add3A_1335 = vector.broadcast %add3A_1334 : i32 to vector<16xi32>
      %add3A_1336 = arith.addi %select_n3A_1327, %add3A_1335 : vector<16xi32>
      %max3A_1337 = arith.constant 0 : i32
      %max3A_1338 = vector.broadcast %max3A_1337 : i32 to vector<16xi32>
      %max3A_1339 = arith.maxsi %add3A_1336, %max3A_1338 : vector<16xi32>
      %min3A_1340 = arith.constant 254 : i32
      %min3A_1341 = vector.broadcast %min3A_1340 : i32 to vector<16xi32>
      %min3A_1342 = arith.minsi %max3A_1339, %min3A_1341 : vector<16xi32>
      %convert_element_type3A_1343 = arith.sitofp %min3A_1333 : vector<16xi32> to vector<16xf32>
      %mul3A_1344 = arith.constant 0.157480314 : f32
      %mul3A_1345 = vector.broadcast %mul3A_1344 : f32 to vector<16xf32>
      %mul3A_1346 = arith.mulf %convert_element_type3A_1343, %mul3A_1345 : vector<16xf32>
      %add3A_1347 = arith.constant -19.8425198 : f32
      %add3A_1348 = vector.broadcast %add3A_1347 : f32 to vector<16xf32>
      %add3A_1349 = arith.addf %add3A_1348, %mul3A_1346 : vector<16xf32>
      %sub3A_1350 = arith.subf %add3A_1349, %get3A_1314 : vector<16xf32>
      %abs3A_1351 = math.absf %sub3A_1350 : vector<16xf32>
      %mul3A_1352 = arith.constant 6.350000e+00 : f32
      %mul3A_1353 = vector.broadcast %mul3A_1352 : f32 to vector<16xf32>
      %mul3A_1354 = arith.mulf %abs3A_1351, %mul3A_1353 : vector<16xf32>
      %mul3A_1355 = arith.constant 0.157480314 : f32
      %mul3A_1356 = vector.broadcast %mul3A_1355 : f32 to vector<16xf32>
      %mul3A_1357 = arith.mulf %convert_element_type3A_1343, %mul3A_1356 : vector<16xf32>
      %add3A_1358 = arith.constant -2.000000e+01 : f32
      %add3A_1359 = vector.broadcast %add3A_1358 : f32 to vector<16xf32>
      %add3A_1360 = arith.addf %add3A_1359, %mul3A_1357 : vector<16xf32>
      %sub3A_1361 = arith.subf %add3A_1360, %get3A_1314 : vector<16xf32>
      %abs3A_1362 = math.absf %sub3A_1361 : vector<16xf32>
      %mul3A_1363 = arith.constant 6.350000e+00 : f32
      %mul3A_1364 = vector.broadcast %mul3A_1363 : f32 to vector<16xf32>
      %mul3A_1365 = arith.mulf %abs3A_1362, %mul3A_1364 : vector<16xf32>
      %eq3A_1366 = arith.cmpi eq, %select_n3A_1327, %min3A_1333 : vector<16xi32>
      %add3A_1367 = arith.constant 1 : i32
      %add3A_1368 = vector.broadcast %add3A_1367 : i32 to vector<16xi32>
      %add3A_1369 = arith.addi %select_n3A_1327, %add3A_1368 : vector<16xi32>
      %eq3A_1370 = arith.cmpi eq, %add3A_1369, %min3A_1342 : vector<16xi32>
      %add3A_1371 = arith.constant 0 : i32
      %add3A_1372 = vector.broadcast %add3A_1371 : i32 to vector<16xi32>
      %add3A_1373 = arith.addi %add3A_1372, %iota3A : vector<16xi32>
      tpu.vector_store_idx %arg5[%min3A_1333, %broadcast_in_dim3A_53, %add3A_1373], %mul3A_1354 masked %eq3A_1366 : memref<255x1x128xf32, #tpu.memory_space<vmem>>[vector<16xi32>, vector<16xi32>, vector<16xi32>], vector<16xf32>, vector<16xi1>
      tpu.vector_store_idx %arg5[%min3A_1342, %broadcast_in_dim3A_53, %add3A_1373], %mul3A_1365 masked %eq3A_1370 : memref<255x1x128xf32, #tpu.memory_space<vmem>>[vector<16xi32>, vector<16xi32>, vector<16xi32>], vector<16xf32>, vector<16xi1>
      %swap3A_1374 = arith.constant 0 : index
      %swap3A_1375 = tpu.vector_load %arg7[%swap3A_1374] {strides = array<i32>} : memref<256xi32, #tpu.memory_space<vmem>>, vector<16xi32>,
      tpu.vector_store %arg7[%swap3A_1374], %min3A_1333 {strides = array<i32>} : memref<256xi32, #tpu.memory_space<vmem>>, vector<16xi32>,
      %swap3A_1376 = arith.constant 128 : index
      %swap3A_1377 = tpu.vector_load %arg7[%swap3A_1376] {strides = array<i32>} : memref<256xi32, #tpu.memory_space<vmem>>, vector<16xi32>,
      tpu.vector_store %arg7[%swap3A_1376], %min3A_1342 {strides = array<i32>} : memref<256xi32, #tpu.memory_space<vmem>>, vector<16xi32>,
      %mul3A_1378 = arith.constant 128 : i32
      %mul3A_1379 = arith.muli %add3A_1238, %mul3A_1378 : i32
      %add3A_1380 = arith.constant 16 : i32
      %add3A_1381 = arith.addi %mul3A_1379, %add3A_1380 : i32
      %get3A_1382 = arith.index_cast %add3A_1381 : i32 to index
      %get3A_1383 = tpu.vector_load %arg4[%get3A_1382] {strides = array<i32>} : memref<16384xf32, #tpu.memory_space<vmem>>, vector<16xf32>,
      %sub3A_1384 = arith.constant -2.000000e+01 : f32
      %sub3A_1385 = vector.broadcast %sub3A_1384 : f32 to vector<16xf32>
      %sub3A_1386 = arith.subf %get3A_1383, %sub3A_1385 : vector<16xf32>
      %mul3A_1387 = arith.constant 6.350000e+00 : f32
      %mul3A_1388 = vector.broadcast %mul3A_1387 : f32 to vector<16xf32>
      %mul3A_1389 = arith.mulf %sub3A_1386, %mul3A_1388 : vector<16xf32>
      %convert_element_type3A_1390 = arith.fptosi %mul3A_1389 : vector<16xf32> to vector<16xi32>
      %convert_element_type3A_1391 = arith.sitofp %convert_element_type3A_1390 : vector<16xi32> to vector<16xf32>
      %gt3A_1392 = arith.cmpf ogt, %convert_element_type3A_1391, %mul3A_1389 : vector<16xf32>
      %sub3A_1393 = arith.constant 1 : i32
      %sub3A_1394 = vector.broadcast %sub3A_1393 : i32 to vector<16xi32>
      %sub3A_1395 = arith.subi %convert_element_type3A_1390, %sub3A_1394 : vector<16xi32>
      %select_n3A_1396 = arith.select %gt3A_1392, %sub3A_1395, %convert_element_type3A_1390 : vector<16xi1>, vector<16xi32>
      %max3A_1397 = arith.constant 0 : i32
      %max3A_1398 = vector.broadcast %max3A_1397 : i32 to vector<16xi32>
      %max3A_1399 = arith.maxsi %select_n3A_1396, %max3A_1398 : vector<16xi32>
      %min3A_1400 = arith.constant 254 : i32
      %min3A_1401 = vector.broadcast %min3A_1400 : i32 to vector<16xi32>
      %min3A_1402 = arith.minsi %max3A_1399, %min3A_1401 : vector<16xi32>
      %add3A_1403 = arith.constant 1 : i32
      %add3A_1404 = vector.broadcast %add3A_1403 : i32 to vector<16xi32>
      %add3A_1405 = arith.addi %select_n3A_1396, %add3A_1404 : vector<16xi32>
      %max3A_1406 = arith.constant 0 : i32
      %max3A_1407 = vector.broadcast %max3A_1406 : i32 to vector<16xi32>
      %max3A_1408 = arith.maxsi %add3A_1405, %max3A_1407 : vector<16xi32>
      %min3A_1409 = arith.constant 254 : i32
      %min3A_1410 = vector.broadcast %min3A_1409 : i32 to vector<16xi32>
      %min3A_1411 = arith.minsi %max3A_1408, %min3A_1410 : vector<16xi32>
      %convert_element_type3A_1412 = arith.sitofp %min3A_1402 : vector<16xi32> to vector<16xf32>
      %mul3A_1413 = arith.constant 0.157480314 : f32
      %mul3A_1414 = vector.broadcast %mul3A_1413 : f32 to vector<16xf32>
      %mul3A_1415 = arith.mulf %convert_element_type3A_1412, %mul3A_1414 : vector<16xf32>
      %add3A_1416 = arith.constant -19.8425198 : f32
      %add3A_1417 = vector.broadcast %add3A_1416 : f32 to vector<16xf32>
      %add3A_1418 = arith.addf %add3A_1417, %mul3A_1415 : vector<16xf32>
      %sub3A_1419 = arith.subf %add3A_1418, %get3A_1383 : vector<16xf32>
      %abs3A_1420 = math.absf %sub3A_1419 : vector<16xf32>
      %mul3A_1421 = arith.constant 6.350000e+00 : f32
      %mul3A_1422 = vector.broadcast %mul3A_1421 : f32 to vector<16xf32>
      %mul3A_1423 = arith.mulf %abs3A_1420, %mul3A_1422 : vector<16xf32>
      %mul3A_1424 = arith.constant 0.157480314 : f32
      %mul3A_1425 = vector.broadcast %mul3A_1424 : f32 to vector<16xf32>
      %mul3A_1426 = arith.mulf %convert_element_type3A_1412, %mul3A_1425 : vector<16xf32>
      %add3A_1427 = arith.constant -2.000000e+01 : f32
      %add3A_1428 = vector.broadcast %add3A_1427 : f32 to vector<16xf32>
      %add3A_1429 = arith.addf %add3A_1428, %mul3A_1426 : vector<16xf32>
      %sub3A_1430 = arith.subf %add3A_1429, %get3A_1383 : vector<16xf32>
      %abs3A_1431 = math.absf %sub3A_1430 : vector<16xf32>
      %mul3A_1432 = arith.constant 6.350000e+00 : f32
      %mul3A_1433 = vector.broadcast %mul3A_1432 : f32 to vector<16xf32>
      %mul3A_1434 = arith.mulf %abs3A_1431, %mul3A_1433 : vector<16xf32>
      %eq3A_1435 = arith.cmpi eq, %select_n3A_1396, %min3A_1402 : vector<16xi32>
      %add3A_1436 = arith.constant 1 : i32
      %add3A_1437 = vector.broadcast %add3A_1436 : i32 to vector<16xi32>
      %add3A_1438 = arith.addi %select_n3A_1396, %add3A_1437 : vector<16xi32>
      %eq3A_1439 = arith.cmpi eq, %add3A_1438, %min3A_1411 : vector<16xi32>
      %add3A_1440 = arith.constant 16 : i32
      %add3A_1441 = vector.broadcast %add3A_1440 : i32 to vector<16xi32>
      %add3A_1442 = arith.addi %add3A_1441, %iota3A : vector<16xi32>
      tpu.vector_store_idx %arg5[%min3A_1402, %broadcast_in_dim3A_53, %add3A_1442], %mul3A_1423 masked %eq3A_1435 : memref<255x1x128xf32, #tpu.memory_space<vmem>>[vector<16xi32>, vector<16xi32>, vector<16xi32>], vector<16xf32>, vector<16xi1>
      tpu.vector_store_idx %arg5[%min3A_1411, %broadcast_in_dim3A_53, %add3A_1442], %mul3A_1434 masked %eq3A_1439 : memref<255x1x128xf32, #tpu.memory_space<vmem>>[vector<16xi32>, vector<16xi32>, vector<16xi32>], vector<16xf32>, vector<16xi1>
      %swap3A_1443 = arith.constant 16 : index
      %swap3A_1444 = tpu.vector_load %arg7[%swap3A_1443] {strides = array<i32>} : memref<256xi32, #tpu.memory_space<vmem>>, vector<16xi32>,
      tpu.vector_store %arg7[%swap3A_1443], %min3A_1402 {strides = array<i32>} : memref<256xi32, #tpu.memory_space<vmem>>, vector<16xi32>,
      %swap3A_1445 = arith.constant 144 : index
      %swap3A_1446 = tpu.vector_load %arg7[%swap3A_1445] {strides = array<i32>} : memref<256xi32, #tpu.memory_space<vmem>>, vector<16xi32>,
      tpu.vector_store %arg7[%swap3A_1445], %min3A_1411 {strides = array<i32>} : memref<256xi32, #tpu.memory_space<vmem>>, vector<16xi32>,
      %mul3A_1447 = arith.constant 128 : i32
      %mul3A_1448 = arith.muli %add3A_1238, %mul3A_1447 : i32
      %add3A_1449 = arith.constant 32 : i32
      %add3A_1450 = arith.addi %mul3A_1448, %add3A_1449 : i32
      %get3A_1451 = arith.index_cast %add3A_1450 : i32 to index
      %get3A_1452 = tpu.vector_load %arg4[%get3A_1451] {strides = array<i32>} : memref<16384xf32, #tpu.memory_space<vmem>>, vector<16xf32>,
      %sub3A_1453 = arith.constant -2.000000e+01 : f32
      %sub3A_1454 = vector.broadcast %sub3A_1453 : f32 to vector<16xf32>
      %sub3A_1455 = arith.subf %get3A_1452, %sub3A_1454 : vector<16xf32>
      %mul3A_1456 = arith.constant 6.350000e+00 : f32
      %mul3A_1457 = vector.broadcast %mul3A_1456 : f32 to vector<16xf32>
      %mul3A_1458 = arith.mulf %sub3A_1455, %mul3A_1457 : vector<16xf32>
      %convert_element_type3A_1459 = arith.fptosi %mul3A_1458 : vector<16xf32> to vector<16xi32>
      %convert_element_type3A_1460 = arith.sitofp %convert_element_type3A_1459 : vector<16xi32> to vector<16xf32>
      %gt3A_1461 = arith.cmpf ogt, %convert_element_type3A_1460, %mul3A_1458 : vector<16xf32>
      %sub3A_1462 = arith.constant 1 : i32
      %sub3A_1463 = vector.broadcast %sub3A_1462 : i32 to vector<16xi32>
      %sub3A_1464 = arith.subi %convert_element_type3A_1459, %sub3A_1463 : vector<16xi32>
      %select_n3A_1465 = arith.select %gt3A_1461, %sub3A_1464, %convert_element_type3A_1459 : vector<16xi1>, vector<16xi32>
      %max3A_1466 = arith.constant 0 : i32
      %max3A_1467 = vector.broadcast %max3A_1466 : i32 to vector<16xi32>
      %max3A_1468 = arith.maxsi %select_n3A_1465, %max3A_1467 : vector<16xi32>
      %min3A_1469 = arith.constant 254 : i32
      %min3A_1470 = vector.broadcast %min3A_1469 : i32 to vector<16xi32>
      %min3A_1471 = arith.minsi %max3A_1468, %min3A_1470 : vector<16xi32>
      %add3A_1472 = arith.constant 1 : i32
      %add3A_1473 = vector.broadcast %add3A_1472 : i32 to vector<16xi32>
      %add3A_1474 = arith.addi %select_n3A_1465, %add3A_1473 : vector<16xi32>
      %max3A_1475 = arith.constant 0 : i32
      %max3A_1476 = vector.broadcast %max3A_1475 : i32 to vector<16xi32>
      %max3A_1477 = arith.maxsi %add3A_1474, %max3A_1476 : vector<16xi32>
      %min3A_1478 = arith.constant 254 : i32
      %min3A_1479 = vector.broadcast %min3A_1478 : i32 to vector<16xi32>
      %min3A_1480 = arith.minsi %max3A_1477, %min3A_1479 : vector<16xi32>
      %convert_element_type3A_1481 = arith.sitofp %min3A_1471 : vector<16xi32> to vector<16xf32>
      %mul3A_1482 = arith.constant 0.157480314 : f32
      %mul3A_1483 = vector.broadcast %mul3A_1482 : f32 to vector<16xf32>
      %mul3A_1484 = arith.mulf %convert_element_type3A_1481, %mul3A_1483 : vector<16xf32>
      %add3A_1485 = arith.constant -19.8425198 : f32
      %add3A_1486 = vector.broadcast %add3A_1485 : f32 to vector<16xf32>
      %add3A_1487 = arith.addf %add3A_1486, %mul3A_1484 : vector<16xf32>
      %sub3A_1488 = arith.subf %add3A_1487, %get3A_1452 : vector<16xf32>
      %abs3A_1489 = math.absf %sub3A_1488 : vector<16xf32>
      %mul3A_1490 = arith.constant 6.350000e+00 : f32
      %mul3A_1491 = vector.broadcast %mul3A_1490 : f32 to vector<16xf32>
      %mul3A_1492 = arith.mulf %abs3A_1489, %mul3A_1491 : vector<16xf32>
      %mul3A_1493 = arith.constant 0.157480314 : f32
      %mul3A_1494 = vector.broadcast %mul3A_1493 : f32 to vector<16xf32>
      %mul3A_1495 = arith.mulf %convert_element_type3A_1481, %mul3A_1494 : vector<16xf32>
      %add3A_1496 = arith.constant -2.000000e+01 : f32
      %add3A_1497 = vector.broadcast %add3A_1496 : f32 to vector<16xf32>
      %add3A_1498 = arith.addf %add3A_1497, %mul3A_1495 : vector<16xf32>
      %sub3A_1499 = arith.subf %add3A_1498, %get3A_1452 : vector<16xf32>
      %abs3A_1500 = math.absf %sub3A_1499 : vector<16xf32>
      %mul3A_1501 = arith.constant 6.350000e+00 : f32
      %mul3A_1502 = vector.broadcast %mul3A_1501 : f32 to vector<16xf32>
      %mul3A_1503 = arith.mulf %abs3A_1500, %mul3A_1502 : vector<16xf32>
      %eq3A_1504 = arith.cmpi eq, %select_n3A_1465, %min3A_1471 : vector<16xi32>
      %add3A_1505 = arith.constant 1 : i32
      %add3A_1506 = vector.broadcast %add3A_1505 : i32 to vector<16xi32>
      %add3A_1507 = arith.addi %select_n3A_1465, %add3A_1506 : vector<16xi32>
      %eq3A_1508 = arith.cmpi eq, %add3A_1507, %min3A_1480 : vector<16xi32>
      %add3A_1509 = arith.constant 32 : i32
      %add3A_1510 = vector.broadcast %add3A_1509 : i32 to vector<16xi32>
      %add3A_1511 = arith.addi %add3A_1510, %iota3A : vector<16xi32>
      tpu.vector_store_idx %arg5[%min3A_1471, %broadcast_in_dim3A_53, %add3A_1511], %mul3A_1492 masked %eq3A_1504 : memref<255x1x128xf32, #tpu.memory_space<vmem>>[vector<16xi32>, vector<16xi32>, vector<16xi32>], vector<16xf32>, vector<16xi1>
      tpu.vector_store_idx %arg5[%min3A_1480, %broadcast_in_dim3A_53, %add3A_1511], %mul3A_1503 masked %eq3A_1508 : memref<255x1x128xf32, #tpu.memory_space<vmem>>[vector<16xi32>, vector<16xi32>, vector<16xi32>], vector<16xf32>, vector<16xi1>
      %swap3A_1512 = arith.constant 32 : index
      %swap3A_1513 = tpu.vector_load %arg7[%swap3A_1512] {strides = array<i32>} : memref<256xi32, #tpu.memory_space<vmem>>, vector<16xi32>,
      tpu.vector_store %arg7[%swap3A_1512], %min3A_1471 {strides = array<i32>} : memref<256xi32, #tpu.memory_space<vmem>>, vector<16xi32>,
      %swap3A_1514 = arith.constant 160 : index
      %swap3A_1515 = tpu.vector_load %arg7[%swap3A_1514] {strides = array<i32>} : memref<256xi32, #tpu.memory_space<vmem>>, vector<16xi32>,
      tpu.vector_store %arg7[%swap3A_1514], %min3A_1480 {strides = array<i32>} : memref<256xi32, #tpu.memory_space<vmem>>, vector<16xi32>,
      %mul3A_1516 = arith.constant 128 : i32
      %mul3A_1517 = arith.muli %add3A_1238, %mul3A_1516 : i32
      %add3A_1518 = arith.constant 48 : i32
      %add3A_1519 = arith.addi %mul3A_1517, %add3A_1518 : i32
      %get3A_1520 = arith.index_cast %add3A_1519 : i32 to index
      %get3A_1521 = tpu.vector_load %arg4[%get3A_1520] {strides = array<i32>} : memref<16384xf32, #tpu.memory_space<vmem>>, vector<16xf32>,
      %sub3A_1522 = arith.constant -2.000000e+01 : f32
      %sub3A_1523 = vector.broadcast %sub3A_1522 : f32 to vector<16xf32>
      %sub3A_1524 = arith.subf %get3A_1521, %sub3A_1523 : vector<16xf32>
      %mul3A_1525 = arith.constant 6.350000e+00 : f32
      %mul3A_1526 = vector.broadcast %mul3A_1525 : f32 to vector<16xf32>
      %mul3A_1527 = arith.mulf %sub3A_1524, %mul3A_1526 : vector<16xf32>
      %convert_element_type3A_1528 = arith.fptosi %mul3A_1527 : vector<16xf32> to vector<16xi32>
      %convert_element_type3A_1529 = arith.sitofp %convert_element_type3A_1528 : vector<16xi32> to vector<16xf32>
      %gt3A_1530 = arith.cmpf ogt, %convert_element_type3A_1529, %mul3A_1527 : vector<16xf32>
      %sub3A_1531 = arith.constant 1 : i32
      %sub3A_1532 = vector.broadcast %sub3A_1531 : i32 to vector<16xi32>
      %sub3A_1533 = arith.subi %convert_element_type3A_1528, %sub3A_1532 : vector<16xi32>
      %select_n3A_1534 = arith.select %gt3A_1530, %sub3A_1533, %convert_element_type3A_1528 : vector<16xi1>, vector<16xi32>
      %max3A_1535 = arith.constant 0 : i32
      %max3A_1536 = vector.broadcast %max3A_1535 : i32 to vector<16xi32>
      %max3A_1537 = arith.maxsi %select_n3A_1534, %max3A_1536 : vector<16xi32>
      %min3A_1538 = arith.constant 254 : i32
      %min3A_1539 = vector.broadcast %min3A_1538 : i32 to vector<16xi32>
      %min3A_1540 = arith.minsi %max3A_1537, %min3A_1539 : vector<16xi32>
      %add3A_1541 = arith.constant 1 : i32
      %add3A_1542 = vector.broadcast %add3A_1541 : i32 to vector<16xi32>
      %add3A_1543 = arith.addi %select_n3A_1534, %add3A_1542 : vector<16xi32>
      %max3A_1544 = arith.constant 0 : i32
      %max3A_1545 = vector.broadcast %max3A_1544 : i32 to vector<16xi32>
      %max3A_1546 = arith.maxsi %add3A_1543, %max3A_1545 : vector<16xi32>
      %min3A_1547 = arith.constant 254 : i32
      %min3A_1548 = vector.broadcast %min3A_1547 : i32 to vector<16xi32>
      %min3A_1549 = arith.minsi %max3A_1546, %min3A_1548 : vector<16xi32>
      %convert_element_type3A_1550 = arith.sitofp %min3A_1540 : vector<16xi32> to vector<16xf32>
      %mul3A_1551 = arith.constant 0.157480314 : f32
      %mul3A_1552 = vector.broadcast %mul3A_1551 : f32 to vector<16xf32>
      %mul3A_1553 = arith.mulf %convert_element_type3A_1550, %mul3A_1552 : vector<16xf32>
      %add3A_1554 = arith.constant -19.8425198 : f32
      %add3A_1555 = vector.broadcast %add3A_1554 : f32 to vector<16xf32>
      %add3A_1556 = arith.addf %add3A_1555, %mul3A_1553 : vector<16xf32>
      %sub3A_1557 = arith.subf %add3A_1556, %get3A_1521 : vector<16xf32>
      %abs3A_1558 = math.absf %sub3A_1557 : vector<16xf32>
      %mul3A_1559 = arith.constant 6.350000e+00 : f32
      %mul3A_1560 = vector.broadcast %mul3A_1559 : f32 to vector<16xf32>
      %mul3A_1561 = arith.mulf %abs3A_1558, %mul3A_1560 : vector<16xf32>
      %mul3A_1562 = arith.constant 0.157480314 : f32
      %mul3A_1563 = vector.broadcast %mul3A_1562 : f32 to vector<16xf32>
      %mul3A_1564 = arith.mulf %convert_element_type3A_1550, %mul3A_1563 : vector<16xf32>
      %add3A_1565 = arith.constant -2.000000e+01 : f32
      %add3A_1566 = vector.broadcast %add3A_1565 : f32 to vector<16xf32>
      %add3A_1567 = arith.addf %add3A_1566, %mul3A_1564 : vector<16xf32>
      %sub3A_1568 = arith.subf %add3A_1567, %get3A_1521 : vector<16xf32>
      %abs3A_1569 = math.absf %sub3A_1568 : vector<16xf32>
      %mul3A_1570 = arith.constant 6.350000e+00 : f32
      %mul3A_1571 = vector.broadcast %mul3A_1570 : f32 to vector<16xf32>
      %mul3A_1572 = arith.mulf %abs3A_1569, %mul3A_1571 : vector<16xf32>
      %eq3A_1573 = arith.cmpi eq, %select_n3A_1534, %min3A_1540 : vector<16xi32>
      %add3A_1574 = arith.constant 1 : i32
      %add3A_1575 = vector.broadcast %add3A_1574 : i32 to vector<16xi32>
      %add3A_1576 = arith.addi %select_n3A_1534, %add3A_1575 : vector<16xi32>
      %eq3A_1577 = arith.cmpi eq, %add3A_1576, %min3A_1549 : vector<16xi32>
      %add3A_1578 = arith.constant 48 : i32
      %add3A_1579 = vector.broadcast %add3A_1578 : i32 to vector<16xi32>
      %add3A_1580 = arith.addi %add3A_1579, %iota3A : vector<16xi32>
      tpu.vector_store_idx %arg5[%min3A_1540, %broadcast_in_dim3A_53, %add3A_1580], %mul3A_1561 masked %eq3A_1573 : memref<255x1x128xf32, #tpu.memory_space<vmem>>[vector<16xi32>, vector<16xi32>, vector<16xi32>], vector<16xf32>, vector<16xi1>
      tpu.vector_store_idx %arg5[%min3A_1549, %broadcast_in_dim3A_53, %add3A_1580], %mul3A_1572 masked %eq3A_1577 : memref<255x1x128xf32, #tpu.memory_space<vmem>>[vector<16xi32>, vector<16xi32>, vector<16xi32>], vector<16xf32>, vector<16xi1>
      %swap3A_1581 = arith.constant 48 : index
      %swap3A_1582 = tpu.vector_load %arg7[%swap3A_1581] {strides = array<i32>} : memref<256xi32, #tpu.memory_space<vmem>>, vector<16xi32>,
      tpu.vector_store %arg7[%swap3A_1581], %min3A_1540 {strides = array<i32>} : memref<256xi32, #tpu.memory_space<vmem>>, vector<16xi32>,
      %swap3A_1583 = arith.constant 176 : index
      %swap3A_1584 = tpu.vector_load %arg7[%swap3A_1583] {strides = array<i32>} : memref<256xi32, #tpu.memory_space<vmem>>, vector<16xi32>,
      tpu.vector_store %arg7[%swap3A_1583], %min3A_1549 {strides = array<i32>} : memref<256xi32, #tpu.memory_space<vmem>>, vector<16xi32>,
      %mul3A_1585 = arith.constant 128 : i32
      %mul3A_1586 = arith.muli %add3A_1238, %mul3A_1585 : i32
      %add3A_1587 = arith.constant 64 : i32
      %add3A_1588 = arith.addi %mul3A_1586, %add3A_1587 : i32
      %get3A_1589 = arith.index_cast %add3A_1588 : i32 to index
      %get3A_1590 = tpu.vector_load %arg4[%get3A_1589] {strides = array<i32>} : memref<16384xf32, #tpu.memory_space<vmem>>, vector<16xf32>,
      %sub3A_1591 = arith.constant -2.000000e+01 : f32
      %sub3A_1592 = vector.broadcast %sub3A_1591 : f32 to vector<16xf32>
      %sub3A_1593 = arith.subf %get3A_1590, %sub3A_1592 : vector<16xf32>
      %mul3A_1594 = arith.constant 6.350000e+00 : f32
      %mul3A_1595 = vector.broadcast %mul3A_1594 : f32 to vector<16xf32>
      %mul3A_1596 = arith.mulf %sub3A_1593, %mul3A_1595 : vector<16xf32>
      %convert_element_type3A_1597 = arith.fptosi %mul3A_1596 : vector<16xf32> to vector<16xi32>
      %convert_element_type3A_1598 = arith.sitofp %convert_element_type3A_1597 : vector<16xi32> to vector<16xf32>
      %gt3A_1599 = arith.cmpf ogt, %convert_element_type3A_1598, %mul3A_1596 : vector<16xf32>
      %sub3A_1600 = arith.constant 1 : i32
      %sub3A_1601 = vector.broadcast %sub3A_1600 : i32 to vector<16xi32>
      %sub3A_1602 = arith.subi %convert_element_type3A_1597, %sub3A_1601 : vector<16xi32>
      %select_n3A_1603 = arith.select %gt3A_1599, %sub3A_1602, %convert_element_type3A_1597 : vector<16xi1>, vector<16xi32>
      %max3A_1604 = arith.constant 0 : i32
      %max3A_1605 = vector.broadcast %max3A_1604 : i32 to vector<16xi32>
      %max3A_1606 = arith.maxsi %select_n3A_1603, %max3A_1605 : vector<16xi32>
      %min3A_1607 = arith.constant 254 : i32
      %min3A_1608 = vector.broadcast %min3A_1607 : i32 to vector<16xi32>
      %min3A_1609 = arith.minsi %max3A_1606, %min3A_1608 : vector<16xi32>
      %add3A_1610 = arith.constant 1 : i32
      %add3A_1611 = vector.broadcast %add3A_1610 : i32 to vector<16xi32>
      %add3A_1612 = arith.addi %select_n3A_1603, %add3A_1611 : vector<16xi32>
      %max3A_1613 = arith.constant 0 : i32
      %max3A_1614 = vector.broadcast %max3A_1613 : i32 to vector<16xi32>
      %max3A_1615 = arith.maxsi %add3A_1612, %max3A_1614 : vector<16xi32>
      %min3A_1616 = arith.constant 254 : i32
      %min3A_1617 = vector.broadcast %min3A_1616 : i32 to vector<16xi32>
      %min3A_1618 = arith.minsi %max3A_1615, %min3A_1617 : vector<16xi32>
      %convert_element_type3A_1619 = arith.sitofp %min3A_1609 : vector<16xi32> to vector<16xf32>
      %mul3A_1620 = arith.constant 0.157480314 : f32
      %mul3A_1621 = vector.broadcast %mul3A_1620 : f32 to vector<16xf32>
      %mul3A_1622 = arith.mulf %convert_element_type3A_1619, %mul3A_1621 : vector<16xf32>
      %add3A_1623 = arith.constant -19.8425198 : f32
      %add3A_1624 = vector.broadcast %add3A_1623 : f32 to vector<16xf32>
      %add3A_1625 = arith.addf %add3A_1624, %mul3A_1622 : vector<16xf32>
      %sub3A_1626 = arith.subf %add3A_1625, %get3A_1590 : vector<16xf32>
      %abs3A_1627 = math.absf %sub3A_1626 : vector<16xf32>
      %mul3A_1628 = arith.constant 6.350000e+00 : f32
      %mul3A_1629 = vector.broadcast %mul3A_1628 : f32 to vector<16xf32>
      %mul3A_1630 = arith.mulf %abs3A_1627, %mul3A_1629 : vector<16xf32>
      %mul3A_1631 = arith.constant 0.157480314 : f32
      %mul3A_1632 = vector.broadcast %mul3A_1631 : f32 to vector<16xf32>
      %mul3A_1633 = arith.mulf %convert_element_type3A_1619, %mul3A_1632 : vector<16xf32>
      %add3A_1634 = arith.constant -2.000000e+01 : f32
      %add3A_1635 = vector.broadcast %add3A_1634 : f32 to vector<16xf32>
      %add3A_1636 = arith.addf %add3A_1635, %mul3A_1633 : vector<16xf32>
      %sub3A_1637 = arith.subf %add3A_1636, %get3A_1590 : vector<16xf32>
      %abs3A_1638 = math.absf %sub3A_1637 : vector<16xf32>
      %mul3A_1639 = arith.constant 6.350000e+00 : f32
      %mul3A_1640 = vector.broadcast %mul3A_1639 : f32 to vector<16xf32>
      %mul3A_1641 = arith.mulf %abs3A_1638, %mul3A_1640 : vector<16xf32>
      %eq3A_1642 = arith.cmpi eq, %select_n3A_1603, %min3A_1609 : vector<16xi32>
      %add3A_1643 = arith.constant 1 : i32
      %add3A_1644 = vector.broadcast %add3A_1643 : i32 to vector<16xi32>
      %add3A_1645 = arith.addi %select_n3A_1603, %add3A_1644 : vector<16xi32>
      %eq3A_1646 = arith.cmpi eq, %add3A_1645, %min3A_1618 : vector<16xi32>
      %add3A_1647 = arith.constant 64 : i32
      %add3A_1648 = vector.broadcast %add3A_1647 : i32 to vector<16xi32>
      %add3A_1649 = arith.addi %add3A_1648, %iota3A : vector<16xi32>
      tpu.vector_store_idx %arg5[%min3A_1609, %broadcast_in_dim3A_53, %add3A_1649], %mul3A_1630 masked %eq3A_1642 : memref<255x1x128xf32, #tpu.memory_space<vmem>>[vector<16xi32>, vector<16xi32>, vector<16xi32>], vector<16xf32>, vector<16xi1>
      tpu.vector_store_idx %arg5[%min3A_1618, %broadcast_in_dim3A_53, %add3A_1649], %mul3A_1641 masked %eq3A_1646 : memref<255x1x128xf32, #tpu.memory_space<vmem>>[vector<16xi32>, vector<16xi32>, vector<16xi32>], vector<16xf32>, vector<16xi1>
      %swap3A_1650 = arith.constant 64 : index
      %swap3A_1651 = tpu.vector_load %arg7[%swap3A_1650] {strides = array<i32>} : memref<256xi32, #tpu.memory_space<vmem>>, vector<16xi32>,
      tpu.vector_store %arg7[%swap3A_1650], %min3A_1609 {strides = array<i32>} : memref<256xi32, #tpu.memory_space<vmem>>, vector<16xi32>,
      %swap3A_1652 = arith.constant 192 : index
      %swap3A_1653 = tpu.vector_load %arg7[%swap3A_1652] {strides = array<i32>} : memref<256xi32, #tpu.memory_space<vmem>>, vector<16xi32>,
      tpu.vector_store %arg7[%swap3A_1652], %min3A_1618 {strides = array<i32>} : memref<256xi32, #tpu.memory_space<vmem>>, vector<16xi32>,
      %mul3A_1654 = arith.constant 128 : i32
      %mul3A_1655 = arith.muli %add3A_1238, %mul3A_1654 : i32
      %add3A_1656 = arith.constant 80 : i32
      %add3A_1657 = arith.addi %mul3A_1655, %add3A_1656 : i32
      %get3A_1658 = arith.index_cast %add3A_1657 : i32 to index
      %get3A_1659 = tpu.vector_load %arg4[%get3A_1658] {strides = array<i32>} : memref<16384xf32, #tpu.memory_space<vmem>>, vector<16xf32>,
      %sub3A_1660 = arith.constant -2.000000e+01 : f32
      %sub3A_1661 = vector.broadcast %sub3A_1660 : f32 to vector<16xf32>
      %sub3A_1662 = arith.subf %get3A_1659, %sub3A_1661 : vector<16xf32>
      %mul3A_1663 = arith.constant 6.350000e+00 : f32
      %mul3A_1664 = vector.broadcast %mul3A_1663 : f32 to vector<16xf32>
      %mul3A_1665 = arith.mulf %sub3A_1662, %mul3A_1664 : vector<16xf32>
      %convert_element_type3A_1666 = arith.fptosi %mul3A_1665 : vector<16xf32> to vector<16xi32>
      %convert_element_type3A_1667 = arith.sitofp %convert_element_type3A_1666 : vector<16xi32> to vector<16xf32>
      %gt3A_1668 = arith.cmpf ogt, %convert_element_type3A_1667, %mul3A_1665 : vector<16xf32>
      %sub3A_1669 = arith.constant 1 : i32
      %sub3A_1670 = vector.broadcast %sub3A_1669 : i32 to vector<16xi32>
      %sub3A_1671 = arith.subi %convert_element_type3A_1666, %sub3A_1670 : vector<16xi32>
      %select_n3A_1672 = arith.select %gt3A_1668, %sub3A_1671, %convert_element_type3A_1666 : vector<16xi1>, vector<16xi32>
      %max3A_1673 = arith.constant 0 : i32
      %max3A_1674 = vector.broadcast %max3A_1673 : i32 to vector<16xi32>
      %max3A_1675 = arith.maxsi %select_n3A_1672, %max3A_1674 : vector<16xi32>
      %min3A_1676 = arith.constant 254 : i32
      %min3A_1677 = vector.broadcast %min3A_1676 : i32 to vector<16xi32>
      %min3A_1678 = arith.minsi %max3A_1675, %min3A_1677 : vector<16xi32>
      %add3A_1679 = arith.constant 1 : i32
      %add3A_1680 = vector.broadcast %add3A_1679 : i32 to vector<16xi32>
      %add3A_1681 = arith.addi %select_n3A_1672, %add3A_1680 : vector<16xi32>
      %max3A_1682 = arith.constant 0 : i32
      %max3A_1683 = vector.broadcast %max3A_1682 : i32 to vector<16xi32>
      %max3A_1684 = arith.maxsi %add3A_1681, %max3A_1683 : vector<16xi32>
      %min3A_1685 = arith.constant 254 : i32
      %min3A_1686 = vector.broadcast %min3A_1685 : i32 to vector<16xi32>
      %min3A_1687 = arith.minsi %max3A_1684, %min3A_1686 : vector<16xi32>
      %convert_element_type3A_1688 = arith.sitofp %min3A_1678 : vector<16xi32> to vector<16xf32>
      %mul3A_1689 = arith.constant 0.157480314 : f32
      %mul3A_1690 = vector.broadcast %mul3A_1689 : f32 to vector<16xf32>
      %mul3A_1691 = arith.mulf %convert_element_type3A_1688, %mul3A_1690 : vector<16xf32>
      %add3A_1692 = arith.constant -19.8425198 : f32
      %add3A_1693 = vector.broadcast %add3A_1692 : f32 to vector<16xf32>
      %add3A_1694 = arith.addf %add3A_1693, %mul3A_1691 : vector<16xf32>
      %sub3A_1695 = arith.subf %add3A_1694, %get3A_1659 : vector<16xf32>
      %abs3A_1696 = math.absf %sub3A_1695 : vector<16xf32>
      %mul3A_1697 = arith.constant 6.350000e+00 : f32
      %mul3A_1698 = vector.broadcast %mul3A_1697 : f32 to vector<16xf32>
      %mul3A_1699 = arith.mulf %abs3A_1696, %mul3A_1698 : vector<16xf32>
      %mul3A_1700 = arith.constant 0.157480314 : f32
      %mul3A_1701 = vector.broadcast %mul3A_1700 : f32 to vector<16xf32>
      %mul3A_1702 = arith.mulf %convert_element_type3A_1688, %mul3A_1701 : vector<16xf32>
      %add3A_1703 = arith.constant -2.000000e+01 : f32
      %add3A_1704 = vector.broadcast %add3A_1703 : f32 to vector<16xf32>
      %add3A_1705 = arith.addf %add3A_1704, %mul3A_1702 : vector<16xf32>
      %sub3A_1706 = arith.subf %add3A_1705, %get3A_1659 : vector<16xf32>
      %abs3A_1707 = math.absf %sub3A_1706 : vector<16xf32>
      %mul3A_1708 = arith.constant 6.350000e+00 : f32
      %mul3A_1709 = vector.broadcast %mul3A_1708 : f32 to vector<16xf32>
      %mul3A_1710 = arith.mulf %abs3A_1707, %mul3A_1709 : vector<16xf32>
      %eq3A_1711 = arith.cmpi eq, %select_n3A_1672, %min3A_1678 : vector<16xi32>
      %add3A_1712 = arith.constant 1 : i32
      %add3A_1713 = vector.broadcast %add3A_1712 : i32 to vector<16xi32>
      %add3A_1714 = arith.addi %select_n3A_1672, %add3A_1713 : vector<16xi32>
      %eq3A_1715 = arith.cmpi eq, %add3A_1714, %min3A_1687 : vector<16xi32>
      %add3A_1716 = arith.constant 80 : i32
      %add3A_1717 = vector.broadcast %add3A_1716 : i32 to vector<16xi32>
      %add3A_1718 = arith.addi %add3A_1717, %iota3A : vector<16xi32>
      tpu.vector_store_idx %arg5[%min3A_1678, %broadcast_in_dim3A_53, %add3A_1718], %mul3A_1699 masked %eq3A_1711 : memref<255x1x128xf32, #tpu.memory_space<vmem>>[vector<16xi32>, vector<16xi32>, vector<16xi32>], vector<16xf32>, vector<16xi1>
      tpu.vector_store_idx %arg5[%min3A_1687, %broadcast_in_dim3A_53, %add3A_1718], %mul3A_1710 masked %eq3A_1715 : memref<255x1x128xf32, #tpu.memory_space<vmem>>[vector<16xi32>, vector<16xi32>, vector<16xi32>], vector<16xf32>, vector<16xi1>
      %swap3A_1719 = arith.constant 80 : index
      %swap3A_1720 = tpu.vector_load %arg7[%swap3A_1719] {strides = array<i32>} : memref<256xi32, #tpu.memory_space<vmem>>, vector<16xi32>,
      tpu.vector_store %arg7[%swap3A_1719], %min3A_1678 {strides = array<i32>} : memref<256xi32, #tpu.memory_space<vmem>>, vector<16xi32>,
      %swap3A_1721 = arith.constant 208 : index
      %swap3A_1722 = tpu.vector_load %arg7[%swap3A_1721] {strides = array<i32>} : memref<256xi32, #tpu.memory_space<vmem>>, vector<16xi32>,
      tpu.vector_store %arg7[%swap3A_1721], %min3A_1687 {strides = array<i32>} : memref<256xi32, #tpu.memory_space<vmem>>, vector<16xi32>,
      %mul3A_1723 = arith.constant 128 : i32
      %mul3A_1724 = arith.muli %add3A_1238, %mul3A_1723 : i32
      %add3A_1725 = arith.constant 96 : i32
      %add3A_1726 = arith.addi %mul3A_1724, %add3A_1725 : i32
      %get3A_1727 = arith.index_cast %add3A_1726 : i32 to index
      %get3A_1728 = tpu.vector_load %arg4[%get3A_1727] {strides = array<i32>} : memref<16384xf32, #tpu.memory_space<vmem>>, vector<16xf32>,
      %sub3A_1729 = arith.constant -2.000000e+01 : f32
      %sub3A_1730 = vector.broadcast %sub3A_1729 : f32 to vector<16xf32>
      %sub3A_1731 = arith.subf %get3A_1728, %sub3A_1730 : vector<16xf32>
      %mul3A_1732 = arith.constant 6.350000e+00 : f32
      %mul3A_1733 = vector.broadcast %mul3A_1732 : f32 to vector<16xf32>
      %mul3A_1734 = arith.mulf %sub3A_1731, %mul3A_1733 : vector<16xf32>
      %convert_element_type3A_1735 = arith.fptosi %mul3A_1734 : vector<16xf32> to vector<16xi32>
      %convert_element_type3A_1736 = arith.sitofp %convert_element_type3A_1735 : vector<16xi32> to vector<16xf32>
      %gt3A_1737 = arith.cmpf ogt, %convert_element_type3A_1736, %mul3A_1734 : vector<16xf32>
      %sub3A_1738 = arith.constant 1 : i32
      %sub3A_1739 = vector.broadcast %sub3A_1738 : i32 to vector<16xi32>
      %sub3A_1740 = arith.subi %convert_element_type3A_1735, %sub3A_1739 : vector<16xi32>
      %select_n3A_1741 = arith.select %gt3A_1737, %sub3A_1740, %convert_element_type3A_1735 : vector<16xi1>, vector<16xi32>
      %max3A_1742 = arith.constant 0 : i32
      %max3A_1743 = vector.broadcast %max3A_1742 : i32 to vector<16xi32>
      %max3A_1744 = arith.maxsi %select_n3A_1741, %max3A_1743 : vector<16xi32>
      %min3A_1745 = arith.constant 254 : i32
      %min3A_1746 = vector.broadcast %min3A_1745 : i32 to vector<16xi32>
      %min3A_1747 = arith.minsi %max3A_1744, %min3A_1746 : vector<16xi32>
      %add3A_1748 = arith.constant 1 : i32
      %add3A_1749 = vector.broadcast %add3A_1748 : i32 to vector<16xi32>
      %add3A_1750 = arith.addi %select_n3A_1741, %add3A_1749 : vector<16xi32>
      %max3A_1751 = arith.constant 0 : i32
      %max3A_1752 = vector.broadcast %max3A_1751 : i32 to vector<16xi32>
      %max3A_1753 = arith.maxsi %add3A_1750, %max3A_1752 : vector<16xi32>
      %min3A_1754 = arith.constant 254 : i32
      %min3A_1755 = vector.broadcast %min3A_1754 : i32 to vector<16xi32>
      %min3A_1756 = arith.minsi %max3A_1753, %min3A_1755 : vector<16xi32>
      %convert_element_type3A_1757 = arith.sitofp %min3A_1747 : vector<16xi32> to vector<16xf32>
      %mul3A_1758 = arith.constant 0.157480314 : f32
      %mul3A_1759 = vector.broadcast %mul3A_1758 : f32 to vector<16xf32>
      %mul3A_1760 = arith.mulf %convert_element_type3A_1757, %mul3A_1759 : vector<16xf32>
      %add3A_1761 = arith.constant -19.8425198 : f32
      %add3A_1762 = vector.broadcast %add3A_1761 : f32 to vector<16xf32>
      %add3A_1763 = arith.addf %add3A_1762, %mul3A_1760 : vector<16xf32>
      %sub3A_1764 = arith.subf %add3A_1763, %get3A_1728 : vector<16xf32>
      %abs3A_1765 = math.absf %sub3A_1764 : vector<16xf32>
      %mul3A_1766 = arith.constant 6.350000e+00 : f32
      %mul3A_1767 = vector.broadcast %mul3A_1766 : f32 to vector<16xf32>
      %mul3A_1768 = arith.mulf %abs3A_1765, %mul3A_1767 : vector<16xf32>
      %mul3A_1769 = arith.constant 0.157480314 : f32
      %mul3A_1770 = vector.broadcast %mul3A_1769 : f32 to vector<16xf32>
      %mul3A_1771 = arith.mulf %convert_element_type3A_1757, %mul3A_1770 : vector<16xf32>
      %add3A_1772 = arith.constant -2.000000e+01 : f32
      %add3A_1773 = vector.broadcast %add3A_1772 : f32 to vector<16xf32>
      %add3A_1774 = arith.addf %add3A_1773, %mul3A_1771 : vector<16xf32>
      %sub3A_1775 = arith.subf %add3A_1774, %get3A_1728 : vector<16xf32>
      %abs3A_1776 = math.absf %sub3A_1775 : vector<16xf32>
      %mul3A_1777 = arith.constant 6.350000e+00 : f32
      %mul3A_1778 = vector.broadcast %mul3A_1777 : f32 to vector<16xf32>
      %mul3A_1779 = arith.mulf %abs3A_1776, %mul3A_1778 : vector<16xf32>
      %eq3A_1780 = arith.cmpi eq, %select_n3A_1741, %min3A_1747 : vector<16xi32>
      %add3A_1781 = arith.constant 1 : i32
      %add3A_1782 = vector.broadcast %add3A_1781 : i32 to vector<16xi32>
      %add3A_1783 = arith.addi %select_n3A_1741, %add3A_1782 : vector<16xi32>
      %eq3A_1784 = arith.cmpi eq, %add3A_1783, %min3A_1756 : vector<16xi32>
      %add3A_1785 = arith.constant 96 : i32
      %add3A_1786 = vector.broadcast %add3A_1785 : i32 to vector<16xi32>
      %add3A_1787 = arith.addi %add3A_1786, %iota3A : vector<16xi32>
      tpu.vector_store_idx %arg5[%min3A_1747, %broadcast_in_dim3A_53, %add3A_1787], %mul3A_1768 masked %eq3A_1780 : memref<255x1x128xf32, #tpu.memory_space<vmem>>[vector<16xi32>, vector<16xi32>, vector<16xi32>], vector<16xf32>, vector<16xi1>
      tpu.vector_store_idx %arg5[%min3A_1756, %broadcast_in_dim3A_53, %add3A_1787], %mul3A_1779 masked %eq3A_1784 : memref<255x1x128xf32, #tpu.memory_space<vmem>>[vector<16xi32>, vector<16xi32>, vector<16xi32>], vector<16xf32>, vector<16xi1>
      %swap3A_1788 = arith.constant 96 : index
      %swap3A_1789 = tpu.vector_load %arg7[%swap3A_1788] {strides = array<i32>} : memref<256xi32, #tpu.memory_space<vmem>>, vector<16xi32>,
      tpu.vector_store %arg7[%swap3A_1788], %min3A_1747 {strides = array<i32>} : memref<256xi32, #tpu.memory_space<vmem>>, vector<16xi32>,
      %swap3A_1790 = arith.constant 224 : index
      %swap3A_1791 = tpu.vector_load %arg7[%swap3A_1790] {strides = array<i32>} : memref<256xi32, #tpu.memory_space<vmem>>, vector<16xi32>,
      tpu.vector_store %arg7[%swap3A_1790], %min3A_1756 {strides = array<i32>} : memref<256xi32, #tpu.memory_space<vmem>>, vector<16xi32>,
      %mul3A_1792 = arith.constant 128 : i32
      %mul3A_1793 = arith.muli %add3A_1238, %mul3A_1792 : i32
      %add3A_1794 = arith.constant 112 : i32
      %add3A_1795 = arith.addi %mul3A_1793, %add3A_1794 : i32
      %get3A_1796 = arith.index_cast %add3A_1795 : i32 to index
      %get3A_1797 = tpu.vector_load %arg4[%get3A_1796] {strides = array<i32>} : memref<16384xf32, #tpu.memory_space<vmem>>, vector<16xf32>,
      %sub3A_1798 = arith.constant -2.000000e+01 : f32
      %sub3A_1799 = vector.broadcast %sub3A_1798 : f32 to vector<16xf32>
      %sub3A_1800 = arith.subf %get3A_1797, %sub3A_1799 : vector<16xf32>
      %mul3A_1801 = arith.constant 6.350000e+00 : f32
      %mul3A_1802 = vector.broadcast %mul3A_1801 : f32 to vector<16xf32>
      %mul3A_1803 = arith.mulf %sub3A_1800, %mul3A_1802 : vector<16xf32>
      %convert_element_type3A_1804 = arith.fptosi %mul3A_1803 : vector<16xf32> to vector<16xi32>
      %convert_element_type3A_1805 = arith.sitofp %convert_element_type3A_1804 : vector<16xi32> to vector<16xf32>
      %gt3A_1806 = arith.cmpf ogt, %convert_element_type3A_1805, %mul3A_1803 : vector<16xf32>
      %sub3A_1807 = arith.constant 1 : i32
      %sub3A_1808 = vector.broadcast %sub3A_1807 : i32 to vector<16xi32>
      %sub3A_1809 = arith.subi %convert_element_type3A_1804, %sub3A_1808 : vector<16xi32>
      %select_n3A_1810 = arith.select %gt3A_1806, %sub3A_1809, %convert_element_type3A_1804 : vector<16xi1>, vector<16xi32>
      %max3A_1811 = arith.constant 0 : i32
      %max3A_1812 = vector.broadcast %max3A_1811 : i32 to vector<16xi32>
      %max3A_1813 = arith.maxsi %select_n3A_1810, %max3A_1812 : vector<16xi32>
      %min3A_1814 = arith.constant 254 : i32
      %min3A_1815 = vector.broadcast %min3A_1814 : i32 to vector<16xi32>
      %min3A_1816 = arith.minsi %max3A_1813, %min3A_1815 : vector<16xi32>
      %add3A_1817 = arith.constant 1 : i32
      %add3A_1818 = vector.broadcast %add3A_1817 : i32 to vector<16xi32>
      %add3A_1819 = arith.addi %select_n3A_1810, %add3A_1818 : vector<16xi32>
      %max3A_1820 = arith.constant 0 : i32
      %max3A_1821 = vector.broadcast %max3A_1820 : i32 to vector<16xi32>
      %max3A_1822 = arith.maxsi %add3A_1819, %max3A_1821 : vector<16xi32>
      %min3A_1823 = arith.constant 254 : i32
      %min3A_1824 = vector.broadcast %min3A_1823 : i32 to vector<16xi32>
      %min3A_1825 = arith.minsi %max3A_1822, %min3A_1824 : vector<16xi32>
      %convert_element_type3A_1826 = arith.sitofp %min3A_1816 : vector<16xi32> to vector<16xf32>
      %mul3A_1827 = arith.constant 0.157480314 : f32
      %mul3A_1828 = vector.broadcast %mul3A_1827 : f32 to vector<16xf32>
      %mul3A_1829 = arith.mulf %convert_element_type3A_1826, %mul3A_1828 : vector<16xf32>
      %add3A_1830 = arith.constant -19.8425198 : f32
      %add3A_1831 = vector.broadcast %add3A_1830 : f32 to vector<16xf32>
      %add3A_1832 = arith.addf %add3A_1831, %mul3A_1829 : vector<16xf32>
      %sub3A_1833 = arith.subf %add3A_1832, %get3A_1797 : vector<16xf32>
      %abs3A_1834 = math.absf %sub3A_1833 : vector<16xf32>
      %mul3A_1835 = arith.constant 6.350000e+00 : f32
      %mul3A_1836 = vector.broadcast %mul3A_1835 : f32 to vector<16xf32>
      %mul3A_1837 = arith.mulf %abs3A_1834, %mul3A_1836 : vector<16xf32>
      %mul3A_1838 = arith.constant 0.157480314 : f32
      %mul3A_1839 = vector.broadcast %mul3A_1838 : f32 to vector<16xf32>
      %mul3A_1840 = arith.mulf %convert_element_type3A_1826, %mul3A_1839 : vector<16xf32>
      %add3A_1841 = arith.constant -2.000000e+01 : f32
      %add3A_1842 = vector.broadcast %add3A_1841 : f32 to vector<16xf32>
      %add3A_1843 = arith.addf %add3A_1842, %mul3A_1840 : vector<16xf32>
      %sub3A_1844 = arith.subf %add3A_1843, %get3A_1797 : vector<16xf32>
      %abs3A_1845 = math.absf %sub3A_1844 : vector<16xf32>
      %mul3A_1846 = arith.constant 6.350000e+00 : f32
      %mul3A_1847 = vector.broadcast %mul3A_1846 : f32 to vector<16xf32>
      %mul3A_1848 = arith.mulf %abs3A_1845, %mul3A_1847 : vector<16xf32>
      %eq3A_1849 = arith.cmpi eq, %select_n3A_1810, %min3A_1816 : vector<16xi32>
      %add3A_1850 = arith.constant 1 : i32
      %add3A_1851 = vector.broadcast %add3A_1850 : i32 to vector<16xi32>
      %add3A_1852 = arith.addi %select_n3A_1810, %add3A_1851 : vector<16xi32>
      %eq3A_1853 = arith.cmpi eq, %add3A_1852, %min3A_1825 : vector<16xi32>
      %add3A_1854 = arith.constant 112 : i32
      %add3A_1855 = vector.broadcast %add3A_1854 : i32 to vector<16xi32>
      %add3A_1856 = arith.addi %add3A_1855, %iota3A : vector<16xi32>
      tpu.vector_store_idx %arg5[%min3A_1816, %broadcast_in_dim3A_53, %add3A_1856], %mul3A_1837 masked %eq3A_1849 : memref<255x1x128xf32, #tpu.memory_space<vmem>>[vector<16xi32>, vector<16xi32>, vector<16xi32>], vector<16xf32>, vector<16xi1>
      tpu.vector_store_idx %arg5[%min3A_1825, %broadcast_in_dim3A_53, %add3A_1856], %mul3A_1848 masked %eq3A_1853 : memref<255x1x128xf32, #tpu.memory_space<vmem>>[vector<16xi32>, vector<16xi32>, vector<16xi32>], vector<16xf32>, vector<16xi1>
      %swap3A_1857 = arith.constant 112 : index
      %swap3A_1858 = tpu.vector_load %arg7[%swap3A_1857] {strides = array<i32>} : memref<256xi32, #tpu.memory_space<vmem>>, vector<16xi32>,
      tpu.vector_store %arg7[%swap3A_1857], %min3A_1816 {strides = array<i32>} : memref<256xi32, #tpu.memory_space<vmem>>, vector<16xi32>,
      %swap3A_1859 = arith.constant 240 : index
      %swap3A_1860 = tpu.vector_load %arg7[%swap3A_1859] {strides = array<i32>} : memref<256xi32, #tpu.memory_space<vmem>>, vector<16xi32>,
      tpu.vector_store %arg7[%swap3A_1859], %min3A_1825 {strides = array<i32>} : memref<256xi32, #tpu.memory_space<vmem>>, vector<16xi32>,
      %shift_right_arithmetic3A_1861 = arith.constant 4 : i32
      %shift_right_arithmetic3A_1862 = arith.shrsi %add3A_1238, %shift_right_arithmetic3A_1861 : i32
      %add3A_1863 = arith.addi %mul3A_32, %shift_right_arithmetic3A_1862 : i32
      %and3A_1864 = arith.constant 15 : i32
      %and3A_1865 = arith.andi %add3A_1238, %and3A_1864 : i32
      %mul3A_1866 = arith.constant 128 : i32
      %mul3A_1867 = arith.muli %and3A_1865, %mul3A_1866 : i32
      %add3A_1868 = arith.addi %mul3A_34, %mul3A_1867 : i32
      %dma_start3A_1869 = arith.constant 0 : i32
      %dma_start3A_1870 = tpu.memref_slice %arg3[%dma_start3A_1869, %add3A_1863, %add3A_1868] : memref<255x128x4096xf32, #tpu.memory_space<hbm>> -> memref<255x1x128xf32, #tpu.memory_space<hbm>>
      %dma_start3A_1871 = arith.constant 0 : i32
      %dma_start3A_1872 = tpu.memref_slice %arg3[%dma_start3A_1871, %add3A_1863, %add3A_1868] : memref<255x128x4096xf32, #tpu.memory_space<hbm>> -> memref<255x1x128xf32, #tpu.memory_space<hbm>>
      tpu.enqueue_dma source(%arg5 : memref<255x1x128xf32, #tpu.memory_space<vmem>>) target(%dma_start3A_1872 : memref<255x1x128xf32, #tpu.memory_space<hbm>>) target_semaphore(%arg9 : memref<!tpu.dma_semaphore, #tpu.memory_space<semaphore_mem>>)
      %mul3A_1873 = arith.constant 2 : i32
      %mul3A_1874 = arith.muli %mul3A_1873, %scan3A_1233 : i32
      %add3A_1875 = arith.constant 1 : i32
      %add3A_1876 = arith.addi %mul3A_1874, %add3A_1875 : i32
      %sub3A_1877 = arith.constant 2 : i32
      %sub3A_1878 = arith.subi %add3A_1876, %sub3A_1877 : i32
      %shift_right_arithmetic3A_1879 = arith.constant 4 : i32
      %shift_right_arithmetic3A_1880 = arith.shrsi %sub3A_1878, %shift_right_arithmetic3A_1879 : i32
      %add3A_1881 = arith.addi %mul3A_32, %shift_right_arithmetic3A_1880 : i32
      %and3A_1882 = arith.constant 15 : i32
      %and3A_1883 = arith.andi %sub3A_1878, %and3A_1882 : i32
      %mul3A_1884 = arith.constant 128 : i32
      %mul3A_1885 = arith.muli %and3A_1883, %mul3A_1884 : i32
      %add3A_1886 = arith.addi %mul3A_34, %mul3A_1885 : i32
      %dma_wait3A_1887 = arith.constant 0 : i32
      %dma_wait3A_1888 = tpu.memref_slice %arg3[%dma_wait3A_1887, %add3A_1881, %add3A_1886] : memref<255x128x4096xf32, #tpu.memory_space<hbm>> -> memref<255x1x128xf32, #tpu.memory_space<hbm>>
      %dma_wait3A_1889 = arith.constant 0 : i32
      %dma_wait3A_1890 = tpu.memref_slice %arg3[%dma_wait3A_1889, %add3A_1881, %add3A_1886] : memref<255x128x4096xf32, #tpu.memory_space<hbm>> -> memref<255x1x128xf32, #tpu.memory_space<hbm>>
      tpu.wait_dma2 semaphore(%arg10 : memref<!tpu.dma_semaphore, #tpu.memory_space<semaphore_mem>>) src(%arg6 : memref<255x1x128xf32, #tpu.memory_space<vmem>>) dst(%dma_wait3A_1890 : memref<255x1x128xf32, #tpu.memory_space<hbm>>)
      %add3A_1891 = arith.constant 0 : i32
      %add3A_1892 = vector.broadcast %add3A_1891 : i32 to vector<16xi32>
      %add3A_1893 = arith.addi %add3A_1892, %iota3A : vector<16xi32>
      %get3A_1894 = arith.constant 0 : index
      %get3A_1895 = tpu.vector_load %arg8[%get3A_1894] {strides = array<i32>} : memref<256xi32, #tpu.memory_space<vmem>>, vector<16xi32>,
      %get3A_1896 = arith.constant 128 : index
      %get3A_1897 = tpu.vector_load %arg8[%get3A_1896] {strides = array<i32>} : memref<256xi32, #tpu.memory_space<vmem>>, vector<16xi32>,
      tpu.vector_store_idx %arg6[%get3A_1895, %broadcast_in_dim3A_53, %add3A_1893], %broadcast_in_dim3A_51 : memref<255x1x128xf32, #tpu.memory_space<vmem>>[vector<16xi32>, vector<16xi32>, vector<16xi32>], vector<16xf32>,
      tpu.vector_store_idx %arg6[%get3A_1897, %broadcast_in_dim3A_53, %add3A_1893], %broadcast_in_dim3A_51 : memref<255x1x128xf32, #tpu.memory_space<vmem>>[vector<16xi32>, vector<16xi32>, vector<16xi32>], vector<16xf32>,
      %add3A_1898 = arith.constant 16 : i32
      %add3A_1899 = vector.broadcast %add3A_1898 : i32 to vector<16xi32>
      %add3A_1900 = arith.addi %add3A_1899, %iota3A : vector<16xi32>
      %get3A_1901 = arith.constant 16 : index
      %get3A_1902 = tpu.vector_load %arg8[%get3A_1901] {strides = array<i32>} : memref<256xi32, #tpu.memory_space<vmem>>, vector<16xi32>,
      %get3A_1903 = arith.constant 144 : index
      %get3A_1904 = tpu.vector_load %arg8[%get3A_1903] {strides = array<i32>} : memref<256xi32, #tpu.memory_space<vmem>>, vector<16xi32>,
      tpu.vector_store_idx %arg6[%get3A_1902, %broadcast_in_dim3A_53, %add3A_1900], %broadcast_in_dim3A_51 : memref<255x1x128xf32, #tpu.memory_space<vmem>>[vector<16xi32>, vector<16xi32>, vector<16xi32>], vector<16xf32>,
      tpu.vector_store_idx %arg6[%get3A_1904, %broadcast_in_dim3A_53, %add3A_1900], %broadcast_in_dim3A_51 : memref<255x1x128xf32, #tpu.memory_space<vmem>>[vector<16xi32>, vector<16xi32>, vector<16xi32>], vector<16xf32>,
      %add3A_1905 = arith.constant 32 : i32
      %add3A_1906 = vector.broadcast %add3A_1905 : i32 to vector<16xi32>
      %add3A_1907 = arith.addi %add3A_1906, %iota3A : vector<16xi32>
      %get3A_1908 = arith.constant 32 : index
      %get3A_1909 = tpu.vector_load %arg8[%get3A_1908] {strides = array<i32>} : memref<256xi32, #tpu.memory_space<vmem>>, vector<16xi32>,
      %get3A_1910 = arith.constant 160 : index
      %get3A_1911 = tpu.vector_load %arg8[%get3A_1910] {strides = array<i32>} : memref<256xi32, #tpu.memory_space<vmem>>, vector<16xi32>,
      tpu.vector_store_idx %arg6[%get3A_1909, %broadcast_in_dim3A_53, %add3A_1907], %broadcast_in_dim3A_51 : memref<255x1x128xf32, #tpu.memory_space<vmem>>[vector<16xi32>, vector<16xi32>, vector<16xi32>], vector<16xf32>,
      tpu.vector_store_idx %arg6[%get3A_1911, %broadcast_in_dim3A_53, %add3A_1907], %broadcast_in_dim3A_51 : memref<255x1x128xf32, #tpu.memory_space<vmem>>[vector<16xi32>, vector<16xi32>, vector<16xi32>], vector<16xf32>,
      %add3A_1912 = arith.constant 48 : i32
      %add3A_1913 = vector.broadcast %add3A_1912 : i32 to vector<16xi32>
      %add3A_1914 = arith.addi %add3A_1913, %iota3A : vector<16xi32>
      %get3A_1915 = arith.constant 48 : index
      %get3A_1916 = tpu.vector_load %arg8[%get3A_1915] {strides = array<i32>} : memref<256xi32, #tpu.memory_space<vmem>>, vector<16xi32>,
      %get3A_1917 = arith.constant 176 : index
      %get3A_1918 = tpu.vector_load %arg8[%get3A_1917] {strides = array<i32>} : memref<256xi32, #tpu.memory_space<vmem>>, vector<16xi32>,
      tpu.vector_store_idx %arg6[%get3A_1916, %broadcast_in_dim3A_53, %add3A_1914], %broadcast_in_dim3A_51 : memref<255x1x128xf32, #tpu.memory_space<vmem>>[vector<16xi32>, vector<16xi32>, vector<16xi32>], vector<16xf32>,
      tpu.vector_store_idx %arg6[%get3A_1918, %broadcast_in_dim3A_53, %add3A_1914], %broadcast_in_dim3A_51 : memref<255x1x128xf32, #tpu.memory_space<vmem>>[vector<16xi32>, vector<16xi32>, vector<16xi32>], vector<16xf32>,
      %add3A_1919 = arith.constant 64 : i32
      %add3A_1920 = vector.broadcast %add3A_1919 : i32 to vector<16xi32>
      %add3A_1921 = arith.addi %add3A_1920, %iota3A : vector<16xi32>
      %get3A_1922 = arith.constant 64 : index
      %get3A_1923 = tpu.vector_load %arg8[%get3A_1922] {strides = array<i32>} : memref<256xi32, #tpu.memory_space<vmem>>, vector<16xi32>,
      %get3A_1924 = arith.constant 192 : index
      %get3A_1925 = tpu.vector_load %arg8[%get3A_1924] {strides = array<i32>} : memref<256xi32, #tpu.memory_space<vmem>>, vector<16xi32>,
      tpu.vector_store_idx %arg6[%get3A_1923, %broadcast_in_dim3A_53, %add3A_1921], %broadcast_in_dim3A_51 : memref<255x1x128xf32, #tpu.memory_space<vmem>>[vector<16xi32>, vector<16xi32>, vector<16xi32>], vector<16xf32>,
      tpu.vector_store_idx %arg6[%get3A_1925, %broadcast_in_dim3A_53, %add3A_1921], %broadcast_in_dim3A_51 : memref<255x1x128xf32, #tpu.memory_space<vmem>>[vector<16xi32>, vector<16xi32>, vector<16xi32>], vector<16xf32>,
      %add3A_1926 = arith.constant 80 : i32
      %add3A_1927 = vector.broadcast %add3A_1926 : i32 to vector<16xi32>
      %add3A_1928 = arith.addi %add3A_1927, %iota3A : vector<16xi32>
      %get3A_1929 = arith.constant 80 : index
      %get3A_1930 = tpu.vector_load %arg8[%get3A_1929] {strides = array<i32>} : memref<256xi32, #tpu.memory_space<vmem>>, vector<16xi32>,
      %get3A_1931 = arith.constant 208 : index
      %get3A_1932 = tpu.vector_load %arg8[%get3A_1931] {strides = array<i32>} : memref<256xi32, #tpu.memory_space<vmem>>, vector<16xi32>,
      tpu.vector_store_idx %arg6[%get3A_1930, %broadcast_in_dim3A_53, %add3A_1928], %broadcast_in_dim3A_51 : memref<255x1x128xf32, #tpu.memory_space<vmem>>[vector<16xi32>, vector<16xi32>, vector<16xi32>], vector<16xf32>,
      tpu.vector_store_idx %arg6[%get3A_1932, %broadcast_in_dim3A_53, %add3A_1928], %broadcast_in_dim3A_51 : memref<255x1x128xf32, #tpu.memory_space<vmem>>[vector<16xi32>, vector<16xi32>, vector<16xi32>], vector<16xf32>,
      %add3A_1933 = arith.constant 96 : i32
      %add3A_1934 = vector.broadcast %add3A_1933 : i32 to vector<16xi32>
      %add3A_1935 = arith.addi %add3A_1934, %iota3A : vector<16xi32>
      %get3A_1936 = arith.constant 96 : index
      %get3A_1937 = tpu.vector_load %arg8[%get3A_1936] {strides = array<i32>} : memref<256xi32, #tpu.memory_space<vmem>>, vector<16xi32>,
      %get3A_1938 = arith.constant 224 : index
      %get3A_1939 = tpu.vector_load %arg8[%get3A_1938] {strides = array<i32>} : memref<256xi32, #tpu.memory_space<vmem>>, vector<16xi32>,
      tpu.vector_store_idx %arg6[%get3A_1937, %broadcast_in_dim3A_53, %add3A_1935], %broadcast_in_dim3A_51 : memref<255x1x128xf32, #tpu.memory_space<vmem>>[vector<16xi32>, vector<16xi32>, vector<16xi32>], vector<16xf32>,
      tpu.vector_store_idx %arg6[%get3A_1939, %broadcast_in_dim3A_53, %add3A_1935], %broadcast_in_dim3A_51 : memref<255x1x128xf32, #tpu.memory_space<vmem>>[vector<16xi32>, vector<16xi32>, vector<16xi32>], vector<16xf32>,
      %add3A_1940 = arith.constant 112 : i32
      %add3A_1941 = vector.broadcast %add3A_1940 : i32 to vector<16xi32>
      %add3A_1942 = arith.addi %add3A_1941, %iota3A : vector<16xi32>
      %get3A_1943 = arith.constant 112 : index
      %get3A_1944 = tpu.vector_load %arg8[%get3A_1943] {strides = array<i32>} : memref<256xi32, #tpu.memory_space<vmem>>, vector<16xi32>,
      %get3A_1945 = arith.constant 240 : index
      %get3A_1946 = tpu.vector_load %arg8[%get3A_1945] {strides = array<i32>} : memref<256xi32, #tpu.memory_space<vmem>>, vector<16xi32>,
      tpu.vector_store_idx %arg6[%get3A_1944, %broadcast_in_dim3A_53, %add3A_1942], %broadcast_in_dim3A_51 : memref<255x1x128xf32, #tpu.memory_space<vmem>>[vector<16xi32>, vector<16xi32>, vector<16xi32>], vector<16xf32>,
      tpu.vector_store_idx %arg6[%get3A_1946, %broadcast_in_dim3A_53, %add3A_1942], %broadcast_in_dim3A_51 : memref<255x1x128xf32, #tpu.memory_space<vmem>>[vector<16xi32>, vector<16xi32>, vector<16xi32>], vector<16xf32>,
      %mul3A_1947 = arith.constant 128 : i32
      %mul3A_1948 = arith.muli %add3A_1876, %mul3A_1947 : i32
      %add3A_1949 = arith.constant 0 : i32
      %add3A_1950 = arith.addi %mul3A_1948, %add3A_1949 : i32
      %get3A_1951 = arith.index_cast %add3A_1950 : i32 to index
      %get3A_1952 = tpu.vector_load %arg4[%get3A_1951] {strides = array<i32>} : memref<16384xf32, #tpu.memory_space<vmem>>, vector<16xf32>,
      %sub3A_1953 = arith.constant -2.000000e+01 : f32
      %sub3A_1954 = vector.broadcast %sub3A_1953 : f32 to vector<16xf32>
      %sub3A_1955 = arith.subf %get3A_1952, %sub3A_1954 : vector<16xf32>
      %mul3A_1956 = arith.constant 6.350000e+00 : f32
      %mul3A_1957 = vector.broadcast %mul3A_1956 : f32 to vector<16xf32>
      %mul3A_1958 = arith.mulf %sub3A_1955, %mul3A_1957 : vector<16xf32>
      %convert_element_type3A_1959 = arith.fptosi %mul3A_1958 : vector<16xf32> to vector<16xi32>
      %convert_element_type3A_1960 = arith.sitofp %convert_element_type3A_1959 : vector<16xi32> to vector<16xf32>
      %gt3A_1961 = arith.cmpf ogt, %convert_element_type3A_1960, %mul3A_1958 : vector<16xf32>
      %sub3A_1962 = arith.constant 1 : i32
      %sub3A_1963 = vector.broadcast %sub3A_1962 : i32 to vector<16xi32>
      %sub3A_1964 = arith.subi %convert_element_type3A_1959, %sub3A_1963 : vector<16xi32>
      %select_n3A_1965 = arith.select %gt3A_1961, %sub3A_1964, %convert_element_type3A_1959 : vector<16xi1>, vector<16xi32>
      %max3A_1966 = arith.constant 0 : i32
      %max3A_1967 = vector.broadcast %max3A_1966 : i32 to vector<16xi32>
      %max3A_1968 = arith.maxsi %select_n3A_1965, %max3A_1967 : vector<16xi32>
      %min3A_1969 = arith.constant 254 : i32
      %min3A_1970 = vector.broadcast %min3A_1969 : i32 to vector<16xi32>
      %min3A_1971 = arith.minsi %max3A_1968, %min3A_1970 : vector<16xi32>
      %add3A_1972 = arith.constant 1 : i32
      %add3A_1973 = vector.broadcast %add3A_1972 : i32 to vector<16xi32>
      %add3A_1974 = arith.addi %select_n3A_1965, %add3A_1973 : vector<16xi32>
      %max3A_1975 = arith.constant 0 : i32
      %max3A_1976 = vector.broadcast %max3A_1975 : i32 to vector<16xi32>
      %max3A_1977 = arith.maxsi %add3A_1974, %max3A_1976 : vector<16xi32>
      %min3A_1978 = arith.constant 254 : i32
      %min3A_1979 = vector.broadcast %min3A_1978 : i32 to vector<16xi32>
      %min3A_1980 = arith.minsi %max3A_1977, %min3A_1979 : vector<16xi32>
      %convert_element_type3A_1981 = arith.sitofp %min3A_1971 : vector<16xi32> to vector<16xf32>
      %mul3A_1982 = arith.constant 0.157480314 : f32
      %mul3A_1983 = vector.broadcast %mul3A_1982 : f32 to vector<16xf32>
      %mul3A_1984 = arith.mulf %convert_element_type3A_1981, %mul3A_1983 : vector<16xf32>
      %add3A_1985 = arith.constant -19.8425198 : f32
      %add3A_1986 = vector.broadcast %add3A_1985 : f32 to vector<16xf32>
      %add3A_1987 = arith.addf %add3A_1986, %mul3A_1984 : vector<16xf32>
      %sub3A_1988 = arith.subf %add3A_1987, %get3A_1952 : vector<16xf32>
      %abs3A_1989 = math.absf %sub3A_1988 : vector<16xf32>
      %mul3A_1990 = arith.constant 6.350000e+00 : f32
      %mul3A_1991 = vector.broadcast %mul3A_1990 : f32 to vector<16xf32>
      %mul3A_1992 = arith.mulf %abs3A_1989, %mul3A_1991 : vector<16xf32>
      %mul3A_1993 = arith.constant 0.157480314 : f32
      %mul3A_1994 = vector.broadcast %mul3A_1993 : f32 to vector<16xf32>
      %mul3A_1995 = arith.mulf %convert_element_type3A_1981, %mul3A_1994 : vector<16xf32>
      %add3A_1996 = arith.constant -2.000000e+01 : f32
      %add3A_1997 = vector.broadcast %add3A_1996 : f32 to vector<16xf32>
      %add3A_1998 = arith.addf %add3A_1997, %mul3A_1995 : vector<16xf32>
      %sub3A_1999 = arith.subf %add3A_1998, %get3A_1952 : vector<16xf32>
      %abs3A_2000 = math.absf %sub3A_1999 : vector<16xf32>
      %mul3A_2001 = arith.constant 6.350000e+00 : f32
      %mul3A_2002 = vector.broadcast %mul3A_2001 : f32 to vector<16xf32>
      %mul3A_2003 = arith.mulf %abs3A_2000, %mul3A_2002 : vector<16xf32>
      %eq3A_2004 = arith.cmpi eq, %select_n3A_1965, %min3A_1971 : vector<16xi32>
      %add3A_2005 = arith.constant 1 : i32
      %add3A_2006 = vector.broadcast %add3A_2005 : i32 to vector<16xi32>
      %add3A_2007 = arith.addi %select_n3A_1965, %add3A_2006 : vector<16xi32>
      %eq3A_2008 = arith.cmpi eq, %add3A_2007, %min3A_1980 : vector<16xi32>
      %add3A_2009 = arith.constant 0 : i32
      %add3A_2010 = vector.broadcast %add3A_2009 : i32 to vector<16xi32>
      %add3A_2011 = arith.addi %add3A_2010, %iota3A : vector<16xi32>
      tpu.vector_store_idx %arg6[%min3A_1971, %broadcast_in_dim3A_53, %add3A_2011], %mul3A_1992 masked %eq3A_2004 : memref<255x1x128xf32, #tpu.memory_space<vmem>>[vector<16xi32>, vector<16xi32>, vector<16xi32>], vector<16xf32>, vector<16xi1>
      tpu.vector_store_idx %arg6[%min3A_1980, %broadcast_in_dim3A_53, %add3A_2011], %mul3A_2003 masked %eq3A_2008 : memref<255x1x128xf32, #tpu.memory_space<vmem>>[vector<16xi32>, vector<16xi32>, vector<16xi32>], vector<16xf32>, vector<16xi1>
      %swap3A_2012 = arith.constant 0 : index
      %swap3A_2013 = tpu.vector_load %arg8[%swap3A_2012] {strides = array<i32>} : memref<256xi32, #tpu.memory_space<vmem>>, vector<16xi32>,
      tpu.vector_store %arg8[%swap3A_2012], %min3A_1971 {strides = array<i32>} : memref<256xi32, #tpu.memory_space<vmem>>, vector<16xi32>,
      %swap3A_2014 = arith.constant 128 : index
      %swap3A_2015 = tpu.vector_load %arg8[%swap3A_2014] {strides = array<i32>} : memref<256xi32, #tpu.memory_space<vmem>>, vector<16xi32>,
      tpu.vector_store %arg8[%swap3A_2014], %min3A_1980 {strides = array<i32>} : memref<256xi32, #tpu.memory_space<vmem>>, vector<16xi32>,
      %mul3A_2016 = arith.constant 128 : i32
      %mul3A_2017 = arith.muli %add3A_1876, %mul3A_2016 : i32
      %add3A_2018 = arith.constant 16 : i32
      %add3A_2019 = arith.addi %mul3A_2017, %add3A_2018 : i32
      %get3A_2020 = arith.index_cast %add3A_2019 : i32 to index
      %get3A_2021 = tpu.vector_load %arg4[%get3A_2020] {strides = array<i32>} : memref<16384xf32, #tpu.memory_space<vmem>>, vector<16xf32>,
      %sub3A_2022 = arith.constant -2.000000e+01 : f32
      %sub3A_2023 = vector.broadcast %sub3A_2022 : f32 to vector<16xf32>
      %sub3A_2024 = arith.subf %get3A_2021, %sub3A_2023 : vector<16xf32>
      %mul3A_2025 = arith.constant 6.350000e+00 : f32
      %mul3A_2026 = vector.broadcast %mul3A_2025 : f32 to vector<16xf32>
      %mul3A_2027 = arith.mulf %sub3A_2024, %mul3A_2026 : vector<16xf32>
      %convert_element_type3A_2028 = arith.fptosi %mul3A_2027 : vector<16xf32> to vector<16xi32>
      %convert_element_type3A_2029 = arith.sitofp %convert_element_type3A_2028 : vector<16xi32> to vector<16xf32>
      %gt3A_2030 = arith.cmpf ogt, %convert_element_type3A_2029, %mul3A_2027 : vector<16xf32>
      %sub3A_2031 = arith.constant 1 : i32
      %sub3A_2032 = vector.broadcast %sub3A_2031 : i32 to vector<16xi32>
      %sub3A_2033 = arith.subi %convert_element_type3A_2028, %sub3A_2032 : vector<16xi32>
      %select_n3A_2034 = arith.select %gt3A_2030, %sub3A_2033, %convert_element_type3A_2028 : vector<16xi1>, vector<16xi32>
      %max3A_2035 = arith.constant 0 : i32
      %max3A_2036 = vector.broadcast %max3A_2035 : i32 to vector<16xi32>
      %max3A_2037 = arith.maxsi %select_n3A_2034, %max3A_2036 : vector<16xi32>
      %min3A_2038 = arith.constant 254 : i32
      %min3A_2039 = vector.broadcast %min3A_2038 : i32 to vector<16xi32>
      %min3A_2040 = arith.minsi %max3A_2037, %min3A_2039 : vector<16xi32>
      %add3A_2041 = arith.constant 1 : i32
      %add3A_2042 = vector.broadcast %add3A_2041 : i32 to vector<16xi32>
      %add3A_2043 = arith.addi %select_n3A_2034, %add3A_2042 : vector<16xi32>
      %max3A_2044 = arith.constant 0 : i32
      %max3A_2045 = vector.broadcast %max3A_2044 : i32 to vector<16xi32>
      %max3A_2046 = arith.maxsi %add3A_2043, %max3A_2045 : vector<16xi32>
      %min3A_2047 = arith.constant 254 : i32
      %min3A_2048 = vector.broadcast %min3A_2047 : i32 to vector<16xi32>
      %min3A_2049 = arith.minsi %max3A_2046, %min3A_2048 : vector<16xi32>
      %convert_element_type3A_2050 = arith.sitofp %min3A_2040 : vector<16xi32> to vector<16xf32>
      %mul3A_2051 = arith.constant 0.157480314 : f32
      %mul3A_2052 = vector.broadcast %mul3A_2051 : f32 to vector<16xf32>
      %mul3A_2053 = arith.mulf %convert_element_type3A_2050, %mul3A_2052 : vector<16xf32>
      %add3A_2054 = arith.constant -19.8425198 : f32
      %add3A_2055 = vector.broadcast %add3A_2054 : f32 to vector<16xf32>
      %add3A_2056 = arith.addf %add3A_2055, %mul3A_2053 : vector<16xf32>
      %sub3A_2057 = arith.subf %add3A_2056, %get3A_2021 : vector<16xf32>
      %abs3A_2058 = math.absf %sub3A_2057 : vector<16xf32>
      %mul3A_2059 = arith.constant 6.350000e+00 : f32
      %mul3A_2060 = vector.broadcast %mul3A_2059 : f32 to vector<16xf32>
      %mul3A_2061 = arith.mulf %abs3A_2058, %mul3A_2060 : vector<16xf32>
      %mul3A_2062 = arith.constant 0.157480314 : f32
      %mul3A_2063 = vector.broadcast %mul3A_2062 : f32 to vector<16xf32>
      %mul3A_2064 = arith.mulf %convert_element_type3A_2050, %mul3A_2063 : vector<16xf32>
      %add3A_2065 = arith.constant -2.000000e+01 : f32
      %add3A_2066 = vector.broadcast %add3A_2065 : f32 to vector<16xf32>
      %add3A_2067 = arith.addf %add3A_2066, %mul3A_2064 : vector<16xf32>
      %sub3A_2068 = arith.subf %add3A_2067, %get3A_2021 : vector<16xf32>
      %abs3A_2069 = math.absf %sub3A_2068 : vector<16xf32>
      %mul3A_2070 = arith.constant 6.350000e+00 : f32
      %mul3A_2071 = vector.broadcast %mul3A_2070 : f32 to vector<16xf32>
      %mul3A_2072 = arith.mulf %abs3A_2069, %mul3A_2071 : vector<16xf32>
      %eq3A_2073 = arith.cmpi eq, %select_n3A_2034, %min3A_2040 : vector<16xi32>
      %add3A_2074 = arith.constant 1 : i32
      %add3A_2075 = vector.broadcast %add3A_2074 : i32 to vector<16xi32>
      %add3A_2076 = arith.addi %select_n3A_2034, %add3A_2075 : vector<16xi32>
      %eq3A_2077 = arith.cmpi eq, %add3A_2076, %min3A_2049 : vector<16xi32>
      %add3A_2078 = arith.constant 16 : i32
      %add3A_2079 = vector.broadcast %add3A_2078 : i32 to vector<16xi32>
      %add3A_2080 = arith.addi %add3A_2079, %iota3A : vector<16xi32>
      tpu.vector_store_idx %arg6[%min3A_2040, %broadcast_in_dim3A_53, %add3A_2080], %mul3A_2061 masked %eq3A_2073 : memref<255x1x128xf32, #tpu.memory_space<vmem>>[vector<16xi32>, vector<16xi32>, vector<16xi32>], vector<16xf32>, vector<16xi1>
      tpu.vector_store_idx %arg6[%min3A_2049, %broadcast_in_dim3A_53, %add3A_2080], %mul3A_2072 masked %eq3A_2077 : memref<255x1x128xf32, #tpu.memory_space<vmem>>[vector<16xi32>, vector<16xi32>, vector<16xi32>], vector<16xf32>, vector<16xi1>
      %swap3A_2081 = arith.constant 16 : index
      %swap3A_2082 = tpu.vector_load %arg8[%swap3A_2081] {strides = array<i32>} : memref<256xi32, #tpu.memory_space<vmem>>, vector<16xi32>,
      tpu.vector_store %arg8[%swap3A_2081], %min3A_2040 {strides = array<i32>} : memref<256xi32, #tpu.memory_space<vmem>>, vector<16xi32>,
      %swap3A_2083 = arith.constant 144 : index
      %swap3A_2084 = tpu.vector_load %arg8[%swap3A_2083] {strides = array<i32>} : memref<256xi32, #tpu.memory_space<vmem>>, vector<16xi32>,
      tpu.vector_store %arg8[%swap3A_2083], %min3A_2049 {strides = array<i32>} : memref<256xi32, #tpu.memory_space<vmem>>, vector<16xi32>,
      %mul3A_2085 = arith.constant 128 : i32
      %mul3A_2086 = arith.muli %add3A_1876, %mul3A_2085 : i32
      %add3A_2087 = arith.constant 32 : i32
      %add3A_2088 = arith.addi %mul3A_2086, %add3A_2087 : i32
      %get3A_2089 = arith.index_cast %add3A_2088 : i32 to index
      %get3A_2090 = tpu.vector_load %arg4[%get3A_2089] {strides = array<i32>} : memref<16384xf32, #tpu.memory_space<vmem>>, vector<16xf32>,
      %sub3A_2091 = arith.constant -2.000000e+01 : f32
      %sub3A_2092 = vector.broadcast %sub3A_2091 : f32 to vector<16xf32>
      %sub3A_2093 = arith.subf %get3A_2090, %sub3A_2092 : vector<16xf32>
      %mul3A_2094 = arith.constant 6.350000e+00 : f32
      %mul3A_2095 = vector.broadcast %mul3A_2094 : f32 to vector<16xf32>
      %mul3A_2096 = arith.mulf %sub3A_2093, %mul3A_2095 : vector<16xf32>
      %convert_element_type3A_2097 = arith.fptosi %mul3A_2096 : vector<16xf32> to vector<16xi32>
      %convert_element_type3A_2098 = arith.sitofp %convert_element_type3A_2097 : vector<16xi32> to vector<16xf32>
      %gt3A_2099 = arith.cmpf ogt, %convert_element_type3A_2098, %mul3A_2096 : vector<16xf32>
      %sub3A_2100 = arith.constant 1 : i32
      %sub3A_2101 = vector.broadcast %sub3A_2100 : i32 to vector<16xi32>
      %sub3A_2102 = arith.subi %convert_element_type3A_2097, %sub3A_2101 : vector<16xi32>
      %select_n3A_2103 = arith.select %gt3A_2099, %sub3A_2102, %convert_element_type3A_2097 : vector<16xi1>, vector<16xi32>
      %max3A_2104 = arith.constant 0 : i32
      %max3A_2105 = vector.broadcast %max3A_2104 : i32 to vector<16xi32>
      %max3A_2106 = arith.maxsi %select_n3A_2103, %max3A_2105 : vector<16xi32>
      %min3A_2107 = arith.constant 254 : i32
      %min3A_2108 = vector.broadcast %min3A_2107 : i32 to vector<16xi32>
      %min3A_2109 = arith.minsi %max3A_2106, %min3A_2108 : vector<16xi32>
      %add3A_2110 = arith.constant 1 : i32
      %add3A_2111 = vector.broadcast %add3A_2110 : i32 to vector<16xi32>
      %add3A_2112 = arith.addi %select_n3A_2103, %add3A_2111 : vector<16xi32>
      %max3A_2113 = arith.constant 0 : i32
      %max3A_2114 = vector.broadcast %max3A_2113 : i32 to vector<16xi32>
      %max3A_2115 = arith.maxsi %add3A_2112, %max3A_2114 : vector<16xi32>
      %min3A_2116 = arith.constant 254 : i32
      %min3A_2117 = vector.broadcast %min3A_2116 : i32 to vector<16xi32>
      %min3A_2118 = arith.minsi %max3A_2115, %min3A_2117 : vector<16xi32>
      %convert_element_type3A_2119 = arith.sitofp %min3A_2109 : vector<16xi32> to vector<16xf32>
      %mul3A_2120 = arith.constant 0.157480314 : f32
      %mul3A_2121 = vector.broadcast %mul3A_2120 : f32 to vector<16xf32>
      %mul3A_2122 = arith.mulf %convert_element_type3A_2119, %mul3A_2121 : vector<16xf32>
      %add3A_2123 = arith.constant -19.8425198 : f32
      %add3A_2124 = vector.broadcast %add3A_2123 : f32 to vector<16xf32>
      %add3A_2125 = arith.addf %add3A_2124, %mul3A_2122 : vector<16xf32>
      %sub3A_2126 = arith.subf %add3A_2125, %get3A_2090 : vector<16xf32>
      %abs3A_2127 = math.absf %sub3A_2126 : vector<16xf32>
      %mul3A_2128 = arith.constant 6.350000e+00 : f32
      %mul3A_2129 = vector.broadcast %mul3A_2128 : f32 to vector<16xf32>
      %mul3A_2130 = arith.mulf %abs3A_2127, %mul3A_2129 : vector<16xf32>
      %mul3A_2131 = arith.constant 0.157480314 : f32
      %mul3A_2132 = vector.broadcast %mul3A_2131 : f32 to vector<16xf32>
      %mul3A_2133 = arith.mulf %convert_element_type3A_2119, %mul3A_2132 : vector<16xf32>
      %add3A_2134 = arith.constant -2.000000e+01 : f32
      %add3A_2135 = vector.broadcast %add3A_2134 : f32 to vector<16xf32>
      %add3A_2136 = arith.addf %add3A_2135, %mul3A_2133 : vector<16xf32>
      %sub3A_2137 = arith.subf %add3A_2136, %get3A_2090 : vector<16xf32>
      %abs3A_2138 = math.absf %sub3A_2137 : vector<16xf32>
      %mul3A_2139 = arith.constant 6.350000e+00 : f32
      %mul3A_2140 = vector.broadcast %mul3A_2139 : f32 to vector<16xf32>
      %mul3A_2141 = arith.mulf %abs3A_2138, %mul3A_2140 : vector<16xf32>
      %eq3A_2142 = arith.cmpi eq, %select_n3A_2103, %min3A_2109 : vector<16xi32>
      %add3A_2143 = arith.constant 1 : i32
      %add3A_2144 = vector.broadcast %add3A_2143 : i32 to vector<16xi32>
      %add3A_2145 = arith.addi %select_n3A_2103, %add3A_2144 : vector<16xi32>
      %eq3A_2146 = arith.cmpi eq, %add3A_2145, %min3A_2118 : vector<16xi32>
      %add3A_2147 = arith.constant 32 : i32
      %add3A_2148 = vector.broadcast %add3A_2147 : i32 to vector<16xi32>
      %add3A_2149 = arith.addi %add3A_2148, %iota3A : vector<16xi32>
      tpu.vector_store_idx %arg6[%min3A_2109, %broadcast_in_dim3A_53, %add3A_2149], %mul3A_2130 masked %eq3A_2142 : memref<255x1x128xf32, #tpu.memory_space<vmem>>[vector<16xi32>, vector<16xi32>, vector<16xi32>], vector<16xf32>, vector<16xi1>
      tpu.vector_store_idx %arg6[%min3A_2118, %broadcast_in_dim3A_53, %add3A_2149], %mul3A_2141 masked %eq3A_2146 : memref<255x1x128xf32, #tpu.memory_space<vmem>>[vector<16xi32>, vector<16xi32>, vector<16xi32>], vector<16xf32>, vector<16xi1>
      %swap3A_2150 = arith.constant 32 : index
      %swap3A_2151 = tpu.vector_load %arg8[%swap3A_2150] {strides = array<i32>} : memref<256xi32, #tpu.memory_space<vmem>>, vector<16xi32>,
      tpu.vector_store %arg8[%swap3A_2150], %min3A_2109 {strides = array<i32>} : memref<256xi32, #tpu.memory_space<vmem>>, vector<16xi32>,
      %swap3A_2152 = arith.constant 160 : index
      %swap3A_2153 = tpu.vector_load %arg8[%swap3A_2152] {strides = array<i32>} : memref<256xi32, #tpu.memory_space<vmem>>, vector<16xi32>,
      tpu.vector_store %arg8[%swap3A_2152], %min3A_2118 {strides = array<i32>} : memref<256xi32, #tpu.memory_space<vmem>>, vector<16xi32>,
      %mul3A_2154 = arith.constant 128 : i32
      %mul3A_2155 = arith.muli %add3A_1876, %mul3A_2154 : i32
      %add3A_2156 = arith.constant 48 : i32
      %add3A_2157 = arith.addi %mul3A_2155, %add3A_2156 : i32
      %get3A_2158 = arith.index_cast %add3A_2157 : i32 to index
      %get3A_2159 = tpu.vector_load %arg4[%get3A_2158] {strides = array<i32>} : memref<16384xf32, #tpu.memory_space<vmem>>, vector<16xf32>,
      %sub3A_2160 = arith.constant -2.000000e+01 : f32
      %sub3A_2161 = vector.broadcast %sub3A_2160 : f32 to vector<16xf32>
      %sub3A_2162 = arith.subf %get3A_2159, %sub3A_2161 : vector<16xf32>
      %mul3A_2163 = arith.constant 6.350000e+00 : f32
      %mul3A_2164 = vector.broadcast %mul3A_2163 : f32 to vector<16xf32>
      %mul3A_2165 = arith.mulf %sub3A_2162, %mul3A_2164 : vector<16xf32>
      %convert_element_type3A_2166 = arith.fptosi %mul3A_2165 : vector<16xf32> to vector<16xi32>
      %convert_element_type3A_2167 = arith.sitofp %convert_element_type3A_2166 : vector<16xi32> to vector<16xf32>
      %gt3A_2168 = arith.cmpf ogt, %convert_element_type3A_2167, %mul3A_2165 : vector<16xf32>
      %sub3A_2169 = arith.constant 1 : i32
      %sub3A_2170 = vector.broadcast %sub3A_2169 : i32 to vector<16xi32>
      %sub3A_2171 = arith.subi %convert_element_type3A_2166, %sub3A_2170 : vector<16xi32>
      %select_n3A_2172 = arith.select %gt3A_2168, %sub3A_2171, %convert_element_type3A_2166 : vector<16xi1>, vector<16xi32>
      %max3A_2173 = arith.constant 0 : i32
      %max3A_2174 = vector.broadcast %max3A_2173 : i32 to vector<16xi32>
      %max3A_2175 = arith.maxsi %select_n3A_2172, %max3A_2174 : vector<16xi32>
      %min3A_2176 = arith.constant 254 : i32
      %min3A_2177 = vector.broadcast %min3A_2176 : i32 to vector<16xi32>
      %min3A_2178 = arith.minsi %max3A_2175, %min3A_2177 : vector<16xi32>
      %add3A_2179 = arith.constant 1 : i32
      %add3A_2180 = vector.broadcast %add3A_2179 : i32 to vector<16xi32>
      %add3A_2181 = arith.addi %select_n3A_2172, %add3A_2180 : vector<16xi32>
      %max3A_2182 = arith.constant 0 : i32
      %max3A_2183 = vector.broadcast %max3A_2182 : i32 to vector<16xi32>
      %max3A_2184 = arith.maxsi %add3A_2181, %max3A_2183 : vector<16xi32>
      %min3A_2185 = arith.constant 254 : i32
      %min3A_2186 = vector.broadcast %min3A_2185 : i32 to vector<16xi32>
      %min3A_2187 = arith.minsi %max3A_2184, %min3A_2186 : vector<16xi32>
      %convert_element_type3A_2188 = arith.sitofp %min3A_2178 : vector<16xi32> to vector<16xf32>
      %mul3A_2189 = arith.constant 0.157480314 : f32
      %mul3A_2190 = vector.broadcast %mul3A_2189 : f32 to vector<16xf32>
      %mul3A_2191 = arith.mulf %convert_element_type3A_2188, %mul3A_2190 : vector<16xf32>
      %add3A_2192 = arith.constant -19.8425198 : f32
      %add3A_2193 = vector.broadcast %add3A_2192 : f32 to vector<16xf32>
      %add3A_2194 = arith.addf %add3A_2193, %mul3A_2191 : vector<16xf32>
      %sub3A_2195 = arith.subf %add3A_2194, %get3A_2159 : vector<16xf32>
      %abs3A_2196 = math.absf %sub3A_2195 : vector<16xf32>
      %mul3A_2197 = arith.constant 6.350000e+00 : f32
      %mul3A_2198 = vector.broadcast %mul3A_2197 : f32 to vector<16xf32>
      %mul3A_2199 = arith.mulf %abs3A_2196, %mul3A_2198 : vector<16xf32>
      %mul3A_2200 = arith.constant 0.157480314 : f32
      %mul3A_2201 = vector.broadcast %mul3A_2200 : f32 to vector<16xf32>
      %mul3A_2202 = arith.mulf %convert_element_type3A_2188, %mul3A_2201 : vector<16xf32>
      %add3A_2203 = arith.constant -2.000000e+01 : f32
      %add3A_2204 = vector.broadcast %add3A_2203 : f32 to vector<16xf32>
      %add3A_2205 = arith.addf %add3A_2204, %mul3A_2202 : vector<16xf32>
      %sub3A_2206 = arith.subf %add3A_2205, %get3A_2159 : vector<16xf32>
      %abs3A_2207 = math.absf %sub3A_2206 : vector<16xf32>
      %mul3A_2208 = arith.constant 6.350000e+00 : f32
      %mul3A_2209 = vector.broadcast %mul3A_2208 : f32 to vector<16xf32>
      %mul3A_2210 = arith.mulf %abs3A_2207, %mul3A_2209 : vector<16xf32>
      %eq3A_2211 = arith.cmpi eq, %select_n3A_2172, %min3A_2178 : vector<16xi32>
      %add3A_2212 = arith.constant 1 : i32
      %add3A_2213 = vector.broadcast %add3A_2212 : i32 to vector<16xi32>
      %add3A_2214 = arith.addi %select_n3A_2172, %add3A_2213 : vector<16xi32>
      %eq3A_2215 = arith.cmpi eq, %add3A_2214, %min3A_2187 : vector<16xi32>
      %add3A_2216 = arith.constant 48 : i32
      %add3A_2217 = vector.broadcast %add3A_2216 : i32 to vector<16xi32>
      %add3A_2218 = arith.addi %add3A_2217, %iota3A : vector<16xi32>
      tpu.vector_store_idx %arg6[%min3A_2178, %broadcast_in_dim3A_53, %add3A_2218], %mul3A_2199 masked %eq3A_2211 : memref<255x1x128xf32, #tpu.memory_space<vmem>>[vector<16xi32>, vector<16xi32>, vector<16xi32>], vector<16xf32>, vector<16xi1>
      tpu.vector_store_idx %arg6[%min3A_2187, %broadcast_in_dim3A_53, %add3A_2218], %mul3A_2210 masked %eq3A_2215 : memref<255x1x128xf32, #tpu.memory_space<vmem>>[vector<16xi32>, vector<16xi32>, vector<16xi32>], vector<16xf32>, vector<16xi1>
      %swap3A_2219 = arith.constant 48 : index
      %swap3A_2220 = tpu.vector_load %arg8[%swap3A_2219] {strides = array<i32>} : memref<256xi32, #tpu.memory_space<vmem>>, vector<16xi32>,
      tpu.vector_store %arg8[%swap3A_2219], %min3A_2178 {strides = array<i32>} : memref<256xi32, #tpu.memory_space<vmem>>, vector<16xi32>,
      %swap3A_2221 = arith.constant 176 : index
      %swap3A_2222 = tpu.vector_load %arg8[%swap3A_2221] {strides = array<i32>} : memref<256xi32, #tpu.memory_space<vmem>>, vector<16xi32>,
      tpu.vector_store %arg8[%swap3A_2221], %min3A_2187 {strides = array<i32>} : memref<256xi32, #tpu.memory_space<vmem>>, vector<16xi32>,
      %mul3A_2223 = arith.constant 128 : i32
      %mul3A_2224 = arith.muli %add3A_1876, %mul3A_2223 : i32
      %add3A_2225 = arith.constant 64 : i32
      %add3A_2226 = arith.addi %mul3A_2224, %add3A_2225 : i32
      %get3A_2227 = arith.index_cast %add3A_2226 : i32 to index
      %get3A_2228 = tpu.vector_load %arg4[%get3A_2227] {strides = array<i32>} : memref<16384xf32, #tpu.memory_space<vmem>>, vector<16xf32>,
      %sub3A_2229 = arith.constant -2.000000e+01 : f32
      %sub3A_2230 = vector.broadcast %sub3A_2229 : f32 to vector<16xf32>
      %sub3A_2231 = arith.subf %get3A_2228, %sub3A_2230 : vector<16xf32>
      %mul3A_2232 = arith.constant 6.350000e+00 : f32
      %mul3A_2233 = vector.broadcast %mul3A_2232 : f32 to vector<16xf32>
      %mul3A_2234 = arith.mulf %sub3A_2231, %mul3A_2233 : vector<16xf32>
      %convert_element_type3A_2235 = arith.fptosi %mul3A_2234 : vector<16xf32> to vector<16xi32>
      %convert_element_type3A_2236 = arith.sitofp %convert_element_type3A_2235 : vector<16xi32> to vector<16xf32>
      %gt3A_2237 = arith.cmpf ogt, %convert_element_type3A_2236, %mul3A_2234 : vector<16xf32>
      %sub3A_2238 = arith.constant 1 : i32
      %sub3A_2239 = vector.broadcast %sub3A_2238 : i32 to vector<16xi32>
      %sub3A_2240 = arith.subi %convert_element_type3A_2235, %sub3A_2239 : vector<16xi32>
      %select_n3A_2241 = arith.select %gt3A_2237, %sub3A_2240, %convert_element_type3A_2235 : vector<16xi1>, vector<16xi32>
      %max3A_2242 = arith.constant 0 : i32
      %max3A_2243 = vector.broadcast %max3A_2242 : i32 to vector<16xi32>
      %max3A_2244 = arith.maxsi %select_n3A_2241, %max3A_2243 : vector<16xi32>
      %min3A_2245 = arith.constant 254 : i32
      %min3A_2246 = vector.broadcast %min3A_2245 : i32 to vector<16xi32>
      %min3A_2247 = arith.minsi %max3A_2244, %min3A_2246 : vector<16xi32>
      %add3A_2248 = arith.constant 1 : i32
      %add3A_2249 = vector.broadcast %add3A_2248 : i32 to vector<16xi32>
      %add3A_2250 = arith.addi %select_n3A_2241, %add3A_2249 : vector<16xi32>
      %max3A_2251 = arith.constant 0 : i32
      %max3A_2252 = vector.broadcast %max3A_2251 : i32 to vector<16xi32>
      %max3A_2253 = arith.maxsi %add3A_2250, %max3A_2252 : vector<16xi32>
      %min3A_2254 = arith.constant 254 : i32
      %min3A_2255 = vector.broadcast %min3A_2254 : i32 to vector<16xi32>
      %min3A_2256 = arith.minsi %max3A_2253, %min3A_2255 : vector<16xi32>
      %convert_element_type3A_2257 = arith.sitofp %min3A_2247 : vector<16xi32> to vector<16xf32>
      %mul3A_2258 = arith.constant 0.157480314 : f32
      %mul3A_2259 = vector.broadcast %mul3A_2258 : f32 to vector<16xf32>
      %mul3A_2260 = arith.mulf %convert_element_type3A_2257, %mul3A_2259 : vector<16xf32>
      %add3A_2261 = arith.constant -19.8425198 : f32
      %add3A_2262 = vector.broadcast %add3A_2261 : f32 to vector<16xf32>
      %add3A_2263 = arith.addf %add3A_2262, %mul3A_2260 : vector<16xf32>
      %sub3A_2264 = arith.subf %add3A_2263, %get3A_2228 : vector<16xf32>
      %abs3A_2265 = math.absf %sub3A_2264 : vector<16xf32>
      %mul3A_2266 = arith.constant 6.350000e+00 : f32
      %mul3A_2267 = vector.broadcast %mul3A_2266 : f32 to vector<16xf32>
      %mul3A_2268 = arith.mulf %abs3A_2265, %mul3A_2267 : vector<16xf32>
      %mul3A_2269 = arith.constant 0.157480314 : f32
      %mul3A_2270 = vector.broadcast %mul3A_2269 : f32 to vector<16xf32>
      %mul3A_2271 = arith.mulf %convert_element_type3A_2257, %mul3A_2270 : vector<16xf32>
      %add3A_2272 = arith.constant -2.000000e+01 : f32
      %add3A_2273 = vector.broadcast %add3A_2272 : f32 to vector<16xf32>
      %add3A_2274 = arith.addf %add3A_2273, %mul3A_2271 : vector<16xf32>
      %sub3A_2275 = arith.subf %add3A_2274, %get3A_2228 : vector<16xf32>
      %abs3A_2276 = math.absf %sub3A_2275 : vector<16xf32>
      %mul3A_2277 = arith.constant 6.350000e+00 : f32
      %mul3A_2278 = vector.broadcast %mul3A_2277 : f32 to vector<16xf32>
      %mul3A_2279 = arith.mulf %abs3A_2276, %mul3A_2278 : vector<16xf32>
      %eq3A_2280 = arith.cmpi eq, %select_n3A_2241, %min3A_2247 : vector<16xi32>
      %add3A_2281 = arith.constant 1 : i32
      %add3A_2282 = vector.broadcast %add3A_2281 : i32 to vector<16xi32>
      %add3A_2283 = arith.addi %select_n3A_2241, %add3A_2282 : vector<16xi32>
      %eq3A_2284 = arith.cmpi eq, %add3A_2283, %min3A_2256 : vector<16xi32>
      %add3A_2285 = arith.constant 64 : i32
      %add3A_2286 = vector.broadcast %add3A_2285 : i32 to vector<16xi32>
      %add3A_2287 = arith.addi %add3A_2286, %iota3A : vector<16xi32>
      tpu.vector_store_idx %arg6[%min3A_2247, %broadcast_in_dim3A_53, %add3A_2287], %mul3A_2268 masked %eq3A_2280 : memref<255x1x128xf32, #tpu.memory_space<vmem>>[vector<16xi32>, vector<16xi32>, vector<16xi32>], vector<16xf32>, vector<16xi1>
      tpu.vector_store_idx %arg6[%min3A_2256, %broadcast_in_dim3A_53, %add3A_2287], %mul3A_2279 masked %eq3A_2284 : memref<255x1x128xf32, #tpu.memory_space<vmem>>[vector<16xi32>, vector<16xi32>, vector<16xi32>], vector<16xf32>, vector<16xi1>
      %swap3A_2288 = arith.constant 64 : index
      %swap3A_2289 = tpu.vector_load %arg8[%swap3A_2288] {strides = array<i32>} : memref<256xi32, #tpu.memory_space<vmem>>, vector<16xi32>,
      tpu.vector_store %arg8[%swap3A_2288], %min3A_2247 {strides = array<i32>} : memref<256xi32, #tpu.memory_space<vmem>>, vector<16xi32>,
      %swap3A_2290 = arith.constant 192 : index
      %swap3A_2291 = tpu.vector_load %arg8[%swap3A_2290] {strides = array<i32>} : memref<256xi32, #tpu.memory_space<vmem>>, vector<16xi32>,
      tpu.vector_store %arg8[%swap3A_2290], %min3A_2256 {strides = array<i32>} : memref<256xi32, #tpu.memory_space<vmem>>, vector<16xi32>,
      %mul3A_2292 = arith.constant 128 : i32
      %mul3A_2293 = arith.muli %add3A_1876, %mul3A_2292 : i32
      %add3A_2294 = arith.constant 80 : i32
      %add3A_2295 = arith.addi %mul3A_2293, %add3A_2294 : i32
      %get3A_2296 = arith.index_cast %add3A_2295 : i32 to index
      %get3A_2297 = tpu.vector_load %arg4[%get3A_2296] {strides = array<i32>} : memref<16384xf32, #tpu.memory_space<vmem>>, vector<16xf32>,
      %sub3A_2298 = arith.constant -2.000000e+01 : f32
      %sub3A_2299 = vector.broadcast %sub3A_2298 : f32 to vector<16xf32>
      %sub3A_2300 = arith.subf %get3A_2297, %sub3A_2299 : vector<16xf32>
      %mul3A_2301 = arith.constant 6.350000e+00 : f32
      %mul3A_2302 = vector.broadcast %mul3A_2301 : f32 to vector<16xf32>
      %mul3A_2303 = arith.mulf %sub3A_2300, %mul3A_2302 : vector<16xf32>
      %convert_element_type3A_2304 = arith.fptosi %mul3A_2303 : vector<16xf32> to vector<16xi32>
      %convert_element_type3A_2305 = arith.sitofp %convert_element_type3A_2304 : vector<16xi32> to vector<16xf32>
      %gt3A_2306 = arith.cmpf ogt, %convert_element_type3A_2305, %mul3A_2303 : vector<16xf32>
      %sub3A_2307 = arith.constant 1 : i32
      %sub3A_2308 = vector.broadcast %sub3A_2307 : i32 to vector<16xi32>
      %sub3A_2309 = arith.subi %convert_element_type3A_2304, %sub3A_2308 : vector<16xi32>
      %select_n3A_2310 = arith.select %gt3A_2306, %sub3A_2309, %convert_element_type3A_2304 : vector<16xi1>, vector<16xi32>
      %max3A_2311 = arith.constant 0 : i32
      %max3A_2312 = vector.broadcast %max3A_2311 : i32 to vector<16xi32>
      %max3A_2313 = arith.maxsi %select_n3A_2310, %max3A_2312 : vector<16xi32>
      %min3A_2314 = arith.constant 254 : i32
      %min3A_2315 = vector.broadcast %min3A_2314 : i32 to vector<16xi32>
      %min3A_2316 = arith.minsi %max3A_2313, %min3A_2315 : vector<16xi32>
      %add3A_2317 = arith.constant 1 : i32
      %add3A_2318 = vector.broadcast %add3A_2317 : i32 to vector<16xi32>
      %add3A_2319 = arith.addi %select_n3A_2310, %add3A_2318 : vector<16xi32>
      %max3A_2320 = arith.constant 0 : i32
      %max3A_2321 = vector.broadcast %max3A_2320 : i32 to vector<16xi32>
      %max3A_2322 = arith.maxsi %add3A_2319, %max3A_2321 : vector<16xi32>
      %min3A_2323 = arith.constant 254 : i32
      %min3A_2324 = vector.broadcast %min3A_2323 : i32 to vector<16xi32>
      %min3A_2325 = arith.minsi %max3A_2322, %min3A_2324 : vector<16xi32>
      %convert_element_type3A_2326 = arith.sitofp %min3A_2316 : vector<16xi32> to vector<16xf32>
      %mul3A_2327 = arith.constant 0.157480314 : f32
      %mul3A_2328 = vector.broadcast %mul3A_2327 : f32 to vector<16xf32>
      %mul3A_2329 = arith.mulf %convert_element_type3A_2326, %mul3A_2328 : vector<16xf32>
      %add3A_2330 = arith.constant -19.8425198 : f32
      %add3A_2331 = vector.broadcast %add3A_2330 : f32 to vector<16xf32>
      %add3A_2332 = arith.addf %add3A_2331, %mul3A_2329 : vector<16xf32>
      %sub3A_2333 = arith.subf %add3A_2332, %get3A_2297 : vector<16xf32>
      %abs3A_2334 = math.absf %sub3A_2333 : vector<16xf32>
      %mul3A_2335 = arith.constant 6.350000e+00 : f32
      %mul3A_2336 = vector.broadcast %mul3A_2335 : f32 to vector<16xf32>
      %mul3A_2337 = arith.mulf %abs3A_2334, %mul3A_2336 : vector<16xf32>
      %mul3A_2338 = arith.constant 0.157480314 : f32
      %mul3A_2339 = vector.broadcast %mul3A_2338 : f32 to vector<16xf32>
      %mul3A_2340 = arith.mulf %convert_element_type3A_2326, %mul3A_2339 : vector<16xf32>
      %add3A_2341 = arith.constant -2.000000e+01 : f32
      %add3A_2342 = vector.broadcast %add3A_2341 : f32 to vector<16xf32>
      %add3A_2343 = arith.addf %add3A_2342, %mul3A_2340 : vector<16xf32>
      %sub3A_2344 = arith.subf %add3A_2343, %get3A_2297 : vector<16xf32>
      %abs3A_2345 = math.absf %sub3A_2344 : vector<16xf32>
      %mul3A_2346 = arith.constant 6.350000e+00 : f32
      %mul3A_2347 = vector.broadcast %mul3A_2346 : f32 to vector<16xf32>
      %mul3A_2348 = arith.mulf %abs3A_2345, %mul3A_2347 : vector<16xf32>
      %eq3A_2349 = arith.cmpi eq, %select_n3A_2310, %min3A_2316 : vector<16xi32>
      %add3A_2350 = arith.constant 1 : i32
      %add3A_2351 = vector.broadcast %add3A_2350 : i32 to vector<16xi32>
      %add3A_2352 = arith.addi %select_n3A_2310, %add3A_2351 : vector<16xi32>
      %eq3A_2353 = arith.cmpi eq, %add3A_2352, %min3A_2325 : vector<16xi32>
      %add3A_2354 = arith.constant 80 : i32
      %add3A_2355 = vector.broadcast %add3A_2354 : i32 to vector<16xi32>
      %add3A_2356 = arith.addi %add3A_2355, %iota3A : vector<16xi32>
      tpu.vector_store_idx %arg6[%min3A_2316, %broadcast_in_dim3A_53, %add3A_2356], %mul3A_2337 masked %eq3A_2349 : memref<255x1x128xf32, #tpu.memory_space<vmem>>[vector<16xi32>, vector<16xi32>, vector<16xi32>], vector<16xf32>, vector<16xi1>
      tpu.vector_store_idx %arg6[%min3A_2325, %broadcast_in_dim3A_53, %add3A_2356], %mul3A_2348 masked %eq3A_2353 : memref<255x1x128xf32, #tpu.memory_space<vmem>>[vector<16xi32>, vector<16xi32>, vector<16xi32>], vector<16xf32>, vector<16xi1>
      %swap3A_2357 = arith.constant 80 : index
      %swap3A_2358 = tpu.vector_load %arg8[%swap3A_2357] {strides = array<i32>} : memref<256xi32, #tpu.memory_space<vmem>>, vector<16xi32>,
      tpu.vector_store %arg8[%swap3A_2357], %min3A_2316 {strides = array<i32>} : memref<256xi32, #tpu.memory_space<vmem>>, vector<16xi32>,
      %swap3A_2359 = arith.constant 208 : index
      %swap3A_2360 = tpu.vector_load %arg8[%swap3A_2359] {strides = array<i32>} : memref<256xi32, #tpu.memory_space<vmem>>, vector<16xi32>,
      tpu.vector_store %arg8[%swap3A_2359], %min3A_2325 {strides = array<i32>} : memref<256xi32, #tpu.memory_space<vmem>>, vector<16xi32>,
      %mul3A_2361 = arith.constant 128 : i32
      %mul3A_2362 = arith.muli %add3A_1876, %mul3A_2361 : i32
      %add3A_2363 = arith.constant 96 : i32
      %add3A_2364 = arith.addi %mul3A_2362, %add3A_2363 : i32
      %get3A_2365 = arith.index_cast %add3A_2364 : i32 to index
      %get3A_2366 = tpu.vector_load %arg4[%get3A_2365] {strides = array<i32>} : memref<16384xf32, #tpu.memory_space<vmem>>, vector<16xf32>,
      %sub3A_2367 = arith.constant -2.000000e+01 : f32
      %sub3A_2368 = vector.broadcast %sub3A_2367 : f32 to vector<16xf32>
      %sub3A_2369 = arith.subf %get3A_2366, %sub3A_2368 : vector<16xf32>
      %mul3A_2370 = arith.constant 6.350000e+00 : f32
      %mul3A_2371 = vector.broadcast %mul3A_2370 : f32 to vector<16xf32>
      %mul3A_2372 = arith.mulf %sub3A_2369, %mul3A_2371 : vector<16xf32>
      %convert_element_type3A_2373 = arith.fptosi %mul3A_2372 : vector<16xf32> to vector<16xi32>
      %convert_element_type3A_2374 = arith.sitofp %convert_element_type3A_2373 : vector<16xi32> to vector<16xf32>
      %gt3A_2375 = arith.cmpf ogt, %convert_element_type3A_2374, %mul3A_2372 : vector<16xf32>
      %sub3A_2376 = arith.constant 1 : i32
      %sub3A_2377 = vector.broadcast %sub3A_2376 : i32 to vector<16xi32>
      %sub3A_2378 = arith.subi %convert_element_type3A_2373, %sub3A_2377 : vector<16xi32>
      %select_n3A_2379 = arith.select %gt3A_2375, %sub3A_2378, %convert_element_type3A_2373 : vector<16xi1>, vector<16xi32>
      %max3A_2380 = arith.constant 0 : i32
      %max3A_2381 = vector.broadcast %max3A_2380 : i32 to vector<16xi32>
      %max3A_2382 = arith.maxsi %select_n3A_2379, %max3A_2381 : vector<16xi32>
      %min3A_2383 = arith.constant 254 : i32
      %min3A_2384 = vector.broadcast %min3A_2383 : i32 to vector<16xi32>
      %min3A_2385 = arith.minsi %max3A_2382, %min3A_2384 : vector<16xi32>
      %add3A_2386 = arith.constant 1 : i32
      %add3A_2387 = vector.broadcast %add3A_2386 : i32 to vector<16xi32>
      %add3A_2388 = arith.addi %select_n3A_2379, %add3A_2387 : vector<16xi32>
      %max3A_2389 = arith.constant 0 : i32
      %max3A_2390 = vector.broadcast %max3A_2389 : i32 to vector<16xi32>
      %max3A_2391 = arith.maxsi %add3A_2388, %max3A_2390 : vector<16xi32>
      %min3A_2392 = arith.constant 254 : i32
      %min3A_2393 = vector.broadcast %min3A_2392 : i32 to vector<16xi32>
      %min3A_2394 = arith.minsi %max3A_2391, %min3A_2393 : vector<16xi32>
      %convert_element_type3A_2395 = arith.sitofp %min3A_2385 : vector<16xi32> to vector<16xf32>
      %mul3A_2396 = arith.constant 0.157480314 : f32
      %mul3A_2397 = vector.broadcast %mul3A_2396 : f32 to vector<16xf32>
      %mul3A_2398 = arith.mulf %convert_element_type3A_2395, %mul3A_2397 : vector<16xf32>
      %add3A_2399 = arith.constant -19.8425198 : f32
      %add3A_2400 = vector.broadcast %add3A_2399 : f32 to vector<16xf32>
      %add3A_2401 = arith.addf %add3A_2400, %mul3A_2398 : vector<16xf32>
      %sub3A_2402 = arith.subf %add3A_2401, %get3A_2366 : vector<16xf32>
      %abs3A_2403 = math.absf %sub3A_2402 : vector<16xf32>
      %mul3A_2404 = arith.constant 6.350000e+00 : f32
      %mul3A_2405 = vector.broadcast %mul3A_2404 : f32 to vector<16xf32>
      %mul3A_2406 = arith.mulf %abs3A_2403, %mul3A_2405 : vector<16xf32>
      %mul3A_2407 = arith.constant 0.157480314 : f32
      %mul3A_2408 = vector.broadcast %mul3A_2407 : f32 to vector<16xf32>
      %mul3A_2409 = arith.mulf %convert_element_type3A_2395, %mul3A_2408 : vector<16xf32>
      %add3A_2410 = arith.constant -2.000000e+01 : f32
      %add3A_2411 = vector.broadcast %add3A_2410 : f32 to vector<16xf32>
      %add3A_2412 = arith.addf %add3A_2411, %mul3A_2409 : vector<16xf32>
      %sub3A_2413 = arith.subf %add3A_2412, %get3A_2366 : vector<16xf32>
      %abs3A_2414 = math.absf %sub3A_2413 : vector<16xf32>
      %mul3A_2415 = arith.constant 6.350000e+00 : f32
      %mul3A_2416 = vector.broadcast %mul3A_2415 : f32 to vector<16xf32>
      %mul3A_2417 = arith.mulf %abs3A_2414, %mul3A_2416 : vector<16xf32>
      %eq3A_2418 = arith.cmpi eq, %select_n3A_2379, %min3A_2385 : vector<16xi32>
      %add3A_2419 = arith.constant 1 : i32
      %add3A_2420 = vector.broadcast %add3A_2419 : i32 to vector<16xi32>
      %add3A_2421 = arith.addi %select_n3A_2379, %add3A_2420 : vector<16xi32>
      %eq3A_2422 = arith.cmpi eq, %add3A_2421, %min3A_2394 : vector<16xi32>
      %add3A_2423 = arith.constant 96 : i32
      %add3A_2424 = vector.broadcast %add3A_2423 : i32 to vector<16xi32>
      %add3A_2425 = arith.addi %add3A_2424, %iota3A : vector<16xi32>
      tpu.vector_store_idx %arg6[%min3A_2385, %broadcast_in_dim3A_53, %add3A_2425], %mul3A_2406 masked %eq3A_2418 : memref<255x1x128xf32, #tpu.memory_space<vmem>>[vector<16xi32>, vector<16xi32>, vector<16xi32>], vector<16xf32>, vector<16xi1>
      tpu.vector_store_idx %arg6[%min3A_2394, %broadcast_in_dim3A_53, %add3A_2425], %mul3A_2417 masked %eq3A_2422 : memref<255x1x128xf32, #tpu.memory_space<vmem>>[vector<16xi32>, vector<16xi32>, vector<16xi32>], vector<16xf32>, vector<16xi1>
      %swap3A_2426 = arith.constant 96 : index
      %swap3A_2427 = tpu.vector_load %arg8[%swap3A_2426] {strides = array<i32>} : memref<256xi32, #tpu.memory_space<vmem>>, vector<16xi32>,
      tpu.vector_store %arg8[%swap3A_2426], %min3A_2385 {strides = array<i32>} : memref<256xi32, #tpu.memory_space<vmem>>, vector<16xi32>,
      %swap3A_2428 = arith.constant 224 : index
      %swap3A_2429 = tpu.vector_load %arg8[%swap3A_2428] {strides = array<i32>} : memref<256xi32, #tpu.memory_space<vmem>>, vector<16xi32>,
      tpu.vector_store %arg8[%swap3A_2428], %min3A_2394 {strides = array<i32>} : memref<256xi32, #tpu.memory_space<vmem>>, vector<16xi32>,
      %mul3A_2430 = arith.constant 128 : i32
      %mul3A_2431 = arith.muli %add3A_1876, %mul3A_2430 : i32
      %add3A_2432 = arith.constant 112 : i32
      %add3A_2433 = arith.addi %mul3A_2431, %add3A_2432 : i32
      %get3A_2434 = arith.index_cast %add3A_2433 : i32 to index
      %get3A_2435 = tpu.vector_load %arg4[%get3A_2434] {strides = array<i32>} : memref<16384xf32, #tpu.memory_space<vmem>>, vector<16xf32>,
      %sub3A_2436 = arith.constant -2.000000e+01 : f32
      %sub3A_2437 = vector.broadcast %sub3A_2436 : f32 to vector<16xf32>
      %sub3A_2438 = arith.subf %get3A_2435, %sub3A_2437 : vector<16xf32>
      %mul3A_2439 = arith.constant 6.350000e+00 : f32
      %mul3A_2440 = vector.broadcast %mul3A_2439 : f32 to vector<16xf32>
      %mul3A_2441 = arith.mulf %sub3A_2438, %mul3A_2440 : vector<16xf32>
      %convert_element_type3A_2442 = arith.fptosi %mul3A_2441 : vector<16xf32> to vector<16xi32>
      %convert_element_type3A_2443 = arith.sitofp %convert_element_type3A_2442 : vector<16xi32> to vector<16xf32>
      %gt3A_2444 = arith.cmpf ogt, %convert_element_type3A_2443, %mul3A_2441 : vector<16xf32>
      %sub3A_2445 = arith.constant 1 : i32
      %sub3A_2446 = vector.broadcast %sub3A_2445 : i32 to vector<16xi32>
      %sub3A_2447 = arith.subi %convert_element_type3A_2442, %sub3A_2446 : vector<16xi32>
      %select_n3A_2448 = arith.select %gt3A_2444, %sub3A_2447, %convert_element_type3A_2442 : vector<16xi1>, vector<16xi32>
      %max3A_2449 = arith.constant 0 : i32
      %max3A_2450 = vector.broadcast %max3A_2449 : i32 to vector<16xi32>
      %max3A_2451 = arith.maxsi %select_n3A_2448, %max3A_2450 : vector<16xi32>
      %min3A_2452 = arith.constant 254 : i32
      %min3A_2453 = vector.broadcast %min3A_2452 : i32 to vector<16xi32>
      %min3A_2454 = arith.minsi %max3A_2451, %min3A_2453 : vector<16xi32>
      %add3A_2455 = arith.constant 1 : i32
      %add3A_2456 = vector.broadcast %add3A_2455 : i32 to vector<16xi32>
      %add3A_2457 = arith.addi %select_n3A_2448, %add3A_2456 : vector<16xi32>
      %max3A_2458 = arith.constant 0 : i32
      %max3A_2459 = vector.broadcast %max3A_2458 : i32 to vector<16xi32>
      %max3A_2460 = arith.maxsi %add3A_2457, %max3A_2459 : vector<16xi32>
      %min3A_2461 = arith.constant 254 : i32
      %min3A_2462 = vector.broadcast %min3A_2461 : i32 to vector<16xi32>
      %min3A_2463 = arith.minsi %max3A_2460, %min3A_2462 : vector<16xi32>
      %convert_element_type3A_2464 = arith.sitofp %min3A_2454 : vector<16xi32> to vector<16xf32>
      %mul3A_2465 = arith.constant 0.157480314 : f32
      %mul3A_2466 = vector.broadcast %mul3A_2465 : f32 to vector<16xf32>
      %mul3A_2467 = arith.mulf %convert_element_type3A_2464, %mul3A_2466 : vector<16xf32>
      %add3A_2468 = arith.constant -19.8425198 : f32
      %add3A_2469 = vector.broadcast %add3A_2468 : f32 to vector<16xf32>
      %add3A_2470 = arith.addf %add3A_2469, %mul3A_2467 : vector<16xf32>
      %sub3A_2471 = arith.subf %add3A_2470, %get3A_2435 : vector<16xf32>
      %abs3A_2472 = math.absf %sub3A_2471 : vector<16xf32>
      %mul3A_2473 = arith.constant 6.350000e+00 : f32
      %mul3A_2474 = vector.broadcast %mul3A_2473 : f32 to vector<16xf32>
      %mul3A_2475 = arith.mulf %abs3A_2472, %mul3A_2474 : vector<16xf32>
      %mul3A_2476 = arith.constant 0.157480314 : f32
      %mul3A_2477 = vector.broadcast %mul3A_2476 : f32 to vector<16xf32>
      %mul3A_2478 = arith.mulf %convert_element_type3A_2464, %mul3A_2477 : vector<16xf32>
      %add3A_2479 = arith.constant -2.000000e+01 : f32
      %add3A_2480 = vector.broadcast %add3A_2479 : f32 to vector<16xf32>
      %add3A_2481 = arith.addf %add3A_2480, %mul3A_2478 : vector<16xf32>
      %sub3A_2482 = arith.subf %add3A_2481, %get3A_2435 : vector<16xf32>
      %abs3A_2483 = math.absf %sub3A_2482 : vector<16xf32>
      %mul3A_2484 = arith.constant 6.350000e+00 : f32
      %mul3A_2485 = vector.broadcast %mul3A_2484 : f32 to vector<16xf32>
      %mul3A_2486 = arith.mulf %abs3A_2483, %mul3A_2485 : vector<16xf32>
      %eq3A_2487 = arith.cmpi eq, %select_n3A_2448, %min3A_2454 : vector<16xi32>
      %add3A_2488 = arith.constant 1 : i32
      %add3A_2489 = vector.broadcast %add3A_2488 : i32 to vector<16xi32>
      %add3A_2490 = arith.addi %select_n3A_2448, %add3A_2489 : vector<16xi32>
      %eq3A_2491 = arith.cmpi eq, %add3A_2490, %min3A_2463 : vector<16xi32>
      %add3A_2492 = arith.constant 112 : i32
      %add3A_2493 = vector.broadcast %add3A_2492 : i32 to vector<16xi32>
      %add3A_2494 = arith.addi %add3A_2493, %iota3A : vector<16xi32>
      tpu.vector_store_idx %arg6[%min3A_2454, %broadcast_in_dim3A_53, %add3A_2494], %mul3A_2475 masked %eq3A_2487 : memref<255x1x128xf32, #tpu.memory_space<vmem>>[vector<16xi32>, vector<16xi32>, vector<16xi32>], vector<16xf32>, vector<16xi1>
      tpu.vector_store_idx %arg6[%min3A_2463, %broadcast_in_dim3A_53, %add3A_2494], %mul3A_2486 masked %eq3A_2491 : memref<255x1x128xf32, #tpu.memory_space<vmem>>[vector<16xi32>, vector<16xi32>, vector<16xi32>], vector<16xf32>, vector<16xi1>
      %swap3A_2495 = arith.constant 112 : index
      %swap3A_2496 = tpu.vector_load %arg8[%swap3A_2495] {strides = array<i32>} : memref<256xi32, #tpu.memory_space<vmem>>, vector<16xi32>,
      tpu.vector_store %arg8[%swap3A_2495], %min3A_2454 {strides = array<i32>} : memref<256xi32, #tpu.memory_space<vmem>>, vector<16xi32>,
      %swap3A_2497 = arith.constant 240 : index
      %swap3A_2498 = tpu.vector_load %arg8[%swap3A_2497] {strides = array<i32>} : memref<256xi32, #tpu.memory_space<vmem>>, vector<16xi32>,
      tpu.vector_store %arg8[%swap3A_2497], %min3A_2463 {strides = array<i32>} : memref<256xi32, #tpu.memory_space<vmem>>, vector<16xi32>,
      %shift_right_arithmetic3A_2499 = arith.constant 4 : i32
      %shift_right_arithmetic3A_2500 = arith.shrsi %add3A_1876, %shift_right_arithmetic3A_2499 : i32
      %add3A_2501 = arith.addi %mul3A_32, %shift_right_arithmetic3A_2500 : i32
      %and3A_2502 = arith.constant 15 : i32
      %and3A_2503 = arith.andi %add3A_1876, %and3A_2502 : i32
      %mul3A_2504 = arith.constant 128 : i32
      %mul3A_2505 = arith.muli %and3A_2503, %mul3A_2504 : i32
      %add3A_2506 = arith.addi %mul3A_34, %mul3A_2505 : i32
      %dma_start3A_2507 = arith.constant 0 : i32
      %dma_start3A_2508 = tpu.memref_slice %arg3[%dma_start3A_2507, %add3A_2501, %add3A_2506] : memref<255x128x4096xf32, #tpu.memory_space<hbm>> -> memref<255x1x128xf32, #tpu.memory_space<hbm>>
      %dma_start3A_2509 = arith.constant 0 : i32
      %dma_start3A_2510 = tpu.memref_slice %arg3[%dma_start3A_2509, %add3A_2501, %add3A_2506] : memref<255x128x4096xf32, #tpu.memory_space<hbm>> -> memref<255x1x128xf32, #tpu.memory_space<hbm>>
      tpu.enqueue_dma source(%arg6 : memref<255x1x128xf32, #tpu.memory_space<vmem>>) target(%dma_start3A_2510 : memref<255x1x128xf32, #tpu.memory_space<hbm>>) target_semaphore(%arg10 : memref<!tpu.dma_semaphore, #tpu.memory_space<semaphore_mem>>)
      %scan3A_2511 = arith.constant 0 : i32
      scf.yield %scan3A_2511 : i32
    }
    %scan3A_1205 = arith.constant 63 : i32
    %shift_right_arithmetic3A_1206 = arith.constant 0 : i32
    %shift_right_arithmetic3A_1207 = arith.constant 4 : i32
    %shift_right_arithmetic3A_1208 = arith.shrsi %shift_right_arithmetic3A_1206, %shift_right_arithmetic3A_1207 : i32
    %add3A_1209 = arith.addi %mul3A_32, %shift_right_arithmetic3A_1208 : i32
    %and3A_1210 = arith.constant 0 : i32
    %and3A_1211 = arith.constant 15 : i32
    %and3A_1212 = arith.andi %and3A_1210, %and3A_1211 : i32
    %mul3A_1213 = arith.constant 128 : i32
    %mul3A_1214 = arith.muli %and3A_1212, %mul3A_1213 : i32
    %add3A_1215 = arith.addi %mul3A_34, %mul3A_1214 : i32
    %dma_wait3A = arith.constant 0 : i32
    %dma_wait3A_1216 = tpu.memref_slice %arg3[%dma_wait3A, %add3A_1209, %add3A_1215] : memref<255x128x4096xf32, #tpu.memory_space<hbm>> -> memref<255x1x128xf32, #tpu.memory_space<hbm>>
    %dma_wait3A_1217 = arith.constant 0 : i32
    %dma_wait3A_1218 = tpu.memref_slice %arg3[%dma_wait3A_1217, %add3A_1209, %add3A_1215] : memref<255x128x4096xf32, #tpu.memory_space<hbm>> -> memref<255x1x128xf32, #tpu.memory_space<hbm>>
    tpu.wait_dma2 semaphore(%arg9 : memref<!tpu.dma_semaphore, #tpu.memory_space<semaphore_mem>>) src(%arg5 : memref<255x1x128xf32, #tpu.memory_space<vmem>>) dst(%dma_wait3A_1218 : memref<255x1x128xf32, #tpu.memory_space<hbm>>)
    %shift_right_arithmetic3A_1219 = arith.constant 0 : i32
    %shift_right_arithmetic3A_1220 = arith.constant 4 : i32
    %shift_right_arithmetic3A_1221 = arith.shrsi %shift_right_arithmetic3A_1219, %shift_right_arithmetic3A_1220 : i32
    %add3A_1222 = arith.addi %mul3A_32, %shift_right_arithmetic3A_1221 : i32
    %and3A_1223 = arith.constant 0 : i32
    %and3A_1224 = arith.constant 15 : i32
    %and3A_1225 = arith.andi %and3A_1223, %and3A_1224 : i32
    %mul3A_1226 = arith.constant 128 : i32
    %mul3A_1227 = arith.muli %and3A_1225, %mul3A_1226 : i32
    %add3A_1228 = arith.addi %mul3A_34, %mul3A_1227 : i32
    %dma_wait3A_1229 = arith.constant 0 : i32
    %dma_wait3A_1230 = tpu.memref_slice %arg3[%dma_wait3A_1229, %add3A_1222, %add3A_1228] : memref<255x128x4096xf32, #tpu.memory_space<hbm>> -> memref<255x1x128xf32, #tpu.memory_space<hbm>>
    %dma_wait3A_1231 = arith.constant 0 : i32
    %dma_wait3A_1232 = tpu.memref_slice %arg3[%dma_wait3A_1231, %add3A_1222, %add3A_1228] : memref<255x128x4096xf32, #tpu.memory_space<hbm>> -> memref<255x1x128xf32, #tpu.memory_space<hbm>>
    tpu.wait_dma2 semaphore(%arg10 : memref<!tpu.dma_semaphore, #tpu.memory_space<semaphore_mem>>) src(%arg6 : memref<255x1x128xf32, #tpu.memory_space<vmem>>) dst(%dma_wait3A_1232 : memref<255x1x128xf32, #tpu.memory_space<hbm>>)
    return
  }
}

</mosaic_0001>

<sc_bundles>
// kernel: kernel.3.cloned.1.call-start
scs
__scs_entry_jumppad:
0x0: {  	(pc) =	sbr.rel $0x88, $3  }
0x1: {  	(tag) =	ssettag $0x0;
	lr =	simm.s32 $0x1  }
0x2: {  	[smem:$0x3FA0] =	sst lr;
	_ =	strace $0xD0000000  }
0x3: {  	_ = 	snop  }
0x4: {  	_ = 	snop  }
0x5: {  	_ = 	snop  }
0x6: {  	_ = 	snop  }
0x7: {  	_ = 	snop  }
__scs_overlays_trampoline_lowered:
0x8: {  	[smem:$0x3FAF] =	sst s0  }
0x9: {  	[smem:$0x3FB0] =	sst s1  }
0xa: {  	[smem:$0x3FB1] =	sst s2  }
0xb: {  	[smem:$0x3FB2] =	sst s3  }
0xc: {  	[smem:$0x3FB3] =	sst s4  }
0xd: {  	[smem:$0x3FB4] =	sst s5  }
0xe: {  	[smem:$0x3FB5] =	sst s6  }
0xf: {  	[smem:$0x3FB6] =	sst s7  }
0x10: {  	[smem:$0x3FB7] =	sst s8  }
0x11: {  	[smem:$0x3FB8] =	sst s9;
	s0 =	simm.s32 @!p0 $0x0  }
0x12: {  	s1 =	sld [smem:$0x3F9E];
	s0 =	simm.s32 @p0 $0x1  }
0x13: {  	[smem:$0x3FB9] =	sst s0;
	s0 =	simm.s32 @!p1 $0x0  }
0x14: {  	s2 =	sld [smem:$0x3F9D];
	s0 =	simm.s32 @p1 $0x1  }
0x15: {  	[smem:$0x3FBA] =	sst s0;
	s0 =	simm.s32 @!p2 $0x0  }
0x16: {  	s3 =	sld [smem:$0x3FDB];
	s0 =	simm.s32 @p2 $0x1  }
0x17: {  	s4 =	simm.s32 $0x1BF5;
	[smem:$0x3FBC] =	sst s0  }
0x18: {  	s0 =	sld [smem:$0x3F9F];
	_ =	swait.ge [sflag:s4], $0x0  }
0x19: {  	s7 =	sld [smem:$0x3FA0]  }
0x1a: {  	s8 =	sadd.s32 $0xFFFFE003, lr  }
0x1b: {  	s9 =	sadd.s32 $0xFFFFFEF7, lr;
	s5 =	simm.s32 $0xFFFFFFFF;
	p2 =	slt.u32 s8, $0xFFFFF086  }
0x1c: {  	p1 =	slt.u32 s9, $0xF7A;
	s5 =	simm.s32 @!p2 $0x0  }
0x1d: {  	s5 =	simm.s32 @p1 $0x1;
	p0 =	seq.s32 s7, s2  }
0x1e: {  	s7 =	smul.u32 @!p0 $0xF7A, s2;
	p2 =	seq.s32 @!p0 s5, $0x0  }
0x1f: {  	s9 =	smul.u32 $0xF7A, s1;
	s8 =	simm.s32 @!p0 $0x1BF5;
	p2 =	por !p2, p0  }
0x20: {  	[sflag:s8] =	ssyncset.s32 @!p0 $0xFFFFF086;
	s6 =	sadd.s32 @!p0 s3, s7;
	s7 =	simm.s32 @!p0 $0x108  }
0x21: {  	s3 =	sadd.s32 s3, s9;
	s6 =	sadd.s32 @!p0 $0x88, s6;
	s7 =	simm.s32 @p2 $0x1082  }
0x22: {  	[simem:s7], [sflag:s8] =	dma.local @!p0 [hbm:s6], $0xF7A  }
0x23: {  	s9 =	sor.u32 $0xD0000000, s2;
	s6 =	simm.s32 $0x108;
	_ =	swait.ge @!p0 [sflag:s8], $0x0  }
0x24: {  	s3 =	sadd.s32 $0x88, s3;
	s6 =	simm.s32 @!p1 $0x1082;
	[sflag:s4] =	ssyncset.s32 $0xFFFFF086  }
0x25: {  	[simem:s6], [sflag:s4] =	dma.local [hbm:s3], $0xF7A  }
0x26: {  	[smem:$0x3FA0] =	sst s1;
	(tag) =	ssettag s2;
	_ =	strace s9  }
0x27: {  	s1 =	sld [smem:$0x3FB0]  }
0x28: {  	s2 =	sld [smem:$0x3FB1]  }
0x29: {  	s4 =	sld [smem:$0x3FB3]  }
0x2a: {  	p0 =	seq.s32 s5, $0x0;
	s5 =	sld [smem:$0x3FB4]  }
0x2b: {  	s6 =	sld [smem:$0x3FB5]  }
0x2c: {  	s7 =	sld [smem:$0x3FB6]  }
0x2d: {  	s3 =	simm.s32 $0x108;
	s8 =	sld [smem:$0x3FB7]  }
0x2e: {  	s3 =	simm.s32 @!p0 $0x1082;
	s9 =	sld [smem:$0x3FB8]  }
0x2f: {  	lr =	sadd.s32 s0, s3;
	s0 =	sld [smem:$0x3FAF]  }
0x30: {  	s3 =	sld [smem:$0x3FB2]  }
0x31: {  	[smem:$0x3FBB] =	sst s10  }
0x32: {  	s10 =	sld [smem:$0x3FB9];
	_ =	sdelay $0x3  }
0x33: {  	p0 =	seq.s32 s10, $0x1;
	s10 =	sld [smem:$0x3FBB];
	_ =	sdelay $0x3  }
0x34: {  	[smem:$0x3FBB] =	sst s10  }
0x35: {  	s10 =	sld [smem:$0x3FBA];
	_ =	sdelay $0x3  }
0x36: {  	p1 =	seq.s32 s10, $0x1;
	s10 =	sld [smem:$0x3FBB];
	_ =	sdelay $0x3  }
0x37: {  	[smem:$0x3FBB] =	sst s10  }
0x38: {  	s10 =	sld [smem:$0x3FBC]  }
0x39: {  	_ = 	snop;
	(pc) =	sbr.ind lr, $3  }
0x3a: {  	_ = 	snop  }
0x3b: {  	_ = 	snop  }
0x3c: {  	p2 =	seq.s32 s10, $0x1;
	s10 =	sld [smem:$0x3FBB]  }
0x3d: {  	_ =	shalt  }
0x3e: {  	_ =	shalt  }
0x3f: {  	_ =	shalt  }
0x40: {  	_ =	shalt  }
0x41: {  	_ =	shalt  }
0x42: {  	_ =	shalt  }
0x43: {  	_ =	shalt  }
0x44: {  	_ =	shalt  }
0x45: {  	_ =	shalt  }
0x46: {  	_ =	shalt  }
0x47: {  	_ =	shalt  }
0x48: {  	_ =	shalt  }
0x49: {  	_ =	shalt  }
0x4a: {  	_ =	shalt  }
0x4b: {  	_ =	shalt  }
0x4c: {  	_ =	shalt  }
0x4d: {  	_ =	shalt  }
0x4e: {  	_ =	shalt  }
0x4f: {  	_ =	shalt  }
0x50: {  	_ =	shalt  }
0x51: {  	_ =	shalt  }
0x52: {  	_ =	shalt  }
0x53: {  	_ =	shalt  }
0x54: {  	_ =	shalt  }
0x55: {  	_ =	shalt  }
0x56: {  	_ =	shalt  }
0x57: {  	_ =	shalt  }
0x58: {  	_ =	shalt  }
0x59: {  	_ =	shalt  }
0x5a: {  	_ =	shalt  }
0x5b: {  	_ =	shalt  }
0x5c: {  	_ =	shalt  }
0x5d: {  	_ =	shalt  }
0x5e: {  	_ =	shalt  }
0x5f: {  	_ =	shalt  }
0x60: {  	_ =	shalt  }
0x61: {  	_ =	shalt  }
0x62: {  	_ =	shalt  }
0x63: {  	_ =	shalt  }
0x64: {  	_ =	shalt  }
0x65: {  	_ =	shalt  }
0x66: {  	_ =	shalt  }
0x67: {  	_ =	shalt  }
0x68: {  	_ =	shalt  }
0x69: {  	_ =	shalt  }
0x6a: {  	_ =	shalt  }
0x6b: {  	_ =	shalt  }
0x6c: {  	_ =	shalt  }
0x6d: {  	_ =	shalt  }
0x6e: {  	_ =	shalt  }
0x6f: {  	_ =	shalt  }
0x70: {  	_ =	shalt  }
0x71: {  	_ =	shalt  }
0x72: {  	_ =	shalt  }
0x73: {  	_ =	shalt  }
0x74: {  	_ =	shalt  }
0x75: {  	_ =	shalt  }
0x76: {  	_ =	shalt  }
0x77: {  	_ =	shalt  }
0x78: {  	_ =	shalt  }
0x79: {  	_ =	shalt  }
0x7a: {  	_ =	shalt  }
0x7b: {  	_ =	shalt  }
0x7c: {  	_ =	shalt  }
0x7d: {  	_ =	shalt  }
0x7e: {  	_ =	shalt  }
0x7f: {  	_ =	shalt  }
0x80: {  	_ =	shalt  }
0x81: {  	_ =	shalt  }
0x82: {  	_ =	shalt  }
0x83: {  	_ =	shalt  }
0x84: {  	_ =	shalt  }
0x85: {  	_ =	shalt  }
0x86: {  	_ =	shalt  }
0x87: {  	_ =	shalt  }
.Lfunc_end0:
.L_simem_size_0:
called_computation_lowered:
.L_overlay_start_0:
0x88: {  	s2 =	sld [smem:$0x3FD9]  }
0x89: {  	s3 =	sld [smem:$0x3FFE];
	_ =	sdelay $0x1  }
0x8a: {  	s1 =	srdreg.scid  }
0x8b: {  	s0 =	sand.u32 $0x1, s1  }
0x8c: {  	s17 =	sshll.u32 s0, $0xA;
	s2 =	sadd.s32 s3, s2  }
0x8d: {  	s2 =	sadd.s32 s2, s17  }
0x8e: {  	[smem:$0x3FC7] =	sst s2  }
0x8f: {  	_ = 	snop  }
0x90: {  	s2 =	sld [smem:$0x3FD0];
	(tm) =	ssettm $0x1  }
0x91: {  	s18 =	sld [smem:$0x3FFB];
	_ =	sdelay $0x3  }
0x92: {  	_ =	strace s18  }
0x93: {  	s3 =	sld [smem:$0x3FFC];
	_ =	sdelay $0x3  }
0x94: {  	_ =	strace s3  }
0x95: {  	s3 =	sld [smem:$0x3FFD];
	_ =	sdelay $0x3  }
0x96: {  	_ =	strace s3  }
0x97: {  	_ =	strace $0x8FFFFFFF  }
0x98: {  	s19 =	sld [smem:$0x3FDB];
	_ =	sdelay $0x1  }
0x99: {  	s4 =	simm.s32 $_scs_section_size  }
0x9a: {  	s5 =	simm.s32 $_size__tile_overlayer_lowered;
	s6 =	simm.s32 $_tile_overlayer_lowered  }
0x9b: {  	s22 =	simm.s32 $0x1BFF;
	s21 =	sshll.u32 s6, $0x1;
	s3 =	sadd.s32 s4, s19  }
0x9c: {  	s7 =	simm.s32 $0x0;
	s20 =	sshll.u32 s5, $0x1;
	s5 =	sadd.s32 s21, s3  }
0x9d: {  	[timem:s7], [sflag:s22] =	dma.local [hbm:s5], s20  }
0x9e: {  	_ =	swait.ge [sflag:s22], s20  }
0x9f: {  	s4 =	ssub.s32 $0x0, s20;
	[sflag:s22] =	ssyncset.done $0x0  }
0xa0: {  	[sflag:s22] =	ssyncadd.s32 s4;
	_ =	sdelay $0x1  }
0xa1: {  	s23 =	simm.s32 $0x1B8B  }
0xa2: {  	_ =	swait.ge [sflag:s23], $0x1  }
0xa3: {  	[sflag:s23] =	ssyncset.done $0x0  }
0xa4: {  	s25 =	simm.s32 $0x1B8E;
	s24 =	sld [smem:$0x3FFE];
	[sflag:s23] =	ssyncadd.s32 $0xFFFFFFFF  }
0xa5: {  	s26 =	simm.s32 $execute0_lowered;
	[smem:$0x3FD2] =	sst s25  }
0xa6: {  	s5 =	sshll.u32 s26, $0x1;
	_ =	strace $0x80000046;
	[dreg:$0x1] =	wrdreg $0xFFFFFFFF  }
0xa7: {  	s28 =	simm.s32 $_size_execute0_lowered;
	s3 =	sadd.s32 s3, s5;
	[dreg:$0x0] =	wrdreg $0x0  }
0xa8: {  	s5 =	sshll.u32 s28, $0x1;
	[dreg:$0x2] =	wrdreg s3  }
0xa9: {  	[dreg:$0x3] =	wrdreg s5  }
0xaa: {  	[dreg:$0x4] =	wrdreg $0xC0  }
0xab: {  	_ =	task [dreg:s7], $0x5FFFF  }
0xac: {  	[dreg:$0x1] =	wrdreg $0xFFFFFFFF  }
0xad: {  	[dreg:$0x0] =	wrdreg $0x60  }
0xae: {  	[dreg:$0x2] =	wrdreg s24  }
0xaf: {  	[dreg:$0x3] =	wrdreg s2  }
0xb0: {  	[dreg:$0x4] =	wrdreg $0x9  }
0xb1: {  	_ =	task.clear_ibuf [dreg:s7], $0x5FFFF;
	_ =	strace $0x90000046  }
0xb2: {  	s29 =	simm.s32 $0x9;
	_ =	strace $0x80000048  }
0xb3: {  	_ =	swait.ge [sflag:s29], $0x1  }
0xb4: {  	[sflag:s29] =	ssyncadd.s32 $0xFFFFFFFF  }
0xb5: {  	_ =	strace $0x90000048  }
0xb6: {  	_ =	sfence  }
0xb7: {  	s30 =	sld [smem:$0x0];
	_ =	sdelay $0x2  }
0xb8: {  	s31 =	sshll.u32 s1, $0xD;
	s1 =	sshrl.u32 s1, $0x2  }
0xb9: {  	s3 =	sand.u32 $0x4000, s31;
	s1 =	sadd.s32 s1, s30  }
0xba: {  	s0 =	sor.u32 s3, s0;
	s1 =	sshll.u32 s1, $0x11  }
0xbb: {  	s0 =	sor.u32 s1, s0  }
0xbc: {  	s0 =	sadd.s32 $0x8F2B, s0  }
0xbd: {  	[sflag:s0] =	ssyncadd.remote.s32 $0x1  }
0xbe: {  	_ =	sfence.sel $0xFFFF  }
0xbf: {  	[dreg:$0x0] =	wrdreg $0xFFFFFFFF;
	(pc) =	sbr.abs _section_cstart, $3  }
0xc0: {  	[dreg:$0x1] =	wrdreg $0xFFFFFFFF  }
0xc1: {  	_ =	task.clear_ibuf [dreg:s7], $0x2FFFF;
	_ =	strace $0x9FFFFFFF  }
0xc2: {  	(tm) =	ssettm $0x7FFFFFFF  }
0xc3: {  	_ =	shalt  }
tec
execute0_lowered:
.L_overlay_start_1:
0x0: {  	(tag) =	ssettag $0x1  }
0x1: {  	s0 =	srdreg.scid  }
0x2: {  	s5 =	stileid.u32;
	s1 =	rddreg [dreg:$0x0]  }
0x3: {  	s2 =	rddreg [dreg:$0x1];
	s4 =	simm.s32 $0x1;
	s18 =	simm.s32 $0x80  }
0x4: {  	s19 =	simm.s32 $0x400;
	s20 =	simm.s32 $0x3;
	s28 =	simm.s32 $0x3800  }
0x5: {  	s29 =	simm.s32 $0x4000;
	s30 =	simm.s32 $0x80000;
	s0 =	sand.u32 $0x1, s0  }
0x6: {  	s31 =	simm.s32 $0xBF80;
	s1 =	sadd.s32 $0x400, s1;
	s3 =	sor.u32 s0, s5  }
0x7: {  	p1 =	seq.s32 s0, $0x1;
	s6 =	ssub.s32 $0x2, s0;
	p0 =	seq.s32 s3, $0x0  }
0x8: {  	s3 =	simm.s32 $0x0;
	s7 =	sshrl.u32 s6, $0x1;
	p0 =	por !p0, !p1  }
0x9: {  	[smem:$0x7FF] =	sst s3;
	s17 =	ssub.s32 s6, s7;
	p0 =	por !p0, !p0  }
0xa: {  	s6 =	simm.s32 $0x1;
	_ =	strace $0x80000047;
	s4 =	simm.s32 @!p0 $0x0  }
0xb: {  	s17 =	smax.u32 s17, $0x1;
	s5 =	ssub.s32 s5, s4;
	s4 =	sshll.u32 s0, $0xB  }
0xc: {  	s0 =	sshll.u32 s0, $0xE;
	s8 =	sshll.u32 s5, $0xC;
	s5 =	sshll.u32 s5, $0xF  }
0xd: {  	s8 =	sand.u32 $0x1FFFF000, s8;
	s26 =	sshrl.u32 s5, $0x3;
	s0 =	sor.u32 s5, s0  }
0xe: {  	s8 =	sor.u32 s4, s8;
	s15 =	sor.u32 s4, s26;
	s0 =	sor.u32 $0x400, s0  }
0xf: {  	s26 =	simm.s32 $0x3000;
	s14 =	sadd.s32 s8, s1;
	s7 =	sadd.s32 s1, s15  }
0x10: {  	v0 =	vlaneseq.u32;
	s0 =	sshrl.u32 s0, $0x3;
	s15 =	sadd.s32 s2, s15;
	s1 =	simm.s32 $0x2  }
0x11: {  	v1 =	vimm.f32 $0.0e+00;
	v2 =	vimm.s32 $0x0;
	v3 =	vor.u32 $0x10, v0;
	s8 =	sadd.s32 $0x10, s14;
	s9 =	sadd.s32 $0x20, s14;
	s10 =	sadd.s32 $0x30, s14  }
0x12: {  	v4 =	vor.u32 $0x20, v0;
	v5 =	vor.u32 $0x30, v0;
	v6 =	vor.u32 $0x40, v0;
	s11 =	sadd.s32 $0x40, s14;
	s12 =	sadd.s32 $0x50, s14;
	s13 =	sadd.s32 $0x60, s14  }
0x13: {  	v7 =	vor.u32 $0x50, v0;
	v8 =	vor.u32 $0x60, v0;
	v9 =	vor.u32 $0x70, v0;
	s14 =	sadd.s32 $0x70, s14;
	s16 =	sadd.s32 s2, s0;
	s0 =	simm.s32 $0x0  }
.LBB2_1:
0x14: {  	[tilespmem:s3], [sflag:$0x3] =	stream.strided.gather [hbm4b:s7+s18], $0x800, s19, s18, $0x38;
	[tilespmem:$0x14100] =	vst v63  }
0x15: {  	_ =	swait.ge [sflag:s20], $0x800  }
0x16: {  	[sflag:s20] =	ssyncset.done $0x0  }
0x17: {  	s21 =	simm.s32 $0x800;
	[sflag:s20] =	ssyncadd.s32 $0xFFFFF800  }
0x18: {  	[tilespmem:s21], [sflag:$0x3] =	stream.strided.gather [hbm4b:s8+s18], $0x800, s19, s18, $0x38;
	[tilespmem:$0x14100] =	vst v63  }
0x19: {  	_ =	swait.ge [sflag:s20], $0x800  }
0x1a: {  	[sflag:s20] =	ssyncset.done $0x0  }
0x1b: {  	s22 =	simm.s32 $0x1000;
	[sflag:s20] =	ssyncadd.s32 $0xFFFFF800  }
0x1c: {  	[tilespmem:s22], [sflag:$0x3] =	stream.strided.gather [hbm4b:s9+s18], $0x800, s19, s18, $0x38;
	[tilespmem:$0x14100] =	vst v63  }
0x1d: {  	_ =	swait.ge [sflag:s20], $0x800  }
0x1e: {  	[sflag:s20] =	ssyncset.done $0x0  }
0x1f: {  	s23 =	simm.s32 $0x1800;
	[sflag:s20] =	ssyncadd.s32 $0xFFFFF800  }
0x20: {  	[tilespmem:s23], [sflag:$0x3] =	stream.strided.gather [hbm4b:s10+s18], $0x800, s19, s18, $0x38;
	[tilespmem:$0x14100] =	vst v63  }
0x21: {  	_ =	swait.ge [sflag:s20], $0x800  }
0x22: {  	[sflag:s20] =	ssyncset.done $0x0  }
0x23: {  	s24 =	simm.s32 $0x2000;
	[sflag:s20] =	ssyncadd.s32 $0xFFFFF800  }
0x24: {  	[tilespmem:s24], [sflag:$0x3] =	stream.strided.gather [hbm4b:s11+s18], $0x800, s19, s18, $0x38;
	[tilespmem:$0x14100] =	vst v63  }
0x25: {  	_ =	swait.ge [sflag:s20], $0x800  }
0x26: {  	[sflag:s20] =	ssyncset.done $0x0  }
0x27: {  	s25 =	simm.s32 $0x2800;
	[sflag:s20] =	ssyncadd.s32 $0xFFFFF800  }
0x28: {  	[tilespmem:s25], [sflag:$0x3] =	stream.strided.gather [hbm4b:s12+s18], $0x800, s19, s18, $0x38;
	[tilespmem:$0x14100] =	vst v63  }
0x29: {  	_ =	swait.ge [sflag:s20], $0x800  }
0x2a: {  	[sflag:s20] =	ssyncset.done $0x0  }
0x2b: {  	[sflag:s20] =	ssyncadd.s32 $0xFFFFF800  }
0x2c: {  	[tilespmem:s26], [sflag:$0x3] =	stream.strided.gather [hbm4b:s13+s18], $0x800, s19, s18, $0x38;
	[tilespmem:$0x14100] =	vst v63  }
0x2d: {  	_ =	swait.ge [sflag:s20], $0x800  }
0x2e: {  	[sflag:s20] =	ssyncset.done $0x0  }
0x2f: {  	[sflag:s20] =	ssyncadd.s32 $0xFFFFF800  }
0x30: {  	[tilespmem:s28], [sflag:$0x3] =	stream.strided.gather [hbm4b:s14+s18], $0x800, s19, s18, $0x38;
	[tilespmem:$0x14100] =	vst v63  }
0x31: {  	_ =	swait.ge [sflag:s20], $0x800  }
0x32: {  	[sflag:s20] =	ssyncset.done $0x0  }
0x33: {  	s21 =	simm.s32 $0x0;
	s22 =	simm.s32 $0x200;
	[sflag:s20] =	ssyncadd.s32 $0xFFFFF800  }
.LBB2_2:
0x34: {  	p0 =	sne.s32 s22, $0x1FC00;
	[tilespmem:s21+$0xBFF0] =	vst v1  }
0x35: {  	[tilespmem:s21+$0x4000] =	vst v1  }
0x36: {  	[tilespmem:s21+$0xBF80] =	vst v1  }
0x37: {  	[tilespmem:s21+$0x4010] =	vst v1  }
0x38: {  	[tilespmem:s21+$0xBF90] =	vst v1  }
0x39: {  	[tilespmem:s21+$0x4020] =	vst v1  }
0x3a: {  	[tilespmem:s21+$0xBFA0] =	vst v1  }
0x3b: {  	[tilespmem:s21+$0x4030] =	vst v1  }
0x3c: {  	[tilespmem:s21+$0xBFB0] =	vst v1  }
0x3d: {  	[tilespmem:s21+$0x4040] =	vst v1  }
0x3e: {  	[tilespmem:s21+$0xBFC0] =	vst v1  }
.Ltmp0:
0x3f: {  	[tilespmem:s21+$0x4050] =	vst v1;
	(pc) =	sbr.rel @p0 .LBB2_2-.Ltmp0, $4  }
0x40: {  	[tilespmem:s21+$0xBFD0] =	vst v1  }
0x41: {  	[tilespmem:s21+$0x4060] =	vst v1  }
0x42: {  	[tilespmem:s21+$0xBFE0] =	vst v1  }
0x43: {  	[tilespmem:s21+$0x4070] =	vst v1;
	s21 =	sshra.s32 s22, $0x2;
	s22 =	sadd.s32 $0x200, s22  }
0x44: {  	[tilespmem:s21+$0xBFF0] =	vst v1  }
0x45: {  	[tilespmem:s21+$0x4000] =	vst v1  }
0x46: {  	[tilespmem:s21+$0xBF80] =	vst v1  }
0x47: {  	[tilespmem:s21+$0x4010] =	vst v1  }
0x48: {  	[tilespmem:s21+$0xBF90] =	vst v1  }
0x49: {  	[tilespmem:s21+$0x4020] =	vst v1  }
0x4a: {  	[tilespmem:s21+$0xBFA0] =	vst v1  }
0x4b: {  	[tilespmem:s21+$0x4030] =	vst v1  }
0x4c: {  	[tilespmem:s21+$0xBFB0] =	vst v1  }
0x4d: {  	[tilespmem:s21+$0x4040] =	vst v1  }
0x4e: {  	[tilespmem:s21+$0xBFC0] =	vst v1  }
0x4f: {  	[tilespmem:s21+$0x4050] =	vst v1  }
0x50: {  	[tilespmem:s21+$0xBFD0] =	vst v1  }
0x51: {  	[tilespmem:s21+$0x4060] =	vst v1  }
0x52: {  	[tilespmem:s21+$0xBFE0] =	vst v1  }
0x53: {  	[tilespmem:s21+$0x4070] =	vst v1  }
0x54: {  	v10 =	vld [tilespmem:$0x0];
	_ =	sdelay $0x4  }
0x55: {  	v11 =	vadd.f32 $2.000000000e+01, v10;
	_ =	sdelay $0x1  }
0x56: {  	v11 =	vmul.f32 $6.349999900e+00, v11;
	_ =	sdelay $0x1  }
0x57: {  	v12 =	vtrunc.f32 v11  }
0x58: {  	v13 =	vcvt.f32.s32 v12;
	vm0 =	vlt.f32 v11, v12  }
0x59: {  	v11 =	vsel vm0, $0xFFFFFFFF, v2  }
0x5a: {  	v11 =	vadd.s32 v13, v11  }
0x5b: {  	vm10 =	vgt.s32 v11, $0x0  }
0x5c: {  	v32 =	vnsel vm10, $0x0, v11  }
0x5d: {  	v12 =	vmin.u32 v32, $0xFE  }
0x5e: {  	v33 =	vcvt.s32.f32 v12  }
0x5f: {  	v14 =	vadd.s32 $0x1, v11  }
0x60: {  	vm11 =	vgt.s32 v14, $0x0;
	v13 =	vmul.f32 $1.574803140e-01, v33  }
0x61: {  	v16 =	vnsel vm11, $0x0, v14  }
0x62: {  	v16 =	vmin.u32 v16, $0xFE;
	vm12 =	veq.s32 v11, v12;
	v15 =	vadd.f32 $-1.984251980e+01, v13  }
0x63: {  	v11 =	vshll.u32 v12, $0x7;
	vm1 =	veq.s32 v14, v16;
	v13 =	vadd.f32 $-2.000000000e+01, v13  }
0x64: {  	v11 =	vor.u32 v0, v11;
	v34 =	vshll.u32 v16, $0x7;
	v15 =	vsub.f32 v15, v10  }
0x65: {  	v35 =	vor.u32 v0, v34;
	v10 =	vsub.f32 v13, v10  }
0x66: {  	v36 =	vand.u32 $0x7FFFFFFF, v15  }
0x67: {  	v10 =	vand.u32 $0x7FFFFFFF, v10;
	v14 =	vmul.f32 $6.349999900e+00, v36  }
0x68: {  	v10 =	vmul.f32 $6.349999900e+00, v10  }
0x69: {  	[tilespmem:v11+s29+$0x0] =	vst.idx.msk vm12, v14  }
0x6a: {  	[tilespmem:v35+s29+$0x0] =	vst.idx.msk vm1, v10  }
0x6b: {  	v10 =	vld [tilespmem:$0x10];
	_ =	sdelay $0x4  }
0x6c: {  	v11 =	vadd.f32 $2.000000000e+01, v10;
	_ =	sdelay $0x1  }
0x6d: {  	v11 =	vmul.f32 $6.349999900e+00, v11;
	_ =	sdelay $0x1  }
0x6e: {  	v37 =	vtrunc.f32 v11  }
0x6f: {  	v38 =	vcvt.f32.s32 v37;
	vm13 =	vlt.f32 v11, v37  }
0x70: {  	v11 =	vsel vm13, $0xFFFFFFFF, v2  }
0x71: {  	v11 =	vadd.s32 v38, v11  }
0x72: {  	vm14 =	vgt.s32 v11, $0x0  }
0x73: {  	v39 =	vnsel vm14, $0x0, v11  }
0x74: {  	v13 =	vmin.u32 v39, $0xFE  }
0x75: {  	v40 =	vcvt.s32.f32 v13  }
0x76: {  	v41 =	vadd.s32 $0x1, v11  }
0x77: {  	vm15 =	vgt.s32 v41, $0x0;
	v14 =	vmul.f32 $1.574803140e-01, v40  }
0x78: {  	v18 =	vnsel vm15, $0x0, v41  }
0x79: {  	v18 =	vmin.u32 v18, $0xFE;
	vm4 =	veq.s32 v11, v13;
	v17 =	vadd.f32 $-1.984251980e+01, v14  }
0x7a: {  	v11 =	vshll.u32 v13, $0x7;
	vm5 =	veq.s32 v41, v18;
	v14 =	vadd.f32 $-2.000000000e+01, v14  }
0x7b: {  	v11 =	vor.u32 v3, v11;
	v42 =	vshll.u32 v18, $0x7;
	v17 =	vsub.f32 v17, v10  }
0x7c: {  	v43 =	vor.u32 v3, v42;
	v10 =	vsub.f32 v14, v10  }
0x7d: {  	v44 =	vand.u32 $0x7FFFFFFF, v17  }
0x7e: {  	[tilespmem:$0x13F00] =	vst v12;
	v10 =	vand.u32 $0x7FFFFFFF, v10;
	v45 =	vmul.f32 $6.349999900e+00, v44  }
0x7f: {  	[tilespmem:$0x13F80] =	vst v16;
	v10 =	vmul.f32 $6.349999900e+00, v10  }
0x80: {  	[tilespmem:v11+s29+$0x0] =	vst.idx.msk vm4, v45  }
0x81: {  	[tilespmem:v43+s29+$0x0] =	vst.idx.msk vm5, v10  }
0x82: {  	v10 =	vld [tilespmem:$0x20];
	_ =	sdelay $0x4  }
0x83: {  	v11 =	vadd.f32 $2.000000000e+01, v10;
	_ =	sdelay $0x1  }
0x84: {  	v11 =	vmul.f32 $6.349999900e+00, v11;
	_ =	sdelay $0x1  }
0x85: {  	v46 =	vtrunc.f32 v11  }
0x86: {  	v47 =	vcvt.f32.s32 v46;
	vm6 =	vlt.f32 v11, v46  }
0x87: {  	v11 =	vsel vm6, $0xFFFFFFFF, v2  }
0x88: {  	v11 =	vadd.s32 v47, v11  }
0x89: {  	vm7 =	vgt.s32 v11, $0x0  }
0x8a: {  	v48 =	vnsel vm7, $0x0, v11  }
0x8b: {  	v12 =	vmin.u32 v48, $0xFE  }
0x8c: {  	v49 =	vcvt.s32.f32 v12  }
0x8d: {  	v50 =	vadd.s32 $0x1, v11  }
0x8e: {  	vm8 =	vgt.s32 v50, $0x0;
	v14 =	vmul.f32 $1.574803140e-01, v49  }
0x8f: {  	v52 =	vnsel vm8, $0x0, v50  }
0x90: {  	v17 =	vmin.u32 v52, $0xFE;
	vm9 =	veq.s32 v11, v12;
	v51 =	vadd.f32 $-1.984251980e+01, v14  }
0x91: {  	v11 =	vshll.u32 v12, $0x7;
	vm10 =	veq.s32 v50, v17;
	v14 =	vadd.f32 $-2.000000000e+01, v14  }
0x92: {  	v11 =	vor.u32 v4, v11;
	v53 =	vshll.u32 v17, $0x7;
	v16 =	vsub.f32 v51, v10  }
0x93: {  	v54 =	vor.u32 v4, v53;
	v10 =	vsub.f32 v14, v10  }
0x94: {  	v55 =	vand.u32 $0x7FFFFFFF, v16  }
0x95: {  	[tilespmem:$0x13F10] =	vst v13;
	v10 =	vand.u32 $0x7FFFFFFF, v10;
	v56 =	vmul.f32 $6.349999900e+00, v55  }
0x96: {  	[tilespmem:$0x13F90] =	vst v18;
	v10 =	vmul.f32 $6.349999900e+00, v10  }
0x97: {  	[tilespmem:v11+s29+$0x0] =	vst.idx.msk vm9, v56  }
0x98: {  	[tilespmem:v54+s29+$0x0] =	vst.idx.msk vm10, v10  }
0x99: {  	v10 =	vld [tilespmem:$0x30];
	_ =	sdelay $0x4  }
0x9a: {  	v11 =	vadd.f32 $2.000000000e+01, v10;
	_ =	sdelay $0x1  }
0x9b: {  	v11 =	vmul.f32 $6.349999900e+00, v11;
	_ =	sdelay $0x1  }
0x9c: {  	v57 =	vtrunc.f32 v11  }
0x9d: {  	v58 =	vcvt.f32.s32 v57;
	vm11 =	vlt.f32 v11, v57  }
0x9e: {  	v11 =	vsel vm11, $0xFFFFFFFF, v2  }
0x9f: {  	v11 =	vadd.s32 v58, v11  }
0xa0: {  	vm12 =	vgt.s32 v11, $0x0  }
0xa1: {  	v59 =	vnsel vm12, $0x0, v11  }
0xa2: {  	v13 =	vmin.u32 v59, $0xFE  }
0xa3: {  	v60 =	vcvt.s32.f32 v13  }
0xa4: {  	v61 =	vadd.s32 $0x1, v11  }
0xa5: {  	vm13 =	vgt.s32 v61, $0x0;
	v14 =	vmul.f32 $1.574803140e-01, v60  }
0xa6: {  	v63 =	vnsel vm13, $0x0, v61  }
0xa7: {  	v18 =	vmin.u32 v63, $0xFE;
	vm14 =	veq.s32 v11, v13;
	v62 =	vadd.f32 $-1.984251980e+01, v14  }
0xa8: {  	v11 =	vshll.u32 v13, $0x7;
	vm15 =	veq.s32 v61, v18;
	v14 =	vadd.f32 $-2.000000000e+01, v14  }
0xa9: {  	v11 =	vor.u32 v5, v11;
	v19 =	vshll.u32 v18, $0x7;
	v16 =	vsub.f32 v62, v10  }
0xaa: {  	v20 =	vor.u32 v5, v19;
	v10 =	vsub.f32 v14, v10  }
0xab: {  	v21 =	vand.u32 $0x7FFFFFFF, v16  }
0xac: {  	[tilespmem:$0x13F20] =	vst v12;
	v10 =	vand.u32 $0x7FFFFFFF, v10;
	v22 =	vmul.f32 $6.349999900e+00, v21  }
0xad: {  	[tilespmem:$0x13FA0] =	vst v17;
	v10 =	vmul.f32 $6.349999900e+00, v10  }
0xae: {  	[tilespmem:v11+s29+$0x0] =	vst.idx.msk vm14, v22  }
0xaf: {  	[tilespmem:v20+s29+$0x0] =	vst.idx.msk vm15, v10  }
0xb0: {  	v10 =	vld [tilespmem:$0x40];
	_ =	sdelay $0x4  }
0xb1: {  	v11 =	vadd.f32 $2.000000000e+01, v10;
	_ =	sdelay $0x1  }
0xb2: {  	v11 =	vmul.f32 $6.349999900e+00, v11;
	_ =	sdelay $0x1  }
0xb3: {  	v23 =	vtrunc.f32 v11  }
0xb4: {  	v24 =	vcvt.f32.s32 v23;
	vm4 =	vlt.f32 v11, v23  }
0xb5: {  	v11 =	vsel vm4, $0xFFFFFFFF, v2  }
0xb6: {  	v11 =	vadd.s32 v24, v11  }
0xb7: {  	vm5 =	vgt.s32 v11, $0x0  }
0xb8: {  	v25 =	vnsel vm5, $0x0, v11  }
0xb9: {  	v12 =	vmin.u32 v25, $0xFE  }
0xba: {  	v26 =	vcvt.s32.f32 v12  }
0xbb: {  	v27 =	vadd.s32 $0x1, v11  }
0xbc: {  	vm6 =	vgt.s32 v27, $0x0;
	v14 =	vmul.f32 $1.574803140e-01, v26  }
0xbd: {  	v29 =	vnsel vm6, $0x0, v27  }
0xbe: {  	v17 =	vmin.u32 v29, $0xFE;
	vm7 =	veq.s32 v11, v12;
	v28 =	vadd.f32 $-1.984251980e+01, v14  }
0xbf: {  	v11 =	vshll.u32 v12, $0x7;
	vm8 =	veq.s32 v27, v17;
	v14 =	vadd.f32 $-2.000000000e+01, v14  }
0xc0: {  	v11 =	vor.u32 v6, v11;
	v30 =	vshll.u32 v17, $0x7;
	v16 =	vsub.f32 v28, v10  }
0xc1: {  	v31 =	vor.u32 v6, v30;
	v10 =	vsub.f32 v14, v10  }
0xc2: {  	v32 =	vand.u32 $0x7FFFFFFF, v16  }
0xc3: {  	[tilespmem:$0x13F30] =	vst v13;
	v10 =	vand.u32 $0x7FFFFFFF, v10;
	v33 =	vmul.f32 $6.349999900e+00, v32  }
0xc4: {  	[tilespmem:$0x13FB0] =	vst v18;
	v10 =	vmul.f32 $6.349999900e+00, v10  }
0xc5: {  	[tilespmem:v11+s29+$0x0] =	vst.idx.msk vm7, v33  }
0xc6: {  	[tilespmem:v31+s29+$0x0] =	vst.idx.msk vm8, v10  }
0xc7: {  	v10 =	vld [tilespmem:$0x50];
	_ =	sdelay $0x4  }
0xc8: {  	v11 =	vadd.f32 $2.000000000e+01, v10;
	_ =	sdelay $0x1  }
0xc9: {  	v11 =	vmul.f32 $6.349999900e+00, v11;
	_ =	sdelay $0x1  }
0xca: {  	v34 =	vtrunc.f32 v11  }
0xcb: {  	v35 =	vcvt.f32.s32 v34;
	vm9 =	vlt.f32 v11, v34  }
0xcc: {  	v11 =	vsel vm9, $0xFFFFFFFF, v2  }
0xcd: {  	v11 =	vadd.s32 v35, v11  }
0xce: {  	vm10 =	vgt.s32 v11, $0x0  }
0xcf: {  	v36 =	vnsel vm10, $0x0, v11  }
0xd0: {  	v13 =	vmin.u32 v36, $0xFE  }
0xd1: {  	v37 =	vcvt.s32.f32 v13  }
0xd2: {  	v38 =	vadd.s32 $0x1, v11  }
0xd3: {  	vm11 =	vgt.s32 v38, $0x0;
	v14 =	vmul.f32 $1.574803140e-01, v37  }
0xd4: {  	v40 =	vnsel vm11, $0x0, v38  }
0xd5: {  	v18 =	vmin.u32 v40, $0xFE;
	vm12 =	veq.s32 v11, v13;
	v39 =	vadd.f32 $-1.984251980e+01, v14  }
0xd6: {  	v11 =	vshll.u32 v13, $0x7;
	vm13 =	veq.s32 v38, v18;
	v14 =	vadd.f32 $-2.000000000e+01, v14  }
0xd7: {  	v11 =	vor.u32 v7, v11;
	v41 =	vshll.u32 v18, $0x7;
	v16 =	vsub.f32 v39, v10  }
0xd8: {  	v42 =	vor.u32 v7, v41;
	v10 =	vsub.f32 v14, v10  }
0xd9: {  	v43 =	vand.u32 $0x7FFFFFFF, v16  }
0xda: {  	[tilespmem:$0x13F40] =	vst v12;
	v10 =	vand.u32 $0x7FFFFFFF, v10;
	v44 =	vmul.f32 $6.349999900e+00, v43  }
0xdb: {  	[tilespmem:$0x13FC0] =	vst v17;
	v10 =	vmul.f32 $6.349999900e+00, v10  }
0xdc: {  	[tilespmem:v11+s29+$0x0] =	vst.idx.msk vm12, v44  }
0xdd: {  	[tilespmem:v42+s29+$0x0] =	vst.idx.msk vm13, v10  }
0xde: {  	v10 =	vld [tilespmem:$0x60];
	_ =	sdelay $0x4  }
0xdf: {  	v11 =	vadd.f32 $2.000000000e+01, v10;
	_ =	sdelay $0x1  }
0xe0: {  	v11 =	vmul.f32 $6.349999900e+00, v11;
	_ =	sdelay $0x1  }
0xe1: {  	v45 =	vtrunc.f32 v11  }
0xe2: {  	v46 =	vcvt.f32.s32 v45;
	vm14 =	vlt.f32 v11, v45  }
0xe3: {  	v11 =	vsel vm14, $0xFFFFFFFF, v2  }
0xe4: {  	v11 =	vadd.s32 v46, v11  }
0xe5: {  	vm15 =	vgt.s32 v11, $0x0  }
0xe6: {  	v47 =	vnsel vm15, $0x0, v11  }
0xe7: {  	v12 =	vmin.u32 v47, $0xFE  }
0xe8: {  	v48 =	vcvt.s32.f32 v12  }
0xe9: {  	v49 =	vadd.s32 $0x1, v11  }
0xea: {  	vm4 =	vgt.s32 v49, $0x0;
	v14 =	vmul.f32 $1.574803140e-01, v48  }
0xeb: {  	v51 =	vnsel vm4, $0x0, v49  }
0xec: {  	v17 =	vmin.u32 v51, $0xFE;
	vm5 =	veq.s32 v11, v12;
	v50 =	vadd.f32 $-1.984251980e+01, v14  }
0xed: {  	v11 =	vshll.u32 v12, $0x7;
	vm6 =	veq.s32 v49, v17;
	v14 =	vadd.f32 $-2.000000000e+01, v14  }
0xee: {  	v11 =	vor.u32 v8, v11;
	v52 =	vshll.u32 v17, $0x7;
	v16 =	vsub.f32 v50, v10  }
0xef: {  	v53 =	vor.u32 v8, v52;
	v10 =	vsub.f32 v14, v10  }
0xf0: {  	v54 =	vand.u32 $0x7FFFFFFF, v16  }
0xf1: {  	[tilespmem:$0x13F50] =	vst v13;
	v10 =	vand.u32 $0x7FFFFFFF, v10;
	v55 =	vmul.f32 $6.349999900e+00, v54  }
0xf2: {  	[tilespmem:$0x13FD0] =	vst v18;
	v10 =	vmul.f32 $6.349999900e+00, v10  }
0xf3: {  	[tilespmem:v11+s29+$0x0] =	vst.idx.msk vm5, v55  }
0xf4: {  	[tilespmem:v53+s29+$0x0] =	vst.idx.msk vm6, v10  }
0xf5: {  	v10 =	vld [tilespmem:$0x70];
	_ =	sdelay $0x4  }
0xf6: {  	v11 =	vadd.f32 $2.000000000e+01, v10;
	_ =	sdelay $0x1  }
0xf7: {  	v11 =	vmul.f32 $6.349999900e+00, v11;
	_ =	sdelay $0x1  }
0xf8: {  	v56 =	vtrunc.f32 v11  }
0xf9: {  	v57 =	vcvt.f32.s32 v56;
	vm7 =	vlt.f32 v11, v56  }
0xfa: {  	v11 =	vsel vm7, $0xFFFFFFFF, v2  }
0xfb: {  	v11 =	vadd.s32 v57, v11  }
0xfc: {  	vm8 =	vgt.s32 v11, $0x0  }
0xfd: {  	v58 =	vnsel vm8, $0x0, v11  }
0xfe: {  	v13 =	vmin.u32 v58, $0xFE  }
0xff: {  	v59 =	vcvt.s32.f32 v13  }
0x100: {  	v60 =	vadd.s32 $0x1, v11  }
0x101: {  	vm9 =	vgt.s32 v60, $0x0;
	v14 =	vmul.f32 $1.574803140e-01, v59  }
0x102: {  	v62 =	vnsel vm9, $0x0, v60  }
0x103: {  	v18 =	vmin.u32 v62, $0xFE;
	vm10 =	veq.s32 v11, v13;
	v61 =	vadd.f32 $-1.984251980e+01, v14  }
0x104: {  	v11 =	vshll.u32 v13, $0x7;
	vm11 =	veq.s32 v60, v18;
	v14 =	vadd.f32 $-2.000000000e+01, v14  }
0x105: {  	v11 =	vor.u32 v9, v11;
	v63 =	vshll.u32 v18, $0x7;
	v16 =	vsub.f32 v61, v10  }
0x106: {  	v19 =	vor.u32 v9, v63;
	v10 =	vsub.f32 v14, v10  }
0x107: {  	v20 =	vand.u32 $0x7FFFFFFF, v16  }
0x108: {  	[tilespmem:$0x13F60] =	vst v12;
	v10 =	vand.u32 $0x7FFFFFFF, v10;
	v21 =	vmul.f32 $6.349999900e+00, v20  }
0x109: {  	[tilespmem:$0x13FE0] =	vst v17;
	v10 =	vmul.f32 $6.349999900e+00, v10  }
0x10a: {  	[tilespmem:v11+s29+$0x0] =	vst.idx.msk vm10, v21  }
0x10b: {  	[tilespmem:v19+s29+$0x0] =	vst.idx.msk vm11, v10  }
0x10c: {  	[tilespmem:$0x13F70] =	vst v13  }
0x10d: {  	[tilespmem:$0x13FF0] =	vst v18  }
0x10e: {  	[hbm4b:s15+s18] =	stream.strided.scatter [tilespmem:s29], [sflag:$0x1], $0x7F80, s30, s18, $0x38;
	[tilespmem:$0x14100] =	vst v63  }
0x10f: {  	v10 =	vld [tilespmem:$0x80];
	_ =	sdelay $0x4  }
0x110: {  	v11 =	vadd.f32 $2.000000000e+01, v10;
	_ =	sdelay $0x1  }
0x111: {  	v11 =	vmul.f32 $6.349999900e+00, v11;
	_ =	sdelay $0x1  }
0x112: {  	v22 =	vtrunc.f32 v11  }
0x113: {  	v23 =	vcvt.f32.s32 v22;
	vm12 =	vlt.f32 v11, v22  }
0x114: {  	v11 =	vsel vm12, $0xFFFFFFFF, v2  }
0x115: {  	v11 =	vadd.s32 v23, v11  }
0x116: {  	vm13 =	vgt.s32 v11, $0x0  }
0x117: {  	v24 =	vnsel vm13, $0x0, v11  }
0x118: {  	v12 =	vmin.u32 v24, $0xFE  }
0x119: {  	v25 =	vcvt.s32.f32 v12  }
0x11a: {  	v26 =	vadd.s32 $0x1, v11  }
0x11b: {  	vm14 =	vgt.s32 v26, $0x0;
	v13 =	vmul.f32 $1.574803140e-01, v25  }
0x11c: {  	v28 =	vnsel vm14, $0x0, v26  }
0x11d: {  	v16 =	vmin.u32 v28, $0xFE;
	vm15 =	veq.s32 v11, v12;
	v27 =	vadd.f32 $-1.984251980e+01, v13  }
0x11e: {  	v11 =	vshll.u32 v12, $0x7;
	vm4 =	veq.s32 v26, v16;
	v13 =	vadd.f32 $-2.000000000e+01, v13  }
0x11f: {  	v11 =	vor.u32 v0, v11;
	v29 =	vshll.u32 v16, $0x7;
	v15 =	vsub.f32 v27, v10  }
0x120: {  	v30 =	vor.u32 v0, v29;
	v10 =	vsub.f32 v13, v10  }
0x121: {  	v31 =	vand.u32 $0x7FFFFFFF, v15  }
0x122: {  	v10 =	vand.u32 $0x7FFFFFFF, v10;
	v14 =	vmul.f32 $6.349999900e+00, v31  }
0x123: {  	v10 =	vmul.f32 $6.349999900e+00, v10  }
0x124: {  	[tilespmem:v11+s31+$0x0] =	vst.idx.msk vm15, v14  }
0x125: {  	[tilespmem:v30+s31+$0x0] =	vst.idx.msk vm4, v10  }
0x126: {  	v10 =	vld [tilespmem:$0x90];
	_ =	sdelay $0x4  }
0x127: {  	v11 =	vadd.f32 $2.000000000e+01, v10;
	_ =	sdelay $0x1  }
0x128: {  	v11 =	vmul.f32 $6.349999900e+00, v11;
	_ =	sdelay $0x1  }
0x129: {  	v32 =	vtrunc.f32 v11  }
0x12a: {  	v33 =	vcvt.f32.s32 v32;
	vm5 =	vlt.f32 v11, v32  }
0x12b: {  	v11 =	vsel vm5, $0xFFFFFFFF, v2  }
0x12c: {  	v11 =	vadd.s32 v33, v11  }
0x12d: {  	vm6 =	vgt.s32 v11, $0x0  }
0x12e: {  	v34 =	vnsel vm6, $0x0, v11  }
0x12f: {  	v13 =	vmin.u32 v34, $0xFE  }
0x130: {  	v35 =	vcvt.s32.f32 v13  }
0x131: {  	v36 =	vadd.s32 $0x1, v11  }
0x132: {  	vm7 =	vgt.s32 v36, $0x0;
	v14 =	vmul.f32 $1.574803140e-01, v35  }
0x133: {  	v38 =	vnsel vm7, $0x0, v36  }
0x134: {  	v18 =	vmin.u32 v38, $0xFE;
	vm8 =	veq.s32 v11, v13;
	v37 =	vadd.f32 $-1.984251980e+01, v14  }
0x135: {  	v11 =	vshll.u32 v13, $0x7;
	vm9 =	veq.s32 v36, v18;
	v14 =	vadd.f32 $-2.000000000e+01, v14  }
0x136: {  	v11 =	vor.u32 v3, v11;
	v39 =	vshll.u32 v18, $0x7;
	v17 =	vsub.f32 v37, v10  }
0x137: {  	v40 =	vor.u32 v3, v39;
	v10 =	vsub.f32 v14, v10  }
0x138: {  	v41 =	vand.u32 $0x7FFFFFFF, v17  }
0x139: {  	[tilespmem:$0x14000] =	vst v12;
	v10 =	vand.u32 $0x7FFFFFFF, v10;
	v42 =	vmul.f32 $6.349999900e+00, v41  }
0x13a: {  	[tilespmem:$0x14080] =	vst v16;
	v10 =	vmul.f32 $6.349999900e+00, v10  }
0x13b: {  	[tilespmem:v11+s31+$0x0] =	vst.idx.msk vm8, v42  }
0x13c: {  	[tilespmem:v40+s31+$0x0] =	vst.idx.msk vm9, v10  }
0x13d: {  	v10 =	vld [tilespmem:$0xA0];
	_ =	sdelay $0x4  }
0x13e: {  	v11 =	vadd.f32 $2.000000000e+01, v10;
	_ =	sdelay $0x1  }
0x13f: {  	v11 =	vmul.f32 $6.349999900e+00, v11;
	_ =	sdelay $0x1  }
0x140: {  	v43 =	vtrunc.f32 v11  }
0x141: {  	v44 =	vcvt.f32.s32 v43;
	vm10 =	vlt.f32 v11, v43  }
0x142: {  	v11 =	vsel vm10, $0xFFFFFFFF, v2  }
0x143: {  	v11 =	vadd.s32 v44, v11  }
0x144: {  	vm11 =	vgt.s32 v11, $0x0  }
0x145: {  	v45 =	vnsel vm11, $0x0, v11  }
0x146: {  	v12 =	vmin.u32 v45, $0xFE  }
0x147: {  	v46 =	vcvt.s32.f32 v12  }
0x148: {  	v47 =	vadd.s32 $0x1, v11  }
0x149: {  	vm12 =	vgt.s32 v47, $0x0;
	v14 =	vmul.f32 $1.574803140e-01, v46  }
0x14a: {  	v49 =	vnsel vm12, $0x0, v47  }
0x14b: {  	v17 =	vmin.u32 v49, $0xFE;
	vm13 =	veq.s32 v11, v12;
	v48 =	vadd.f32 $-1.984251980e+01, v14  }
0x14c: {  	v11 =	vshll.u32 v12, $0x7;
	vm14 =	veq.s32 v47, v17;
	v14 =	vadd.f32 $-2.000000000e+01, v14  }
0x14d: {  	v11 =	vor.u32 v4, v11;
	v50 =	vshll.u32 v17, $0x7;
	v16 =	vsub.f32 v48, v10  }
0x14e: {  	v51 =	vor.u32 v4, v50;
	v10 =	vsub.f32 v14, v10  }
0x14f: {  	v52 =	vand.u32 $0x7FFFFFFF, v16  }
0x150: {  	[tilespmem:$0x14010] =	vst v13;
	v10 =	vand.u32 $0x7FFFFFFF, v10;
	v53 =	vmul.f32 $6.349999900e+00, v52  }
0x151: {  	[tilespmem:$0x14090] =	vst v18;
	v10 =	vmul.f32 $6.349999900e+00, v10  }
0x152: {  	[tilespmem:v11+s31+$0x0] =	vst.idx.msk vm13, v53  }
0x153: {  	[tilespmem:v51+s31+$0x0] =	vst.idx.msk vm14, v10  }
0x154: {  	v10 =	vld [tilespmem:$0xB0];
	_ =	sdelay $0x4  }
0x155: {  	v11 =	vadd.f32 $2.000000000e+01, v10;
	_ =	sdelay $0x1  }
0x156: {  	v11 =	vmul.f32 $6.349999900e+00, v11;
	_ =	sdelay $0x1  }
0x157: {  	v54 =	vtrunc.f32 v11  }
0x158: {  	v55 =	vcvt.f32.s32 v54;
	vm15 =	vlt.f32 v11, v54  }
0x159: {  	v11 =	vsel vm15, $0xFFFFFFFF, v2  }
0x15a: {  	v11 =	vadd.s32 v55, v11  }
0x15b: {  	vm4 =	vgt.s32 v11, $0x0  }
0x15c: {  	v56 =	vnsel vm4, $0x0, v11  }
0x15d: {  	v13 =	vmin.u32 v56, $0xFE  }
0x15e: {  	v57 =	vcvt.s32.f32 v13  }
0x15f: {  	v58 =	vadd.s32 $0x1, v11  }
0x160: {  	vm5 =	vgt.s32 v58, $0x0;
	v14 =	vmul.f32 $1.574803140e-01, v57  }
0x161: {  	v60 =	vnsel vm5, $0x0, v58  }
0x162: {  	v18 =	vmin.u32 v60, $0xFE;
	vm6 =	veq.s32 v11, v13;
	v59 =	vadd.f32 $-1.984251980e+01, v14  }
0x163: {  	v11 =	vshll.u32 v13, $0x7;
	vm7 =	veq.s32 v58, v18;
	v14 =	vadd.f32 $-2.000000000e+01, v14  }
0x164: {  	v11 =	vor.u32 v5, v11;
	v61 =	vshll.u32 v18, $0x7;
	v16 =	vsub.f32 v59, v10  }
0x165: {  	v62 =	vor.u32 v5, v61;
	v10 =	vsub.f32 v14, v10  }
0x166: {  	v63 =	vand.u32 $0x7FFFFFFF, v16  }
0x167: {  	[tilespmem:$0x14020] =	vst v12;
	v10 =	vand.u32 $0x7FFFFFFF, v10;
	v19 =	vmul.f32 $6.349999900e+00, v63  }
0x168: {  	[tilespmem:$0x140A0] =	vst v17;
	v10 =	vmul.f32 $6.349999900e+00, v10  }
0x169: {  	[tilespmem:v11+s31+$0x0] =	vst.idx.msk vm6, v19  }
0x16a: {  	[tilespmem:v62+s31+$0x0] =	vst.idx.msk vm7, v10  }
0x16b: {  	v10 =	vld [tilespmem:$0xC0];
	_ =	sdelay $0x4  }
0x16c: {  	v11 =	vadd.f32 $2.000000000e+01, v10;
	_ =	sdelay $0x1  }
0x16d: {  	v11 =	vmul.f32 $6.349999900e+00, v11;
	_ =	sdelay $0x1  }
0x16e: {  	v20 =	vtrunc.f32 v11  }
0x16f: {  	v21 =	vcvt.f32.s32 v20;
	vm8 =	vlt.f32 v11, v20  }
0x170: {  	v11 =	vsel vm8, $0xFFFFFFFF, v2  }
0x171: {  	v11 =	vadd.s32 v21, v11  }
0x172: {  	vm9 =	vgt.s32 v11, $0x0  }
0x173: {  	v22 =	vnsel vm9, $0x0, v11  }
0x174: {  	v12 =	vmin.u32 v22, $0xFE  }
0x175: {  	v23 =	vcvt.s32.f32 v12  }
0x176: {  	v24 =	vadd.s32 $0x1, v11  }
0x177: {  	vm10 =	vgt.s32 v24, $0x0;
	v14 =	vmul.f32 $1.574803140e-01, v23  }
0x178: {  	v26 =	vnsel vm10, $0x0, v24  }
0x179: {  	v17 =	vmin.u32 v26, $0xFE;
	vm11 =	veq.s32 v11, v12;
	v25 =	vadd.f32 $-1.984251980e+01, v14  }
0x17a: {  	v11 =	vshll.u32 v12, $0x7;
	vm12 =	veq.s32 v24, v17;
	v14 =	vadd.f32 $-2.000000000e+01, v14  }
0x17b: {  	v11 =	vor.u32 v6, v11;
	v27 =	vshll.u32 v17, $0x7;
	v16 =	vsub.f32 v25, v10  }
0x17c: {  	v28 =	vor.u32 v6, v27;
	v10 =	vsub.f32 v14, v10  }
0x17d: {  	v29 =	vand.u32 $0x7FFFFFFF, v16  }
0x17e: {  	[tilespmem:$0x14030] =	vst v13;
	v10 =	vand.u32 $0x7FFFFFFF, v10;
	v30 =	vmul.f32 $6.349999900e+00, v29  }
0x17f: {  	[tilespmem:$0x140B0] =	vst v18;
	v10 =	vmul.f32 $6.349999900e+00, v10  }
0x180: {  	[tilespmem:v11+s31+$0x0] =	vst.idx.msk vm11, v30  }
0x181: {  	[tilespmem:v28+s31+$0x0] =	vst.idx.msk vm12, v10  }
0x182: {  	v10 =	vld [tilespmem:$0xD0];
	_ =	sdelay $0x4  }
0x183: {  	v11 =	vadd.f32 $2.000000000e+01, v10;
	_ =	sdelay $0x1  }
0x184: {  	v11 =	vmul.f32 $6.349999900e+00, v11;
	_ =	sdelay $0x1  }
0x185: {  	v31 =	vtrunc.f32 v11  }
0x186: {  	v32 =	vcvt.f32.s32 v31;
	vm13 =	vlt.f32 v11, v31  }
0x187: {  	v11 =	vsel vm13, $0xFFFFFFFF, v2  }
0x188: {  	v11 =	vadd.s32 v32, v11  }
0x189: {  	vm14 =	vgt.s32 v11, $0x0  }
0x18a: {  	v33 =	vnsel vm14, $0x0, v11  }
0x18b: {  	v13 =	vmin.u32 v33, $0xFE  }
0x18c: {  	v34 =	vcvt.s32.f32 v13  }
0x18d: {  	v35 =	vadd.s32 $0x1, v11  }
0x18e: {  	vm15 =	vgt.s32 v35, $0x0;
	v14 =	vmul.f32 $1.574803140e-01, v34  }
0x18f: {  	v37 =	vnsel vm15, $0x0, v35  }
0x190: {  	v18 =	vmin.u32 v37, $0xFE;
	vm4 =	veq.s32 v11, v13;
	v36 =	vadd.f32 $-1.984251980e+01, v14  }
0x191: {  	v11 =	vshll.u32 v13, $0x7;
	vm5 =	veq.s32 v35, v18;
	v14 =	vadd.f32 $-2.000000000e+01, v14  }
0x192: {  	v11 =	vor.u32 v7, v11;
	v38 =	vshll.u32 v18, $0x7;
	v16 =	vsub.f32 v36, v10  }
0x193: {  	v39 =	vor.u32 v7, v38;
	v10 =	vsub.f32 v14, v10  }
0x194: {  	v40 =	vand.u32 $0x7FFFFFFF, v16  }
0x195: {  	[tilespmem:$0x14040] =	vst v12;
	v10 =	vand.u32 $0x7FFFFFFF, v10;
	v41 =	vmul.f32 $6.349999900e+00, v40  }
0x196: {  	[tilespmem:$0x140C0] =	vst v17;
	v10 =	vmul.f32 $6.349999900e+00, v10  }
0x197: {  	[tilespmem:v11+s31+$0x0] =	vst.idx.msk vm4, v41  }
0x198: {  	[tilespmem:v39+s31+$0x0] =	vst.idx.msk vm5, v10  }
0x199: {  	v10 =	vld [tilespmem:$0xE0];
	_ =	sdelay $0x4  }
0x19a: {  	v11 =	vadd.f32 $2.000000000e+01, v10;
	_ =	sdelay $0x1  }
0x19b: {  	v11 =	vmul.f32 $6.349999900e+00, v11;
	_ =	sdelay $0x1  }
0x19c: {  	v42 =	vtrunc.f32 v11  }
0x19d: {  	v43 =	vcvt.f32.s32 v42;
	vm6 =	vlt.f32 v11, v42  }
0x19e: {  	v11 =	vsel vm6, $0xFFFFFFFF, v2  }
0x19f: {  	v11 =	vadd.s32 v43, v11  }
0x1a0: {  	vm7 =	vgt.s32 v11, $0x0  }
0x1a1: {  	v44 =	vnsel vm7, $0x0, v11  }
0x1a2: {  	v12 =	vmin.u32 v44, $0xFE  }
0x1a3: {  	v45 =	vcvt.s32.f32 v12  }
0x1a4: {  	v46 =	vadd.s32 $0x1, v11  }
0x1a5: {  	vm8 =	vgt.s32 v46, $0x0;
	v14 =	vmul.f32 $1.574803140e-01, v45  }
0x1a6: {  	v48 =	vnsel vm8, $0x0, v46  }
0x1a7: {  	v17 =	vmin.u32 v48, $0xFE;
	vm9 =	veq.s32 v11, v12;
	v47 =	vadd.f32 $-1.984251980e+01, v14  }
0x1a8: {  	v11 =	vshll.u32 v12, $0x7;
	vm10 =	veq.s32 v46, v17;
	v14 =	vadd.f32 $-2.000000000e+01, v14  }
0x1a9: {  	v11 =	vor.u32 v8, v11;
	v49 =	vshll.u32 v17, $0x7;
	v16 =	vsub.f32 v47, v10  }
0x1aa: {  	v50 =	vor.u32 v8, v49;
	v10 =	vsub.f32 v14, v10  }
0x1ab: {  	v51 =	vand.u32 $0x7FFFFFFF, v16  }
0x1ac: {  	[tilespmem:$0x14050] =	vst v13;
	v10 =	vand.u32 $0x7FFFFFFF, v10;
	v52 =	vmul.f32 $6.349999900e+00, v51  }
0x1ad: {  	[tilespmem:$0x140D0] =	vst v18;
	v10 =	vmul.f32 $6.349999900e+00, v10  }
0x1ae: {  	[tilespmem:v11+s31+$0x0] =	vst.idx.msk vm9, v52  }
0x1af: {  	[tilespmem:v50+s31+$0x0] =	vst.idx.msk vm10, v10  }
0x1b0: {  	v10 =	vld [tilespmem:$0xF0];
	_ =	sdelay $0x4  }
0x1b1: {  	v11 =	vadd.f32 $2.000000000e+01, v10;
	_ =	sdelay $0x1  }
0x1b2: {  	v11 =	vmul.f32 $6.349999900e+00, v11;
	_ =	sdelay $0x1  }
0x1b3: {  	v53 =	vtrunc.f32 v11  }
0x1b4: {  	v54 =	vcvt.f32.s32 v53;
	vm11 =	vlt.f32 v11, v53  }
0x1b5: {  	v11 =	vsel vm11, $0xFFFFFFFF, v2  }
0x1b6: {  	v11 =	vadd.s32 v54, v11  }
0x1b7: {  	vm12 =	vgt.s32 v11, $0x0  }
0x1b8: {  	v55 =	vnsel vm12, $0x0, v11  }
0x1b9: {  	v13 =	vmin.u32 v55, $0xFE  }
0x1ba: {  	v56 =	vcvt.s32.f32 v13  }
0x1bb: {  	v57 =	vadd.s32 $0x1, v11  }
0x1bc: {  	vm13 =	vgt.s32 v57, $0x0;
	v14 =	vmul.f32 $1.574803140e-01, v56  }
0x1bd: {  	v59 =	vnsel vm13, $0x0, v57  }
0x1be: {  	v18 =	vmin.u32 v59, $0xFE;
	vm14 =	veq.s32 v11, v13;
	v58 =	vadd.f32 $-1.984251980e+01, v14  }
0x1bf: {  	v11 =	vshll.u32 v13, $0x7;
	vm15 =	veq.s32 v57, v18;
	v14 =	vadd.f32 $-2.000000000e+01, v14  }
0x1c0: {  	v11 =	vor.u32 v9, v11;
	v60 =	vshll.u32 v18, $0x7;
	v16 =	vsub.f32 v58, v10  }
0x1c1: {  	v61 =	vor.u32 v9, v60;
	v10 =	vsub.f32 v14, v10  }
0x1c2: {  	v62 =	vand.u32 $0x7FFFFFFF, v16  }
0x1c3: {  	[tilespmem:$0x14060] =	vst v12;
	v10 =	vand.u32 $0x7FFFFFFF, v10;
	v63 =	vmul.f32 $6.349999900e+00, v62  }
0x1c4: {  	[tilespmem:$0x140E0] =	vst v17;
	v10 =	vmul.f32 $6.349999900e+00, v10  }
0x1c5: {  	[tilespmem:v11+s31+$0x0] =	vst.idx.msk vm14, v63  }
0x1c6: {  	[tilespmem:v61+s31+$0x0] =	vst.idx.msk vm15, v10  }
0x1c7: {  	[tilespmem:$0x14070] =	vst v13  }
0x1c8: {  	s21 =	simm.s32 $0x10;
	s22 =	simm.s32 $0x180;
	s23 =	simm.s32 $0x1F0;
	[tilespmem:$0x140F0] =	vst v18  }
0x1c9: {  	[hbm4b:s16+s18] =	stream.strided.scatter [tilespmem:s31], [sflag:$0x2], $0x7F80, s30, s18, $0x38;
	[tilespmem:$0x14100] =	vst v63  }
.LBB2_4:
0x1ca: {  	_ =	swait.ge [sflag:s6], $0x7F80  }
0x1cb: {  	[sflag:s6] =	ssyncset.done $0x0  }
0x1cc: {  	[sflag:s6] =	ssyncadd.s32 $0xFFFF8080  }
0x1cd: {  	v10 =	vld [tilespmem:$0x13F00]  }
0x1ce: {  	v11 =	vld [tilespmem:$0x13F80];
	_ =	sdelay $0x3  }
0x1cf: {  	v10 =	vshll.u32 v10, $0x7  }
0x1d0: {  	v11 =	vshll.u32 v11, $0x7;
	v10 =	vor.u32 v0, v10  }
0x1d1: {  	v11 =	vor.u32 v0, v11;
	_ =	sdelay $0x3  }
0x1d2: {  	[tilespmem:v10+s29+$0x0] =	vst.idx.msk $0xffff, v1  }
0x1d3: {  	[tilespmem:v11+s29+$0x0] =	vst.idx.msk $0xffff, v1  }
0x1d4: {  	v10 =	vld [tilespmem:$0x13F10]  }
0x1d5: {  	v11 =	vld [tilespmem:$0x13F90];
	_ =	sdelay $0x3  }
0x1d6: {  	v10 =	vshll.u32 v10, $0x7  }
0x1d7: {  	v11 =	vshll.u32 v11, $0x7;
	v10 =	vor.u32 v3, v10  }
0x1d8: {  	v11 =	vor.u32 v3, v11;
	_ =	sdelay $0x3  }
0x1d9: {  	[tilespmem:v10+s29+$0x0] =	vst.idx.msk $0xffff, v1  }
0x1da: {  	[tilespmem:v11+s29+$0x0] =	vst.idx.msk $0xffff, v1  }
0x1db: {  	v10 =	vld [tilespmem:$0x13F20]  }
0x1dc: {  	v11 =	vld [tilespmem:$0x13FA0];
	_ =	sdelay $0x3  }
0x1dd: {  	v10 =	vshll.u32 v10, $0x7  }
0x1de: {  	v11 =	vshll.u32 v11, $0x7;
	v10 =	vor.u32 v4, v10  }
0x1df: {  	v11 =	vor.u32 v4, v11;
	_ =	sdelay $0x3  }
0x1e0: {  	[tilespmem:v10+s29+$0x0] =	vst.idx.msk $0xffff, v1  }
0x1e1: {  	[tilespmem:v11+s29+$0x0] =	vst.idx.msk $0xffff, v1  }
0x1e2: {  	v10 =	vld [tilespmem:$0x13F30]  }
0x1e3: {  	v11 =	vld [tilespmem:$0x13FB0];
	_ =	sdelay $0x3  }
0x1e4: {  	v10 =	vshll.u32 v10, $0x7  }
0x1e5: {  	v11 =	vshll.u32 v11, $0x7;
	v10 =	vor.u32 v5, v10  }
0x1e6: {  	v11 =	vor.u32 v5, v11;
	_ =	sdelay $0x3  }
0x1e7: {  	[tilespmem:v10+s29+$0x0] =	vst.idx.msk $0xffff, v1  }
0x1e8: {  	[tilespmem:v11+s29+$0x0] =	vst.idx.msk $0xffff, v1  }
0x1e9: {  	v10 =	vld [tilespmem:$0x13F40]  }
0x1ea: {  	v11 =	vld [tilespmem:$0x13FC0];
	_ =	sdelay $0x3  }
0x1eb: {  	v10 =	vshll.u32 v10, $0x7  }
0x1ec: {  	v11 =	vshll.u32 v11, $0x7;
	v10 =	vor.u32 v6, v10  }
0x1ed: {  	v11 =	vor.u32 v6, v11;
	_ =	sdelay $0x3  }
0x1ee: {  	[tilespmem:v10+s29+$0x0] =	vst.idx.msk $0xffff, v1  }
0x1ef: {  	[tilespmem:v11+s29+$0x0] =	vst.idx.msk $0xffff, v1  }
0x1f0: {  	v10 =	vld [tilespmem:$0x13F50]  }
0x1f1: {  	v11 =	vld [tilespmem:$0x13FD0];
	_ =	sdelay $0x3  }
0x1f2: {  	v10 =	vshll.u32 v10, $0x7  }
0x1f3: {  	v11 =	vshll.u32 v11, $0x7;
	v10 =	vor.u32 v7, v10  }
0x1f4: {  	v11 =	vor.u32 v7, v11;
	_ =	sdelay $0x3  }
0x1f5: {  	[tilespmem:v10+s29+$0x0] =	vst.idx.msk $0xffff, v1  }
0x1f6: {  	[tilespmem:v11+s29+$0x0] =	vst.idx.msk $0xffff, v1  }
0x1f7: {  	v10 =	vld [tilespmem:$0x13F60]  }
0x1f8: {  	v11 =	vld [tilespmem:$0x13FE0];
	_ =	sdelay $0x3  }
0x1f9: {  	v10 =	vshll.u32 v10, $0x7  }
0x1fa: {  	v11 =	vshll.u32 v11, $0x7;
	v10 =	vor.u32 v8, v10  }
0x1fb: {  	v11 =	vor.u32 v8, v11;
	_ =	sdelay $0x3  }
0x1fc: {  	[tilespmem:v10+s29+$0x0] =	vst.idx.msk $0xffff, v1  }
0x1fd: {  	[tilespmem:v11+s29+$0x0] =	vst.idx.msk $0xffff, v1  }
0x1fe: {  	v10 =	vld [tilespmem:$0x13F70]  }
0x1ff: {  	v11 =	vld [tilespmem:$0x13FF0];
	_ =	sdelay $0x3  }
0x200: {  	v10 =	vshll.u32 v10, $0x7  }
0x201: {  	v11 =	vshll.u32 v11, $0x7;
	v10 =	vor.u32 v9, v10  }
0x202: {  	v11 =	vor.u32 v9, v11;
	_ =	sdelay $0x3  }
0x203: {  	[tilespmem:v10+s29+$0x0] =	vst.idx.msk $0xffff, v1  }
0x204: {  	[tilespmem:v11+s29+$0x0] =	vst.idx.msk $0xffff, v1  }
0x205: {  	v10 =	vld [tilespmem:s23+$0xFFFFFF10];
	_ =	sdelay $0x4  }
0x206: {  	v11 =	vadd.f32 $2.000000000e+01, v10;
	_ =	sdelay $0x1  }
0x207: {  	v11 =	vmul.f32 $6.349999900e+00, v11;
	_ =	sdelay $0x1  }
0x208: {  	v12 =	vtrunc.f32 v11  }
0x209: {  	v13 =	vcvt.f32.s32 v12;
	vm0 =	vlt.f32 v11, v12  }
0x20a: {  	v11 =	vsel vm0, $0xFFFFFFFF, v2  }
0x20b: {  	v11 =	vadd.s32 v13, v11  }
0x20c: {  	vm10 =	vgt.s32 v11, $0x0  }
0x20d: {  	v44 =	vnsel vm10, $0x0, v11  }
0x20e: {  	v12 =	vmin.u32 v44, $0xFE  }
0x20f: {  	v45 =	vcvt.s32.f32 v12  }
0x210: {  	v14 =	vadd.s32 $0x1, v11  }
0x211: {  	vm11 =	vgt.s32 v14, $0x0;
	v13 =	vmul.f32 $1.574803140e-01, v45  }
0x212: {  	v16 =	vnsel vm11, $0x0, v14  }
0x213: {  	v16 =	vmin.u32 v16, $0xFE;
	vm12 =	veq.s32 v11, v12;
	v15 =	vadd.f32 $-1.984251980e+01, v13  }
0x214: {  	v11 =	vshll.u32 v12, $0x7;
	vm1 =	veq.s32 v14, v16;
	v13 =	vadd.f32 $-2.000000000e+01, v13  }
0x215: {  	v11 =	vor.u32 v0, v11;
	v46 =	vshll.u32 v16, $0x7;
	v15 =	vsub.f32 v15, v10  }
0x216: {  	v47 =	vor.u32 v0, v46;
	v10 =	vsub.f32 v13, v10  }
0x217: {  	v48 =	vand.u32 $0x7FFFFFFF, v15  }
0x218: {  	v10 =	vand.u32 $0x7FFFFFFF, v10;
	v14 =	vmul.f32 $6.349999900e+00, v48  }
0x219: {  	v10 =	vmul.f32 $6.349999900e+00, v10  }
0x21a: {  	[tilespmem:v11+s29+$0x0] =	vst.idx.msk vm12, v14  }
0x21b: {  	[tilespmem:v47+s29+$0x0] =	vst.idx.msk vm1, v10  }
0x21c: {  	[tilespmem:$0x13F00] =	vst v12  }
0x21d: {  	[tilespmem:$0x13F80] =	vst v16  }
0x21e: {  	v10 =	vld [tilespmem:s23+$0xFFFFFF20];
	_ =	sdelay $0x4  }
0x21f: {  	v11 =	vadd.f32 $2.000000000e+01, v10;
	_ =	sdelay $0x1  }
0x220: {  	v11 =	vmul.f32 $6.349999900e+00, v11;
	_ =	sdelay $0x1  }
0x221: {  	v49 =	vtrunc.f32 v11  }
0x222: {  	v50 =	vcvt.f32.s32 v49;
	vm13 =	vlt.f32 v11, v49  }
0x223: {  	v11 =	vsel vm13, $0xFFFFFFFF, v2  }
0x224: {  	v11 =	vadd.s32 v50, v11  }
0x225: {  	vm14 =	vgt.s32 v11, $0x0  }
0x226: {  	v51 =	vnsel vm14, $0x0, v11  }
0x227: {  	v12 =	vmin.u32 v51, $0xFE  }
0x228: {  	v52 =	vcvt.s32.f32 v12  }
0x229: {  	v53 =	vadd.s32 $0x1, v11  }
0x22a: {  	vm15 =	vgt.s32 v53, $0x0;
	v13 =	vmul.f32 $1.574803140e-01, v52  }
0x22b: {  	v55 =	vnsel vm15, $0x0, v53  }
0x22c: {  	v16 =	vmin.u32 v55, $0xFE;
	vm4 =	veq.s32 v11, v12;
	v54 =	vadd.f32 $-1.984251980e+01, v13  }
0x22d: {  	v11 =	vshll.u32 v12, $0x7;
	vm5 =	veq.s32 v53, v16;
	v13 =	vadd.f32 $-2.000000000e+01, v13  }
0x22e: {  	v11 =	vor.u32 v3, v11;
	v56 =	vshll.u32 v16, $0x7;
	v15 =	vsub.f32 v54, v10  }
0x22f: {  	v57 =	vor.u32 v3, v56;
	v10 =	vsub.f32 v13, v10  }
0x230: {  	v58 =	vand.u32 $0x7FFFFFFF, v15  }
0x231: {  	v10 =	vand.u32 $0x7FFFFFFF, v10;
	v14 =	vmul.f32 $6.349999900e+00, v58  }
0x232: {  	v10 =	vmul.f32 $6.349999900e+00, v10  }
0x233: {  	[tilespmem:v11+s29+$0x0] =	vst.idx.msk vm4, v14  }
0x234: {  	[tilespmem:v57+s29+$0x0] =	vst.idx.msk vm5, v10  }
0x235: {  	[tilespmem:$0x13F10] =	vst v12  }
0x236: {  	[tilespmem:$0x13F90] =	vst v16  }
0x237: {  	v10 =	vld [tilespmem:s23+$0xFFFFFF30];
	_ =	sdelay $0x4  }
0x238: {  	v11 =	vadd.f32 $2.000000000e+01, v10;
	_ =	sdelay $0x1  }
0x239: {  	v11 =	vmul.f32 $6.349999900e+00, v11;
	_ =	sdelay $0x1  }
0x23a: {  	v59 =	vtrunc.f32 v11  }
0x23b: {  	v60 =	vcvt.f32.s32 v59;
	vm6 =	vlt.f32 v11, v59  }
0x23c: {  	v11 =	vsel vm6, $0xFFFFFFFF, v2  }
0x23d: {  	v11 =	vadd.s32 v60, v11  }
0x23e: {  	vm7 =	vgt.s32 v11, $0x0  }
0x23f: {  	v61 =	vnsel vm7, $0x0, v11  }
0x240: {  	v12 =	vmin.u32 v61, $0xFE  }
0x241: {  	v62 =	vcvt.s32.f32 v12  }
0x242: {  	v63 =	vadd.s32 $0x1, v11  }
0x243: {  	vm8 =	vgt.s32 v63, $0x0;
	v13 =	vmul.f32 $1.574803140e-01, v62  }
0x244: {  	v21 =	vnsel vm8, $0x0, v63  }
0x245: {  	v16 =	vmin.u32 v21, $0xFE;
	vm9 =	veq.s32 v11, v12;
	v20 =	vadd.f32 $-1.984251980e+01, v13  }
0x246: {  	v11 =	vshll.u32 v12, $0x7;
	vm10 =	veq.s32 v63, v16;
	v13 =	vadd.f32 $-2.000000000e+01, v13  }
0x247: {  	v11 =	vor.u32 v4, v11;
	v22 =	vshll.u32 v16, $0x7;
	v15 =	vsub.f32 v20, v10  }
0x248: {  	v23 =	vor.u32 v4, v22;
	v10 =	vsub.f32 v13, v10  }
0x249: {  	v24 =	vand.u32 $0x7FFFFFFF, v15  }
0x24a: {  	v10 =	vand.u32 $0x7FFFFFFF, v10;
	v14 =	vmul.f32 $6.349999900e+00, v24  }
0x24b: {  	v10 =	vmul.f32 $6.349999900e+00, v10  }
0x24c: {  	[tilespmem:v11+s29+$0x0] =	vst.idx.msk vm9, v14  }
0x24d: {  	[tilespmem:v23+s29+$0x0] =	vst.idx.msk vm10, v10  }
0x24e: {  	[tilespmem:$0x13F20] =	vst v12  }
0x24f: {  	[tilespmem:$0x13FA0] =	vst v16  }
0x250: {  	v10 =	vld [tilespmem:s23+$0xFFFFFF40];
	_ =	sdelay $0x4  }
0x251: {  	v11 =	vadd.f32 $2.000000000e+01, v10;
	_ =	sdelay $0x1  }
0x252: {  	v11 =	vmul.f32 $6.349999900e+00, v11;
	_ =	sdelay $0x1  }
0x253: {  	v25 =	vtrunc.f32 v11  }
0x254: {  	v26 =	vcvt.f32.s32 v25;
	vm11 =	vlt.f32 v11, v25  }
0x255: {  	v11 =	vsel vm11, $0xFFFFFFFF, v2  }
0x256: {  	v11 =	vadd.s32 v26, v11  }
0x257: {  	vm12 =	vgt.s32 v11, $0x0  }
0x258: {  	v27 =	vnsel vm12, $0x0, v11  }
0x259: {  	v12 =	vmin.u32 v27, $0xFE  }
0x25a: {  	v28 =	vcvt.s32.f32 v12  }
0x25b: {  	v29 =	vadd.s32 $0x1, v11  }
0x25c: {  	vm13 =	vgt.s32 v29, $0x0;
	v13 =	vmul.f32 $1.574803140e-01, v28  }
0x25d: {  	v31 =	vnsel vm13, $0x0, v29  }
0x25e: {  	v16 =	vmin.u32 v31, $0xFE;
	vm14 =	veq.s32 v11, v12;
	v30 =	vadd.f32 $-1.984251980e+01, v13  }
0x25f: {  	v11 =	vshll.u32 v12, $0x7;
	vm15 =	veq.s32 v29, v16;
	v13 =	vadd.f32 $-2.000000000e+01, v13  }
0x260: {  	v11 =	vor.u32 v5, v11;
	v32 =	vshll.u32 v16, $0x7;
	v15 =	vsub.f32 v30, v10  }
0x261: {  	v33 =	vor.u32 v5, v32;
	v10 =	vsub.f32 v13, v10  }
0x262: {  	v34 =	vand.u32 $0x7FFFFFFF, v15  }
0x263: {  	v10 =	vand.u32 $0x7FFFFFFF, v10;
	v14 =	vmul.f32 $6.349999900e+00, v34  }
0x264: {  	v10 =	vmul.f32 $6.349999900e+00, v10  }
0x265: {  	[tilespmem:v11+s29+$0x0] =	vst.idx.msk vm14, v14  }
0x266: {  	[tilespmem:v33+s29+$0x0] =	vst.idx.msk vm15, v10  }
0x267: {  	[tilespmem:$0x13F30] =	vst v12  }
0x268: {  	[tilespmem:$0x13FB0] =	vst v16  }
0x269: {  	v10 =	vld [tilespmem:s23+$0xFFFFFF50];
	_ =	sdelay $0x4  }
0x26a: {  	v11 =	vadd.f32 $2.000000000e+01, v10;
	_ =	sdelay $0x1  }
0x26b: {  	v11 =	vmul.f32 $6.349999900e+00, v11;
	_ =	sdelay $0x1  }
0x26c: {  	v35 =	vtrunc.f32 v11  }
0x26d: {  	v36 =	vcvt.f32.s32 v35;
	vm4 =	vlt.f32 v11, v35  }
0x26e: {  	v11 =	vsel vm4, $0xFFFFFFFF, v2  }
0x26f: {  	v11 =	vadd.s32 v36, v11  }
0x270: {  	vm5 =	vgt.s32 v11, $0x0  }
0x271: {  	v37 =	vnsel vm5, $0x0, v11  }
0x272: {  	v12 =	vmin.u32 v37, $0xFE  }
0x273: {  	v38 =	vcvt.s32.f32 v12  }
0x274: {  	v39 =	vadd.s32 $0x1, v11  }
0x275: {  	vm6 =	vgt.s32 v39, $0x0;
	v13 =	vmul.f32 $1.574803140e-01, v38  }
0x276: {  	v41 =	vnsel vm6, $0x0, v39  }
0x277: {  	v16 =	vmin.u32 v41, $0xFE;
	vm7 =	veq.s32 v11, v12;
	v40 =	vadd.f32 $-1.984251980e+01, v13  }
0x278: {  	v11 =	vshll.u32 v12, $0x7;
	vm8 =	veq.s32 v39, v16;
	v13 =	vadd.f32 $-2.000000000e+01, v13  }
0x279: {  	v11 =	vor.u32 v6, v11;
	v42 =	vshll.u32 v16, $0x7;
	v15 =	vsub.f32 v40, v10  }
0x27a: {  	v43 =	vor.u32 v6, v42;
	v10 =	vsub.f32 v13, v10  }
0x27b: {  	v44 =	vand.u32 $0x7FFFFFFF, v15  }
0x27c: {  	v10 =	vand.u32 $0x7FFFFFFF, v10;
	v14 =	vmul.f32 $6.349999900e+00, v44  }
0x27d: {  	v10 =	vmul.f32 $6.349999900e+00, v10  }
0x27e: {  	[tilespmem:v11+s29+$0x0] =	vst.idx.msk vm7, v14  }
0x27f: {  	[tilespmem:v43+s29+$0x0] =	vst.idx.msk vm8, v10  }
0x280: {  	[tilespmem:$0x13F40] =	vst v12  }
0x281: {  	[tilespmem:$0x13FC0] =	vst v16  }
0x282: {  	v10 =	vld [tilespmem:s23+$0xFFFFFF60];
	_ =	sdelay $0x4  }
0x283: {  	v11 =	vadd.f32 $2.000000000e+01, v10;
	_ =	sdelay $0x1  }
0x284: {  	v11 =	vmul.f32 $6.349999900e+00, v11;
	_ =	sdelay $0x1  }
0x285: {  	v45 =	vtrunc.f32 v11  }
0x286: {  	v46 =	vcvt.f32.s32 v45;
	vm9 =	vlt.f32 v11, v45  }
0x287: {  	v11 =	vsel vm9, $0xFFFFFFFF, v2  }
0x288: {  	v11 =	vadd.s32 v46, v11  }
0x289: {  	vm10 =	vgt.s32 v11, $0x0  }
0x28a: {  	v47 =	vnsel vm10, $0x0, v11  }
0x28b: {  	v12 =	vmin.u32 v47, $0xFE  }
0x28c: {  	v48 =	vcvt.s32.f32 v12  }
0x28d: {  	v49 =	vadd.s32 $0x1, v11  }
0x28e: {  	vm11 =	vgt.s32 v49, $0x0;
	v13 =	vmul.f32 $1.574803140e-01, v48  }
0x28f: {  	v51 =	vnsel vm11, $0x0, v49  }
0x290: {  	v16 =	vmin.u32 v51, $0xFE;
	vm12 =	veq.s32 v11, v12;
	v50 =	vadd.f32 $-1.984251980e+01, v13  }
0x291: {  	v11 =	vshll.u32 v12, $0x7;
	vm13 =	veq.s32 v49, v16;
	v13 =	vadd.f32 $-2.000000000e+01, v13  }
0x292: {  	v11 =	vor.u32 v7, v11;
	v52 =	vshll.u32 v16, $0x7;
	v15 =	vsub.f32 v50, v10  }
0x293: {  	v53 =	vor.u32 v7, v52;
	v10 =	vsub.f32 v13, v10  }
0x294: {  	v54 =	vand.u32 $0x7FFFFFFF, v15  }
0x295: {  	v10 =	vand.u32 $0x7FFFFFFF, v10;
	v14 =	vmul.f32 $6.349999900e+00, v54  }
0x296: {  	v10 =	vmul.f32 $6.349999900e+00, v10  }
0x297: {  	[tilespmem:v11+s29+$0x0] =	vst.idx.msk vm12, v14  }
0x298: {  	[tilespmem:v53+s29+$0x0] =	vst.idx.msk vm13, v10  }
0x299: {  	[tilespmem:$0x13F50] =	vst v12  }
0x29a: {  	[tilespmem:$0x13FD0] =	vst v16  }
0x29b: {  	v10 =	vld [tilespmem:s23+$0xFFFFFF70];
	_ =	sdelay $0x4  }
0x29c: {  	v11 =	vadd.f32 $2.000000000e+01, v10;
	_ =	sdelay $0x1  }
0x29d: {  	v11 =	vmul.f32 $6.349999900e+00, v11;
	_ =	sdelay $0x1  }
0x29e: {  	v55 =	vtrunc.f32 v11  }
0x29f: {  	v56 =	vcvt.f32.s32 v55;
	vm14 =	vlt.f32 v11, v55  }
0x2a0: {  	v11 =	vsel vm14, $0xFFFFFFFF, v2  }
0x2a1: {  	v11 =	vadd.s32 v56, v11  }
0x2a2: {  	vm15 =	vgt.s32 v11, $0x0  }
0x2a3: {  	v57 =	vnsel vm15, $0x0, v11  }
0x2a4: {  	v12 =	vmin.u32 v57, $0xFE  }
0x2a5: {  	v58 =	vcvt.s32.f32 v12  }
0x2a6: {  	v59 =	vadd.s32 $0x1, v11  }
0x2a7: {  	vm4 =	vgt.s32 v59, $0x0;
	v13 =	vmul.f32 $1.574803140e-01, v58  }
0x2a8: {  	v61 =	vnsel vm4, $0x0, v59  }
0x2a9: {  	v16 =	vmin.u32 v61, $0xFE;
	vm5 =	veq.s32 v11, v12;
	v60 =	vadd.f32 $-1.984251980e+01, v13  }
0x2aa: {  	v11 =	vshll.u32 v12, $0x7;
	vm6 =	veq.s32 v59, v16;
	v13 =	vadd.f32 $-2.000000000e+01, v13  }
0x2ab: {  	v11 =	vor.u32 v8, v11;
	v62 =	vshll.u32 v16, $0x7;
	v15 =	vsub.f32 v60, v10  }
0x2ac: {  	v63 =	vor.u32 v8, v62;
	v10 =	vsub.f32 v13, v10  }
0x2ad: {  	v17 =	vand.u32 $0x7FFFFFFF, v15  }
0x2ae: {  	v10 =	vand.u32 $0x7FFFFFFF, v10;
	v14 =	vmul.f32 $6.349999900e+00, v17  }
0x2af: {  	v10 =	vmul.f32 $6.349999900e+00, v10  }
0x2b0: {  	[tilespmem:v11+s29+$0x0] =	vst.idx.msk vm5, v14  }
0x2b1: {  	[tilespmem:v63+s29+$0x0] =	vst.idx.msk vm6, v10  }
0x2b2: {  	[tilespmem:$0x13F60] =	vst v12  }
0x2b3: {  	[tilespmem:$0x13FE0] =	vst v16  }
0x2b4: {  	v10 =	vld [tilespmem:s23+$0xFFFFFF80];
	_ =	sdelay $0x4  }
0x2b5: {  	v11 =	vadd.f32 $2.000000000e+01, v10;
	_ =	sdelay $0x1  }
0x2b6: {  	v11 =	vmul.f32 $6.349999900e+00, v11;
	_ =	sdelay $0x1  }
0x2b7: {  	v18 =	vtrunc.f32 v11  }
0x2b8: {  	v19 =	vcvt.f32.s32 v18;
	vm7 =	vlt.f32 v11, v18  }
0x2b9: {  	v11 =	vsel vm7, $0xFFFFFFFF, v2  }
0x2ba: {  	v11 =	vadd.s32 v19, v11  }
0x2bb: {  	vm8 =	vgt.s32 v11, $0x0  }
0x2bc: {  	v20 =	vnsel vm8, $0x0, v11  }
0x2bd: {  	v12 =	vmin.u32 v20, $0xFE  }
0x2be: {  	v21 =	vcvt.s32.f32 v12  }
0x2bf: {  	v22 =	vadd.s32 $0x1, v11  }
0x2c0: {  	vm9 =	vgt.s32 v22, $0x0;
	v13 =	vmul.f32 $1.574803140e-01, v21  }
0x2c1: {  	v24 =	vnsel vm9, $0x0, v22  }
0x2c2: {  	v16 =	vmin.u32 v24, $0xFE;
	vm10 =	veq.s32 v11, v12;
	v23 =	vadd.f32 $-1.984251980e+01, v13  }
0x2c3: {  	v11 =	vshll.u32 v12, $0x7;
	vm11 =	veq.s32 v22, v16;
	v13 =	vadd.f32 $-2.000000000e+01, v13  }
0x2c4: {  	v11 =	vor.u32 v9, v11;
	v25 =	vshll.u32 v16, $0x7;
	v15 =	vsub.f32 v23, v10  }
0x2c5: {  	s24 =	sadd.s32 $0xFFFFFF80, s22;
	v26 =	vor.u32 v9, v25;
	v10 =	vsub.f32 v13, v10  }
0x2c6: {  	s24 =	sand.u32 $0x700, s24;
	v27 =	vand.u32 $0x7FFFFFFF, v15  }
0x2c7: {  	s24 =	sor.u32 s4, s24;
	v10 =	vand.u32 $0x7FFFFFFF, v10;
	v14 =	vmul.f32 $6.349999900e+00, v27  }
0x2c8: {  	s24 =	sshll.u32 s24, $0x3;
	v10 =	vmul.f32 $6.349999900e+00, v10  }
0x2c9: {  	s25 =	sor.u32 s5, s24;
	s24 =	sand.u32 $0x380, s21;
	[tilespmem:v11+s29+$0x0] =	vst.idx.msk vm10, v14  }
0x2ca: {  	s25 =	sor.u32 s24, s25;
	[tilespmem:v26+s29+$0x0] =	vst.idx.msk vm11, v10  }
0x2cb: {  	s25 =	sshrl.u32 s25, $0x3;
	[tilespmem:$0x13F70] =	vst v12  }
0x2cc: {  	s25 =	sadd.s32 s2, s25;
	[tilespmem:$0x13FF0] =	vst v16  }
0x2cd: {  	[hbm4b:s25+s18] =	stream.strided.scatter [tilespmem:s29], [sflag:$0x1], $0x7F80, s30, s18, $0x38;
	[tilespmem:$0x14100] =	vst v63  }
0x2ce: {  	_ =	swait.ge [sflag:s1], $0x7F80  }
0x2cf: {  	[sflag:s1] =	ssyncset.done $0x0  }
0x2d0: {  	[sflag:s1] =	ssyncadd.s32 $0xFFFF8080  }
0x2d1: {  	v10 =	vld [tilespmem:$0x14000]  }
0x2d2: {  	v11 =	vld [tilespmem:$0x14080];
	_ =	sdelay $0x3  }
0x2d3: {  	v10 =	vshll.u32 v10, $0x7  }
0x2d4: {  	v11 =	vshll.u32 v11, $0x7;
	v10 =	vor.u32 v0, v10  }
0x2d5: {  	v11 =	vor.u32 v0, v11;
	_ =	sdelay $0x3  }
0x2d6: {  	[tilespmem:v10+s31+$0x0] =	vst.idx.msk $0xffff, v1  }
0x2d7: {  	[tilespmem:v11+s31+$0x0] =	vst.idx.msk $0xffff, v1  }
0x2d8: {  	v10 =	vld [tilespmem:$0x14010]  }
0x2d9: {  	v11 =	vld [tilespmem:$0x14090];
	_ =	sdelay $0x3  }
0x2da: {  	v10 =	vshll.u32 v10, $0x7  }
0x2db: {  	v11 =	vshll.u32 v11, $0x7;
	v10 =	vor.u32 v3, v10  }
0x2dc: {  	v11 =	vor.u32 v3, v11;
	_ =	sdelay $0x3  }
0x2dd: {  	[tilespmem:v10+s31+$0x0] =	vst.idx.msk $0xffff, v1  }
0x2de: {  	[tilespmem:v11+s31+$0x0] =	vst.idx.msk $0xffff, v1  }
0x2df: {  	v10 =	vld [tilespmem:$0x14020]  }
0x2e0: {  	v11 =	vld [tilespmem:$0x140A0];
	_ =	sdelay $0x3  }
0x2e1: {  	v10 =	vshll.u32 v10, $0x7  }
0x2e2: {  	v11 =	vshll.u32 v11, $0x7;
	v10 =	vor.u32 v4, v10  }
0x2e3: {  	v11 =	vor.u32 v4, v11;
	_ =	sdelay $0x3  }
0x2e4: {  	[tilespmem:v10+s31+$0x0] =	vst.idx.msk $0xffff, v1  }
0x2e5: {  	[tilespmem:v11+s31+$0x0] =	vst.idx.msk $0xffff, v1  }
0x2e6: {  	v10 =	vld [tilespmem:$0x14030]  }
0x2e7: {  	v11 =	vld [tilespmem:$0x140B0];
	_ =	sdelay $0x3  }
0x2e8: {  	v10 =	vshll.u32 v10, $0x7  }
0x2e9: {  	v11 =	vshll.u32 v11, $0x7;
	v10 =	vor.u32 v5, v10  }
0x2ea: {  	v11 =	vor.u32 v5, v11;
	_ =	sdelay $0x3  }
0x2eb: {  	[tilespmem:v10+s31+$0x0] =	vst.idx.msk $0xffff, v1  }
0x2ec: {  	[tilespmem:v11+s31+$0x0] =	vst.idx.msk $0xffff, v1  }
0x2ed: {  	v10 =	vld [tilespmem:$0x14040]  }
0x2ee: {  	v11 =	vld [tilespmem:$0x140C0];
	_ =	sdelay $0x3  }
0x2ef: {  	v10 =	vshll.u32 v10, $0x7  }
0x2f0: {  	v11 =	vshll.u32 v11, $0x7;
	v10 =	vor.u32 v6, v10  }
0x2f1: {  	v11 =	vor.u32 v6, v11;
	_ =	sdelay $0x3  }
0x2f2: {  	[tilespmem:v10+s31+$0x0] =	vst.idx.msk $0xffff, v1  }
0x2f3: {  	[tilespmem:v11+s31+$0x0] =	vst.idx.msk $0xffff, v1  }
0x2f4: {  	v10 =	vld [tilespmem:$0x14050]  }
0x2f5: {  	v11 =	vld [tilespmem:$0x140D0];
	_ =	sdelay $0x3  }
0x2f6: {  	v10 =	vshll.u32 v10, $0x7  }
0x2f7: {  	v11 =	vshll.u32 v11, $0x7;
	v10 =	vor.u32 v7, v10  }
0x2f8: {  	v11 =	vor.u32 v7, v11;
	_ =	sdelay $0x3  }
0x2f9: {  	[tilespmem:v10+s31+$0x0] =	vst.idx.msk $0xffff, v1  }
0x2fa: {  	[tilespmem:v11+s31+$0x0] =	vst.idx.msk $0xffff, v1  }
0x2fb: {  	v10 =	vld [tilespmem:$0x14060]  }
0x2fc: {  	v11 =	vld [tilespmem:$0x140E0];
	_ =	sdelay $0x3  }
0x2fd: {  	v10 =	vshll.u32 v10, $0x7  }
0x2fe: {  	v11 =	vshll.u32 v11, $0x7;
	v10 =	vor.u32 v8, v10  }
0x2ff: {  	v11 =	vor.u32 v8, v11;
	_ =	sdelay $0x3  }
0x300: {  	[tilespmem:v10+s31+$0x0] =	vst.idx.msk $0xffff, v1  }
0x301: {  	[tilespmem:v11+s31+$0x0] =	vst.idx.msk $0xffff, v1  }
0x302: {  	v10 =	vld [tilespmem:$0x14070]  }
0x303: {  	v11 =	vld [tilespmem:$0x140F0];
	_ =	sdelay $0x3  }
0x304: {  	v10 =	vshll.u32 v10, $0x7  }
0x305: {  	v11 =	vshll.u32 v11, $0x7;
	v10 =	vor.u32 v9, v10  }
0x306: {  	v11 =	vor.u32 v9, v11;
	_ =	sdelay $0x3  }
0x307: {  	[tilespmem:v10+s31+$0x0] =	vst.idx.msk $0xffff, v1  }
0x308: {  	[tilespmem:v11+s31+$0x0] =	vst.idx.msk $0xffff, v1  }
0x309: {  	v10 =	vld [tilespmem:s23+$0xFFFFFF90];
	_ =	sdelay $0x4  }
0x30a: {  	v11 =	vadd.f32 $2.000000000e+01, v10;
	_ =	sdelay $0x1  }
0x30b: {  	v11 =	vmul.f32 $6.349999900e+00, v11;
	_ =	sdelay $0x1  }
0x30c: {  	v28 =	vtrunc.f32 v11  }
0x30d: {  	v29 =	vcvt.f32.s32 v28;
	vm12 =	vlt.f32 v11, v28  }
0x30e: {  	v11 =	vsel vm12, $0xFFFFFFFF, v2  }
0x30f: {  	v11 =	vadd.s32 v29, v11  }
0x310: {  	vm13 =	vgt.s32 v11, $0x0  }
0x311: {  	v30 =	vnsel vm13, $0x0, v11  }
0x312: {  	v12 =	vmin.u32 v30, $0xFE  }
0x313: {  	v31 =	vcvt.s32.f32 v12  }
0x314: {  	v32 =	vadd.s32 $0x1, v11  }
0x315: {  	vm14 =	vgt.s32 v32, $0x0;
	v13 =	vmul.f32 $1.574803140e-01, v31  }
0x316: {  	v34 =	vnsel vm14, $0x0, v32  }
0x317: {  	v16 =	vmin.u32 v34, $0xFE;
	vm15 =	veq.s32 v11, v12;
	v33 =	vadd.f32 $-1.984251980e+01, v13  }
0x318: {  	v11 =	vshll.u32 v12, $0x7;
	vm4 =	veq.s32 v32, v16;
	v13 =	vadd.f32 $-2.000000000e+01, v13  }
0x319: {  	v11 =	vor.u32 v0, v11;
	v35 =	vshll.u32 v16, $0x7;
	v15 =	vsub.f32 v33, v10  }
0x31a: {  	v36 =	vor.u32 v0, v35;
	v10 =	vsub.f32 v13, v10  }
0x31b: {  	v37 =	vand.u32 $0x7FFFFFFF, v15  }
0x31c: {  	v10 =	vand.u32 $0x7FFFFFFF, v10;
	v14 =	vmul.f32 $6.349999900e+00, v37  }
0x31d: {  	v10 =	vmul.f32 $6.349999900e+00, v10  }
0x31e: {  	[tilespmem:v11+s31+$0x0] =	vst.idx.msk vm15, v14  }
0x31f: {  	[tilespmem:v36+s31+$0x0] =	vst.idx.msk vm4, v10  }
0x320: {  	[tilespmem:$0x14000] =	vst v12  }
0x321: {  	[tilespmem:$0x14080] =	vst v16  }
0x322: {  	v10 =	vld [tilespmem:s23+$0xFFFFFFA0];
	_ =	sdelay $0x4  }
0x323: {  	v11 =	vadd.f32 $2.000000000e+01, v10;
	_ =	sdelay $0x1  }
0x324: {  	v11 =	vmul.f32 $6.349999900e+00, v11;
	_ =	sdelay $0x1  }
0x325: {  	v38 =	vtrunc.f32 v11  }
0x326: {  	v39 =	vcvt.f32.s32 v38;
	vm5 =	vlt.f32 v11, v38  }
0x327: {  	v11 =	vsel vm5, $0xFFFFFFFF, v2  }
0x328: {  	v11 =	vadd.s32 v39, v11  }
0x329: {  	vm6 =	vgt.s32 v11, $0x0  }
0x32a: {  	v40 =	vnsel vm6, $0x0, v11  }
0x32b: {  	v12 =	vmin.u32 v40, $0xFE  }
0x32c: {  	v41 =	vcvt.s32.f32 v12  }
0x32d: {  	v42 =	vadd.s32 $0x1, v11  }
0x32e: {  	vm7 =	vgt.s32 v42, $0x0;
	v13 =	vmul.f32 $1.574803140e-01, v41  }
0x32f: {  	v44 =	vnsel vm7, $0x0, v42  }
0x330: {  	v16 =	vmin.u32 v44, $0xFE;
	vm8 =	veq.s32 v11, v12;
	v43 =	vadd.f32 $-1.984251980e+01, v13  }
0x331: {  	v11 =	vshll.u32 v12, $0x7;
	vm9 =	veq.s32 v42, v16;
	v13 =	vadd.f32 $-2.000000000e+01, v13  }
0x332: {  	v11 =	vor.u32 v3, v11;
	v45 =	vshll.u32 v16, $0x7;
	v15 =	vsub.f32 v43, v10  }
0x333: {  	v46 =	vor.u32 v3, v45;
	v10 =	vsub.f32 v13, v10  }
0x334: {  	v47 =	vand.u32 $0x7FFFFFFF, v15  }
0x335: {  	v10 =	vand.u32 $0x7FFFFFFF, v10;
	v14 =	vmul.f32 $6.349999900e+00, v47  }
0x336: {  	v10 =	vmul.f32 $6.349999900e+00, v10  }
0x337: {  	[tilespmem:v11+s31+$0x0] =	vst.idx.msk vm8, v14  }
0x338: {  	[tilespmem:v46+s31+$0x0] =	vst.idx.msk vm9, v10  }
0x339: {  	[tilespmem:$0x14010] =	vst v12  }
0x33a: {  	[tilespmem:$0x14090] =	vst v16  }
0x33b: {  	v10 =	vld [tilespmem:s23+$0xFFFFFFB0];
	_ =	sdelay $0x4  }
0x33c: {  	v11 =	vadd.f32 $2.000000000e+01, v10;
	_ =	sdelay $0x1  }
0x33d: {  	v11 =	vmul.f32 $6.349999900e+00, v11;
	_ =	sdelay $0x1  }
0x33e: {  	v48 =	vtrunc.f32 v11  }
0x33f: {  	v49 =	vcvt.f32.s32 v48;
	vm10 =	vlt.f32 v11, v48  }
0x340: {  	v11 =	vsel vm10, $0xFFFFFFFF, v2  }
0x341: {  	v11 =	vadd.s32 v49, v11  }
0x342: {  	vm11 =	vgt.s32 v11, $0x0  }
0x343: {  	v50 =	vnsel vm11, $0x0, v11  }
0x344: {  	v12 =	vmin.u32 v50, $0xFE  }
0x345: {  	v51 =	vcvt.s32.f32 v12  }
0x346: {  	v52 =	vadd.s32 $0x1, v11  }
0x347: {  	vm12 =	vgt.s32 v52, $0x0;
	v13 =	vmul.f32 $1.574803140e-01, v51  }
0x348: {  	v54 =	vnsel vm12, $0x0, v52  }
0x349: {  	v16 =	vmin.u32 v54, $0xFE;
	vm13 =	veq.s32 v11, v12;
	v53 =	vadd.f32 $-1.984251980e+01, v13  }
0x34a: {  	v11 =	vshll.u32 v12, $0x7;
	vm14 =	veq.s32 v52, v16;
	v13 =	vadd.f32 $-2.000000000e+01, v13  }
0x34b: {  	v11 =	vor.u32 v4, v11;
	v55 =	vshll.u32 v16, $0x7;
	v15 =	vsub.f32 v53, v10  }
0x34c: {  	v56 =	vor.u32 v4, v55;
	v10 =	vsub.f32 v13, v10  }
0x34d: {  	v57 =	vand.u32 $0x7FFFFFFF, v15  }
0x34e: {  	v10 =	vand.u32 $0x7FFFFFFF, v10;
	v14 =	vmul.f32 $6.349999900e+00, v57  }
0x34f: {  	v10 =	vmul.f32 $6.349999900e+00, v10  }
0x350: {  	[tilespmem:v11+s31+$0x0] =	vst.idx.msk vm13, v14  }
0x351: {  	[tilespmem:v56+s31+$0x0] =	vst.idx.msk vm14, v10  }
0x352: {  	[tilespmem:$0x14020] =	vst v12  }
0x353: {  	[tilespmem:$0x140A0] =	vst v16  }
0x354: {  	v10 =	vld [tilespmem:s23+$0xFFFFFFC0];
	_ =	sdelay $0x4  }
0x355: {  	v11 =	vadd.f32 $2.000000000e+01, v10;
	_ =	sdelay $0x1  }
0x356: {  	v11 =	vmul.f32 $6.349999900e+00, v11;
	_ =	sdelay $0x1  }
0x357: {  	v58 =	vtrunc.f32 v11  }
0x358: {  	v59 =	vcvt.f32.s32 v58;
	vm15 =	vlt.f32 v11, v58  }
0x359: {  	v11 =	vsel vm15, $0xFFFFFFFF, v2  }
0x35a: {  	v11 =	vadd.s32 v59, v11  }
0x35b: {  	vm4 =	vgt.s32 v11, $0x0  }
0x35c: {  	v60 =	vnsel vm4, $0x0, v11  }
0x35d: {  	v12 =	vmin.u32 v60, $0xFE  }
0x35e: {  	v61 =	vcvt.s32.f32 v12  }
0x35f: {  	v62 =	vadd.s32 $0x1, v11  }
0x360: {  	vm5 =	vgt.s32 v62, $0x0;
	v13 =	vmul.f32 $1.574803140e-01, v61  }
0x361: {  	v20 =	vnsel vm5, $0x0, v62  }
0x362: {  	v16 =	vmin.u32 v20, $0xFE;
	vm6 =	veq.s32 v11, v12;
	v63 =	vadd.f32 $-1.984251980e+01, v13  }
0x363: {  	v11 =	vshll.u32 v12, $0x7;
	vm7 =	veq.s32 v62, v16;
	v13 =	vadd.f32 $-2.000000000e+01, v13  }
0x364: {  	v11 =	vor.u32 v5, v11;
	v21 =	vshll.u32 v16, $0x7;
	v15 =	vsub.f32 v63, v10  }
0x365: {  	v22 =	vor.u32 v5, v21;
	v10 =	vsub.f32 v13, v10  }
0x366: {  	v23 =	vand.u32 $0x7FFFFFFF, v15  }
0x367: {  	v10 =	vand.u32 $0x7FFFFFFF, v10;
	v14 =	vmul.f32 $6.349999900e+00, v23  }
0x368: {  	v10 =	vmul.f32 $6.349999900e+00, v10  }
0x369: {  	[tilespmem:v11+s31+$0x0] =	vst.idx.msk vm6, v14  }
0x36a: {  	[tilespmem:v22+s31+$0x0] =	vst.idx.msk vm7, v10  }
0x36b: {  	[tilespmem:$0x14030] =	vst v12  }
0x36c: {  	[tilespmem:$0x140B0] =	vst v16  }
0x36d: {  	v10 =	vld [tilespmem:s23+$0xFFFFFFD0];
	_ =	sdelay $0x4  }
0x36e: {  	v11 =	vadd.f32 $2.000000000e+01, v10;
	_ =	sdelay $0x1  }
0x36f: {  	v11 =	vmul.f32 $6.349999900e+00, v11;
	_ =	sdelay $0x1  }
0x370: {  	v24 =	vtrunc.f32 v11  }
0x371: {  	v25 =	vcvt.f32.s32 v24;
	vm8 =	vlt.f32 v11, v24  }
0x372: {  	v11 =	vsel vm8, $0xFFFFFFFF, v2  }
0x373: {  	v11 =	vadd.s32 v25, v11  }
0x374: {  	vm9 =	vgt.s32 v11, $0x0  }
0x375: {  	v26 =	vnsel vm9, $0x0, v11  }
0x376: {  	v12 =	vmin.u32 v26, $0xFE  }
0x377: {  	v27 =	vcvt.s32.f32 v12  }
0x378: {  	v28 =	vadd.s32 $0x1, v11  }
0x379: {  	vm10 =	vgt.s32 v28, $0x0;
	v13 =	vmul.f32 $1.574803140e-01, v27  }
0x37a: {  	v30 =	vnsel vm10, $0x0, v28  }
0x37b: {  	v16 =	vmin.u32 v30, $0xFE;
	vm11 =	veq.s32 v11, v12;
	v29 =	vadd.f32 $-1.984251980e+01, v13  }
0x37c: {  	v11 =	vshll.u32 v12, $0x7;
	vm12 =	veq.s32 v28, v16;
	v13 =	vadd.f32 $-2.000000000e+01, v13  }
0x37d: {  	v11 =	vor.u32 v6, v11;
	v31 =	vshll.u32 v16, $0x7;
	v15 =	vsub.f32 v29, v10  }
0x37e: {  	v32 =	vor.u32 v6, v31;
	v10 =	vsub.f32 v13, v10  }
0x37f: {  	v33 =	vand.u32 $0x7FFFFFFF, v15  }
0x380: {  	v10 =	vand.u32 $0x7FFFFFFF, v10;
	v14 =	vmul.f32 $6.349999900e+00, v33  }
0x381: {  	v10 =	vmul.f32 $6.349999900e+00, v10  }
0x382: {  	[tilespmem:v11+s31+$0x0] =	vst.idx.msk vm11, v14  }
0x383: {  	[tilespmem:v32+s31+$0x0] =	vst.idx.msk vm12, v10  }
0x384: {  	[tilespmem:$0x14040] =	vst v12  }
0x385: {  	[tilespmem:$0x140C0] =	vst v16  }
0x386: {  	v10 =	vld [tilespmem:s23+$0xFFFFFFE0];
	_ =	sdelay $0x4  }
0x387: {  	v11 =	vadd.f32 $2.000000000e+01, v10;
	_ =	sdelay $0x1  }
0x388: {  	v11 =	vmul.f32 $6.349999900e+00, v11;
	_ =	sdelay $0x1  }
0x389: {  	v34 =	vtrunc.f32 v11  }
0x38a: {  	v35 =	vcvt.f32.s32 v34;
	vm13 =	vlt.f32 v11, v34  }
0x38b: {  	v11 =	vsel vm13, $0xFFFFFFFF, v2  }
0x38c: {  	v11 =	vadd.s32 v35, v11  }
0x38d: {  	vm14 =	vgt.s32 v11, $0x0  }
0x38e: {  	v36 =	vnsel vm14, $0x0, v11  }
0x38f: {  	v12 =	vmin.u32 v36, $0xFE  }
0x390: {  	v37 =	vcvt.s32.f32 v12  }
0x391: {  	v38 =	vadd.s32 $0x1, v11  }
0x392: {  	vm15 =	vgt.s32 v38, $0x0;
	v13 =	vmul.f32 $1.574803140e-01, v37  }
0x393: {  	v40 =	vnsel vm15, $0x0, v38  }
0x394: {  	v16 =	vmin.u32 v40, $0xFE;
	vm4 =	veq.s32 v11, v12;
	v39 =	vadd.f32 $-1.984251980e+01, v13  }
0x395: {  	v11 =	vshll.u32 v12, $0x7;
	vm5 =	veq.s32 v38, v16;
	v13 =	vadd.f32 $-2.000000000e+01, v13  }
0x396: {  	v11 =	vor.u32 v7, v11;
	v41 =	vshll.u32 v16, $0x7;
	v15 =	vsub.f32 v39, v10  }
0x397: {  	v42 =	vor.u32 v7, v41;
	v10 =	vsub.f32 v13, v10  }
0x398: {  	v43 =	vand.u32 $0x7FFFFFFF, v15  }
0x399: {  	v10 =	vand.u32 $0x7FFFFFFF, v10;
	v14 =	vmul.f32 $6.349999900e+00, v43  }
0x39a: {  	v10 =	vmul.f32 $6.349999900e+00, v10  }
0x39b: {  	[tilespmem:v11+s31+$0x0] =	vst.idx.msk vm4, v14  }
0x39c: {  	[tilespmem:v42+s31+$0x0] =	vst.idx.msk vm5, v10  }
0x39d: {  	[tilespmem:$0x14050] =	vst v12  }
0x39e: {  	[tilespmem:$0x140D0] =	vst v16  }
0x39f: {  	v10 =	vld [tilespmem:s23+$0xFFFFFFF0];
	_ =	sdelay $0x4  }
0x3a0: {  	v11 =	vadd.f32 $2.000000000e+01, v10;
	_ =	sdelay $0x1  }
0x3a1: {  	v11 =	vmul.f32 $6.349999900e+00, v11;
	_ =	sdelay $0x1  }
0x3a2: {  	v44 =	vtrunc.f32 v11  }
0x3a3: {  	v45 =	vcvt.f32.s32 v44;
	vm6 =	vlt.f32 v11, v44  }
0x3a4: {  	v11 =	vsel vm6, $0xFFFFFFFF, v2  }
0x3a5: {  	v11 =	vadd.s32 v45, v11  }
0x3a6: {  	vm7 =	vgt.s32 v11, $0x0  }
0x3a7: {  	v46 =	vnsel vm7, $0x0, v11  }
0x3a8: {  	v12 =	vmin.u32 v46, $0xFE  }
0x3a9: {  	v47 =	vcvt.s32.f32 v12  }
0x3aa: {  	v48 =	vadd.s32 $0x1, v11  }
0x3ab: {  	vm8 =	vgt.s32 v48, $0x0;
	v13 =	vmul.f32 $1.574803140e-01, v47  }
0x3ac: {  	v50 =	vnsel vm8, $0x0, v48  }
0x3ad: {  	v16 =	vmin.u32 v50, $0xFE;
	vm9 =	veq.s32 v11, v12;
	v49 =	vadd.f32 $-1.984251980e+01, v13  }
0x3ae: {  	v11 =	vshll.u32 v12, $0x7;
	vm10 =	veq.s32 v48, v16;
	v13 =	vadd.f32 $-2.000000000e+01, v13  }
0x3af: {  	v11 =	vor.u32 v8, v11;
	v51 =	vshll.u32 v16, $0x7;
	v15 =	vsub.f32 v49, v10  }
0x3b0: {  	v52 =	vor.u32 v8, v51;
	v10 =	vsub.f32 v13, v10  }
0x3b1: {  	v53 =	vand.u32 $0x7FFFFFFF, v15  }
0x3b2: {  	v10 =	vand.u32 $0x7FFFFFFF, v10;
	v14 =	vmul.f32 $6.349999900e+00, v53  }
0x3b3: {  	v10 =	vmul.f32 $6.349999900e+00, v10  }
0x3b4: {  	[tilespmem:v11+s31+$0x0] =	vst.idx.msk vm9, v14  }
0x3b5: {  	[tilespmem:v52+s31+$0x0] =	vst.idx.msk vm10, v10  }
0x3b6: {  	[tilespmem:$0x14060] =	vst v12  }
0x3b7: {  	[tilespmem:$0x140E0] =	vst v16  }
0x3b8: {  	v10 =	vld [tilespmem:s23+$0x0];
	_ =	sdelay $0x4  }
0x3b9: {  	v11 =	vadd.f32 $2.000000000e+01, v10;
	_ =	sdelay $0x1  }
0x3ba: {  	v11 =	vmul.f32 $6.349999900e+00, v11;
	_ =	sdelay $0x1  }
0x3bb: {  	v54 =	vtrunc.f32 v11  }
0x3bc: {  	v55 =	vcvt.f32.s32 v54;
	vm11 =	vlt.f32 v11, v54  }
0x3bd: {  	v11 =	vsel vm11, $0xFFFFFFFF, v2  }
0x3be: {  	v11 =	vadd.s32 v55, v11  }
0x3bf: {  	vm12 =	vgt.s32 v11, $0x0  }
0x3c0: {  	v56 =	vnsel vm12, $0x0, v11  }
0x3c1: {  	v12 =	vmin.u32 v56, $0xFE  }
0x3c2: {  	v57 =	vcvt.s32.f32 v12  }
0x3c3: {  	v58 =	vadd.s32 $0x1, v11  }
0x3c4: {  	vm13 =	vgt.s32 v58, $0x0;
	v13 =	vmul.f32 $1.574803140e-01, v57  }
0x3c5: {  	v60 =	vnsel vm13, $0x0, v58  }
0x3c6: {  	v16 =	vmin.u32 v60, $0xFE;
	vm14 =	veq.s32 v11, v12;
	v59 =	vadd.f32 $-1.984251980e+01, v13  }
0x3c7: {  	v11 =	vshll.u32 v12, $0x7;
	vm15 =	veq.s32 v58, v16;
	v13 =	vadd.f32 $-2.000000000e+01, v13  }
0x3c8: {  	v11 =	vor.u32 v9, v11;
	v61 =	vshll.u32 v16, $0x7;
	v15 =	vsub.f32 v59, v10  }
0x3c9: {  	v62 =	vor.u32 v9, v61;
	v10 =	vsub.f32 v13, v10  }
0x3ca: {  	s25 =	sand.u32 $0x780, s22;
	v63 =	vand.u32 $0x7FFFFFFF, v15  }
0x3cb: {  	s25 =	sor.u32 s4, s25;
	v10 =	vand.u32 $0x7FFFFFFF, v10;
	v14 =	vmul.f32 $6.349999900e+00, v63  }
0x3cc: {  	p0 =	sne.s32 s21, $0x3F0;
	s25 =	sshll.u32 s25, $0x3;
	v10 =	vmul.f32 $6.349999900e+00, v10  }
.Ltmp1:
0x3cd: {  	s25 =	sor.u32 s5, s25;
	[tilespmem:v11+s31+$0x0] =	vst.idx.msk vm14, v14;
	(pc) =	sbr.rel @p0 .LBB2_4-.Ltmp1, $4  }
0x3ce: {  	s24 =	sor.u32 s24, s25;
	[tilespmem:v62+s31+$0x0] =	vst.idx.msk vm15, v10  }
0x3cf: {  	s21 =	sadd.s32 $0x10, s21;
	s24 =	sshrl.u32 s24, $0x3;
	[tilespmem:$0x14070] =	vst v12  }
0x3d0: {  	s22 =	sadd.s32 $0x100, s22;
	s24 =	sadd.s32 s2, s24;
	s23 =	sadd.s32 $0x100, s23;
	[tilespmem:$0x140F0] =	vst v16  }
0x3d1: {  	[hbm4b:s24+s18] =	stream.strided.scatter [tilespmem:s31], [sflag:$0x2], $0x7F80, s30, s18, $0x38;
	[tilespmem:$0x14100] =	vst v63  }
0x3d2: {  	s0 =	sadd.s32 $0x1, s0  }
0x3d3: {  	_ =	swait.ge [sflag:s6], $0x7F80;
	p0 =	sne.s32 s0, s17  }
.Ltmp2:
0x3d4: {  	[sflag:s6] =	ssyncset.done $0x0;
	(pc) =	sbr.rel @p0 .LBB2_1-.Ltmp2, $4  }
0x3d5: {  	[sflag:s6] =	ssyncadd.s32 $0xFFFF8080  }
0x3d6: {  	_ =	swait.ge [sflag:s1], $0x7F80  }
0x3d7: {  	[sflag:s1] =	ssyncset.done $0x0  }
0x3d8: {  	[sflag:s1] =	ssyncadd.s32 $0xFFFF8080  }
0x3d9: {  	_ =	sfence.sel $0x180000  }
0x3da: {  	[bflag:$0x0] =	sbarrier.arrive $0xFFFF  }
0x3db: {  	_ =	strace $0x90000047  }
0x3dc: {  	s0 =	stileid.u32;
	[bflag:$0x2] =	sbarrier.arrive $0xFFFF  }
0x3dd: {  	p0 =	sne.s32 s0, $0x0;
	s0 =	rddreg [dreg:$0x2]  }
0x3de: {  	s0 =	sadd.s32 @!p0 $0x100000, s0  }
0x3df: {  	[sflag:s0] =	ssyncadd.tile.s32 @!p0 $0x1;
	_ =	shalt  }
.Lfunc_end2:
_tile_overlayer_lowered:
.L_overlay_start_2:
0x3e0: {  	(tag) =	ssettag $0x2  }
0x3e1: {  	s0 =	rddreg [dreg:$0x0];
	s2 =	stileid.u32  }
0x3e2: {  	s1 =	rddreg [dreg:$0x1];
	p0 =	sne.s32 s2, $0x0  }
0x3e3: {  	s3 =	rddreg [dreg:$0x2];
	[bflag:$0x3] =	sbarrier.arrive $0xFFFF;
	s2 =	simm.s32 @!p0 $0x1C03  }
0x3e4: {  	[timem:s3], [sflag:s2] =	dma.local @!p0 [hbm:s0], s1  }
0x3e5: {  	s0 =	simm.s32 @!p0 $0x3  }
0x3e6: {  	_ =	swait.ge @!p0 [sflag:s0], s1  }
0x3e7: {  	s1 =	ssub.s32 @!p0 $0x0, s1;
	[sflag:s0] =	ssyncset.done @!p0 $0x0  }
0x3e8: {  	[sflag:s0] =	ssyncadd.s32 @!p0 s1  }
0x3e9: {  	[bflag:$0x3] =	sbarrier.arrive $0xFFFF  }
0x3ea: {  	_ =	shalt  }

</sc_bundles>
